<compile_context>
chip_gen: v7x
topology: tpu7x:2x2x1
jax: 0.10.2.dev20260603
libtpu: 0.0.44.dev20260713+nightly
codegen_flags: <defaults>
</compile_context>

<pallas_src>
import functools

import jax
import jax.numpy as jnp
from jax import lax
from jax.experimental import pallas as pl
from jax.experimental.pallas import tpu as pltpu
from jax.experimental.pallas import tpu_sc as plsc

B, S, D, E, TOP_K = 4, 2048, 1024, 8, 2
DFF = 4 * D
N = B * S
P = N * TOP_K
T = 512
R = P + E * T
NT = R // T
FT = 1024

NC, NS = 2, 16
NW = NC * NS
TPW = N // NW


_GT = 512


def _gating_body(x_ref, w_ref, b_ref, w0_ref, w1_ref, idx_ref):
    x = x_ref[...]
    g = jnp.dot(x, w_ref[...], preferred_element_type=jnp.float32)
    g = (g + b_ref[...]) / (1.0 + 1e-06)
    iota = lax.broadcasted_iota(jnp.int32, g.shape, 1)
    m1 = jnp.max(g, axis=1, keepdims=True)
    a1 = jnp.min(jnp.where(g == m1, iota, E), axis=1, keepdims=True)
    g2 = jnp.where(iota == a1, -jnp.inf, g)
    m2 = jnp.max(g2, axis=1, keepdims=True)
    a2 = jnp.min(jnp.where(g2 == m2, iota, E), axis=1, keepdims=True)
    e = jnp.exp(m2 - m1)
    s = 1.0 + e
    w0_ref[...] = jnp.broadcast_to(1.0 / s, (_GT, 16))
    w1_ref[...] = jnp.broadcast_to(e / s, (_GT, 16))
    idx_ref[...] = jnp.concatenate([a1, a2], axis=1)


def _gating(xf, gate_W, gate_b):
    return pl.pallas_call(
        _gating_body,
        grid=(N // _GT,),
        in_specs=[
            pl.BlockSpec((_GT, D), lambda i: (i, 0)),
            pl.BlockSpec((D, E), lambda i: (0, 0)),
            pl.BlockSpec((1, E), lambda i: (0, 0)),
        ],
        out_specs=[
            pl.BlockSpec((_GT, 16), lambda i: (i, 0)),
            pl.BlockSpec((_GT, 16), lambda i: (i, 0)),
            pl.BlockSpec((_GT, TOP_K), lambda i: (i, 0)),
        ],
        out_shape=[
            jax.ShapeDtypeStruct((N, 16), jnp.float32),
            jax.ShapeDtypeStruct((N, 16), jnp.float32),
            jax.ShapeDtypeStruct((N, TOP_K), jnp.int32),
        ],
    )(xf, gate_W, gate_b.reshape(1, E))




_MG = 128
_NG = N // _MG


def _route_meta(idx):
    eids = jnp.arange(E, dtype=jnp.int32)
    A = (idx[:, 0][:, None] == eids).astype(jnp.float32)
    Bo = (idx[:, 1][:, None] == eids).astype(jnp.float32)
    tril_g = jnp.tril(jnp.ones((_NG, _NG), jnp.float32), k=-1)
    tril_m = jnp.tril(jnp.ones((_MG, _MG), jnp.float32))

    def excl_prefix(X):
        X3 = X.reshape(_NG, _MG, E)
        s = X3.sum(axis=1)
        gex = jnp.einsum("ij,je->ie", tril_g, s)
        incl = jnp.einsum("lk,gke->gle", tril_m, X3)
        return (incl - X3 + gex[:, None, :]).reshape(N, E), s.sum(axis=0)

    exA, cA = excl_prefix(A)
    exB, cB = excl_prefix(Bo)
    counts = (cA + cB).astype(jnp.int32)
    pc = ((counts + T - 1) // T) * T
    offs = jnp.concatenate([jnp.zeros(1, jnp.int32), jnp.cumsum(pc)]).astype(jnp.int32)
    rank0 = jnp.sum(A * (exA + exB), axis=1)
    rank1 = jnp.sum(Bo * (exA + A + exB), axis=1)
    offs_f = offs[:E].astype(jnp.float32)
    d0 = (rank0 + jnp.sum(A * offs_f, axis=1)).astype(jnp.int32)
    d1 = (rank1 + jnp.sum(Bo * offs_f, axis=1)).astype(jnp.int32)
    tile_starts = jnp.arange(NT, dtype=jnp.int32) * T
    tile_expert = jnp.clip(
        jnp.sum((tile_starts[:, None] >= offs[None, 1:E]).astype(jnp.int32), axis=1),
        0, E - 1,
    ).astype(jnp.int32)
    ntiles = (offs[E] // T).reshape(1)
    return tile_expert, ntiles, d0, d1


def _sc_mesh():
    return plsc.VectorSubcoreMesh(core_axis_name="c", subcore_axis_name="s")



_DCH = 32


def _dispatch(xf, d0, d1):
    nch = TPW // _DCH

    nbuf = 3

    @functools.partial(
        pl.kernel,
        out_type=jax.ShapeDtypeStruct((R, D), jnp.float32),
        mesh=_sc_mesh(),
        scratch_types=[
            pltpu.VMEM((_DCH,), jnp.int32), pltpu.VMEM((_DCH,), jnp.int32),
            pltpu.VMEM((_DCH,), jnp.int32), pltpu.VMEM((_DCH,), jnp.int32),
            pltpu.VMEM((_DCH,), jnp.int32), pltpu.VMEM((_DCH,), jnp.int32),
            pltpu.VMEM((_DCH, D), jnp.float32), pltpu.VMEM((_DCH, D), jnp.float32),
            pltpu.VMEM((_DCH, D), jnp.float32),
            pltpu.SemaphoreType.DMA, pltpu.SemaphoreType.DMA,
            pltpu.SemaphoreType.DMA,
            pltpu.SemaphoreType.DMA, pltpu.SemaphoreType.DMA,
            pltpu.SemaphoreType.DMA,
            pltpu.SemaphoreType.DMA, pltpu.SemaphoreType.DMA,
            pltpu.SemaphoreType.DMA,
        ],
    )
    def dispatch_kernel(x_hbm, d0_hbm, d1_hbm, xs_hbm,
                        i0a, i0b, i0c, i1a, i1b, i1c, ra, rb, rc,
                        la, lb, lc, s0a, s0b, s0c, s1a, s1b, s1c):
        wid = lax.axis_index("s") * NC + lax.axis_index("c")
        idx0 = [i0a, i0b, i0c]
        idx1 = [i1a, i1b, i1c]
        rows = [ra, rb, rc]
        lsem = [la, lb, lc]
        ssem0 = [s0a, s0b, s0c]
        ssem1 = [s1a, s1b, s1c]
        loads = [None] * nbuf
        scat = [[None, None] for _ in range(nbuf)]
        for j in range(nch + 1):
            if j < nch:
                b = j % nbuf
                base = wid * TPW + j * _DCH
                if scat[b][0] is not None:
                    scat[b][0].wait()
                    scat[b][1].wait()
                loads[b] = pltpu.async_copy(x_hbm.at[pl.ds(base, _DCH)], rows[b], lsem[b])
                pltpu.sync_copy(d0_hbm.at[pl.ds(base, _DCH)], idx0[b])
                pltpu.sync_copy(d1_hbm.at[pl.ds(base, _DCH)], idx1[b])
            if j >= 1:
                pb = (j - 1) % nbuf
                loads[pb].wait()
                scat[pb][0] = pltpu.async_copy(rows[pb], xs_hbm.at[idx0[pb]], ssem0[pb])
                scat[pb][1] = pltpu.async_copy(rows[pb], xs_hbm.at[idx1[pb]], ssem1[pb])
        for b in range(nbuf):
            if scat[b][0] is not None:
                scat[b][0].wait()
                scat[b][1].wait()

    return dispatch_kernel(xf, d0, d1)




def _ffn_body(te_ref, nt_ref, xs_ref, w1_ref, b1_ref, w2_ref, b2_ref, y_ref):
    i = pl.program_id(0)

    @pl.when(i < nt_ref[0])
    def _():
        x = xs_ref[...].astype(jnp.bfloat16)
        acc = jnp.zeros((T, D), jnp.float32)
        for f in range(DFF // FT):
            w1f = w1_ref[0, :, pl.ds(f * FT, FT)]
            h = jnp.dot(x, w1f, preferred_element_type=jnp.float32)
            h = h + b1_ref[0, 0, pl.ds(f * FT, FT)]
            h = h * (1.0 / (1.0 + jnp.exp(-h)))
            w2f = w2_ref[0, pl.ds(f * FT, FT), :]
            acc = acc + jnp.dot(
                h.astype(jnp.bfloat16), w2f, preferred_element_type=jnp.float32
            )
        y_ref[...] = acc + b2_ref[0]


def _ffn(xs, W1, b1, W2, b2, tile_expert, ntiles):
    grid_spec = pltpu.PrefetchScalarGridSpec(
        num_scalar_prefetch=2,
        grid=(NT,),
        in_specs=[
            pl.BlockSpec((T, D), lambda i, te, nt: (i, 0)),
            pl.BlockSpec((1, D, DFF), lambda i, te, nt: (te[i], 0, 0)),
            pl.BlockSpec((1, 1, DFF), lambda i, te, nt: (te[i], 0, 0)),
            pl.BlockSpec((1, DFF, D), lambda i, te, nt: (te[i], 0, 0)),
            pl.BlockSpec((1, 1, D), lambda i, te, nt: (te[i], 0, 0)),
        ],
        out_specs=pl.BlockSpec((T, D), lambda i, te, nt: (i, 0)),
    )
    return pl.pallas_call(
        _ffn_body,
        grid_spec=grid_spec,
        out_shape=jax.ShapeDtypeStruct((R, D), jnp.float32),
        compiler_params=pltpu.CompilerParams(
            dimension_semantics=("arbitrary",),
            vmem_limit_bytes=128 * 1024 * 1024,
        ),
    )(tile_expert, ntiles, xs, W1.astype(jnp.bfloat16), b1.reshape(E, 1, DFF),
      W2.astype(jnp.bfloat16), b2.reshape(E, 1, D))



_CCH = 16


def _combine(y, d0, d1, wb0, wb1):
    nit = TPW // (2 * _CCH)

    @functools.partial(
        pl.kernel,
        out_type=jax.ShapeDtypeStruct((N, D), jnp.float32),
        mesh=_sc_mesh(),
        scratch_types=[
            pltpu.VMEM((_CCH,), jnp.int32), pltpu.VMEM((_CCH,), jnp.int32),
            pltpu.VMEM((_CCH, 16), jnp.float32), pltpu.VMEM((_CCH, 16), jnp.float32),
            pltpu.VMEM((_CCH, D), jnp.float32), pltpu.VMEM((_CCH, D), jnp.float32),
            pltpu.VMEM((_CCH, D), jnp.float32),
            pltpu.VMEM((_CCH,), jnp.int32), pltpu.VMEM((_CCH,), jnp.int32),
            pltpu.VMEM((_CCH, 16), jnp.float32), pltpu.VMEM((_CCH, 16), jnp.float32),
            pltpu.VMEM((_CCH, D), jnp.float32), pltpu.VMEM((_CCH, D), jnp.float32),
            pltpu.VMEM((_CCH, D), jnp.float32),
            pltpu.SemaphoreType.DMA, pltpu.SemaphoreType.DMA,
            pltpu.SemaphoreType.DMA, pltpu.SemaphoreType.DMA,
            pltpu.SemaphoreType.DMA, pltpu.SemaphoreType.DMA,
        ],
    )
    def combine_kernel(y_hbm, d0_hbm, d1_hbm, w0_hbm, w1_hbm, out_hbm,
                       iA0, iA1, wA0, wA1, rA0, rA1, oA,
                       iB0, iB1, wB0, wB1, rB0, rB1, oB,
                       gsA0, gsA1, gsB0, gsB1, wsA, wsB):
        wid = lax.axis_index("s") * NC + lax.axis_index("c")
        wbase = wid * TPW

        def fetch(base, i0, i1, w0, w1, r0, r1, g0s, g1s):
            pltpu.sync_copy(d0_hbm.at[pl.ds(base, _CCH)], i0)
            pltpu.sync_copy(d1_hbm.at[pl.ds(base, _CCH)], i1)
            pltpu.sync_copy(w0_hbm.at[pl.ds(base, _CCH)], w0)
            pltpu.sync_copy(w1_hbm.at[pl.ds(base, _CCH)], w1)
            pltpu.async_copy(y_hbm.at[i0], r0, g0s)
            pltpu.async_copy(y_hbm.at[i1], r1, g1s)

        def compute(w0, w1, r0, r1, ob):
            def tbody(t, carry):
                wv0 = w0[t, :]
                wv1 = w1[t, :]
                for c in range(D // 16):
                    sl = pl.ds(c * 16, 16)
                    ob[t, sl] = wv0 * r0[t, sl] + wv1 * r1[t, sl]
                return carry

            lax.fori_loop(0, _CCH, tbody, 0)

        def gwait(r0, r1, g0s, g1s, i0, i1):
            pltpu.make_async_copy(y_hbm.at[i0], r0, g0s).wait()
            pltpu.make_async_copy(y_hbm.at[i1], r1, g1s).wait()

        fetch(wbase, iA0, iA1, wA0, wA1, rA0, rA1, gsA0, gsA1)
        fetch(wbase + _CCH, iB0, iB1, wB0, wB1, rB0, rB1, gsB0, gsB1)

        def mbody(m, carry):
            baseA = wbase + m * 2 * _CCH

            @pl.when(m > 0)
            def _():
                pltpu.make_async_copy(oA, out_hbm.at[pl.ds(baseA - 2 * _CCH, _CCH)], wsA).wait()
                pltpu.make_async_copy(oB, out_hbm.at[pl.ds(baseA - _CCH, _CCH)], wsB).wait()

            gwait(rA0, rA1, gsA0, gsA1, iA0, iA1)
            compute(wA0, wA1, rA0, rA1, oA)
            pltpu.async_copy(oA, out_hbm.at[pl.ds(baseA, _CCH)], wsA)
            gwait(rB0, rB1, gsB0, gsB1, iB0, iB1)
            compute(wB0, wB1, rB0, rB1, oB)
            pltpu.async_copy(oB, out_hbm.at[pl.ds(baseA + _CCH, _CCH)], wsB)

            @pl.when(m < nit - 1)
            def _():
                nbase = baseA + 2 * _CCH
                fetch(nbase, iA0, iA1, wA0, wA1, rA0, rA1, gsA0, gsA1)
                fetch(nbase + _CCH, iB0, iB1, wB0, wB1, rB0, rB1, gsB0, gsB1)

            return carry

        lax.fori_loop(0, nit, mbody, 0)
        last = wbase + (nit - 1) * 2 * _CCH
        pltpu.make_async_copy(oA, out_hbm.at[pl.ds(last, _CCH)], wsA).wait()
        pltpu.make_async_copy(oB, out_hbm.at[pl.ds(last + _CCH, _CCH)], wsB).wait()

    return combine_kernel(y, d0, d1, wb0, wb1)




def kernel(x, gate_W, gate_b, W1, b1, W2, b2):
    xf = x.reshape(N, D)
    wb0, wb1, idx = _gating(xf, gate_W, gate_b)
    tile_expert, ntiles, d0, d1 = _route_meta(idx)
    xs = _dispatch(xf, d0, d1)
    y = _ffn(xs, W1, b1, W2, b2, tile_expert, ntiles)
    out = _combine(y, d0, d1, wb0, wb1)
    return out.reshape(B, S, D)

# --- scband reference (transcript-rebuilt; emitter-appended) ---
"""Pipeline reference for scband-mo-e-85315230368423 (READ-ONLY COPY).

The authoritative reference and input builder live on the scoring server;
editing this copy changes nothing except your own understanding.
"""

import jax, jax.numpy as jnp
import numpy as np

B, S, D, E, TOP_K = 4, 2048, 1024, 8, 2
DFF = 4 * D
TEMPERATURE = 1.0


def setup_inputs(seed: int = 0) -> dict:
    key = jax.random.key(seed)
    ks = jax.random.split(key, 8)
    x = jax.random.normal(ks[0], (B, S, D), dtype=jnp.float32)
    gate_W = jax.random.normal(ks[1], (D, E), dtype=jnp.float32) * (1.0 / np.sqrt(D))
    gate_b = jnp.zeros((E,), dtype=jnp.float32)
    W1 = jax.random.normal(ks[2], (E, D, DFF), dtype=jnp.float32) * (1.0 / np.sqrt(D))
    b1 = jnp.zeros((E, DFF), dtype=jnp.float32)
    W2 = jax.random.normal(ks[3], (E, DFF, D), dtype=jnp.float32) * (np.sqrt(2.0 / DFF))
    b2 = jnp.zeros((E, D), dtype=jnp.float32)
    return {"x": x, "gate_W": gate_W, "gate_b": gate_b, "W1": W1, "b1": b1, "W2": W2, "b2": b2}


def reference(x, gate_W, gate_b, W1, b1, W2, b2):
    # gating (eval path: top-k + softmax over selected logits)
    gates = (jnp.einsum('bsd,de->bse', x, gate_W) + gate_b) / (TEMPERATURE + 1e-06)
    weights, indices = jax.lax.top_k(gates, TOP_K)            # [B,S,K]
    weights = jax.nn.softmax(weights, axis=-1)
    # dense evaluation of every expert on every token: stack([e(x) for e in experts], dim=2)
    h = jnp.einsum('bsd,edf->bsef', x, W1) + b1               # [B,S,E,DFF]
    h = h * jax.nn.sigmoid(h)                                 # SiLU
    all_expert_outputs = jnp.einsum('bsef,efd->bsed', h, W2) + b2  # [B,S,E,D]
    # gather the top-k expert outputs per token (torch.gather along expert dim)
    gathered = jnp.take_along_axis(all_expert_outputs, indices[..., None], axis=2)  # [B,S,K,D]
    outputs = (gathered * weights[..., None]).sum(axis=2)     # [B,S,D]
    return outputs

if __name__ == "__main__":
    import jax
    _d = setup_inputs()
    print(jax.jit(kernel)(*tuple(_d.values())))

</pallas_src>

<mosaic_0001>
#map = affine_map<(d0, d1) -> (0, 0)>
#map1 = affine_map<(d0, d1) -> (0)>
module attributes {stable_mosaic.version = 14 : i64} {
  func.func @combine_kernel(%arg0: i32, %arg1: i32, %arg2: memref<20480x1024xf32, #tpu.memory_space<hbm>>, %arg3: memref<8192xi32, #tpu.memory_space<hbm>>, %arg4: memref<8192xi32, #tpu.memory_space<hbm>>, %arg5: memref<8192x16xf32, #tpu.memory_space<hbm>>, %arg6: memref<8192x16xf32, #tpu.memory_space<hbm>>, %arg7: memref<8192x1024xf32, #tpu.memory_space<hbm>>, %arg8: memref<16xi32, #tpu.memory_space<vmem>>, %arg9: memref<16xi32, #tpu.memory_space<vmem>>, %arg10: memref<16x16xf32, #tpu.memory_space<vmem>>, %arg11: memref<16x16xf32, #tpu.memory_space<vmem>>, %arg12: memref<16x1024xf32, #tpu.memory_space<vmem>>, %arg13: memref<16x1024xf32, #tpu.memory_space<vmem>>, %arg14: memref<16x1024xf32, #tpu.memory_space<vmem>>, %arg15: memref<16xi32, #tpu.memory_space<vmem>>, %arg16: memref<16xi32, #tpu.memory_space<vmem>>, %arg17: memref<16x16xf32, #tpu.memory_space<vmem>>, %arg18: memref<16x16xf32, #tpu.memory_space<vmem>>, %arg19: memref<16x1024xf32, #tpu.memory_space<vmem>>, %arg20: memref<16x1024xf32, #tpu.memory_space<vmem>>, %arg21: memref<16x1024xf32, #tpu.memory_space<vmem>>, %arg22: memref<!tpu.dma_semaphore, #tpu.memory_space<semaphore_mem>>, %arg23: memref<!tpu.dma_semaphore, #tpu.memory_space<semaphore_mem>>, %arg24: memref<!tpu.dma_semaphore, #tpu.memory_space<semaphore_mem>>, %arg25: memref<!tpu.dma_semaphore, #tpu.memory_space<semaphore_mem>>, %arg26: memref<!tpu.dma_semaphore, #tpu.memory_space<semaphore_mem>>, %arg27: memref<!tpu.dma_semaphore, #tpu.memory_space<semaphore_mem>>) attributes {dimension_semantics = [#tpu.dimension_semantics<core_parallel>, #tpu.dimension_semantics<subcore_parallel>], iteration_bounds = array<i64: 2, 16>, scalar_prefetch = 0 : i64, scratch_operands = 20 : i64, tpu.core_type = #tpu.core_type<sc_vector_subcore>, window_params = [{transform_indices = #map}, {transform_indices = #map1}, {transform_indices = #map1}, {transform_indices = #map}, {transform_indices = #map}, {transform_indices = #map}]} {
    %mul3A = arith.constant 2 : i32
    %mul3A_0 = arith.muli %arg1, %mul3A : i32
    %add3A = arith.addi %mul3A_0, %arg0 : i32
    %mul3A_1 = arith.constant 256 : i32
    %mul3A_2 = arith.muli %add3A, %mul3A_1 : i32
    "tpu.region"() ({
      %run_scoped3A = tpu.sem_alloc : memref<!tpu.dma_semaphore, #tpu.memory_space<semaphore_mem>>
      %dma_start3A_32 = tpu.memref_slice %arg3[%mul3A_2] : memref<8192xi32, #tpu.memory_space<hbm>> -> memref<16xi32, #tpu.memory_space<hbm>>
      %dma_start3A_33 = tpu.memref_slice %arg3[%mul3A_2] : memref<8192xi32, #tpu.memory_space<hbm>> -> memref<16xi32, #tpu.memory_space<hbm>>
      tpu.enqueue_dma source(%dma_start3A_33 : memref<16xi32, #tpu.memory_space<hbm>>) target(%arg8 : memref<16xi32, #tpu.memory_space<vmem>>) target_semaphore(%run_scoped3A : memref<!tpu.dma_semaphore, #tpu.memory_space<semaphore_mem>>)
      %dma_wait3A_34 = tpu.memref_slice %arg3[%mul3A_2] : memref<8192xi32, #tpu.memory_space<hbm>> -> memref<16xi32, #tpu.memory_space<hbm>>
      %dma_wait3A_35 = tpu.memref_slice %arg3[%mul3A_2] : memref<8192xi32, #tpu.memory_space<hbm>> -> memref<16xi32, #tpu.memory_space<hbm>>
      tpu.wait_dma2 semaphore(%run_scoped3A : memref<!tpu.dma_semaphore, #tpu.memory_space<semaphore_mem>>) src(%dma_wait3A_35 : memref<16xi32, #tpu.memory_space<hbm>>) dst(%arg8 : memref<16xi32, #tpu.memory_space<vmem>>)
      tpu.yield
    }) : () -> ()
    "tpu.region"() ({
      %run_scoped3A = tpu.sem_alloc : memref<!tpu.dma_semaphore, #tpu.memory_space<semaphore_mem>>
      %dma_start3A_32 = tpu.memref_slice %arg4[%mul3A_2] : memref<8192xi32, #tpu.memory_space<hbm>> -> memref<16xi32, #tpu.memory_space<hbm>>
      %dma_start3A_33 = tpu.memref_slice %arg4[%mul3A_2] : memref<8192xi32, #tpu.memory_space<hbm>> -> memref<16xi32, #tpu.memory_space<hbm>>
      tpu.enqueue_dma source(%dma_start3A_33 : memref<16xi32, #tpu.memory_space<hbm>>) target(%arg9 : memref<16xi32, #tpu.memory_space<vmem>>) target_semaphore(%run_scoped3A : memref<!tpu.dma_semaphore, #tpu.memory_space<semaphore_mem>>)
      %dma_wait3A_34 = tpu.memref_slice %arg4[%mul3A_2] : memref<8192xi32, #tpu.memory_space<hbm>> -> memref<16xi32, #tpu.memory_space<hbm>>
      %dma_wait3A_35 = tpu.memref_slice %arg4[%mul3A_2] : memref<8192xi32, #tpu.memory_space<hbm>> -> memref<16xi32, #tpu.memory_space<hbm>>
      tpu.wait_dma2 semaphore(%run_scoped3A : memref<!tpu.dma_semaphore, #tpu.memory_space<semaphore_mem>>) src(%dma_wait3A_35 : memref<16xi32, #tpu.memory_space<hbm>>) dst(%arg9 : memref<16xi32, #tpu.memory_space<vmem>>)
      tpu.yield
    }) : () -> ()
    "tpu.region"() ({
      %run_scoped3A = tpu.sem_alloc : memref<!tpu.dma_semaphore, #tpu.memory_space<semaphore_mem>>
      %dma_start3A_32 = arith.constant 0 : i32
      %dma_start3A_33 = tpu.memref_slice %arg5[%mul3A_2, %dma_start3A_32] : memref<8192x16xf32, #tpu.memory_space<hbm>> -> memref<16x16xf32, #tpu.memory_space<hbm>>
      %dma_start3A_34 = arith.constant 0 : i32
      %dma_start3A_35 = tpu.memref_slice %arg5[%mul3A_2, %dma_start3A_34] : memref<8192x16xf32, #tpu.memory_space<hbm>> -> memref<16x16xf32, #tpu.memory_space<hbm>>
      tpu.enqueue_dma source(%dma_start3A_35 : memref<16x16xf32, #tpu.memory_space<hbm>>) target(%arg10 : memref<16x16xf32, #tpu.memory_space<vmem>>) target_semaphore(%run_scoped3A : memref<!tpu.dma_semaphore, #tpu.memory_space<semaphore_mem>>)
      %dma_wait3A_36 = arith.constant 0 : i32
      %dma_wait3A_37 = tpu.memref_slice %arg5[%mul3A_2, %dma_wait3A_36] : memref<8192x16xf32, #tpu.memory_space<hbm>> -> memref<16x16xf32, #tpu.memory_space<hbm>>
      %dma_wait3A_38 = arith.constant 0 : i32
      %dma_wait3A_39 = tpu.memref_slice %arg5[%mul3A_2, %dma_wait3A_38] : memref<8192x16xf32, #tpu.memory_space<hbm>> -> memref<16x16xf32, #tpu.memory_space<hbm>>
      tpu.wait_dma2 semaphore(%run_scoped3A : memref<!tpu.dma_semaphore, #tpu.memory_space<semaphore_mem>>) src(%dma_wait3A_39 : memref<16x16xf32, #tpu.memory_space<hbm>>) dst(%arg10 : memref<16x16xf32, #tpu.memory_space<vmem>>)
      tpu.yield
    }) : () -> ()
    "tpu.region"() ({
      %run_scoped3A = tpu.sem_alloc : memref<!tpu.dma_semaphore, #tpu.memory_space<semaphore_mem>>
      %dma_start3A_32 = arith.constant 0 : i32
      %dma_start3A_33 = tpu.memref_slice %arg6[%mul3A_2, %dma_start3A_32] : memref<8192x16xf32, #tpu.memory_space<hbm>> -> memref<16x16xf32, #tpu.memory_space<hbm>>
      %dma_start3A_34 = arith.constant 0 : i32
      %dma_start3A_35 = tpu.memref_slice %arg6[%mul3A_2, %dma_start3A_34] : memref<8192x16xf32, #tpu.memory_space<hbm>> -> memref<16x16xf32, #tpu.memory_space<hbm>>
      tpu.enqueue_dma source(%dma_start3A_35 : memref<16x16xf32, #tpu.memory_space<hbm>>) target(%arg11 : memref<16x16xf32, #tpu.memory_space<vmem>>) target_semaphore(%run_scoped3A : memref<!tpu.dma_semaphore, #tpu.memory_space<semaphore_mem>>)
      %dma_wait3A_36 = arith.constant 0 : i32
      %dma_wait3A_37 = tpu.memref_slice %arg6[%mul3A_2, %dma_wait3A_36] : memref<8192x16xf32, #tpu.memory_space<hbm>> -> memref<16x16xf32, #tpu.memory_space<hbm>>
      %dma_wait3A_38 = arith.constant 0 : i32
      %dma_wait3A_39 = tpu.memref_slice %arg6[%mul3A_2, %dma_wait3A_38] : memref<8192x16xf32, #tpu.memory_space<hbm>> -> memref<16x16xf32, #tpu.memory_space<hbm>>
      tpu.wait_dma2 semaphore(%run_scoped3A : memref<!tpu.dma_semaphore, #tpu.memory_space<semaphore_mem>>) src(%dma_wait3A_39 : memref<16x16xf32, #tpu.memory_space<hbm>>) dst(%arg11 : memref<16x16xf32, #tpu.memory_space<vmem>>)
      tpu.yield
    }) : () -> ()
    %dma_start3A = arith.constant 0 : i32
    %dma_start3A_3 = arith.constant 0 : i32
    %dma_start3A_4 = tpu.memref_slice %arg2[%dma_start3A, %dma_start3A_3] : memref<20480x1024xf32, #tpu.memory_space<hbm>> -> memref<20480x1024xf32, #tpu.memory_space<hbm>>
    tpu.enqueue_indirect_dma source(%dma_start3A_4 : memref<20480x1024xf32, #tpu.memory_space<hbm>>) target(%arg12 : memref<16x1024xf32, #tpu.memory_space<vmem>>) offsets(%arg8 : memref<16xi32, #tpu.memory_space<vmem>>) semaphore(%arg22 : memref<!tpu.dma_semaphore, #tpu.memory_space<semaphore_mem>>)
    %dma_start3A_5 = arith.constant 0 : i32
    %dma_start3A_6 = arith.constant 0 : i32
    %dma_start3A_7 = tpu.memref_slice %arg2[%dma_start3A_5, %dma_start3A_6] : memref<20480x1024xf32, #tpu.memory_space<hbm>> -> memref<20480x1024xf32, #tpu.memory_space<hbm>>
    tpu.enqueue_indirect_dma source(%dma_start3A_7 : memref<20480x1024xf32, #tpu.memory_space<hbm>>) target(%arg13 : memref<16x1024xf32, #tpu.memory_space<vmem>>) offsets(%arg9 : memref<16xi32, #tpu.memory_space<vmem>>) semaphore(%arg23 : memref<!tpu.dma_semaphore, #tpu.memory_space<semaphore_mem>>)
    %add3A_8 = arith.constant 16 : i32
    %add3A_9 = arith.addi %mul3A_2, %add3A_8 : i32
    "tpu.region"() ({
      %run_scoped3A = tpu.sem_alloc : memref<!tpu.dma_semaphore, #tpu.memory_space<semaphore_mem>>
      %dma_start3A_32 = tpu.memref_slice %arg3[%add3A_9] : memref<8192xi32, #tpu.memory_space<hbm>> -> memref<16xi32, #tpu.memory_space<hbm>>
      %dma_start3A_33 = tpu.memref_slice %arg3[%add3A_9] : memref<8192xi32, #tpu.memory_space<hbm>> -> memref<16xi32, #tpu.memory_space<hbm>>
      tpu.enqueue_dma source(%dma_start3A_33 : memref<16xi32, #tpu.memory_space<hbm>>) target(%arg15 : memref<16xi32, #tpu.memory_space<vmem>>) target_semaphore(%run_scoped3A : memref<!tpu.dma_semaphore, #tpu.memory_space<semaphore_mem>>)
      %dma_wait3A_34 = tpu.memref_slice %arg3[%add3A_9] : memref<8192xi32, #tpu.memory_space<hbm>> -> memref<16xi32, #tpu.memory_space<hbm>>
      %dma_wait3A_35 = tpu.memref_slice %arg3[%add3A_9] : memref<8192xi32, #tpu.memory_space<hbm>> -> memref<16xi32, #tpu.memory_space<hbm>>
      tpu.wait_dma2 semaphore(%run_scoped3A : memref<!tpu.dma_semaphore, #tpu.memory_space<semaphore_mem>>) src(%dma_wait3A_35 : memref<16xi32, #tpu.memory_space<hbm>>) dst(%arg15 : memref<16xi32, #tpu.memory_space<vmem>>)
      tpu.yield
    }) : () -> ()
    "tpu.region"() ({
      %run_scoped3A = tpu.sem_alloc : memref<!tpu.dma_semaphore, #tpu.memory_space<semaphore_mem>>
      %dma_start3A_32 = tpu.memref_slice %arg4[%add3A_9] : memref<8192xi32, #tpu.memory_space<hbm>> -> memref<16xi32, #tpu.memory_space<hbm>>
      %dma_start3A_33 = tpu.memref_slice %arg4[%add3A_9] : memref<8192xi32, #tpu.memory_space<hbm>> -> memref<16xi32, #tpu.memory_space<hbm>>
      tpu.enqueue_dma source(%dma_start3A_33 : memref<16xi32, #tpu.memory_space<hbm>>) target(%arg16 : memref<16xi32, #tpu.memory_space<vmem>>) target_semaphore(%run_scoped3A : memref<!tpu.dma_semaphore, #tpu.memory_space<semaphore_mem>>)
      %dma_wait3A_34 = tpu.memref_slice %arg4[%add3A_9] : memref<8192xi32, #tpu.memory_space<hbm>> -> memref<16xi32, #tpu.memory_space<hbm>>
      %dma_wait3A_35 = tpu.memref_slice %arg4[%add3A_9] : memref<8192xi32, #tpu.memory_space<hbm>> -> memref<16xi32, #tpu.memory_space<hbm>>
      tpu.wait_dma2 semaphore(%run_scoped3A : memref<!tpu.dma_semaphore, #tpu.memory_space<semaphore_mem>>) src(%dma_wait3A_35 : memref<16xi32, #tpu.memory_space<hbm>>) dst(%arg16 : memref<16xi32, #tpu.memory_space<vmem>>)
      tpu.yield
    }) : () -> ()
    "tpu.region"() ({
      %run_scoped3A = tpu.sem_alloc : memref<!tpu.dma_semaphore, #tpu.memory_space<semaphore_mem>>
      %dma_start3A_32 = arith.constant 0 : i32
      %dma_start3A_33 = tpu.memref_slice %arg5[%add3A_9, %dma_start3A_32] : memref<8192x16xf32, #tpu.memory_space<hbm>> -> memref<16x16xf32, #tpu.memory_space<hbm>>
      %dma_start3A_34 = arith.constant 0 : i32
      %dma_start3A_35 = tpu.memref_slice %arg5[%add3A_9, %dma_start3A_34] : memref<8192x16xf32, #tpu.memory_space<hbm>> -> memref<16x16xf32, #tpu.memory_space<hbm>>
      tpu.enqueue_dma source(%dma_start3A_35 : memref<16x16xf32, #tpu.memory_space<hbm>>) target(%arg17 : memref<16x16xf32, #tpu.memory_space<vmem>>) target_semaphore(%run_scoped3A : memref<!tpu.dma_semaphore, #tpu.memory_space<semaphore_mem>>)
      %dma_wait3A_36 = arith.constant 0 : i32
      %dma_wait3A_37 = tpu.memref_slice %arg5[%add3A_9, %dma_wait3A_36] : memref<8192x16xf32, #tpu.memory_space<hbm>> -> memref<16x16xf32, #tpu.memory_space<hbm>>
      %dma_wait3A_38 = arith.constant 0 : i32
      %dma_wait3A_39 = tpu.memref_slice %arg5[%add3A_9, %dma_wait3A_38] : memref<8192x16xf32, #tpu.memory_space<hbm>> -> memref<16x16xf32, #tpu.memory_space<hbm>>
      tpu.wait_dma2 semaphore(%run_scoped3A : memref<!tpu.dma_semaphore, #tpu.memory_space<semaphore_mem>>) src(%dma_wait3A_39 : memref<16x16xf32, #tpu.memory_space<hbm>>) dst(%arg17 : memref<16x16xf32, #tpu.memory_space<vmem>>)
      tpu.yield
    }) : () -> ()
    "tpu.region"() ({
      %run_scoped3A = tpu.sem_alloc : memref<!tpu.dma_semaphore, #tpu.memory_space<semaphore_mem>>
      %dma_start3A_32 = arith.constant 0 : i32
      %dma_start3A_33 = tpu.memref_slice %arg6[%add3A_9, %dma_start3A_32] : memref<8192x16xf32, #tpu.memory_space<hbm>> -> memref<16x16xf32, #tpu.memory_space<hbm>>
      %dma_start3A_34 = arith.constant 0 : i32
      %dma_start3A_35 = tpu.memref_slice %arg6[%add3A_9, %dma_start3A_34] : memref<8192x16xf32, #tpu.memory_space<hbm>> -> memref<16x16xf32, #tpu.memory_space<hbm>>
      tpu.enqueue_dma source(%dma_start3A_35 : memref<16x16xf32, #tpu.memory_space<hbm>>) target(%arg18 : memref<16x16xf32, #tpu.memory_space<vmem>>) target_semaphore(%run_scoped3A : memref<!tpu.dma_semaphore, #tpu.memory_space<semaphore_mem>>)
      %dma_wait3A_36 = arith.constant 0 : i32
      %dma_wait3A_37 = tpu.memref_slice %arg6[%add3A_9, %dma_wait3A_36] : memref<8192x16xf32, #tpu.memory_space<hbm>> -> memref<16x16xf32, #tpu.memory_space<hbm>>
      %dma_wait3A_38 = arith.constant 0 : i32
      %dma_wait3A_39 = tpu.memref_slice %arg6[%add3A_9, %dma_wait3A_38] : memref<8192x16xf32, #tpu.memory_space<hbm>> -> memref<16x16xf32, #tpu.memory_space<hbm>>
      tpu.wait_dma2 semaphore(%run_scoped3A : memref<!tpu.dma_semaphore, #tpu.memory_space<semaphore_mem>>) src(%dma_wait3A_39 : memref<16x16xf32, #tpu.memory_space<hbm>>) dst(%arg18 : memref<16x16xf32, #tpu.memory_space<vmem>>)
      tpu.yield
    }) : () -> ()
    %dma_start3A_10 = arith.constant 0 : i32
    %dma_start3A_11 = arith.constant 0 : i32
    %dma_start3A_12 = tpu.memref_slice %arg2[%dma_start3A_10, %dma_start3A_11] : memref<20480x1024xf32, #tpu.memory_space<hbm>> -> memref<20480x1024xf32, #tpu.memory_space<hbm>>
    tpu.enqueue_indirect_dma source(%dma_start3A_12 : memref<20480x1024xf32, #tpu.memory_space<hbm>>) target(%arg19 : memref<16x1024xf32, #tpu.memory_space<vmem>>) offsets(%arg15 : memref<16xi32, #tpu.memory_space<vmem>>) semaphore(%arg24 : memref<!tpu.dma_semaphore, #tpu.memory_space<semaphore_mem>>)
    %dma_start3A_13 = arith.constant 0 : i32
    %dma_start3A_14 = arith.constant 0 : i32
    %dma_start3A_15 = tpu.memref_slice %arg2[%dma_start3A_13, %dma_start3A_14] : memref<20480x1024xf32, #tpu.memory_space<hbm>> -> memref<20480x1024xf32, #tpu.memory_space<hbm>>
    tpu.enqueue_indirect_dma source(%dma_start3A_15 : memref<20480x1024xf32, #tpu.memory_space<hbm>>) target(%arg20 : memref<16x1024xf32, #tpu.memory_space<vmem>>) offsets(%arg16 : memref<16xi32, #tpu.memory_space<vmem>>) semaphore(%arg25 : memref<!tpu.dma_semaphore, #tpu.memory_space<semaphore_mem>>)
    %scan3A = arith.constant 0 : i32
    %scan3A_16 = arith.constant 0 : i32
    %scan3A_17 = arith.constant 8 : i32
    %scan3A_18 = arith.addi %scan3A_16, %scan3A_17 : i32
    %scan3A_19 = arith.constant 1 : i32
    scf.for %scan3A_32 = %scan3A_16 to %scan3A_18 step %scan3A_19  : i32 {
      %mul3A_33 = arith.constant 2 : i32
      %mul3A_34 = arith.muli %scan3A_32, %mul3A_33 : i32
      %mul3A_35 = arith.constant 16 : i32
      %mul3A_36 = arith.muli %mul3A_34, %mul3A_35 : i32
      %add3A_37 = arith.addi %mul3A_2, %mul3A_36 : i32
      %gt3A = arith.constant 0 : i32
      %gt3A_38 = arith.cmpi sgt, %scan3A_32, %gt3A : i32
      %convert_element_type3A = arith.extui %gt3A_38 : i1 to i32
      %cond3A = arith.constant 0 : i32
      %cond3A_39 = arith.cmpi ne, %convert_element_type3A, %cond3A : i32
      scf.if %cond3A_39 {
        %sub3A = arith.constant 32 : i32
        %sub3A_78 = arith.subi %add3A_37, %sub3A : i32
        %dma_wait3A_79 = arith.constant 0 : i32
        %dma_wait3A_80 = tpu.memref_slice %arg7[%sub3A_78, %dma_wait3A_79] : memref<8192x1024xf32, #tpu.memory_space<hbm>> -> memref<16x1024xf32, #tpu.memory_space<hbm>>
        %dma_wait3A_81 = arith.constant 0 : i32
        %dma_wait3A_82 = tpu.memref_slice %arg7[%sub3A_78, %dma_wait3A_81] : memref<8192x1024xf32, #tpu.memory_space<hbm>> -> memref<16x1024xf32, #tpu.memory_space<hbm>>
        tpu.wait_dma2 semaphore(%arg26 : memref<!tpu.dma_semaphore, #tpu.memory_space<semaphore_mem>>) src(%arg14 : memref<16x1024xf32, #tpu.memory_space<vmem>>) dst(%dma_wait3A_82 : memref<16x1024xf32, #tpu.memory_space<hbm>>)
        %sub3A_83 = arith.constant 16 : i32
        %sub3A_84 = arith.subi %add3A_37, %sub3A_83 : i32
        %dma_wait3A_85 = arith.constant 0 : i32
        %dma_wait3A_86 = tpu.memref_slice %arg7[%sub3A_84, %dma_wait3A_85] : memref<8192x1024xf32, #tpu.memory_space<hbm>> -> memref<16x1024xf32, #tpu.memory_space<hbm>>
        %dma_wait3A_87 = arith.constant 0 : i32
        %dma_wait3A_88 = tpu.memref_slice %arg7[%sub3A_84, %dma_wait3A_87] : memref<8192x1024xf32, #tpu.memory_space<hbm>> -> memref<16x1024xf32, #tpu.memory_space<hbm>>
        tpu.wait_dma2 semaphore(%arg27 : memref<!tpu.dma_semaphore, #tpu.memory_space<semaphore_mem>>) src(%arg21 : memref<16x1024xf32, #tpu.memory_space<vmem>>) dst(%dma_wait3A_88 : memref<16x1024xf32, #tpu.memory_space<hbm>>)
      } else {
      }
      %dma_wait3A_40 = arith.constant 0 : i32
      %dma_wait3A_41 = arith.constant 0 : i32
      %dma_wait3A_42 = tpu.memref_slice %arg2[%dma_wait3A_40, %dma_wait3A_41] : memref<20480x1024xf32, #tpu.memory_space<hbm>> -> memref<20480x1024xf32, #tpu.memory_space<hbm>>
      tpu.wait_indirect_dma semaphore(%arg22 : memref<!tpu.dma_semaphore, #tpu.memory_space<semaphore_mem>>) src(%dma_wait3A_42 : memref<20480x1024xf32, #tpu.memory_space<hbm>>) dst(%arg12 : memref<16x1024xf32, #tpu.memory_space<vmem>>)
      %dma_wait3A_43 = arith.constant 0 : i32
      %dma_wait3A_44 = arith.constant 0 : i32
      %dma_wait3A_45 = tpu.memref_slice %arg2[%dma_wait3A_43, %dma_wait3A_44] : memref<20480x1024xf32, #tpu.memory_space<hbm>> -> memref<20480x1024xf32, #tpu.memory_space<hbm>>
      tpu.wait_indirect_dma semaphore(%arg23 : memref<!tpu.dma_semaphore, #tpu.memory_space<semaphore_mem>>) src(%dma_wait3A_45 : memref<20480x1024xf32, #tpu.memory_space<hbm>>) dst(%arg13 : memref<16x1024xf32, #tpu.memory_space<vmem>>)
      %scan3A_46 = arith.constant 0 : i32
      %scan3A_47 = arith.constant 0 : i32
      %scan3A_48 = arith.constant 16 : i32
      %scan3A_49 = arith.addi %scan3A_47, %scan3A_48 : i32
      %scan3A_50 = arith.constant 1 : i32
      scf.for %scan3A_78 = %scan3A_47 to %scan3A_49 step %scan3A_50  : i32 {
        %get3A = arith.index_cast %scan3A_78 : i32 to index
        %get3A_79 = arith.constant 0 : index
        %get3A_80 = tpu.vector_load %arg10[%get3A, %get3A_79] {strides = array<i32>} : memref<16x16xf32, #tpu.memory_space<vmem>>, vector<1x16xf32>,
        %get3A_81 = vector.shape_cast %get3A_80 : vector<1x16xf32> to vector<16xf32>
        %get3A_82 = arith.index_cast %scan3A_78 : i32 to index
        %get3A_83 = arith.constant 0 : index
        %get3A_84 = tpu.vector_load %arg11[%get3A_82, %get3A_83] {strides = array<i32>} : memref<16x16xf32, #tpu.memory_space<vmem>>, vector<1x16xf32>,
        %get3A_85 = vector.shape_cast %get3A_84 : vector<1x16xf32> to vector<16xf32>
        %get3A_86 = arith.index_cast %scan3A_78 : i32 to index
        %get3A_87 = arith.constant 0 : index
        %get3A_88 = tpu.vector_load %arg12[%get3A_86, %get3A_87] {strides = array<i32>} : memref<16x1024xf32, #tpu.memory_space<vmem>>, vector<1x16xf32>,
        %get3A_89 = vector.shape_cast %get3A_88 : vector<1x16xf32> to vector<16xf32>
        %mul3A_90 = arith.mulf %get3A_81, %get3A_89 : vector<16xf32>
        %get3A_91 = arith.index_cast %scan3A_78 : i32 to index
        %get3A_92 = arith.constant 0 : index
        %get3A_93 = tpu.vector_load %arg13[%get3A_91, %get3A_92] {strides = array<i32>} : memref<16x1024xf32, #tpu.memory_space<vmem>>, vector<1x16xf32>,
        %get3A_94 = vector.shape_cast %get3A_93 : vector<1x16xf32> to vector<16xf32>
        %mul3A_95 = arith.mulf %get3A_85, %get3A_94 : vector<16xf32>
        %add3A_96 = arith.addf %mul3A_90, %mul3A_95 : vector<16xf32>
        %swap3A = arith.index_cast %scan3A_78 : i32 to index
        %swap3A_97 = arith.constant 0 : index
        %swap3A_98 = tpu.vector_load %arg14[%swap3A, %swap3A_97] {strides = array<i32>} : memref<16x1024xf32, #tpu.memory_space<vmem>>, vector<1x16xf32>,
        %swap3A_99 = vector.shape_cast %swap3A_98 : vector<1x16xf32> to vector<16xf32>
        %swap3A_100 = vector.shape_cast %add3A_96 : vector<16xf32> to vector<1x16xf32>
        tpu.vector_store %arg14[%swap3A, %swap3A_97], %swap3A_100 {strides = array<i32>} : memref<16x1024xf32, #tpu.memory_space<vmem>>, vector<1x16xf32>,
        %get3A_101 = arith.index_cast %scan3A_78 : i32 to index
        %get3A_102 = arith.constant 16 : index
        %get3A_103 = tpu.vector_load %arg12[%get3A_101, %get3A_102] {strides = array<i32>} : memref<16x1024xf32, #tpu.memory_space<vmem>>, vector<1x16xf32>,
        %get3A_104 = vector.shape_cast %get3A_103 : vector<1x16xf32> to vector<16xf32>
        %mul3A_105 = arith.mulf %get3A_81, %get3A_104 : vector<16xf32>
        %get3A_106 = arith.index_cast %scan3A_78 : i32 to index
        %get3A_107 = arith.constant 16 : index
        %get3A_108 = tpu.vector_load %arg13[%get3A_106, %get3A_107] {strides = array<i32>} : memref<16x1024xf32, #tpu.memory_space<vmem>>, vector<1x16xf32>,
        %get3A_109 = vector.shape_cast %get3A_108 : vector<1x16xf32> to vector<16xf32>
        %mul3A_110 = arith.mulf %get3A_85, %get3A_109 : vector<16xf32>
        %add3A_111 = arith.addf %mul3A_105, %mul3A_110 : vector<16xf32>
        %swap3A_112 = arith.index_cast %scan3A_78 : i32 to index
        %swap3A_113 = arith.constant 16 : index
        %swap3A_114 = tpu.vector_load %arg14[%swap3A_112, %swap3A_113] {strides = array<i32>} : memref<16x1024xf32, #tpu.memory_space<vmem>>, vector<1x16xf32>,
        %swap3A_115 = vector.shape_cast %swap3A_114 : vector<1x16xf32> to vector<16xf32>
        %swap3A_116 = vector.shape_cast %add3A_111 : vector<16xf32> to vector<1x16xf32>
        tpu.vector_store %arg14[%swap3A_112, %swap3A_113], %swap3A_116 {strides = array<i32>} : memref<16x1024xf32, #tpu.memory_space<vmem>>, vector<1x16xf32>,
        %get3A_117 = arith.index_cast %scan3A_78 : i32 to index
        %get3A_118 = arith.constant 32 : index
        %get3A_119 = tpu.vector_load %arg12[%get3A_117, %get3A_118] {strides = array<i32>} : memref<16x1024xf32, #tpu.memory_space<vmem>>, vector<1x16xf32>,
        %get3A_120 = vector.shape_cast %get3A_119 : vector<1x16xf32> to vector<16xf32>
        %mul3A_121 = arith.mulf %get3A_81, %get3A_120 : vector<16xf32>
        %get3A_122 = arith.index_cast %scan3A_78 : i32 to index
        %get3A_123 = arith.constant 32 : index
        %get3A_124 = tpu.vector_load %arg13[%get3A_122, %get3A_123] {strides = array<i32>} : memref<16x1024xf32, #tpu.memory_space<vmem>>, vector<1x16xf32>,
        %get3A_125 = vector.shape_cast %get3A_124 : vector<1x16xf32> to vector<16xf32>
        %mul3A_126 = arith.mulf %get3A_85, %get3A_125 : vector<16xf32>
        %add3A_127 = arith.addf %mul3A_121, %mul3A_126 : vector<16xf32>
        %swap3A_128 = arith.index_cast %scan3A_78 : i32 to index
        %swap3A_129 = arith.constant 32 : index
        %swap3A_130 = tpu.vector_load %arg14[%swap3A_128, %swap3A_129] {strides = array<i32>} : memref<16x1024xf32, #tpu.memory_space<vmem>>, vector<1x16xf32>,
        %swap3A_131 = vector.shape_cast %swap3A_130 : vector<1x16xf32> to vector<16xf32>
        %swap3A_132 = vector.shape_cast %add3A_127 : vector<16xf32> to vector<1x16xf32>
        tpu.vector_store %arg14[%swap3A_128, %swap3A_129], %swap3A_132 {strides = array<i32>} : memref<16x1024xf32, #tpu.memory_space<vmem>>, vector<1x16xf32>,
        %get3A_133 = arith.index_cast %scan3A_78 : i32 to index
        %get3A_134 = arith.constant 48 : index
        %get3A_135 = tpu.vector_load %arg12[%get3A_133, %get3A_134] {strides = array<i32>} : memref<16x1024xf32, #tpu.memory_space<vmem>>, vector<1x16xf32>,
        %get3A_136 = vector.shape_cast %get3A_135 : vector<1x16xf32> to vector<16xf32>
        %mul3A_137 = arith.mulf %get3A_81, %get3A_136 : vector<16xf32>
        %get3A_138 = arith.index_cast %scan3A_78 : i32 to index
        %get3A_139 = arith.constant 48 : index
        %get3A_140 = tpu.vector_load %arg13[%get3A_138, %get3A_139] {strides = array<i32>} : memref<16x1024xf32, #tpu.memory_space<vmem>>, vector<1x16xf32>,
        %get3A_141 = vector.shape_cast %get3A_140 : vector<1x16xf32> to vector<16xf32>
        %mul3A_142 = arith.mulf %get3A_85, %get3A_141 : vector<16xf32>
        %add3A_143 = arith.addf %mul3A_137, %mul3A_142 : vector<16xf32>
        %swap3A_144 = arith.index_cast %scan3A_78 : i32 to index
        %swap3A_145 = arith.constant 48 : index
        %swap3A_146 = tpu.vector_load %arg14[%swap3A_144, %swap3A_145] {strides = array<i32>} : memref<16x1024xf32, #tpu.memory_space<vmem>>, vector<1x16xf32>,
        %swap3A_147 = vector.shape_cast %swap3A_146 : vector<1x16xf32> to vector<16xf32>
        %swap3A_148 = vector.shape_cast %add3A_143 : vector<16xf32> to vector<1x16xf32>
        tpu.vector_store %arg14[%swap3A_144, %swap3A_145], %swap3A_148 {strides = array<i32>} : memref<16x1024xf32, #tpu.memory_space<vmem>>, vector<1x16xf32>,
        %get3A_149 = arith.index_cast %scan3A_78 : i32 to index
        %get3A_150 = arith.constant 64 : index
        %get3A_151 = tpu.vector_load %arg12[%get3A_149, %get3A_150] {strides = array<i32>} : memref<16x1024xf32, #tpu.memory_space<vmem>>, vector<1x16xf32>,
        %get3A_152 = vector.shape_cast %get3A_151 : vector<1x16xf32> to vector<16xf32>
        %mul3A_153 = arith.mulf %get3A_81, %get3A_152 : vector<16xf32>
        %get3A_154 = arith.index_cast %scan3A_78 : i32 to index
        %get3A_155 = arith.constant 64 : index
        %get3A_156 = tpu.vector_load %arg13[%get3A_154, %get3A_155] {strides = array<i32>} : memref<16x1024xf32, #tpu.memory_space<vmem>>, vector<1x16xf32>,
        %get3A_157 = vector.shape_cast %get3A_156 : vector<1x16xf32> to vector<16xf32>
        %mul3A_158 = arith.mulf %get3A_85, %get3A_157 : vector<16xf32>
        %add3A_159 = arith.addf %mul3A_153, %mul3A_158 : vector<16xf32>
        %swap3A_160 = arith.index_cast %scan3A_78 : i32 to index
        %swap3A_161 = arith.constant 64 : index
        %swap3A_162 = tpu.vector_load %arg14[%swap3A_160, %swap3A_161] {strides = array<i32>} : memref<16x1024xf32, #tpu.memory_space<vmem>>, vector<1x16xf32>,
        %swap3A_163 = vector.shape_cast %swap3A_162 : vector<1x16xf32> to vector<16xf32>
        %swap3A_164 = vector.shape_cast %add3A_159 : vector<16xf32> to vector<1x16xf32>
        tpu.vector_store %arg14[%swap3A_160, %swap3A_161], %swap3A_164 {strides = array<i32>} : memref<16x1024xf32, #tpu.memory_space<vmem>>, vector<1x16xf32>,
        %get3A_165 = arith.index_cast %scan3A_78 : i32 to index
        %get3A_166 = arith.constant 80 : index
        %get3A_167 = tpu.vector_load %arg12[%get3A_165, %get3A_166] {strides = array<i32>} : memref<16x1024xf32, #tpu.memory_space<vmem>>, vector<1x16xf32>,
        %get3A_168 = vector.shape_cast %get3A_167 : vector<1x16xf32> to vector<16xf32>
        %mul3A_169 = arith.mulf %get3A_81, %get3A_168 : vector<16xf32>
        %get3A_170 = arith.index_cast %scan3A_78 : i32 to index
        %get3A_171 = arith.constant 80 : index
        %get3A_172 = tpu.vector_load %arg13[%get3A_170, %get3A_171] {strides = array<i32>} : memref<16x1024xf32, #tpu.memory_space<vmem>>, vector<1x16xf32>,
        %get3A_173 = vector.shape_cast %get3A_172 : vector<1x16xf32> to vector<16xf32>
        %mul3A_174 = arith.mulf %get3A_85, %get3A_173 : vector<16xf32>
        %add3A_175 = arith.addf %mul3A_169, %mul3A_174 : vector<16xf32>
        %swap3A_176 = arith.index_cast %scan3A_78 : i32 to index
        %swap3A_177 = arith.constant 80 : index
        %swap3A_178 = tpu.vector_load %arg14[%swap3A_176, %swap3A_177] {strides = array<i32>} : memref<16x1024xf32, #tpu.memory_space<vmem>>, vector<1x16xf32>,
        %swap3A_179 = vector.shape_cast %swap3A_178 : vector<1x16xf32> to vector<16xf32>
        %swap3A_180 = vector.shape_cast %add3A_175 : vector<16xf32> to vector<1x16xf32>
        tpu.vector_store %arg14[%swap3A_176, %swap3A_177], %swap3A_180 {strides = array<i32>} : memref<16x1024xf32, #tpu.memory_space<vmem>>, vector<1x16xf32>,
        %get3A_181 = arith.index_cast %scan3A_78 : i32 to index
        %get3A_182 = arith.constant 96 : index
        %get3A_183 = tpu.vector_load %arg12[%get3A_181, %get3A_182] {strides = array<i32>} : memref<16x1024xf32, #tpu.memory_space<vmem>>, vector<1x16xf32>,
        %get3A_184 = vector.shape_cast %get3A_183 : vector<1x16xf32> to vector<16xf32>
        %mul3A_185 = arith.mulf %get3A_81, %get3A_184 : vector<16xf32>
        %get3A_186 = arith.index_cast %scan3A_78 : i32 to index
        %get3A_187 = arith.constant 96 : index
        %get3A_188 = tpu.vector_load %arg13[%get3A_186, %get3A_187] {strides = array<i32>} : memref<16x1024xf32, #tpu.memory_space<vmem>>, vector<1x16xf32>,
        %get3A_189 = vector.shape_cast %get3A_188 : vector<1x16xf32> to vector<16xf32>
        %mul3A_190 = arith.mulf %get3A_85, %get3A_189 : vector<16xf32>
        %add3A_191 = arith.addf %mul3A_185, %mul3A_190 : vector<16xf32>
        %swap3A_192 = arith.index_cast %scan3A_78 : i32 to index
        %swap3A_193 = arith.constant 96 : index
        %swap3A_194 = tpu.vector_load %arg14[%swap3A_192, %swap3A_193] {strides = array<i32>} : memref<16x1024xf32, #tpu.memory_space<vmem>>, vector<1x16xf32>,
        %swap3A_195 = vector.shape_cast %swap3A_194 : vector<1x16xf32> to vector<16xf32>
        %swap3A_196 = vector.shape_cast %add3A_191 : vector<16xf32> to vector<1x16xf32>
        tpu.vector_store %arg14[%swap3A_192, %swap3A_193], %swap3A_196 {strides = array<i32>} : memref<16x1024xf32, #tpu.memory_space<vmem>>, vector<1x16xf32>,
        %get3A_197 = arith.index_cast %scan3A_78 : i32 to index
        %get3A_198 = arith.constant 112 : index
        %get3A_199 = tpu.vector_load %arg12[%get3A_197, %get3A_198] {strides = array<i32>} : memref<16x1024xf32, #tpu.memory_space<vmem>>, vector<1x16xf32>,
        %get3A_200 = vector.shape_cast %get3A_199 : vector<1x16xf32> to vector<16xf32>
        %mul3A_201 = arith.mulf %get3A_81, %get3A_200 : vector<16xf32>
        %get3A_202 = arith.index_cast %scan3A_78 : i32 to index
        %get3A_203 = arith.constant 112 : index
        %get3A_204 = tpu.vector_load %arg13[%get3A_202, %get3A_203] {strides = array<i32>} : memref<16x1024xf32, #tpu.memory_space<vmem>>, vector<1x16xf32>,
        %get3A_205 = vector.shape_cast %get3A_204 : vector<1x16xf32> to vector<16xf32>
        %mul3A_206 = arith.mulf %get3A_85, %get3A_205 : vector<16xf32>
        %add3A_207 = arith.addf %mul3A_201, %mul3A_206 : vector<16xf32>
        %swap3A_208 = arith.index_cast %scan3A_78 : i32 to index
        %swap3A_209 = arith.constant 112 : index
        %swap3A_210 = tpu.vector_load %arg14[%swap3A_208, %swap3A_209] {strides = array<i32>} : memref<16x1024xf32, #tpu.memory_space<vmem>>, vector<1x16xf32>,
        %swap3A_211 = vector.shape_cast %swap3A_210 : vector<1x16xf32> to vector<16xf32>
        %swap3A_212 = vector.shape_cast %add3A_207 : vector<16xf32> to vector<1x16xf32>
        tpu.vector_store %arg14[%swap3A_208, %swap3A_209], %swap3A_212 {strides = array<i32>} : memref<16x1024xf32, #tpu.memory_space<vmem>>, vector<1x16xf32>,
        %get3A_213 = arith.index_cast %scan3A_78 : i32 to index
        %get3A_214 = arith.constant 128 : index
        %get3A_215 = tpu.vector_load %arg12[%get3A_213, %get3A_214] {strides = array<i32>} : memref<16x1024xf32, #tpu.memory_space<vmem>>, vector<1x16xf32>,
        %get3A_216 = vector.shape_cast %get3A_215 : vector<1x16xf32> to vector<16xf32>
        %mul3A_217 = arith.mulf %get3A_81, %get3A_216 : vector<16xf32>
        %get3A_218 = arith.index_cast %scan3A_78 : i32 to index
        %get3A_219 = arith.constant 128 : index
        %get3A_220 = tpu.vector_load %arg13[%get3A_218, %get3A_219] {strides = array<i32>} : memref<16x1024xf32, #tpu.memory_space<vmem>>, vector<1x16xf32>,
        %get3A_221 = vector.shape_cast %get3A_220 : vector<1x16xf32> to vector<16xf32>
        %mul3A_222 = arith.mulf %get3A_85, %get3A_221 : vector<16xf32>
        %add3A_223 = arith.addf %mul3A_217, %mul3A_222 : vector<16xf32>
        %swap3A_224 = arith.index_cast %scan3A_78 : i32 to index
        %swap3A_225 = arith.constant 128 : index
        %swap3A_226 = tpu.vector_load %arg14[%swap3A_224, %swap3A_225] {strides = array<i32>} : memref<16x1024xf32, #tpu.memory_space<vmem>>, vector<1x16xf32>,
        %swap3A_227 = vector.shape_cast %swap3A_226 : vector<1x16xf32> to vector<16xf32>
        %swap3A_228 = vector.shape_cast %add3A_223 : vector<16xf32> to vector<1x16xf32>
        tpu.vector_store %arg14[%swap3A_224, %swap3A_225], %swap3A_228 {strides = array<i32>} : memref<16x1024xf32, #tpu.memory_space<vmem>>, vector<1x16xf32>,
        %get3A_229 = arith.index_cast %scan3A_78 : i32 to index
        %get3A_230 = arith.constant 144 : index
        %get3A_231 = tpu.vector_load %arg12[%get3A_229, %get3A_230] {strides = array<i32>} : memref<16x1024xf32, #tpu.memory_space<vmem>>, vector<1x16xf32>,
        %get3A_232 = vector.shape_cast %get3A_231 : vector<1x16xf32> to vector<16xf32>
        %mul3A_233 = arith.mulf %get3A_81, %get3A_232 : vector<16xf32>
        %get3A_234 = arith.index_cast %scan3A_78 : i32 to index
        %get3A_235 = arith.constant 144 : index
        %get3A_236 = tpu.vector_load %arg13[%get3A_234, %get3A_235] {strides = array<i32>} : memref<16x1024xf32, #tpu.memory_space<vmem>>, vector<1x16xf32>,
        %get3A_237 = vector.shape_cast %get3A_236 : vector<1x16xf32> to vector<16xf32>
        %mul3A_238 = arith.mulf %get3A_85, %get3A_237 : vector<16xf32>
        %add3A_239 = arith.addf %mul3A_233, %mul3A_238 : vector<16xf32>
        %swap3A_240 = arith.index_cast %scan3A_78 : i32 to index
        %swap3A_241 = arith.constant 144 : index
        %swap3A_242 = tpu.vector_load %arg14[%swap3A_240, %swap3A_241] {strides = array<i32>} : memref<16x1024xf32, #tpu.memory_space<vmem>>, vector<1x16xf32>,
        %swap3A_243 = vector.shape_cast %swap3A_242 : vector<1x16xf32> to vector<16xf32>
        %swap3A_244 = vector.shape_cast %add3A_239 : vector<16xf32> to vector<1x16xf32>
        tpu.vector_store %arg14[%swap3A_240, %swap3A_241], %swap3A_244 {strides = array<i32>} : memref<16x1024xf32, #tpu.memory_space<vmem>>, vector<1x16xf32>,
        %get3A_245 = arith.index_cast %scan3A_78 : i32 to index
        %get3A_246 = arith.constant 160 : index
        %get3A_247 = tpu.vector_load %arg12[%get3A_245, %get3A_246] {strides = array<i32>} : memref<16x1024xf32, #tpu.memory_space<vmem>>, vector<1x16xf32>,
        %get3A_248 = vector.shape_cast %get3A_247 : vector<1x16xf32> to vector<16xf32>
        %mul3A_249 = arith.mulf %get3A_81, %get3A_248 : vector<16xf32>
        %get3A_250 = arith.index_cast %scan3A_78 : i32 to index
        %get3A_251 = arith.constant 160 : index
        %get3A_252 = tpu.vector_load %arg13[%get3A_250, %get3A_251] {strides = array<i32>} : memref<16x1024xf32, #tpu.memory_space<vmem>>, vector<1x16xf32>,
        %get3A_253 = vector.shape_cast %get3A_252 : vector<1x16xf32> to vector<16xf32>
        %mul3A_254 = arith.mulf %get3A_85, %get3A_253 : vector<16xf32>
        %add3A_255 = arith.addf %mul3A_249, %mul3A_254 : vector<16xf32>
        %swap3A_256 = arith.index_cast %scan3A_78 : i32 to index
        %swap3A_257 = arith.constant 160 : index
        %swap3A_258 = tpu.vector_load %arg14[%swap3A_256, %swap3A_257] {strides = array<i32>} : memref<16x1024xf32, #tpu.memory_space<vmem>>, vector<1x16xf32>,
        %swap3A_259 = vector.shape_cast %swap3A_258 : vector<1x16xf32> to vector<16xf32>
        %swap3A_260 = vector.shape_cast %add3A_255 : vector<16xf32> to vector<1x16xf32>
        tpu.vector_store %arg14[%swap3A_256, %swap3A_257], %swap3A_260 {strides = array<i32>} : memref<16x1024xf32, #tpu.memory_space<vmem>>, vector<1x16xf32>,
        %get3A_261 = arith.index_cast %scan3A_78 : i32 to index
        %get3A_262 = arith.constant 176 : index
        %get3A_263 = tpu.vector_load %arg12[%get3A_261, %get3A_262] {strides = array<i32>} : memref<16x1024xf32, #tpu.memory_space<vmem>>, vector<1x16xf32>,
        %get3A_264 = vector.shape_cast %get3A_263 : vector<1x16xf32> to vector<16xf32>
        %mul3A_265 = arith.mulf %get3A_81, %get3A_264 : vector<16xf32>
        %get3A_266 = arith.index_cast %scan3A_78 : i32 to index
        %get3A_267 = arith.constant 176 : index
        %get3A_268 = tpu.vector_load %arg13[%get3A_266, %get3A_267] {strides = array<i32>} : memref<16x1024xf32, #tpu.memory_space<vmem>>, vector<1x16xf32>,
        %get3A_269 = vector.shape_cast %get3A_268 : vector<1x16xf32> to vector<16xf32>
        %mul3A_270 = arith.mulf %get3A_85, %get3A_269 : vector<16xf32>
        %add3A_271 = arith.addf %mul3A_265, %mul3A_270 : vector<16xf32>
        %swap3A_272 = arith.index_cast %scan3A_78 : i32 to index
        %swap3A_273 = arith.constant 176 : index
        %swap3A_274 = tpu.vector_load %arg14[%swap3A_272, %swap3A_273] {strides = array<i32>} : memref<16x1024xf32, #tpu.memory_space<vmem>>, vector<1x16xf32>,
        %swap3A_275 = vector.shape_cast %swap3A_274 : vector<1x16xf32> to vector<16xf32>
        %swap3A_276 = vector.shape_cast %add3A_271 : vector<16xf32> to vector<1x16xf32>
        tpu.vector_store %arg14[%swap3A_272, %swap3A_273], %swap3A_276 {strides = array<i32>} : memref<16x1024xf32, #tpu.memory_space<vmem>>, vector<1x16xf32>,
        %get3A_277 = arith.index_cast %scan3A_78 : i32 to index
        %get3A_278 = arith.constant 192 : index
        %get3A_279 = tpu.vector_load %arg12[%get3A_277, %get3A_278] {strides = array<i32>} : memref<16x1024xf32, #tpu.memory_space<vmem>>, vector<1x16xf32>,
        %get3A_280 = vector.shape_cast %get3A_279 : vector<1x16xf32> to vector<16xf32>
        %mul3A_281 = arith.mulf %get3A_81, %get3A_280 : vector<16xf32>
        %get3A_282 = arith.index_cast %scan3A_78 : i32 to index
        %get3A_283 = arith.constant 192 : index
        %get3A_284 = tpu.vector_load %arg13[%get3A_282, %get3A_283] {strides = array<i32>} : memref<16x1024xf32, #tpu.memory_space<vmem>>, vector<1x16xf32>,
        %get3A_285 = vector.shape_cast %get3A_284 : vector<1x16xf32> to vector<16xf32>
        %mul3A_286 = arith.mulf %get3A_85, %get3A_285 : vector<16xf32>
        %add3A_287 = arith.addf %mul3A_281, %mul3A_286 : vector<16xf32>
        %swap3A_288 = arith.index_cast %scan3A_78 : i32 to index
        %swap3A_289 = arith.constant 192 : index
        %swap3A_290 = tpu.vector_load %arg14[%swap3A_288, %swap3A_289] {strides = array<i32>} : memref<16x1024xf32, #tpu.memory_space<vmem>>, vector<1x16xf32>,
        %swap3A_291 = vector.shape_cast %swap3A_290 : vector<1x16xf32> to vector<16xf32>
        %swap3A_292 = vector.shape_cast %add3A_287 : vector<16xf32> to vector<1x16xf32>
        tpu.vector_store %arg14[%swap3A_288, %swap3A_289], %swap3A_292 {strides = array<i32>} : memref<16x1024xf32, #tpu.memory_space<vmem>>, vector<1x16xf32>,
        %get3A_293 = arith.index_cast %scan3A_78 : i32 to index
        %get3A_294 = arith.constant 208 : index
        %get3A_295 = tpu.vector_load %arg12[%get3A_293, %get3A_294] {strides = array<i32>} : memref<16x1024xf32, #tpu.memory_space<vmem>>, vector<1x16xf32>,
        %get3A_296 = vector.shape_cast %get3A_295 : vector<1x16xf32> to vector<16xf32>
        %mul3A_297 = arith.mulf %get3A_81, %get3A_296 : vector<16xf32>
        %get3A_298 = arith.index_cast %scan3A_78 : i32 to index
        %get3A_299 = arith.constant 208 : index
        %get3A_300 = tpu.vector_load %arg13[%get3A_298, %get3A_299] {strides = array<i32>} : memref<16x1024xf32, #tpu.memory_space<vmem>>, vector<1x16xf32>,
        %get3A_301 = vector.shape_cast %get3A_300 : vector<1x16xf32> to vector<16xf32>
        %mul3A_302 = arith.mulf %get3A_85, %get3A_301 : vector<16xf32>
        %add3A_303 = arith.addf %mul3A_297, %mul3A_302 : vector<16xf32>
        %swap3A_304 = arith.index_cast %scan3A_78 : i32 to index
        %swap3A_305 = arith.constant 208 : index
        %swap3A_306 = tpu.vector_load %arg14[%swap3A_304, %swap3A_305] {strides = array<i32>} : memref<16x1024xf32, #tpu.memory_space<vmem>>, vector<1x16xf32>,
        %swap3A_307 = vector.shape_cast %swap3A_306 : vector<1x16xf32> to vector<16xf32>
        %swap3A_308 = vector.shape_cast %add3A_303 : vector<16xf32> to vector<1x16xf32>
        tpu.vector_store %arg14[%swap3A_304, %swap3A_305], %swap3A_308 {strides = array<i32>} : memref<16x1024xf32, #tpu.memory_space<vmem>>, vector<1x16xf32>,
        %get3A_309 = arith.index_cast %scan3A_78 : i32 to index
        %get3A_310 = arith.constant 224 : index
        %get3A_311 = tpu.vector_load %arg12[%get3A_309, %get3A_310] {strides = array<i32>} : memref<16x1024xf32, #tpu.memory_space<vmem>>, vector<1x16xf32>,
        %get3A_312 = vector.shape_cast %get3A_311 : vector<1x16xf32> to vector<16xf32>
        %mul3A_313 = arith.mulf %get3A_81, %get3A_312 : vector<16xf32>
        %get3A_314 = arith.index_cast %scan3A_78 : i32 to index
        %get3A_315 = arith.constant 224 : index
        %get3A_316 = tpu.vector_load %arg13[%get3A_314, %get3A_315] {strides = array<i32>} : memref<16x1024xf32, #tpu.memory_space<vmem>>, vector<1x16xf32>,
        %get3A_317 = vector.shape_cast %get3A_316 : vector<1x16xf32> to vector<16xf32>
        %mul3A_318 = arith.mulf %get3A_85, %get3A_317 : vector<16xf32>
        %add3A_319 = arith.addf %mul3A_313, %mul3A_318 : vector<16xf32>
        %swap3A_320 = arith.index_cast %scan3A_78 : i32 to index
        %swap3A_321 = arith.constant 224 : index
        %swap3A_322 = tpu.vector_load %arg14[%swap3A_320, %swap3A_321] {strides = array<i32>} : memref<16x1024xf32, #tpu.memory_space<vmem>>, vector<1x16xf32>,
        %swap3A_323 = vector.shape_cast %swap3A_322 : vector<1x16xf32> to vector<16xf32>
        %swap3A_324 = vector.shape_cast %add3A_319 : vector<16xf32> to vector<1x16xf32>
        tpu.vector_store %arg14[%swap3A_320, %swap3A_321], %swap3A_324 {strides = array<i32>} : memref<16x1024xf32, #tpu.memory_space<vmem>>, vector<1x16xf32>,
        %get3A_325 = arith.index_cast %scan3A_78 : i32 to index
        %get3A_326 = arith.constant 240 : index
        %get3A_327 = tpu.vector_load %arg12[%get3A_325, %get3A_326] {strides = array<i32>} : memref<16x1024xf32, #tpu.memory_space<vmem>>, vector<1x16xf32>,
        %get3A_328 = vector.shape_cast %get3A_327 : vector<1x16xf32> to vector<16xf32>
        %mul3A_329 = arith.mulf %get3A_81, %get3A_328 : vector<16xf32>
        %get3A_330 = arith.index_cast %scan3A_78 : i32 to index
        %get3A_331 = arith.constant 240 : index
        %get3A_332 = tpu.vector_load %arg13[%get3A_330, %get3A_331] {strides = array<i32>} : memref<16x1024xf32, #tpu.memory_space<vmem>>, vector<1x16xf32>,
        %get3A_333 = vector.shape_cast %get3A_332 : vector<1x16xf32> to vector<16xf32>
        %mul3A_334 = arith.mulf %get3A_85, %get3A_333 : vector<16xf32>
        %add3A_335 = arith.addf %mul3A_329, %mul3A_334 : vector<16xf32>
        %swap3A_336 = arith.index_cast %scan3A_78 : i32 to index
        %swap3A_337 = arith.constant 240 : index
        %swap3A_338 = tpu.vector_load %arg14[%swap3A_336, %swap3A_337] {strides = array<i32>} : memref<16x1024xf32, #tpu.memory_space<vmem>>, vector<1x16xf32>,
        %swap3A_339 = vector.shape_cast %swap3A_338 : vector<1x16xf32> to vector<16xf32>
        %swap3A_340 = vector.shape_cast %add3A_335 : vector<16xf32> to vector<1x16xf32>
        tpu.vector_store %arg14[%swap3A_336, %swap3A_337], %swap3A_340 {strides = array<i32>} : memref<16x1024xf32, #tpu.memory_space<vmem>>, vector<1x16xf32>,
        %get3A_341 = arith.index_cast %scan3A_78 : i32 to index
        %get3A_342 = arith.constant 256 : index
        %get3A_343 = tpu.vector_load %arg12[%get3A_341, %get3A_342] {strides = array<i32>} : memref<16x1024xf32, #tpu.memory_space<vmem>>, vector<1x16xf32>,
        %get3A_344 = vector.shape_cast %get3A_343 : vector<1x16xf32> to vector<16xf32>
        %mul3A_345 = arith.mulf %get3A_81, %get3A_344 : vector<16xf32>
        %get3A_346 = arith.index_cast %scan3A_78 : i32 to index
        %get3A_347 = arith.constant 256 : index
        %get3A_348 = tpu.vector_load %arg13[%get3A_346, %get3A_347] {strides = array<i32>} : memref<16x1024xf32, #tpu.memory_space<vmem>>, vector<1x16xf32>,
        %get3A_349 = vector.shape_cast %get3A_348 : vector<1x16xf32> to vector<16xf32>
        %mul3A_350 = arith.mulf %get3A_85, %get3A_349 : vector<16xf32>
        %add3A_351 = arith.addf %mul3A_345, %mul3A_350 : vector<16xf32>
        %swap3A_352 = arith.index_cast %scan3A_78 : i32 to index
        %swap3A_353 = arith.constant 256 : index
        %swap3A_354 = tpu.vector_load %arg14[%swap3A_352, %swap3A_353] {strides = array<i32>} : memref<16x1024xf32, #tpu.memory_space<vmem>>, vector<1x16xf32>,
        %swap3A_355 = vector.shape_cast %swap3A_354 : vector<1x16xf32> to vector<16xf32>
        %swap3A_356 = vector.shape_cast %add3A_351 : vector<16xf32> to vector<1x16xf32>
        tpu.vector_store %arg14[%swap3A_352, %swap3A_353], %swap3A_356 {strides = array<i32>} : memref<16x1024xf32, #tpu.memory_space<vmem>>, vector<1x16xf32>,
        %get3A_357 = arith.index_cast %scan3A_78 : i32 to index
        %get3A_358 = arith.constant 272 : index
        %get3A_359 = tpu.vector_load %arg12[%get3A_357, %get3A_358] {strides = array<i32>} : memref<16x1024xf32, #tpu.memory_space<vmem>>, vector<1x16xf32>,
        %get3A_360 = vector.shape_cast %get3A_359 : vector<1x16xf32> to vector<16xf32>
        %mul3A_361 = arith.mulf %get3A_81, %get3A_360 : vector<16xf32>
        %get3A_362 = arith.index_cast %scan3A_78 : i32 to index
        %get3A_363 = arith.constant 272 : index
        %get3A_364 = tpu.vector_load %arg13[%get3A_362, %get3A_363] {strides = array<i32>} : memref<16x1024xf32, #tpu.memory_space<vmem>>, vector<1x16xf32>,
        %get3A_365 = vector.shape_cast %get3A_364 : vector<1x16xf32> to vector<16xf32>
        %mul3A_366 = arith.mulf %get3A_85, %get3A_365 : vector<16xf32>
        %add3A_367 = arith.addf %mul3A_361, %mul3A_366 : vector<16xf32>
        %swap3A_368 = arith.index_cast %scan3A_78 : i32 to index
        %swap3A_369 = arith.constant 272 : index
        %swap3A_370 = tpu.vector_load %arg14[%swap3A_368, %swap3A_369] {strides = array<i32>} : memref<16x1024xf32, #tpu.memory_space<vmem>>, vector<1x16xf32>,
        %swap3A_371 = vector.shape_cast %swap3A_370 : vector<1x16xf32> to vector<16xf32>
        %swap3A_372 = vector.shape_cast %add3A_367 : vector<16xf32> to vector<1x16xf32>
        tpu.vector_store %arg14[%swap3A_368, %swap3A_369], %swap3A_372 {strides = array<i32>} : memref<16x1024xf32, #tpu.memory_space<vmem>>, vector<1x16xf32>,
        %get3A_373 = arith.index_cast %scan3A_78 : i32 to index
        %get3A_374 = arith.constant 288 : index
        %get3A_375 = tpu.vector_load %arg12[%get3A_373, %get3A_374] {strides = array<i32>} : memref<16x1024xf32, #tpu.memory_space<vmem>>, vector<1x16xf32>,
        %get3A_376 = vector.shape_cast %get3A_375 : vector<1x16xf32> to vector<16xf32>
        %mul3A_377 = arith.mulf %get3A_81, %get3A_376 : vector<16xf32>
        %get3A_378 = arith.index_cast %scan3A_78 : i32 to index
        %get3A_379 = arith.constant 288 : index
        %get3A_380 = tpu.vector_load %arg13[%get3A_378, %get3A_379] {strides = array<i32>} : memref<16x1024xf32, #tpu.memory_space<vmem>>, vector<1x16xf32>,
        %get3A_381 = vector.shape_cast %get3A_380 : vector<1x16xf32> to vector<16xf32>
        %mul3A_382 = arith.mulf %get3A_85, %get3A_381 : vector<16xf32>
        %add3A_383 = arith.addf %mul3A_377, %mul3A_382 : vector<16xf32>
        %swap3A_384 = arith.index_cast %scan3A_78 : i32 to index
        %swap3A_385 = arith.constant 288 : index
        %swap3A_386 = tpu.vector_load %arg14[%swap3A_384, %swap3A_385] {strides = array<i32>} : memref<16x1024xf32, #tpu.memory_space<vmem>>, vector<1x16xf32>,
        %swap3A_387 = vector.shape_cast %swap3A_386 : vector<1x16xf32> to vector<16xf32>
        %swap3A_388 = vector.shape_cast %add3A_383 : vector<16xf32> to vector<1x16xf32>
        tpu.vector_store %arg14[%swap3A_384, %swap3A_385], %swap3A_388 {strides = array<i32>} : memref<16x1024xf32, #tpu.memory_space<vmem>>, vector<1x16xf32>,
        %get3A_389 = arith.index_cast %scan3A_78 : i32 to index
        %get3A_390 = arith.constant 304 : index
        %get3A_391 = tpu.vector_load %arg12[%get3A_389, %get3A_390] {strides = array<i32>} : memref<16x1024xf32, #tpu.memory_space<vmem>>, vector<1x16xf32>,
        %get3A_392 = vector.shape_cast %get3A_391 : vector<1x16xf32> to vector<16xf32>
        %mul3A_393 = arith.mulf %get3A_81, %get3A_392 : vector<16xf32>
        %get3A_394 = arith.index_cast %scan3A_78 : i32 to index
        %get3A_395 = arith.constant 304 : index
        %get3A_396 = tpu.vector_load %arg13[%get3A_394, %get3A_395] {strides = array<i32>} : memref<16x1024xf32, #tpu.memory_space<vmem>>, vector<1x16xf32>,
        %get3A_397 = vector.shape_cast %get3A_396 : vector<1x16xf32> to vector<16xf32>
        %mul3A_398 = arith.mulf %get3A_85, %get3A_397 : vector<16xf32>
        %add3A_399 = arith.addf %mul3A_393, %mul3A_398 : vector<16xf32>
        %swap3A_400 = arith.index_cast %scan3A_78 : i32 to index
        %swap3A_401 = arith.constant 304 : index
        %swap3A_402 = tpu.vector_load %arg14[%swap3A_400, %swap3A_401] {strides = array<i32>} : memref<16x1024xf32, #tpu.memory_space<vmem>>, vector<1x16xf32>,
        %swap3A_403 = vector.shape_cast %swap3A_402 : vector<1x16xf32> to vector<16xf32>
        %swap3A_404 = vector.shape_cast %add3A_399 : vector<16xf32> to vector<1x16xf32>
        tpu.vector_store %arg14[%swap3A_400, %swap3A_401], %swap3A_404 {strides = array<i32>} : memref<16x1024xf32, #tpu.memory_space<vmem>>, vector<1x16xf32>,
        %get3A_405 = arith.index_cast %scan3A_78 : i32 to index
        %get3A_406 = arith.constant 320 : index
        %get3A_407 = tpu.vector_load %arg12[%get3A_405, %get3A_406] {strides = array<i32>} : memref<16x1024xf32, #tpu.memory_space<vmem>>, vector<1x16xf32>,
        %get3A_408 = vector.shape_cast %get3A_407 : vector<1x16xf32> to vector<16xf32>
        %mul3A_409 = arith.mulf %get3A_81, %get3A_408 : vector<16xf32>
        %get3A_410 = arith.index_cast %scan3A_78 : i32 to index
        %get3A_411 = arith.constant 320 : index
        %get3A_412 = tpu.vector_load %arg13[%get3A_410, %get3A_411] {strides = array<i32>} : memref<16x1024xf32, #tpu.memory_space<vmem>>, vector<1x16xf32>,
        %get3A_413 = vector.shape_cast %get3A_412 : vector<1x16xf32> to vector<16xf32>
        %mul3A_414 = arith.mulf %get3A_85, %get3A_413 : vector<16xf32>
        %add3A_415 = arith.addf %mul3A_409, %mul3A_414 : vector<16xf32>
        %swap3A_416 = arith.index_cast %scan3A_78 : i32 to index
        %swap3A_417 = arith.constant 320 : index
        %swap3A_418 = tpu.vector_load %arg14[%swap3A_416, %swap3A_417] {strides = array<i32>} : memref<16x1024xf32, #tpu.memory_space<vmem>>, vector<1x16xf32>,
        %swap3A_419 = vector.shape_cast %swap3A_418 : vector<1x16xf32> to vector<16xf32>
        %swap3A_420 = vector.shape_cast %add3A_415 : vector<16xf32> to vector<1x16xf32>
        tpu.vector_store %arg14[%swap3A_416, %swap3A_417], %swap3A_420 {strides = array<i32>} : memref<16x1024xf32, #tpu.memory_space<vmem>>, vector<1x16xf32>,
        %get3A_421 = arith.index_cast %scan3A_78 : i32 to index
        %get3A_422 = arith.constant 336 : index
        %get3A_423 = tpu.vector_load %arg12[%get3A_421, %get3A_422] {strides = array<i32>} : memref<16x1024xf32, #tpu.memory_space<vmem>>, vector<1x16xf32>,
        %get3A_424 = vector.shape_cast %get3A_423 : vector<1x16xf32> to vector<16xf32>
        %mul3A_425 = arith.mulf %get3A_81, %get3A_424 : vector<16xf32>
        %get3A_426 = arith.index_cast %scan3A_78 : i32 to index
        %get3A_427 = arith.constant 336 : index
        %get3A_428 = tpu.vector_load %arg13[%get3A_426, %get3A_427] {strides = array<i32>} : memref<16x1024xf32, #tpu.memory_space<vmem>>, vector<1x16xf32>,
        %get3A_429 = vector.shape_cast %get3A_428 : vector<1x16xf32> to vector<16xf32>
        %mul3A_430 = arith.mulf %get3A_85, %get3A_429 : vector<16xf32>
        %add3A_431 = arith.addf %mul3A_425, %mul3A_430 : vector<16xf32>
        %swap3A_432 = arith.index_cast %scan3A_78 : i32 to index
        %swap3A_433 = arith.constant 336 : index
        %swap3A_434 = tpu.vector_load %arg14[%swap3A_432, %swap3A_433] {strides = array<i32>} : memref<16x1024xf32, #tpu.memory_space<vmem>>, vector<1x16xf32>,
        %swap3A_435 = vector.shape_cast %swap3A_434 : vector<1x16xf32> to vector<16xf32>
        %swap3A_436 = vector.shape_cast %add3A_431 : vector<16xf32> to vector<1x16xf32>
        tpu.vector_store %arg14[%swap3A_432, %swap3A_433], %swap3A_436 {strides = array<i32>} : memref<16x1024xf32, #tpu.memory_space<vmem>>, vector<1x16xf32>,
        %get3A_437 = arith.index_cast %scan3A_78 : i32 to index
        %get3A_438 = arith.constant 352 : index
        %get3A_439 = tpu.vector_load %arg12[%get3A_437, %get3A_438] {strides = array<i32>} : memref<16x1024xf32, #tpu.memory_space<vmem>>, vector<1x16xf32>,
        %get3A_440 = vector.shape_cast %get3A_439 : vector<1x16xf32> to vector<16xf32>
        %mul3A_441 = arith.mulf %get3A_81, %get3A_440 : vector<16xf32>
        %get3A_442 = arith.index_cast %scan3A_78 : i32 to index
        %get3A_443 = arith.constant 352 : index
        %get3A_444 = tpu.vector_load %arg13[%get3A_442, %get3A_443] {strides = array<i32>} : memref<16x1024xf32, #tpu.memory_space<vmem>>, vector<1x16xf32>,
        %get3A_445 = vector.shape_cast %get3A_444 : vector<1x16xf32> to vector<16xf32>
        %mul3A_446 = arith.mulf %get3A_85, %get3A_445 : vector<16xf32>
        %add3A_447 = arith.addf %mul3A_441, %mul3A_446 : vector<16xf32>
        %swap3A_448 = arith.index_cast %scan3A_78 : i32 to index
        %swap3A_449 = arith.constant 352 : index
        %swap3A_450 = tpu.vector_load %arg14[%swap3A_448, %swap3A_449] {strides = array<i32>} : memref<16x1024xf32, #tpu.memory_space<vmem>>, vector<1x16xf32>,
        %swap3A_451 = vector.shape_cast %swap3A_450 : vector<1x16xf32> to vector<16xf32>
        %swap3A_452 = vector.shape_cast %add3A_447 : vector<16xf32> to vector<1x16xf32>
        tpu.vector_store %arg14[%swap3A_448, %swap3A_449], %swap3A_452 {strides = array<i32>} : memref<16x1024xf32, #tpu.memory_space<vmem>>, vector<1x16xf32>,
        %get3A_453 = arith.index_cast %scan3A_78 : i32 to index
        %get3A_454 = arith.constant 368 : index
        %get3A_455 = tpu.vector_load %arg12[%get3A_453, %get3A_454] {strides = array<i32>} : memref<16x1024xf32, #tpu.memory_space<vmem>>, vector<1x16xf32>,
        %get3A_456 = vector.shape_cast %get3A_455 : vector<1x16xf32> to vector<16xf32>
        %mul3A_457 = arith.mulf %get3A_81, %get3A_456 : vector<16xf32>
        %get3A_458 = arith.index_cast %scan3A_78 : i32 to index
        %get3A_459 = arith.constant 368 : index
        %get3A_460 = tpu.vector_load %arg13[%get3A_458, %get3A_459] {strides = array<i32>} : memref<16x1024xf32, #tpu.memory_space<vmem>>, vector<1x16xf32>,
        %get3A_461 = vector.shape_cast %get3A_460 : vector<1x16xf32> to vector<16xf32>
        %mul3A_462 = arith.mulf %get3A_85, %get3A_461 : vector<16xf32>
        %add3A_463 = arith.addf %mul3A_457, %mul3A_462 : vector<16xf32>
        %swap3A_464 = arith.index_cast %scan3A_78 : i32 to index
        %swap3A_465 = arith.constant 368 : index
        %swap3A_466 = tpu.vector_load %arg14[%swap3A_464, %swap3A_465] {strides = array<i32>} : memref<16x1024xf32, #tpu.memory_space<vmem>>, vector<1x16xf32>,
        %swap3A_467 = vector.shape_cast %swap3A_466 : vector<1x16xf32> to vector<16xf32>
        %swap3A_468 = vector.shape_cast %add3A_463 : vector<16xf32> to vector<1x16xf32>
        tpu.vector_store %arg14[%swap3A_464, %swap3A_465], %swap3A_468 {strides = array<i32>} : memref<16x1024xf32, #tpu.memory_space<vmem>>, vector<1x16xf32>,
        %get3A_469 = arith.index_cast %scan3A_78 : i32 to index
        %get3A_470 = arith.constant 384 : index
        %get3A_471 = tpu.vector_load %arg12[%get3A_469, %get3A_470] {strides = array<i32>} : memref<16x1024xf32, #tpu.memory_space<vmem>>, vector<1x16xf32>,
        %get3A_472 = vector.shape_cast %get3A_471 : vector<1x16xf32> to vector<16xf32>
        %mul3A_473 = arith.mulf %get3A_81, %get3A_472 : vector<16xf32>
        %get3A_474 = arith.index_cast %scan3A_78 : i32 to index
        %get3A_475 = arith.constant 384 : index
        %get3A_476 = tpu.vector_load %arg13[%get3A_474, %get3A_475] {strides = array<i32>} : memref<16x1024xf32, #tpu.memory_space<vmem>>, vector<1x16xf32>,
        %get3A_477 = vector.shape_cast %get3A_476 : vector<1x16xf32> to vector<16xf32>
        %mul3A_478 = arith.mulf %get3A_85, %get3A_477 : vector<16xf32>
        %add3A_479 = arith.addf %mul3A_473, %mul3A_478 : vector<16xf32>
        %swap3A_480 = arith.index_cast %scan3A_78 : i32 to index
        %swap3A_481 = arith.constant 384 : index
        %swap3A_482 = tpu.vector_load %arg14[%swap3A_480, %swap3A_481] {strides = array<i32>} : memref<16x1024xf32, #tpu.memory_space<vmem>>, vector<1x16xf32>,
        %swap3A_483 = vector.shape_cast %swap3A_482 : vector<1x16xf32> to vector<16xf32>
        %swap3A_484 = vector.shape_cast %add3A_479 : vector<16xf32> to vector<1x16xf32>
        tpu.vector_store %arg14[%swap3A_480, %swap3A_481], %swap3A_484 {strides = array<i32>} : memref<16x1024xf32, #tpu.memory_space<vmem>>, vector<1x16xf32>,
        %get3A_485 = arith.index_cast %scan3A_78 : i32 to index
        %get3A_486 = arith.constant 400 : index
        %get3A_487 = tpu.vector_load %arg12[%get3A_485, %get3A_486] {strides = array<i32>} : memref<16x1024xf32, #tpu.memory_space<vmem>>, vector<1x16xf32>,
        %get3A_488 = vector.shape_cast %get3A_487 : vector<1x16xf32> to vector<16xf32>
        %mul3A_489 = arith.mulf %get3A_81, %get3A_488 : vector<16xf32>
        %get3A_490 = arith.index_cast %scan3A_78 : i32 to index
        %get3A_491 = arith.constant 400 : index
        %get3A_492 = tpu.vector_load %arg13[%get3A_490, %get3A_491] {strides = array<i32>} : memref<16x1024xf32, #tpu.memory_space<vmem>>, vector<1x16xf32>,
        %get3A_493 = vector.shape_cast %get3A_492 : vector<1x16xf32> to vector<16xf32>
        %mul3A_494 = arith.mulf %get3A_85, %get3A_493 : vector<16xf32>
        %add3A_495 = arith.addf %mul3A_489, %mul3A_494 : vector<16xf32>
        %swap3A_496 = arith.index_cast %scan3A_78 : i32 to index
        %swap3A_497 = arith.constant 400 : index
        %swap3A_498 = tpu.vector_load %arg14[%swap3A_496, %swap3A_497] {strides = array<i32>} : memref<16x1024xf32, #tpu.memory_space<vmem>>, vector<1x16xf32>,
        %swap3A_499 = vector.shape_cast %swap3A_498 : vector<1x16xf32> to vector<16xf32>
        %swap3A_500 = vector.shape_cast %add3A_495 : vector<16xf32> to vector<1x16xf32>
        tpu.vector_store %arg14[%swap3A_496, %swap3A_497], %swap3A_500 {strides = array<i32>} : memref<16x1024xf32, #tpu.memory_space<vmem>>, vector<1x16xf32>,
        %get3A_501 = arith.index_cast %scan3A_78 : i32 to index
        %get3A_502 = arith.constant 416 : index
        %get3A_503 = tpu.vector_load %arg12[%get3A_501, %get3A_502] {strides = array<i32>} : memref<16x1024xf32, #tpu.memory_space<vmem>>, vector<1x16xf32>,
        %get3A_504 = vector.shape_cast %get3A_503 : vector<1x16xf32> to vector<16xf32>
        %mul3A_505 = arith.mulf %get3A_81, %get3A_504 : vector<16xf32>
        %get3A_506 = arith.index_cast %scan3A_78 : i32 to index
        %get3A_507 = arith.constant 416 : index
        %get3A_508 = tpu.vector_load %arg13[%get3A_506, %get3A_507] {strides = array<i32>} : memref<16x1024xf32, #tpu.memory_space<vmem>>, vector<1x16xf32>,
        %get3A_509 = vector.shape_cast %get3A_508 : vector<1x16xf32> to vector<16xf32>
        %mul3A_510 = arith.mulf %get3A_85, %get3A_509 : vector<16xf32>
        %add3A_511 = arith.addf %mul3A_505, %mul3A_510 : vector<16xf32>
        %swap3A_512 = arith.index_cast %scan3A_78 : i32 to index
        %swap3A_513 = arith.constant 416 : index
        %swap3A_514 = tpu.vector_load %arg14[%swap3A_512, %swap3A_513] {strides = array<i32>} : memref<16x1024xf32, #tpu.memory_space<vmem>>, vector<1x16xf32>,
        %swap3A_515 = vector.shape_cast %swap3A_514 : vector<1x16xf32> to vector<16xf32>
        %swap3A_516 = vector.shape_cast %add3A_511 : vector<16xf32> to vector<1x16xf32>
        tpu.vector_store %arg14[%swap3A_512, %swap3A_513], %swap3A_516 {strides = array<i32>} : memref<16x1024xf32, #tpu.memory_space<vmem>>, vector<1x16xf32>,
        %get3A_517 = arith.index_cast %scan3A_78 : i32 to index
        %get3A_518 = arith.constant 432 : index
        %get3A_519 = tpu.vector_load %arg12[%get3A_517, %get3A_518] {strides = array<i32>} : memref<16x1024xf32, #tpu.memory_space<vmem>>, vector<1x16xf32>,
        %get3A_520 = vector.shape_cast %get3A_519 : vector<1x16xf32> to vector<16xf32>
        %mul3A_521 = arith.mulf %get3A_81, %get3A_520 : vector<16xf32>
        %get3A_522 = arith.index_cast %scan3A_78 : i32 to index
        %get3A_523 = arith.constant 432 : index
        %get3A_524 = tpu.vector_load %arg13[%get3A_522, %get3A_523] {strides = array<i32>} : memref<16x1024xf32, #tpu.memory_space<vmem>>, vector<1x16xf32>,
        %get3A_525 = vector.shape_cast %get3A_524 : vector<1x16xf32> to vector<16xf32>
        %mul3A_526 = arith.mulf %get3A_85, %get3A_525 : vector<16xf32>
        %add3A_527 = arith.addf %mul3A_521, %mul3A_526 : vector<16xf32>
        %swap3A_528 = arith.index_cast %scan3A_78 : i32 to index
        %swap3A_529 = arith.constant 432 : index
        %swap3A_530 = tpu.vector_load %arg14[%swap3A_528, %swap3A_529] {strides = array<i32>} : memref<16x1024xf32, #tpu.memory_space<vmem>>, vector<1x16xf32>,
        %swap3A_531 = vector.shape_cast %swap3A_530 : vector<1x16xf32> to vector<16xf32>
        %swap3A_532 = vector.shape_cast %add3A_527 : vector<16xf32> to vector<1x16xf32>
        tpu.vector_store %arg14[%swap3A_528, %swap3A_529], %swap3A_532 {strides = array<i32>} : memref<16x1024xf32, #tpu.memory_space<vmem>>, vector<1x16xf32>,
        %get3A_533 = arith.index_cast %scan3A_78 : i32 to index
        %get3A_534 = arith.constant 448 : index
        %get3A_535 = tpu.vector_load %arg12[%get3A_533, %get3A_534] {strides = array<i32>} : memref<16x1024xf32, #tpu.memory_space<vmem>>, vector<1x16xf32>,
        %get3A_536 = vector.shape_cast %get3A_535 : vector<1x16xf32> to vector<16xf32>
        %mul3A_537 = arith.mulf %get3A_81, %get3A_536 : vector<16xf32>
        %get3A_538 = arith.index_cast %scan3A_78 : i32 to index
        %get3A_539 = arith.constant 448 : index
        %get3A_540 = tpu.vector_load %arg13[%get3A_538, %get3A_539] {strides = array<i32>} : memref<16x1024xf32, #tpu.memory_space<vmem>>, vector<1x16xf32>,
        %get3A_541 = vector.shape_cast %get3A_540 : vector<1x16xf32> to vector<16xf32>
        %mul3A_542 = arith.mulf %get3A_85, %get3A_541 : vector<16xf32>
        %add3A_543 = arith.addf %mul3A_537, %mul3A_542 : vector<16xf32>
        %swap3A_544 = arith.index_cast %scan3A_78 : i32 to index
        %swap3A_545 = arith.constant 448 : index
        %swap3A_546 = tpu.vector_load %arg14[%swap3A_544, %swap3A_545] {strides = array<i32>} : memref<16x1024xf32, #tpu.memory_space<vmem>>, vector<1x16xf32>,
        %swap3A_547 = vector.shape_cast %swap3A_546 : vector<1x16xf32> to vector<16xf32>
        %swap3A_548 = vector.shape_cast %add3A_543 : vector<16xf32> to vector<1x16xf32>
        tpu.vector_store %arg14[%swap3A_544, %swap3A_545], %swap3A_548 {strides = array<i32>} : memref<16x1024xf32, #tpu.memory_space<vmem>>, vector<1x16xf32>,
        %get3A_549 = arith.index_cast %scan3A_78 : i32 to index
        %get3A_550 = arith.constant 464 : index
        %get3A_551 = tpu.vector_load %arg12[%get3A_549, %get3A_550] {strides = array<i32>} : memref<16x1024xf32, #tpu.memory_space<vmem>>, vector<1x16xf32>,
        %get3A_552 = vector.shape_cast %get3A_551 : vector<1x16xf32> to vector<16xf32>
        %mul3A_553 = arith.mulf %get3A_81, %get3A_552 : vector<16xf32>
        %get3A_554 = arith.index_cast %scan3A_78 : i32 to index
        %get3A_555 = arith.constant 464 : index
        %get3A_556 = tpu.vector_load %arg13[%get3A_554, %get3A_555] {strides = array<i32>} : memref<16x1024xf32, #tpu.memory_space<vmem>>, vector<1x16xf32>,
        %get3A_557 = vector.shape_cast %get3A_556 : vector<1x16xf32> to vector<16xf32>
        %mul3A_558 = arith.mulf %get3A_85, %get3A_557 : vector<16xf32>
        %add3A_559 = arith.addf %mul3A_553, %mul3A_558 : vector<16xf32>
        %swap3A_560 = arith.index_cast %scan3A_78 : i32 to index
        %swap3A_561 = arith.constant 464 : index
        %swap3A_562 = tpu.vector_load %arg14[%swap3A_560, %swap3A_561] {strides = array<i32>} : memref<16x1024xf32, #tpu.memory_space<vmem>>, vector<1x16xf32>,
        %swap3A_563 = vector.shape_cast %swap3A_562 : vector<1x16xf32> to vector<16xf32>
        %swap3A_564 = vector.shape_cast %add3A_559 : vector<16xf32> to vector<1x16xf32>
        tpu.vector_store %arg14[%swap3A_560, %swap3A_561], %swap3A_564 {strides = array<i32>} : memref<16x1024xf32, #tpu.memory_space<vmem>>, vector<1x16xf32>,
        %get3A_565 = arith.index_cast %scan3A_78 : i32 to index
        %get3A_566 = arith.constant 480 : index
        %get3A_567 = tpu.vector_load %arg12[%get3A_565, %get3A_566] {strides = array<i32>} : memref<16x1024xf32, #tpu.memory_space<vmem>>, vector<1x16xf32>,
        %get3A_568 = vector.shape_cast %get3A_567 : vector<1x16xf32> to vector<16xf32>
        %mul3A_569 = arith.mulf %get3A_81, %get3A_568 : vector<16xf32>
        %get3A_570 = arith.index_cast %scan3A_78 : i32 to index
        %get3A_571 = arith.constant 480 : index
        %get3A_572 = tpu.vector_load %arg13[%get3A_570, %get3A_571] {strides = array<i32>} : memref<16x1024xf32, #tpu.memory_space<vmem>>, vector<1x16xf32>,
        %get3A_573 = vector.shape_cast %get3A_572 : vector<1x16xf32> to vector<16xf32>
        %mul3A_574 = arith.mulf %get3A_85, %get3A_573 : vector<16xf32>
        %add3A_575 = arith.addf %mul3A_569, %mul3A_574 : vector<16xf32>
        %swap3A_576 = arith.index_cast %scan3A_78 : i32 to index
        %swap3A_577 = arith.constant 480 : index
        %swap3A_578 = tpu.vector_load %arg14[%swap3A_576, %swap3A_577] {strides = array<i32>} : memref<16x1024xf32, #tpu.memory_space<vmem>>, vector<1x16xf32>,
        %swap3A_579 = vector.shape_cast %swap3A_578 : vector<1x16xf32> to vector<16xf32>
        %swap3A_580 = vector.shape_cast %add3A_575 : vector<16xf32> to vector<1x16xf32>
        tpu.vector_store %arg14[%swap3A_576, %swap3A_577], %swap3A_580 {strides = array<i32>} : memref<16x1024xf32, #tpu.memory_space<vmem>>, vector<1x16xf32>,
        %get3A_581 = arith.index_cast %scan3A_78 : i32 to index
        %get3A_582 = arith.constant 496 : index
        %get3A_583 = tpu.vector_load %arg12[%get3A_581, %get3A_582] {strides = array<i32>} : memref<16x1024xf32, #tpu.memory_space<vmem>>, vector<1x16xf32>,
        %get3A_584 = vector.shape_cast %get3A_583 : vector<1x16xf32> to vector<16xf32>
        %mul3A_585 = arith.mulf %get3A_81, %get3A_584 : vector<16xf32>
        %get3A_586 = arith.index_cast %scan3A_78 : i32 to index
        %get3A_587 = arith.constant 496 : index
        %get3A_588 = tpu.vector_load %arg13[%get3A_586, %get3A_587] {strides = array<i32>} : memref<16x1024xf32, #tpu.memory_space<vmem>>, vector<1x16xf32>,
        %get3A_589 = vector.shape_cast %get3A_588 : vector<1x16xf32> to vector<16xf32>
        %mul3A_590 = arith.mulf %get3A_85, %get3A_589 : vector<16xf32>
        %add3A_591 = arith.addf %mul3A_585, %mul3A_590 : vector<16xf32>
        %swap3A_592 = arith.index_cast %scan3A_78 : i32 to index
        %swap3A_593 = arith.constant 496 : index
        %swap3A_594 = tpu.vector_load %arg14[%swap3A_592, %swap3A_593] {strides = array<i32>} : memref<16x1024xf32, #tpu.memory_space<vmem>>, vector<1x16xf32>,
        %swap3A_595 = vector.shape_cast %swap3A_594 : vector<1x16xf32> to vector<16xf32>
        %swap3A_596 = vector.shape_cast %add3A_591 : vector<16xf32> to vector<1x16xf32>
        tpu.vector_store %arg14[%swap3A_592, %swap3A_593], %swap3A_596 {strides = array<i32>} : memref<16x1024xf32, #tpu.memory_space<vmem>>, vector<1x16xf32>,
        %get3A_597 = arith.index_cast %scan3A_78 : i32 to index
        %get3A_598 = arith.constant 512 : index
        %get3A_599 = tpu.vector_load %arg12[%get3A_597, %get3A_598] {strides = array<i32>} : memref<16x1024xf32, #tpu.memory_space<vmem>>, vector<1x16xf32>,
        %get3A_600 = vector.shape_cast %get3A_599 : vector<1x16xf32> to vector<16xf32>
        %mul3A_601 = arith.mulf %get3A_81, %get3A_600 : vector<16xf32>
        %get3A_602 = arith.index_cast %scan3A_78 : i32 to index
        %get3A_603 = arith.constant 512 : index
        %get3A_604 = tpu.vector_load %arg13[%get3A_602, %get3A_603] {strides = array<i32>} : memref<16x1024xf32, #tpu.memory_space<vmem>>, vector<1x16xf32>,
        %get3A_605 = vector.shape_cast %get3A_604 : vector<1x16xf32> to vector<16xf32>
        %mul3A_606 = arith.mulf %get3A_85, %get3A_605 : vector<16xf32>
        %add3A_607 = arith.addf %mul3A_601, %mul3A_606 : vector<16xf32>
        %swap3A_608 = arith.index_cast %scan3A_78 : i32 to index
        %swap3A_609 = arith.constant 512 : index
        %swap3A_610 = tpu.vector_load %arg14[%swap3A_608, %swap3A_609] {strides = array<i32>} : memref<16x1024xf32, #tpu.memory_space<vmem>>, vector<1x16xf32>,
        %swap3A_611 = vector.shape_cast %swap3A_610 : vector<1x16xf32> to vector<16xf32>
        %swap3A_612 = vector.shape_cast %add3A_607 : vector<16xf32> to vector<1x16xf32>
        tpu.vector_store %arg14[%swap3A_608, %swap3A_609], %swap3A_612 {strides = array<i32>} : memref<16x1024xf32, #tpu.memory_space<vmem>>, vector<1x16xf32>,
        %get3A_613 = arith.index_cast %scan3A_78 : i32 to index
        %get3A_614 = arith.constant 528 : index
        %get3A_615 = tpu.vector_load %arg12[%get3A_613, %get3A_614] {strides = array<i32>} : memref<16x1024xf32, #tpu.memory_space<vmem>>, vector<1x16xf32>,
        %get3A_616 = vector.shape_cast %get3A_615 : vector<1x16xf32> to vector<16xf32>
        %mul3A_617 = arith.mulf %get3A_81, %get3A_616 : vector<16xf32>
        %get3A_618 = arith.index_cast %scan3A_78 : i32 to index
        %get3A_619 = arith.constant 528 : index
        %get3A_620 = tpu.vector_load %arg13[%get3A_618, %get3A_619] {strides = array<i32>} : memref<16x1024xf32, #tpu.memory_space<vmem>>, vector<1x16xf32>,
        %get3A_621 = vector.shape_cast %get3A_620 : vector<1x16xf32> to vector<16xf32>
        %mul3A_622 = arith.mulf %get3A_85, %get3A_621 : vector<16xf32>
        %add3A_623 = arith.addf %mul3A_617, %mul3A_622 : vector<16xf32>
        %swap3A_624 = arith.index_cast %scan3A_78 : i32 to index
        %swap3A_625 = arith.constant 528 : index
        %swap3A_626 = tpu.vector_load %arg14[%swap3A_624, %swap3A_625] {strides = array<i32>} : memref<16x1024xf32, #tpu.memory_space<vmem>>, vector<1x16xf32>,
        %swap3A_627 = vector.shape_cast %swap3A_626 : vector<1x16xf32> to vector<16xf32>
        %swap3A_628 = vector.shape_cast %add3A_623 : vector<16xf32> to vector<1x16xf32>
        tpu.vector_store %arg14[%swap3A_624, %swap3A_625], %swap3A_628 {strides = array<i32>} : memref<16x1024xf32, #tpu.memory_space<vmem>>, vector<1x16xf32>,
        %get3A_629 = arith.index_cast %scan3A_78 : i32 to index
        %get3A_630 = arith.constant 544 : index
        %get3A_631 = tpu.vector_load %arg12[%get3A_629, %get3A_630] {strides = array<i32>} : memref<16x1024xf32, #tpu.memory_space<vmem>>, vector<1x16xf32>,
        %get3A_632 = vector.shape_cast %get3A_631 : vector<1x16xf32> to vector<16xf32>
        %mul3A_633 = arith.mulf %get3A_81, %get3A_632 : vector<16xf32>
        %get3A_634 = arith.index_cast %scan3A_78 : i32 to index
        %get3A_635 = arith.constant 544 : index
        %get3A_636 = tpu.vector_load %arg13[%get3A_634, %get3A_635] {strides = array<i32>} : memref<16x1024xf32, #tpu.memory_space<vmem>>, vector<1x16xf32>,
        %get3A_637 = vector.shape_cast %get3A_636 : vector<1x16xf32> to vector<16xf32>
        %mul3A_638 = arith.mulf %get3A_85, %get3A_637 : vector<16xf32>
        %add3A_639 = arith.addf %mul3A_633, %mul3A_638 : vector<16xf32>
        %swap3A_640 = arith.index_cast %scan3A_78 : i32 to index
        %swap3A_641 = arith.constant 544 : index
        %swap3A_642 = tpu.vector_load %arg14[%swap3A_640, %swap3A_641] {strides = array<i32>} : memref<16x1024xf32, #tpu.memory_space<vmem>>, vector<1x16xf32>,
        %swap3A_643 = vector.shape_cast %swap3A_642 : vector<1x16xf32> to vector<16xf32>
        %swap3A_644 = vector.shape_cast %add3A_639 : vector<16xf32> to vector<1x16xf32>
        tpu.vector_store %arg14[%swap3A_640, %swap3A_641], %swap3A_644 {strides = array<i32>} : memref<16x1024xf32, #tpu.memory_space<vmem>>, vector<1x16xf32>,
        %get3A_645 = arith.index_cast %scan3A_78 : i32 to index
        %get3A_646 = arith.constant 560 : index
        %get3A_647 = tpu.vector_load %arg12[%get3A_645, %get3A_646] {strides = array<i32>} : memref<16x1024xf32, #tpu.memory_space<vmem>>, vector<1x16xf32>,
        %get3A_648 = vector.shape_cast %get3A_647 : vector<1x16xf32> to vector<16xf32>
        %mul3A_649 = arith.mulf %get3A_81, %get3A_648 : vector<16xf32>
        %get3A_650 = arith.index_cast %scan3A_78 : i32 to index
        %get3A_651 = arith.constant 560 : index
        %get3A_652 = tpu.vector_load %arg13[%get3A_650, %get3A_651] {strides = array<i32>} : memref<16x1024xf32, #tpu.memory_space<vmem>>, vector<1x16xf32>,
        %get3A_653 = vector.shape_cast %get3A_652 : vector<1x16xf32> to vector<16xf32>
        %mul3A_654 = arith.mulf %get3A_85, %get3A_653 : vector<16xf32>
        %add3A_655 = arith.addf %mul3A_649, %mul3A_654 : vector<16xf32>
        %swap3A_656 = arith.index_cast %scan3A_78 : i32 to index
        %swap3A_657 = arith.constant 560 : index
        %swap3A_658 = tpu.vector_load %arg14[%swap3A_656, %swap3A_657] {strides = array<i32>} : memref<16x1024xf32, #tpu.memory_space<vmem>>, vector<1x16xf32>,
        %swap3A_659 = vector.shape_cast %swap3A_658 : vector<1x16xf32> to vector<16xf32>
        %swap3A_660 = vector.shape_cast %add3A_655 : vector<16xf32> to vector<1x16xf32>
        tpu.vector_store %arg14[%swap3A_656, %swap3A_657], %swap3A_660 {strides = array<i32>} : memref<16x1024xf32, #tpu.memory_space<vmem>>, vector<1x16xf32>,
        %get3A_661 = arith.index_cast %scan3A_78 : i32 to index
        %get3A_662 = arith.constant 576 : index
        %get3A_663 = tpu.vector_load %arg12[%get3A_661, %get3A_662] {strides = array<i32>} : memref<16x1024xf32, #tpu.memory_space<vmem>>, vector<1x16xf32>,
        %get3A_664 = vector.shape_cast %get3A_663 : vector<1x16xf32> to vector<16xf32>
        %mul3A_665 = arith.mulf %get3A_81, %get3A_664 : vector<16xf32>
        %get3A_666 = arith.index_cast %scan3A_78 : i32 to index
        %get3A_667 = arith.constant 576 : index
        %get3A_668 = tpu.vector_load %arg13[%get3A_666, %get3A_667] {strides = array<i32>} : memref<16x1024xf32, #tpu.memory_space<vmem>>, vector<1x16xf32>,
        %get3A_669 = vector.shape_cast %get3A_668 : vector<1x16xf32> to vector<16xf32>
        %mul3A_670 = arith.mulf %get3A_85, %get3A_669 : vector<16xf32>
        %add3A_671 = arith.addf %mul3A_665, %mul3A_670 : vector<16xf32>
        %swap3A_672 = arith.index_cast %scan3A_78 : i32 to index
        %swap3A_673 = arith.constant 576 : index
        %swap3A_674 = tpu.vector_load %arg14[%swap3A_672, %swap3A_673] {strides = array<i32>} : memref<16x1024xf32, #tpu.memory_space<vmem>>, vector<1x16xf32>,
        %swap3A_675 = vector.shape_cast %swap3A_674 : vector<1x16xf32> to vector<16xf32>
        %swap3A_676 = vector.shape_cast %add3A_671 : vector<16xf32> to vector<1x16xf32>
        tpu.vector_store %arg14[%swap3A_672, %swap3A_673], %swap3A_676 {strides = array<i32>} : memref<16x1024xf32, #tpu.memory_space<vmem>>, vector<1x16xf32>,
        %get3A_677 = arith.index_cast %scan3A_78 : i32 to index
        %get3A_678 = arith.constant 592 : index
        %get3A_679 = tpu.vector_load %arg12[%get3A_677, %get3A_678] {strides = array<i32>} : memref<16x1024xf32, #tpu.memory_space<vmem>>, vector<1x16xf32>,
        %get3A_680 = vector.shape_cast %get3A_679 : vector<1x16xf32> to vector<16xf32>
        %mul3A_681 = arith.mulf %get3A_81, %get3A_680 : vector<16xf32>
        %get3A_682 = arith.index_cast %scan3A_78 : i32 to index
        %get3A_683 = arith.constant 592 : index
        %get3A_684 = tpu.vector_load %arg13[%get3A_682, %get3A_683] {strides = array<i32>} : memref<16x1024xf32, #tpu.memory_space<vmem>>, vector<1x16xf32>,
        %get3A_685 = vector.shape_cast %get3A_684 : vector<1x16xf32> to vector<16xf32>
        %mul3A_686 = arith.mulf %get3A_85, %get3A_685 : vector<16xf32>
        %add3A_687 = arith.addf %mul3A_681, %mul3A_686 : vector<16xf32>
        %swap3A_688 = arith.index_cast %scan3A_78 : i32 to index
        %swap3A_689 = arith.constant 592 : index
        %swap3A_690 = tpu.vector_load %arg14[%swap3A_688, %swap3A_689] {strides = array<i32>} : memref<16x1024xf32, #tpu.memory_space<vmem>>, vector<1x16xf32>,
        %swap3A_691 = vector.shape_cast %swap3A_690 : vector<1x16xf32> to vector<16xf32>
        %swap3A_692 = vector.shape_cast %add3A_687 : vector<16xf32> to vector<1x16xf32>
        tpu.vector_store %arg14[%swap3A_688, %swap3A_689], %swap3A_692 {strides = array<i32>} : memref<16x1024xf32, #tpu.memory_space<vmem>>, vector<1x16xf32>,
        %get3A_693 = arith.index_cast %scan3A_78 : i32 to index
        %get3A_694 = arith.constant 608 : index
        %get3A_695 = tpu.vector_load %arg12[%get3A_693, %get3A_694] {strides = array<i32>} : memref<16x1024xf32, #tpu.memory_space<vmem>>, vector<1x16xf32>,
        %get3A_696 = vector.shape_cast %get3A_695 : vector<1x16xf32> to vector<16xf32>
        %mul3A_697 = arith.mulf %get3A_81, %get3A_696 : vector<16xf32>
        %get3A_698 = arith.index_cast %scan3A_78 : i32 to index
        %get3A_699 = arith.constant 608 : index
        %get3A_700 = tpu.vector_load %arg13[%get3A_698, %get3A_699] {strides = array<i32>} : memref<16x1024xf32, #tpu.memory_space<vmem>>, vector<1x16xf32>,
        %get3A_701 = vector.shape_cast %get3A_700 : vector<1x16xf32> to vector<16xf32>
        %mul3A_702 = arith.mulf %get3A_85, %get3A_701 : vector<16xf32>
        %add3A_703 = arith.addf %mul3A_697, %mul3A_702 : vector<16xf32>
        %swap3A_704 = arith.index_cast %scan3A_78 : i32 to index
        %swap3A_705 = arith.constant 608 : index
        %swap3A_706 = tpu.vector_load %arg14[%swap3A_704, %swap3A_705] {strides = array<i32>} : memref<16x1024xf32, #tpu.memory_space<vmem>>, vector<1x16xf32>,
        %swap3A_707 = vector.shape_cast %swap3A_706 : vector<1x16xf32> to vector<16xf32>
        %swap3A_708 = vector.shape_cast %add3A_703 : vector<16xf32> to vector<1x16xf32>
        tpu.vector_store %arg14[%swap3A_704, %swap3A_705], %swap3A_708 {strides = array<i32>} : memref<16x1024xf32, #tpu.memory_space<vmem>>, vector<1x16xf32>,
        %get3A_709 = arith.index_cast %scan3A_78 : i32 to index
        %get3A_710 = arith.constant 624 : index
        %get3A_711 = tpu.vector_load %arg12[%get3A_709, %get3A_710] {strides = array<i32>} : memref<16x1024xf32, #tpu.memory_space<vmem>>, vector<1x16xf32>,
        %get3A_712 = vector.shape_cast %get3A_711 : vector<1x16xf32> to vector<16xf32>
        %mul3A_713 = arith.mulf %get3A_81, %get3A_712 : vector<16xf32>
        %get3A_714 = arith.index_cast %scan3A_78 : i32 to index
        %get3A_715 = arith.constant 624 : index
        %get3A_716 = tpu.vector_load %arg13[%get3A_714, %get3A_715] {strides = array<i32>} : memref<16x1024xf32, #tpu.memory_space<vmem>>, vector<1x16xf32>,
        %get3A_717 = vector.shape_cast %get3A_716 : vector<1x16xf32> to vector<16xf32>
        %mul3A_718 = arith.mulf %get3A_85, %get3A_717 : vector<16xf32>
        %add3A_719 = arith.addf %mul3A_713, %mul3A_718 : vector<16xf32>
        %swap3A_720 = arith.index_cast %scan3A_78 : i32 to index
        %swap3A_721 = arith.constant 624 : index
        %swap3A_722 = tpu.vector_load %arg14[%swap3A_720, %swap3A_721] {strides = array<i32>} : memref<16x1024xf32, #tpu.memory_space<vmem>>, vector<1x16xf32>,
        %swap3A_723 = vector.shape_cast %swap3A_722 : vector<1x16xf32> to vector<16xf32>
        %swap3A_724 = vector.shape_cast %add3A_719 : vector<16xf32> to vector<1x16xf32>
        tpu.vector_store %arg14[%swap3A_720, %swap3A_721], %swap3A_724 {strides = array<i32>} : memref<16x1024xf32, #tpu.memory_space<vmem>>, vector<1x16xf32>,
        %get3A_725 = arith.index_cast %scan3A_78 : i32 to index
        %get3A_726 = arith.constant 640 : index
        %get3A_727 = tpu.vector_load %arg12[%get3A_725, %get3A_726] {strides = array<i32>} : memref<16x1024xf32, #tpu.memory_space<vmem>>, vector<1x16xf32>,
        %get3A_728 = vector.shape_cast %get3A_727 : vector<1x16xf32> to vector<16xf32>
        %mul3A_729 = arith.mulf %get3A_81, %get3A_728 : vector<16xf32>
        %get3A_730 = arith.index_cast %scan3A_78 : i32 to index
        %get3A_731 = arith.constant 640 : index
        %get3A_732 = tpu.vector_load %arg13[%get3A_730, %get3A_731] {strides = array<i32>} : memref<16x1024xf32, #tpu.memory_space<vmem>>, vector<1x16xf32>,
        %get3A_733 = vector.shape_cast %get3A_732 : vector<1x16xf32> to vector<16xf32>
        %mul3A_734 = arith.mulf %get3A_85, %get3A_733 : vector<16xf32>
        %add3A_735 = arith.addf %mul3A_729, %mul3A_734 : vector<16xf32>
        %swap3A_736 = arith.index_cast %scan3A_78 : i32 to index
        %swap3A_737 = arith.constant 640 : index
        %swap3A_738 = tpu.vector_load %arg14[%swap3A_736, %swap3A_737] {strides = array<i32>} : memref<16x1024xf32, #tpu.memory_space<vmem>>, vector<1x16xf32>,
        %swap3A_739 = vector.shape_cast %swap3A_738 : vector<1x16xf32> to vector<16xf32>
        %swap3A_740 = vector.shape_cast %add3A_735 : vector<16xf32> to vector<1x16xf32>
        tpu.vector_store %arg14[%swap3A_736, %swap3A_737], %swap3A_740 {strides = array<i32>} : memref<16x1024xf32, #tpu.memory_space<vmem>>, vector<1x16xf32>,
        %get3A_741 = arith.index_cast %scan3A_78 : i32 to index
        %get3A_742 = arith.constant 656 : index
        %get3A_743 = tpu.vector_load %arg12[%get3A_741, %get3A_742] {strides = array<i32>} : memref<16x1024xf32, #tpu.memory_space<vmem>>, vector<1x16xf32>,
        %get3A_744 = vector.shape_cast %get3A_743 : vector<1x16xf32> to vector<16xf32>
        %mul3A_745 = arith.mulf %get3A_81, %get3A_744 : vector<16xf32>
        %get3A_746 = arith.index_cast %scan3A_78 : i32 to index
        %get3A_747 = arith.constant 656 : index
        %get3A_748 = tpu.vector_load %arg13[%get3A_746, %get3A_747] {strides = array<i32>} : memref<16x1024xf32, #tpu.memory_space<vmem>>, vector<1x16xf32>,
        %get3A_749 = vector.shape_cast %get3A_748 : vector<1x16xf32> to vector<16xf32>
        %mul3A_750 = arith.mulf %get3A_85, %get3A_749 : vector<16xf32>
        %add3A_751 = arith.addf %mul3A_745, %mul3A_750 : vector<16xf32>
        %swap3A_752 = arith.index_cast %scan3A_78 : i32 to index
        %swap3A_753 = arith.constant 656 : index
        %swap3A_754 = tpu.vector_load %arg14[%swap3A_752, %swap3A_753] {strides = array<i32>} : memref<16x1024xf32, #tpu.memory_space<vmem>>, vector<1x16xf32>,
        %swap3A_755 = vector.shape_cast %swap3A_754 : vector<1x16xf32> to vector<16xf32>
        %swap3A_756 = vector.shape_cast %add3A_751 : vector<16xf32> to vector<1x16xf32>
        tpu.vector_store %arg14[%swap3A_752, %swap3A_753], %swap3A_756 {strides = array<i32>} : memref<16x1024xf32, #tpu.memory_space<vmem>>, vector<1x16xf32>,
        %get3A_757 = arith.index_cast %scan3A_78 : i32 to index
        %get3A_758 = arith.constant 672 : index
        %get3A_759 = tpu.vector_load %arg12[%get3A_757, %get3A_758] {strides = array<i32>} : memref<16x1024xf32, #tpu.memory_space<vmem>>, vector<1x16xf32>,
        %get3A_760 = vector.shape_cast %get3A_759 : vector<1x16xf32> to vector<16xf32>
        %mul3A_761 = arith.mulf %get3A_81, %get3A_760 : vector<16xf32>
        %get3A_762 = arith.index_cast %scan3A_78 : i32 to index
        %get3A_763 = arith.constant 672 : index
        %get3A_764 = tpu.vector_load %arg13[%get3A_762, %get3A_763] {strides = array<i32>} : memref<16x1024xf32, #tpu.memory_space<vmem>>, vector<1x16xf32>,
        %get3A_765 = vector.shape_cast %get3A_764 : vector<1x16xf32> to vector<16xf32>
        %mul3A_766 = arith.mulf %get3A_85, %get3A_765 : vector<16xf32>
        %add3A_767 = arith.addf %mul3A_761, %mul3A_766 : vector<16xf32>
        %swap3A_768 = arith.index_cast %scan3A_78 : i32 to index
        %swap3A_769 = arith.constant 672 : index
        %swap3A_770 = tpu.vector_load %arg14[%swap3A_768, %swap3A_769] {strides = array<i32>} : memref<16x1024xf32, #tpu.memory_space<vmem>>, vector<1x16xf32>,
        %swap3A_771 = vector.shape_cast %swap3A_770 : vector<1x16xf32> to vector<16xf32>
        %swap3A_772 = vector.shape_cast %add3A_767 : vector<16xf32> to vector<1x16xf32>
        tpu.vector_store %arg14[%swap3A_768, %swap3A_769], %swap3A_772 {strides = array<i32>} : memref<16x1024xf32, #tpu.memory_space<vmem>>, vector<1x16xf32>,
        %get3A_773 = arith.index_cast %scan3A_78 : i32 to index
        %get3A_774 = arith.constant 688 : index
        %get3A_775 = tpu.vector_load %arg12[%get3A_773, %get3A_774] {strides = array<i32>} : memref<16x1024xf32, #tpu.memory_space<vmem>>, vector<1x16xf32>,
        %get3A_776 = vector.shape_cast %get3A_775 : vector<1x16xf32> to vector<16xf32>
        %mul3A_777 = arith.mulf %get3A_81, %get3A_776 : vector<16xf32>
        %get3A_778 = arith.index_cast %scan3A_78 : i32 to index
        %get3A_779 = arith.constant 688 : index
        %get3A_780 = tpu.vector_load %arg13[%get3A_778, %get3A_779] {strides = array<i32>} : memref<16x1024xf32, #tpu.memory_space<vmem>>, vector<1x16xf32>,
        %get3A_781 = vector.shape_cast %get3A_780 : vector<1x16xf32> to vector<16xf32>
        %mul3A_782 = arith.mulf %get3A_85, %get3A_781 : vector<16xf32>
        %add3A_783 = arith.addf %mul3A_777, %mul3A_782 : vector<16xf32>
        %swap3A_784 = arith.index_cast %scan3A_78 : i32 to index
        %swap3A_785 = arith.constant 688 : index
        %swap3A_786 = tpu.vector_load %arg14[%swap3A_784, %swap3A_785] {strides = array<i32>} : memref<16x1024xf32, #tpu.memory_space<vmem>>, vector<1x16xf32>,
        %swap3A_787 = vector.shape_cast %swap3A_786 : vector<1x16xf32> to vector<16xf32>
        %swap3A_788 = vector.shape_cast %add3A_783 : vector<16xf32> to vector<1x16xf32>
        tpu.vector_store %arg14[%swap3A_784, %swap3A_785], %swap3A_788 {strides = array<i32>} : memref<16x1024xf32, #tpu.memory_space<vmem>>, vector<1x16xf32>,
        %get3A_789 = arith.index_cast %scan3A_78 : i32 to index
        %get3A_790 = arith.constant 704 : index
        %get3A_791 = tpu.vector_load %arg12[%get3A_789, %get3A_790] {strides = array<i32>} : memref<16x1024xf32, #tpu.memory_space<vmem>>, vector<1x16xf32>,
        %get3A_792 = vector.shape_cast %get3A_791 : vector<1x16xf32> to vector<16xf32>
        %mul3A_793 = arith.mulf %get3A_81, %get3A_792 : vector<16xf32>
        %get3A_794 = arith.index_cast %scan3A_78 : i32 to index
        %get3A_795 = arith.constant 704 : index
        %get3A_796 = tpu.vector_load %arg13[%get3A_794, %get3A_795] {strides = array<i32>} : memref<16x1024xf32, #tpu.memory_space<vmem>>, vector<1x16xf32>,
        %get3A_797 = vector.shape_cast %get3A_796 : vector<1x16xf32> to vector<16xf32>
        %mul3A_798 = arith.mulf %get3A_85, %get3A_797 : vector<16xf32>
        %add3A_799 = arith.addf %mul3A_793, %mul3A_798 : vector<16xf32>
        %swap3A_800 = arith.index_cast %scan3A_78 : i32 to index
        %swap3A_801 = arith.constant 704 : index
        %swap3A_802 = tpu.vector_load %arg14[%swap3A_800, %swap3A_801] {strides = array<i32>} : memref<16x1024xf32, #tpu.memory_space<vmem>>, vector<1x16xf32>,
        %swap3A_803 = vector.shape_cast %swap3A_802 : vector<1x16xf32> to vector<16xf32>
        %swap3A_804 = vector.shape_cast %add3A_799 : vector<16xf32> to vector<1x16xf32>
        tpu.vector_store %arg14[%swap3A_800, %swap3A_801], %swap3A_804 {strides = array<i32>} : memref<16x1024xf32, #tpu.memory_space<vmem>>, vector<1x16xf32>,
        %get3A_805 = arith.index_cast %scan3A_78 : i32 to index
        %get3A_806 = arith.constant 720 : index
        %get3A_807 = tpu.vector_load %arg12[%get3A_805, %get3A_806] {strides = array<i32>} : memref<16x1024xf32, #tpu.memory_space<vmem>>, vector<1x16xf32>,
        %get3A_808 = vector.shape_cast %get3A_807 : vector<1x16xf32> to vector<16xf32>
        %mul3A_809 = arith.mulf %get3A_81, %get3A_808 : vector<16xf32>
        %get3A_810 = arith.index_cast %scan3A_78 : i32 to index
        %get3A_811 = arith.constant 720 : index
        %get3A_812 = tpu.vector_load %arg13[%get3A_810, %get3A_811] {strides = array<i32>} : memref<16x1024xf32, #tpu.memory_space<vmem>>, vector<1x16xf32>,
        %get3A_813 = vector.shape_cast %get3A_812 : vector<1x16xf32> to vector<16xf32>
        %mul3A_814 = arith.mulf %get3A_85, %get3A_813 : vector<16xf32>
        %add3A_815 = arith.addf %mul3A_809, %mul3A_814 : vector<16xf32>
        %swap3A_816 = arith.index_cast %scan3A_78 : i32 to index
        %swap3A_817 = arith.constant 720 : index
        %swap3A_818 = tpu.vector_load %arg14[%swap3A_816, %swap3A_817] {strides = array<i32>} : memref<16x1024xf32, #tpu.memory_space<vmem>>, vector<1x16xf32>,
        %swap3A_819 = vector.shape_cast %swap3A_818 : vector<1x16xf32> to vector<16xf32>
        %swap3A_820 = vector.shape_cast %add3A_815 : vector<16xf32> to vector<1x16xf32>
        tpu.vector_store %arg14[%swap3A_816, %swap3A_817], %swap3A_820 {strides = array<i32>} : memref<16x1024xf32, #tpu.memory_space<vmem>>, vector<1x16xf32>,
        %get3A_821 = arith.index_cast %scan3A_78 : i32 to index
        %get3A_822 = arith.constant 736 : index
        %get3A_823 = tpu.vector_load %arg12[%get3A_821, %get3A_822] {strides = array<i32>} : memref<16x1024xf32, #tpu.memory_space<vmem>>, vector<1x16xf32>,
        %get3A_824 = vector.shape_cast %get3A_823 : vector<1x16xf32> to vector<16xf32>
        %mul3A_825 = arith.mulf %get3A_81, %get3A_824 : vector<16xf32>
        %get3A_826 = arith.index_cast %scan3A_78 : i32 to index
        %get3A_827 = arith.constant 736 : index
        %get3A_828 = tpu.vector_load %arg13[%get3A_826, %get3A_827] {strides = array<i32>} : memref<16x1024xf32, #tpu.memory_space<vmem>>, vector<1x16xf32>,
        %get3A_829 = vector.shape_cast %get3A_828 : vector<1x16xf32> to vector<16xf32>
        %mul3A_830 = arith.mulf %get3A_85, %get3A_829 : vector<16xf32>
        %add3A_831 = arith.addf %mul3A_825, %mul3A_830 : vector<16xf32>
        %swap3A_832 = arith.index_cast %scan3A_78 : i32 to index
        %swap3A_833 = arith.constant 736 : index
        %swap3A_834 = tpu.vector_load %arg14[%swap3A_832, %swap3A_833] {strides = array<i32>} : memref<16x1024xf32, #tpu.memory_space<vmem>>, vector<1x16xf32>,
        %swap3A_835 = vector.shape_cast %swap3A_834 : vector<1x16xf32> to vector<16xf32>
        %swap3A_836 = vector.shape_cast %add3A_831 : vector<16xf32> to vector<1x16xf32>
        tpu.vector_store %arg14[%swap3A_832, %swap3A_833], %swap3A_836 {strides = array<i32>} : memref<16x1024xf32, #tpu.memory_space<vmem>>, vector<1x16xf32>,
        %get3A_837 = arith.index_cast %scan3A_78 : i32 to index
        %get3A_838 = arith.constant 752 : index
        %get3A_839 = tpu.vector_load %arg12[%get3A_837, %get3A_838] {strides = array<i32>} : memref<16x1024xf32, #tpu.memory_space<vmem>>, vector<1x16xf32>,
        %get3A_840 = vector.shape_cast %get3A_839 : vector<1x16xf32> to vector<16xf32>
        %mul3A_841 = arith.mulf %get3A_81, %get3A_840 : vector<16xf32>
        %get3A_842 = arith.index_cast %scan3A_78 : i32 to index
        %get3A_843 = arith.constant 752 : index
        %get3A_844 = tpu.vector_load %arg13[%get3A_842, %get3A_843] {strides = array<i32>} : memref<16x1024xf32, #tpu.memory_space<vmem>>, vector<1x16xf32>,
        %get3A_845 = vector.shape_cast %get3A_844 : vector<1x16xf32> to vector<16xf32>
        %mul3A_846 = arith.mulf %get3A_85, %get3A_845 : vector<16xf32>
        %add3A_847 = arith.addf %mul3A_841, %mul3A_846 : vector<16xf32>
        %swap3A_848 = arith.index_cast %scan3A_78 : i32 to index
        %swap3A_849 = arith.constant 752 : index
        %swap3A_850 = tpu.vector_load %arg14[%swap3A_848, %swap3A_849] {strides = array<i32>} : memref<16x1024xf32, #tpu.memory_space<vmem>>, vector<1x16xf32>,
        %swap3A_851 = vector.shape_cast %swap3A_850 : vector<1x16xf32> to vector<16xf32>
        %swap3A_852 = vector.shape_cast %add3A_847 : vector<16xf32> to vector<1x16xf32>
        tpu.vector_store %arg14[%swap3A_848, %swap3A_849], %swap3A_852 {strides = array<i32>} : memref<16x1024xf32, #tpu.memory_space<vmem>>, vector<1x16xf32>,
        %get3A_853 = arith.index_cast %scan3A_78 : i32 to index
        %get3A_854 = arith.constant 768 : index
        %get3A_855 = tpu.vector_load %arg12[%get3A_853, %get3A_854] {strides = array<i32>} : memref<16x1024xf32, #tpu.memory_space<vmem>>, vector<1x16xf32>,
        %get3A_856 = vector.shape_cast %get3A_855 : vector<1x16xf32> to vector<16xf32>
        %mul3A_857 = arith.mulf %get3A_81, %get3A_856 : vector<16xf32>
        %get3A_858 = arith.index_cast %scan3A_78 : i32 to index
        %get3A_859 = arith.constant 768 : index
        %get3A_860 = tpu.vector_load %arg13[%get3A_858, %get3A_859] {strides = array<i32>} : memref<16x1024xf32, #tpu.memory_space<vmem>>, vector<1x16xf32>,
        %get3A_861 = vector.shape_cast %get3A_860 : vector<1x16xf32> to vector<16xf32>
        %mul3A_862 = arith.mulf %get3A_85, %get3A_861 : vector<16xf32>
        %add3A_863 = arith.addf %mul3A_857, %mul3A_862 : vector<16xf32>
        %swap3A_864 = arith.index_cast %scan3A_78 : i32 to index
        %swap3A_865 = arith.constant 768 : index
        %swap3A_866 = tpu.vector_load %arg14[%swap3A_864, %swap3A_865] {strides = array<i32>} : memref<16x1024xf32, #tpu.memory_space<vmem>>, vector<1x16xf32>,
        %swap3A_867 = vector.shape_cast %swap3A_866 : vector<1x16xf32> to vector<16xf32>
        %swap3A_868 = vector.shape_cast %add3A_863 : vector<16xf32> to vector<1x16xf32>
        tpu.vector_store %arg14[%swap3A_864, %swap3A_865], %swap3A_868 {strides = array<i32>} : memref<16x1024xf32, #tpu.memory_space<vmem>>, vector<1x16xf32>,
        %get3A_869 = arith.index_cast %scan3A_78 : i32 to index
        %get3A_870 = arith.constant 784 : index
        %get3A_871 = tpu.vector_load %arg12[%get3A_869, %get3A_870] {strides = array<i32>} : memref<16x1024xf32, #tpu.memory_space<vmem>>, vector<1x16xf32>,
        %get3A_872 = vector.shape_cast %get3A_871 : vector<1x16xf32> to vector<16xf32>
        %mul3A_873 = arith.mulf %get3A_81, %get3A_872 : vector<16xf32>
        %get3A_874 = arith.index_cast %scan3A_78 : i32 to index
        %get3A_875 = arith.constant 784 : index
        %get3A_876 = tpu.vector_load %arg13[%get3A_874, %get3A_875] {strides = array<i32>} : memref<16x1024xf32, #tpu.memory_space<vmem>>, vector<1x16xf32>,
        %get3A_877 = vector.shape_cast %get3A_876 : vector<1x16xf32> to vector<16xf32>
        %mul3A_878 = arith.mulf %get3A_85, %get3A_877 : vector<16xf32>
        %add3A_879 = arith.addf %mul3A_873, %mul3A_878 : vector<16xf32>
        %swap3A_880 = arith.index_cast %scan3A_78 : i32 to index
        %swap3A_881 = arith.constant 784 : index
        %swap3A_882 = tpu.vector_load %arg14[%swap3A_880, %swap3A_881] {strides = array<i32>} : memref<16x1024xf32, #tpu.memory_space<vmem>>, vector<1x16xf32>,
        %swap3A_883 = vector.shape_cast %swap3A_882 : vector<1x16xf32> to vector<16xf32>
        %swap3A_884 = vector.shape_cast %add3A_879 : vector<16xf32> to vector<1x16xf32>
        tpu.vector_store %arg14[%swap3A_880, %swap3A_881], %swap3A_884 {strides = array<i32>} : memref<16x1024xf32, #tpu.memory_space<vmem>>, vector<1x16xf32>,
        %get3A_885 = arith.index_cast %scan3A_78 : i32 to index
        %get3A_886 = arith.constant 800 : index
        %get3A_887 = tpu.vector_load %arg12[%get3A_885, %get3A_886] {strides = array<i32>} : memref<16x1024xf32, #tpu.memory_space<vmem>>, vector<1x16xf32>,
        %get3A_888 = vector.shape_cast %get3A_887 : vector<1x16xf32> to vector<16xf32>
        %mul3A_889 = arith.mulf %get3A_81, %get3A_888 : vector<16xf32>
        %get3A_890 = arith.index_cast %scan3A_78 : i32 to index
        %get3A_891 = arith.constant 800 : index
        %get3A_892 = tpu.vector_load %arg13[%get3A_890, %get3A_891] {strides = array<i32>} : memref<16x1024xf32, #tpu.memory_space<vmem>>, vector<1x16xf32>,
        %get3A_893 = vector.shape_cast %get3A_892 : vector<1x16xf32> to vector<16xf32>
        %mul3A_894 = arith.mulf %get3A_85, %get3A_893 : vector<16xf32>
        %add3A_895 = arith.addf %mul3A_889, %mul3A_894 : vector<16xf32>
        %swap3A_896 = arith.index_cast %scan3A_78 : i32 to index
        %swap3A_897 = arith.constant 800 : index
        %swap3A_898 = tpu.vector_load %arg14[%swap3A_896, %swap3A_897] {strides = array<i32>} : memref<16x1024xf32, #tpu.memory_space<vmem>>, vector<1x16xf32>,
        %swap3A_899 = vector.shape_cast %swap3A_898 : vector<1x16xf32> to vector<16xf32>
        %swap3A_900 = vector.shape_cast %add3A_895 : vector<16xf32> to vector<1x16xf32>
        tpu.vector_store %arg14[%swap3A_896, %swap3A_897], %swap3A_900 {strides = array<i32>} : memref<16x1024xf32, #tpu.memory_space<vmem>>, vector<1x16xf32>,
        %get3A_901 = arith.index_cast %scan3A_78 : i32 to index
        %get3A_902 = arith.constant 816 : index
        %get3A_903 = tpu.vector_load %arg12[%get3A_901, %get3A_902] {strides = array<i32>} : memref<16x1024xf32, #tpu.memory_space<vmem>>, vector<1x16xf32>,
        %get3A_904 = vector.shape_cast %get3A_903 : vector<1x16xf32> to vector<16xf32>
        %mul3A_905 = arith.mulf %get3A_81, %get3A_904 : vector<16xf32>
        %get3A_906 = arith.index_cast %scan3A_78 : i32 to index
        %get3A_907 = arith.constant 816 : index
        %get3A_908 = tpu.vector_load %arg13[%get3A_906, %get3A_907] {strides = array<i32>} : memref<16x1024xf32, #tpu.memory_space<vmem>>, vector<1x16xf32>,
        %get3A_909 = vector.shape_cast %get3A_908 : vector<1x16xf32> to vector<16xf32>
        %mul3A_910 = arith.mulf %get3A_85, %get3A_909 : vector<16xf32>
        %add3A_911 = arith.addf %mul3A_905, %mul3A_910 : vector<16xf32>
        %swap3A_912 = arith.index_cast %scan3A_78 : i32 to index
        %swap3A_913 = arith.constant 816 : index
        %swap3A_914 = tpu.vector_load %arg14[%swap3A_912, %swap3A_913] {strides = array<i32>} : memref<16x1024xf32, #tpu.memory_space<vmem>>, vector<1x16xf32>,
        %swap3A_915 = vector.shape_cast %swap3A_914 : vector<1x16xf32> to vector<16xf32>
        %swap3A_916 = vector.shape_cast %add3A_911 : vector<16xf32> to vector<1x16xf32>
        tpu.vector_store %arg14[%swap3A_912, %swap3A_913], %swap3A_916 {strides = array<i32>} : memref<16x1024xf32, #tpu.memory_space<vmem>>, vector<1x16xf32>,
        %get3A_917 = arith.index_cast %scan3A_78 : i32 to index
        %get3A_918 = arith.constant 832 : index
        %get3A_919 = tpu.vector_load %arg12[%get3A_917, %get3A_918] {strides = array<i32>} : memref<16x1024xf32, #tpu.memory_space<vmem>>, vector<1x16xf32>,
        %get3A_920 = vector.shape_cast %get3A_919 : vector<1x16xf32> to vector<16xf32>
        %mul3A_921 = arith.mulf %get3A_81, %get3A_920 : vector<16xf32>
        %get3A_922 = arith.index_cast %scan3A_78 : i32 to index
        %get3A_923 = arith.constant 832 : index
        %get3A_924 = tpu.vector_load %arg13[%get3A_922, %get3A_923] {strides = array<i32>} : memref<16x1024xf32, #tpu.memory_space<vmem>>, vector<1x16xf32>,
        %get3A_925 = vector.shape_cast %get3A_924 : vector<1x16xf32> to vector<16xf32>
        %mul3A_926 = arith.mulf %get3A_85, %get3A_925 : vector<16xf32>
        %add3A_927 = arith.addf %mul3A_921, %mul3A_926 : vector<16xf32>
        %swap3A_928 = arith.index_cast %scan3A_78 : i32 to index
        %swap3A_929 = arith.constant 832 : index
        %swap3A_930 = tpu.vector_load %arg14[%swap3A_928, %swap3A_929] {strides = array<i32>} : memref<16x1024xf32, #tpu.memory_space<vmem>>, vector<1x16xf32>,
        %swap3A_931 = vector.shape_cast %swap3A_930 : vector<1x16xf32> to vector<16xf32>
        %swap3A_932 = vector.shape_cast %add3A_927 : vector<16xf32> to vector<1x16xf32>
        tpu.vector_store %arg14[%swap3A_928, %swap3A_929], %swap3A_932 {strides = array<i32>} : memref<16x1024xf32, #tpu.memory_space<vmem>>, vector<1x16xf32>,
        %get3A_933 = arith.index_cast %scan3A_78 : i32 to index
        %get3A_934 = arith.constant 848 : index
        %get3A_935 = tpu.vector_load %arg12[%get3A_933, %get3A_934] {strides = array<i32>} : memref<16x1024xf32, #tpu.memory_space<vmem>>, vector<1x16xf32>,
        %get3A_936 = vector.shape_cast %get3A_935 : vector<1x16xf32> to vector<16xf32>
        %mul3A_937 = arith.mulf %get3A_81, %get3A_936 : vector<16xf32>
        %get3A_938 = arith.index_cast %scan3A_78 : i32 to index
        %get3A_939 = arith.constant 848 : index
        %get3A_940 = tpu.vector_load %arg13[%get3A_938, %get3A_939] {strides = array<i32>} : memref<16x1024xf32, #tpu.memory_space<vmem>>, vector<1x16xf32>,
        %get3A_941 = vector.shape_cast %get3A_940 : vector<1x16xf32> to vector<16xf32>
        %mul3A_942 = arith.mulf %get3A_85, %get3A_941 : vector<16xf32>
        %add3A_943 = arith.addf %mul3A_937, %mul3A_942 : vector<16xf32>
        %swap3A_944 = arith.index_cast %scan3A_78 : i32 to index
        %swap3A_945 = arith.constant 848 : index
        %swap3A_946 = tpu.vector_load %arg14[%swap3A_944, %swap3A_945] {strides = array<i32>} : memref<16x1024xf32, #tpu.memory_space<vmem>>, vector<1x16xf32>,
        %swap3A_947 = vector.shape_cast %swap3A_946 : vector<1x16xf32> to vector<16xf32>
        %swap3A_948 = vector.shape_cast %add3A_943 : vector<16xf32> to vector<1x16xf32>
        tpu.vector_store %arg14[%swap3A_944, %swap3A_945], %swap3A_948 {strides = array<i32>} : memref<16x1024xf32, #tpu.memory_space<vmem>>, vector<1x16xf32>,
        %get3A_949 = arith.index_cast %scan3A_78 : i32 to index
        %get3A_950 = arith.constant 864 : index
        %get3A_951 = tpu.vector_load %arg12[%get3A_949, %get3A_950] {strides = array<i32>} : memref<16x1024xf32, #tpu.memory_space<vmem>>, vector<1x16xf32>,
        %get3A_952 = vector.shape_cast %get3A_951 : vector<1x16xf32> to vector<16xf32>
        %mul3A_953 = arith.mulf %get3A_81, %get3A_952 : vector<16xf32>
        %get3A_954 = arith.index_cast %scan3A_78 : i32 to index
        %get3A_955 = arith.constant 864 : index
        %get3A_956 = tpu.vector_load %arg13[%get3A_954, %get3A_955] {strides = array<i32>} : memref<16x1024xf32, #tpu.memory_space<vmem>>, vector<1x16xf32>,
        %get3A_957 = vector.shape_cast %get3A_956 : vector<1x16xf32> to vector<16xf32>
        %mul3A_958 = arith.mulf %get3A_85, %get3A_957 : vector<16xf32>
        %add3A_959 = arith.addf %mul3A_953, %mul3A_958 : vector<16xf32>
        %swap3A_960 = arith.index_cast %scan3A_78 : i32 to index
        %swap3A_961 = arith.constant 864 : index
        %swap3A_962 = tpu.vector_load %arg14[%swap3A_960, %swap3A_961] {strides = array<i32>} : memref<16x1024xf32, #tpu.memory_space<vmem>>, vector<1x16xf32>,
        %swap3A_963 = vector.shape_cast %swap3A_962 : vector<1x16xf32> to vector<16xf32>
        %swap3A_964 = vector.shape_cast %add3A_959 : vector<16xf32> to vector<1x16xf32>
        tpu.vector_store %arg14[%swap3A_960, %swap3A_961], %swap3A_964 {strides = array<i32>} : memref<16x1024xf32, #tpu.memory_space<vmem>>, vector<1x16xf32>,
        %get3A_965 = arith.index_cast %scan3A_78 : i32 to index
        %get3A_966 = arith.constant 880 : index
        %get3A_967 = tpu.vector_load %arg12[%get3A_965, %get3A_966] {strides = array<i32>} : memref<16x1024xf32, #tpu.memory_space<vmem>>, vector<1x16xf32>,
        %get3A_968 = vector.shape_cast %get3A_967 : vector<1x16xf32> to vector<16xf32>
        %mul3A_969 = arith.mulf %get3A_81, %get3A_968 : vector<16xf32>
        %get3A_970 = arith.index_cast %scan3A_78 : i32 to index
        %get3A_971 = arith.constant 880 : index
        %get3A_972 = tpu.vector_load %arg13[%get3A_970, %get3A_971] {strides = array<i32>} : memref<16x1024xf32, #tpu.memory_space<vmem>>, vector<1x16xf32>,
        %get3A_973 = vector.shape_cast %get3A_972 : vector<1x16xf32> to vector<16xf32>
        %mul3A_974 = arith.mulf %get3A_85, %get3A_973 : vector<16xf32>
        %add3A_975 = arith.addf %mul3A_969, %mul3A_974 : vector<16xf32>
        %swap3A_976 = arith.index_cast %scan3A_78 : i32 to index
        %swap3A_977 = arith.constant 880 : index
        %swap3A_978 = tpu.vector_load %arg14[%swap3A_976, %swap3A_977] {strides = array<i32>} : memref<16x1024xf32, #tpu.memory_space<vmem>>, vector<1x16xf32>,
        %swap3A_979 = vector.shape_cast %swap3A_978 : vector<1x16xf32> to vector<16xf32>
        %swap3A_980 = vector.shape_cast %add3A_975 : vector<16xf32> to vector<1x16xf32>
        tpu.vector_store %arg14[%swap3A_976, %swap3A_977], %swap3A_980 {strides = array<i32>} : memref<16x1024xf32, #tpu.memory_space<vmem>>, vector<1x16xf32>,
        %get3A_981 = arith.index_cast %scan3A_78 : i32 to index
        %get3A_982 = arith.constant 896 : index
        %get3A_983 = tpu.vector_load %arg12[%get3A_981, %get3A_982] {strides = array<i32>} : memref<16x1024xf32, #tpu.memory_space<vmem>>, vector<1x16xf32>,
        %get3A_984 = vector.shape_cast %get3A_983 : vector<1x16xf32> to vector<16xf32>
        %mul3A_985 = arith.mulf %get3A_81, %get3A_984 : vector<16xf32>
        %get3A_986 = arith.index_cast %scan3A_78 : i32 to index
        %get3A_987 = arith.constant 896 : index
        %get3A_988 = tpu.vector_load %arg13[%get3A_986, %get3A_987] {strides = array<i32>} : memref<16x1024xf32, #tpu.memory_space<vmem>>, vector<1x16xf32>,
        %get3A_989 = vector.shape_cast %get3A_988 : vector<1x16xf32> to vector<16xf32>
        %mul3A_990 = arith.mulf %get3A_85, %get3A_989 : vector<16xf32>
        %add3A_991 = arith.addf %mul3A_985, %mul3A_990 : vector<16xf32>
        %swap3A_992 = arith.index_cast %scan3A_78 : i32 to index
        %swap3A_993 = arith.constant 896 : index
        %swap3A_994 = tpu.vector_load %arg14[%swap3A_992, %swap3A_993] {strides = array<i32>} : memref<16x1024xf32, #tpu.memory_space<vmem>>, vector<1x16xf32>,
        %swap3A_995 = vector.shape_cast %swap3A_994 : vector<1x16xf32> to vector<16xf32>
        %swap3A_996 = vector.shape_cast %add3A_991 : vector<16xf32> to vector<1x16xf32>
        tpu.vector_store %arg14[%swap3A_992, %swap3A_993], %swap3A_996 {strides = array<i32>} : memref<16x1024xf32, #tpu.memory_space<vmem>>, vector<1x16xf32>,
        %get3A_997 = arith.index_cast %scan3A_78 : i32 to index
        %get3A_998 = arith.constant 912 : index
        %get3A_999 = tpu.vector_load %arg12[%get3A_997, %get3A_998] {strides = array<i32>} : memref<16x1024xf32, #tpu.memory_space<vmem>>, vector<1x16xf32>,
        %get3A_1000 = vector.shape_cast %get3A_999 : vector<1x16xf32> to vector<16xf32>
        %mul3A_1001 = arith.mulf %get3A_81, %get3A_1000 : vector<16xf32>
        %get3A_1002 = arith.index_cast %scan3A_78 : i32 to index
        %get3A_1003 = arith.constant 912 : index
        %get3A_1004 = tpu.vector_load %arg13[%get3A_1002, %get3A_1003] {strides = array<i32>} : memref<16x1024xf32, #tpu.memory_space<vmem>>, vector<1x16xf32>,
        %get3A_1005 = vector.shape_cast %get3A_1004 : vector<1x16xf32> to vector<16xf32>
        %mul3A_1006 = arith.mulf %get3A_85, %get3A_1005 : vector<16xf32>
        %add3A_1007 = arith.addf %mul3A_1001, %mul3A_1006 : vector<16xf32>
        %swap3A_1008 = arith.index_cast %scan3A_78 : i32 to index
        %swap3A_1009 = arith.constant 912 : index
        %swap3A_1010 = tpu.vector_load %arg14[%swap3A_1008, %swap3A_1009] {strides = array<i32>} : memref<16x1024xf32, #tpu.memory_space<vmem>>, vector<1x16xf32>,
        %swap3A_1011 = vector.shape_cast %swap3A_1010 : vector<1x16xf32> to vector<16xf32>
        %swap3A_1012 = vector.shape_cast %add3A_1007 : vector<16xf32> to vector<1x16xf32>
        tpu.vector_store %arg14[%swap3A_1008, %swap3A_1009], %swap3A_1012 {strides = array<i32>} : memref<16x1024xf32, #tpu.memory_space<vmem>>, vector<1x16xf32>,
        %get3A_1013 = arith.index_cast %scan3A_78 : i32 to index
        %get3A_1014 = arith.constant 928 : index
        %get3A_1015 = tpu.vector_load %arg12[%get3A_1013, %get3A_1014] {strides = array<i32>} : memref<16x1024xf32, #tpu.memory_space<vmem>>, vector<1x16xf32>,
        %get3A_1016 = vector.shape_cast %get3A_1015 : vector<1x16xf32> to vector<16xf32>
        %mul3A_1017 = arith.mulf %get3A_81, %get3A_1016 : vector<16xf32>
        %get3A_1018 = arith.index_cast %scan3A_78 : i32 to index
        %get3A_1019 = arith.constant 928 : index
        %get3A_1020 = tpu.vector_load %arg13[%get3A_1018, %get3A_1019] {strides = array<i32>} : memref<16x1024xf32, #tpu.memory_space<vmem>>, vector<1x16xf32>,
        %get3A_1021 = vector.shape_cast %get3A_1020 : vector<1x16xf32> to vector<16xf32>
        %mul3A_1022 = arith.mulf %get3A_85, %get3A_1021 : vector<16xf32>
        %add3A_1023 = arith.addf %mul3A_1017, %mul3A_1022 : vector<16xf32>
        %swap3A_1024 = arith.index_cast %scan3A_78 : i32 to index
        %swap3A_1025 = arith.constant 928 : index
        %swap3A_1026 = tpu.vector_load %arg14[%swap3A_1024, %swap3A_1025] {strides = array<i32>} : memref<16x1024xf32, #tpu.memory_space<vmem>>, vector<1x16xf32>,
        %swap3A_1027 = vector.shape_cast %swap3A_1026 : vector<1x16xf32> to vector<16xf32>
        %swap3A_1028 = vector.shape_cast %add3A_1023 : vector<16xf32> to vector<1x16xf32>
        tpu.vector_store %arg14[%swap3A_1024, %swap3A_1025], %swap3A_1028 {strides = array<i32>} : memref<16x1024xf32, #tpu.memory_space<vmem>>, vector<1x16xf32>,
        %get3A_1029 = arith.index_cast %scan3A_78 : i32 to index
        %get3A_1030 = arith.constant 944 : index
        %get3A_1031 = tpu.vector_load %arg12[%get3A_1029, %get3A_1030] {strides = array<i32>} : memref<16x1024xf32, #tpu.memory_space<vmem>>, vector<1x16xf32>,
        %get3A_1032 = vector.shape_cast %get3A_1031 : vector<1x16xf32> to vector<16xf32>
        %mul3A_1033 = arith.mulf %get3A_81, %get3A_1032 : vector<16xf32>
        %get3A_1034 = arith.index_cast %scan3A_78 : i32 to index
        %get3A_1035 = arith.constant 944 : index
        %get3A_1036 = tpu.vector_load %arg13[%get3A_1034, %get3A_1035] {strides = array<i32>} : memref<16x1024xf32, #tpu.memory_space<vmem>>, vector<1x16xf32>,
        %get3A_1037 = vector.shape_cast %get3A_1036 : vector<1x16xf32> to vector<16xf32>
        %mul3A_1038 = arith.mulf %get3A_85, %get3A_1037 : vector<16xf32>
        %add3A_1039 = arith.addf %mul3A_1033, %mul3A_1038 : vector<16xf32>
        %swap3A_1040 = arith.index_cast %scan3A_78 : i32 to index
        %swap3A_1041 = arith.constant 944 : index
        %swap3A_1042 = tpu.vector_load %arg14[%swap3A_1040, %swap3A_1041] {strides = array<i32>} : memref<16x1024xf32, #tpu.memory_space<vmem>>, vector<1x16xf32>,
        %swap3A_1043 = vector.shape_cast %swap3A_1042 : vector<1x16xf32> to vector<16xf32>
        %swap3A_1044 = vector.shape_cast %add3A_1039 : vector<16xf32> to vector<1x16xf32>
        tpu.vector_store %arg14[%swap3A_1040, %swap3A_1041], %swap3A_1044 {strides = array<i32>} : memref<16x1024xf32, #tpu.memory_space<vmem>>, vector<1x16xf32>,
        %get3A_1045 = arith.index_cast %scan3A_78 : i32 to index
        %get3A_1046 = arith.constant 960 : index
        %get3A_1047 = tpu.vector_load %arg12[%get3A_1045, %get3A_1046] {strides = array<i32>} : memref<16x1024xf32, #tpu.memory_space<vmem>>, vector<1x16xf32>,
        %get3A_1048 = vector.shape_cast %get3A_1047 : vector<1x16xf32> to vector<16xf32>
        %mul3A_1049 = arith.mulf %get3A_81, %get3A_1048 : vector<16xf32>
        %get3A_1050 = arith.index_cast %scan3A_78 : i32 to index
        %get3A_1051 = arith.constant 960 : index
        %get3A_1052 = tpu.vector_load %arg13[%get3A_1050, %get3A_1051] {strides = array<i32>} : memref<16x1024xf32, #tpu.memory_space<vmem>>, vector<1x16xf32>,
        %get3A_1053 = vector.shape_cast %get3A_1052 : vector<1x16xf32> to vector<16xf32>
        %mul3A_1054 = arith.mulf %get3A_85, %get3A_1053 : vector<16xf32>
        %add3A_1055 = arith.addf %mul3A_1049, %mul3A_1054 : vector<16xf32>
        %swap3A_1056 = arith.index_cast %scan3A_78 : i32 to index
        %swap3A_1057 = arith.constant 960 : index
        %swap3A_1058 = tpu.vector_load %arg14[%swap3A_1056, %swap3A_1057] {strides = array<i32>} : memref<16x1024xf32, #tpu.memory_space<vmem>>, vector<1x16xf32>,
        %swap3A_1059 = vector.shape_cast %swap3A_1058 : vector<1x16xf32> to vector<16xf32>
        %swap3A_1060 = vector.shape_cast %add3A_1055 : vector<16xf32> to vector<1x16xf32>
        tpu.vector_store %arg14[%swap3A_1056, %swap3A_1057], %swap3A_1060 {strides = array<i32>} : memref<16x1024xf32, #tpu.memory_space<vmem>>, vector<1x16xf32>,
        %get3A_1061 = arith.index_cast %scan3A_78 : i32 to index
        %get3A_1062 = arith.constant 976 : index
        %get3A_1063 = tpu.vector_load %arg12[%get3A_1061, %get3A_1062] {strides = array<i32>} : memref<16x1024xf32, #tpu.memory_space<vmem>>, vector<1x16xf32>,
        %get3A_1064 = vector.shape_cast %get3A_1063 : vector<1x16xf32> to vector<16xf32>
        %mul3A_1065 = arith.mulf %get3A_81, %get3A_1064 : vector<16xf32>
        %get3A_1066 = arith.index_cast %scan3A_78 : i32 to index
        %get3A_1067 = arith.constant 976 : index
        %get3A_1068 = tpu.vector_load %arg13[%get3A_1066, %get3A_1067] {strides = array<i32>} : memref<16x1024xf32, #tpu.memory_space<vmem>>, vector<1x16xf32>,
        %get3A_1069 = vector.shape_cast %get3A_1068 : vector<1x16xf32> to vector<16xf32>
        %mul3A_1070 = arith.mulf %get3A_85, %get3A_1069 : vector<16xf32>
        %add3A_1071 = arith.addf %mul3A_1065, %mul3A_1070 : vector<16xf32>
        %swap3A_1072 = arith.index_cast %scan3A_78 : i32 to index
        %swap3A_1073 = arith.constant 976 : index
        %swap3A_1074 = tpu.vector_load %arg14[%swap3A_1072, %swap3A_1073] {strides = array<i32>} : memref<16x1024xf32, #tpu.memory_space<vmem>>, vector<1x16xf32>,
        %swap3A_1075 = vector.shape_cast %swap3A_1074 : vector<1x16xf32> to vector<16xf32>
        %swap3A_1076 = vector.shape_cast %add3A_1071 : vector<16xf32> to vector<1x16xf32>
        tpu.vector_store %arg14[%swap3A_1072, %swap3A_1073], %swap3A_1076 {strides = array<i32>} : memref<16x1024xf32, #tpu.memory_space<vmem>>, vector<1x16xf32>,
        %get3A_1077 = arith.index_cast %scan3A_78 : i32 to index
        %get3A_1078 = arith.constant 992 : index
        %get3A_1079 = tpu.vector_load %arg12[%get3A_1077, %get3A_1078] {strides = array<i32>} : memref<16x1024xf32, #tpu.memory_space<vmem>>, vector<1x16xf32>,
        %get3A_1080 = vector.shape_cast %get3A_1079 : vector<1x16xf32> to vector<16xf32>
        %mul3A_1081 = arith.mulf %get3A_81, %get3A_1080 : vector<16xf32>
        %get3A_1082 = arith.index_cast %scan3A_78 : i32 to index
        %get3A_1083 = arith.constant 992 : index
        %get3A_1084 = tpu.vector_load %arg13[%get3A_1082, %get3A_1083] {strides = array<i32>} : memref<16x1024xf32, #tpu.memory_space<vmem>>, vector<1x16xf32>,
        %get3A_1085 = vector.shape_cast %get3A_1084 : vector<1x16xf32> to vector<16xf32>
        %mul3A_1086 = arith.mulf %get3A_85, %get3A_1085 : vector<16xf32>
        %add3A_1087 = arith.addf %mul3A_1081, %mul3A_1086 : vector<16xf32>
        %swap3A_1088 = arith.index_cast %scan3A_78 : i32 to index
        %swap3A_1089 = arith.constant 992 : index
        %swap3A_1090 = tpu.vector_load %arg14[%swap3A_1088, %swap3A_1089] {strides = array<i32>} : memref<16x1024xf32, #tpu.memory_space<vmem>>, vector<1x16xf32>,
        %swap3A_1091 = vector.shape_cast %swap3A_1090 : vector<1x16xf32> to vector<16xf32>
        %swap3A_1092 = vector.shape_cast %add3A_1087 : vector<16xf32> to vector<1x16xf32>
        tpu.vector_store %arg14[%swap3A_1088, %swap3A_1089], %swap3A_1092 {strides = array<i32>} : memref<16x1024xf32, #tpu.memory_space<vmem>>, vector<1x16xf32>,
        %get3A_1093 = arith.index_cast %scan3A_78 : i32 to index
        %get3A_1094 = arith.constant 1008 : index
        %get3A_1095 = tpu.vector_load %arg12[%get3A_1093, %get3A_1094] {strides = array<i32>} : memref<16x1024xf32, #tpu.memory_space<vmem>>, vector<1x16xf32>,
        %get3A_1096 = vector.shape_cast %get3A_1095 : vector<1x16xf32> to vector<16xf32>
        %mul3A_1097 = arith.mulf %get3A_81, %get3A_1096 : vector<16xf32>
        %get3A_1098 = arith.index_cast %scan3A_78 : i32 to index
        %get3A_1099 = arith.constant 1008 : index
        %get3A_1100 = tpu.vector_load %arg13[%get3A_1098, %get3A_1099] {strides = array<i32>} : memref<16x1024xf32, #tpu.memory_space<vmem>>, vector<1x16xf32>,
        %get3A_1101 = vector.shape_cast %get3A_1100 : vector<1x16xf32> to vector<16xf32>
        %mul3A_1102 = arith.mulf %get3A_85, %get3A_1101 : vector<16xf32>
        %add3A_1103 = arith.addf %mul3A_1097, %mul3A_1102 : vector<16xf32>
        %swap3A_1104 = arith.index_cast %scan3A_78 : i32 to index
        %swap3A_1105 = arith.constant 1008 : index
        %swap3A_1106 = tpu.vector_load %arg14[%swap3A_1104, %swap3A_1105] {strides = array<i32>} : memref<16x1024xf32, #tpu.memory_space<vmem>>, vector<1x16xf32>,
        %swap3A_1107 = vector.shape_cast %swap3A_1106 : vector<1x16xf32> to vector<16xf32>
        %swap3A_1108 = vector.shape_cast %add3A_1103 : vector<16xf32> to vector<1x16xf32>
        tpu.vector_store %arg14[%swap3A_1104, %swap3A_1105], %swap3A_1108 {strides = array<i32>} : memref<16x1024xf32, #tpu.memory_space<vmem>>, vector<1x16xf32>,
      }
      %scan3A_51 = arith.constant 16 : i32
      %dma_start3A_52 = arith.constant 0 : i32
      %dma_start3A_53 = tpu.memref_slice %arg7[%add3A_37, %dma_start3A_52] : memref<8192x1024xf32, #tpu.memory_space<hbm>> -> memref<16x1024xf32, #tpu.memory_space<hbm>>
      %dma_start3A_54 = arith.constant 0 : i32
      %dma_start3A_55 = tpu.memref_slice %arg7[%add3A_37, %dma_start3A_54] : memref<8192x1024xf32, #tpu.memory_space<hbm>> -> memref<16x1024xf32, #tpu.memory_space<hbm>>
      tpu.enqueue_dma source(%arg14 : memref<16x1024xf32, #tpu.memory_space<vmem>>) target(%dma_start3A_55 : memref<16x1024xf32, #tpu.memory_space<hbm>>) target_semaphore(%arg26 : memref<!tpu.dma_semaphore, #tpu.memory_space<semaphore_mem>>)
      %dma_wait3A_56 = arith.constant 0 : i32
      %dma_wait3A_57 = arith.constant 0 : i32
      %dma_wait3A_58 = tpu.memref_slice %arg2[%dma_wait3A_56, %dma_wait3A_57] : memref<20480x1024xf32, #tpu.memory_space<hbm>> -> memref<20480x1024xf32, #tpu.memory_space<hbm>>
      tpu.wait_indirect_dma semaphore(%arg24 : memref<!tpu.dma_semaphore, #tpu.memory_space<semaphore_mem>>) src(%dma_wait3A_58 : memref<20480x1024xf32, #tpu.memory_space<hbm>>) dst(%arg19 : memref<16x1024xf32, #tpu.memory_space<vmem>>)
      %dma_wait3A_59 = arith.constant 0 : i32
      %dma_wait3A_60 = arith.constant 0 : i32
      %dma_wait3A_61 = tpu.memref_slice %arg2[%dma_wait3A_59, %dma_wait3A_60] : memref<20480x1024xf32, #tpu.memory_space<hbm>> -> memref<20480x1024xf32, #tpu.memory_space<hbm>>
      tpu.wait_indirect_dma semaphore(%arg25 : memref<!tpu.dma_semaphore, #tpu.memory_space<semaphore_mem>>) src(%dma_wait3A_61 : memref<20480x1024xf32, #tpu.memory_space<hbm>>) dst(%arg20 : memref<16x1024xf32, #tpu.memory_space<vmem>>)
      %scan3A_62 = arith.constant 0 : i32
      %scan3A_63 = arith.constant 0 : i32
      %scan3A_64 = arith.constant 16 : i32
      %scan3A_65 = arith.addi %scan3A_63, %scan3A_64 : i32
      %scan3A_66 = arith.constant 1 : i32
      scf.for %scan3A_78 = %scan3A_63 to %scan3A_65 step %scan3A_66  : i32 {
        %get3A = arith.index_cast %scan3A_78 : i32 to index
        %get3A_79 = arith.constant 0 : index
        %get3A_80 = tpu.vector_load %arg17[%get3A, %get3A_79] {strides = array<i32>} : memref<16x16xf32, #tpu.memory_space<vmem>>, vector<1x16xf32>,
        %get3A_81 = vector.shape_cast %get3A_80 : vector<1x16xf32> to vector<16xf32>
        %get3A_82 = arith.index_cast %scan3A_78 : i32 to index
        %get3A_83 = arith.constant 0 : index
        %get3A_84 = tpu.vector_load %arg18[%get3A_82, %get3A_83] {strides = array<i32>} : memref<16x16xf32, #tpu.memory_space<vmem>>, vector<1x16xf32>,
        %get3A_85 = vector.shape_cast %get3A_84 : vector<1x16xf32> to vector<16xf32>
        %get3A_86 = arith.index_cast %scan3A_78 : i32 to index
        %get3A_87 = arith.constant 0 : index
        %get3A_88 = tpu.vector_load %arg19[%get3A_86, %get3A_87] {strides = array<i32>} : memref<16x1024xf32, #tpu.memory_space<vmem>>, vector<1x16xf32>,
        %get3A_89 = vector.shape_cast %get3A_88 : vector<1x16xf32> to vector<16xf32>
        %mul3A_90 = arith.mulf %get3A_81, %get3A_89 : vector<16xf32>
        %get3A_91 = arith.index_cast %scan3A_78 : i32 to index
        %get3A_92 = arith.constant 0 : index
        %get3A_93 = tpu.vector_load %arg20[%get3A_91, %get3A_92] {strides = array<i32>} : memref<16x1024xf32, #tpu.memory_space<vmem>>, vector<1x16xf32>,
        %get3A_94 = vector.shape_cast %get3A_93 : vector<1x16xf32> to vector<16xf32>
        %mul3A_95 = arith.mulf %get3A_85, %get3A_94 : vector<16xf32>
        %add3A_96 = arith.addf %mul3A_90, %mul3A_95 : vector<16xf32>
        %swap3A = arith.index_cast %scan3A_78 : i32 to index
        %swap3A_97 = arith.constant 0 : index
        %swap3A_98 = tpu.vector_load %arg21[%swap3A, %swap3A_97] {strides = array<i32>} : memref<16x1024xf32, #tpu.memory_space<vmem>>, vector<1x16xf32>,
        %swap3A_99 = vector.shape_cast %swap3A_98 : vector<1x16xf32> to vector<16xf32>
        %swap3A_100 = vector.shape_cast %add3A_96 : vector<16xf32> to vector<1x16xf32>
        tpu.vector_store %arg21[%swap3A, %swap3A_97], %swap3A_100 {strides = array<i32>} : memref<16x1024xf32, #tpu.memory_space<vmem>>, vector<1x16xf32>,
        %get3A_101 = arith.index_cast %scan3A_78 : i32 to index
        %get3A_102 = arith.constant 16 : index
        %get3A_103 = tpu.vector_load %arg19[%get3A_101, %get3A_102] {strides = array<i32>} : memref<16x1024xf32, #tpu.memory_space<vmem>>, vector<1x16xf32>,
        %get3A_104 = vector.shape_cast %get3A_103 : vector<1x16xf32> to vector<16xf32>
        %mul3A_105 = arith.mulf %get3A_81, %get3A_104 : vector<16xf32>
        %get3A_106 = arith.index_cast %scan3A_78 : i32 to index
        %get3A_107 = arith.constant 16 : index
        %get3A_108 = tpu.vector_load %arg20[%get3A_106, %get3A_107] {strides = array<i32>} : memref<16x1024xf32, #tpu.memory_space<vmem>>, vector<1x16xf32>,
        %get3A_109 = vector.shape_cast %get3A_108 : vector<1x16xf32> to vector<16xf32>
        %mul3A_110 = arith.mulf %get3A_85, %get3A_109 : vector<16xf32>
        %add3A_111 = arith.addf %mul3A_105, %mul3A_110 : vector<16xf32>
        %swap3A_112 = arith.index_cast %scan3A_78 : i32 to index
        %swap3A_113 = arith.constant 16 : index
        %swap3A_114 = tpu.vector_load %arg21[%swap3A_112, %swap3A_113] {strides = array<i32>} : memref<16x1024xf32, #tpu.memory_space<vmem>>, vector<1x16xf32>,
        %swap3A_115 = vector.shape_cast %swap3A_114 : vector<1x16xf32> to vector<16xf32>
        %swap3A_116 = vector.shape_cast %add3A_111 : vector<16xf32> to vector<1x16xf32>
        tpu.vector_store %arg21[%swap3A_112, %swap3A_113], %swap3A_116 {strides = array<i32>} : memref<16x1024xf32, #tpu.memory_space<vmem>>, vector<1x16xf32>,
        %get3A_117 = arith.index_cast %scan3A_78 : i32 to index
        %get3A_118 = arith.constant 32 : index
        %get3A_119 = tpu.vector_load %arg19[%get3A_117, %get3A_118] {strides = array<i32>} : memref<16x1024xf32, #tpu.memory_space<vmem>>, vector<1x16xf32>,
        %get3A_120 = vector.shape_cast %get3A_119 : vector<1x16xf32> to vector<16xf32>
        %mul3A_121 = arith.mulf %get3A_81, %get3A_120 : vector<16xf32>
        %get3A_122 = arith.index_cast %scan3A_78 : i32 to index
        %get3A_123 = arith.constant 32 : index
        %get3A_124 = tpu.vector_load %arg20[%get3A_122, %get3A_123] {strides = array<i32>} : memref<16x1024xf32, #tpu.memory_space<vmem>>, vector<1x16xf32>,
        %get3A_125 = vector.shape_cast %get3A_124 : vector<1x16xf32> to vector<16xf32>
        %mul3A_126 = arith.mulf %get3A_85, %get3A_125 : vector<16xf32>
        %add3A_127 = arith.addf %mul3A_121, %mul3A_126 : vector<16xf32>
        %swap3A_128 = arith.index_cast %scan3A_78 : i32 to index
        %swap3A_129 = arith.constant 32 : index
        %swap3A_130 = tpu.vector_load %arg21[%swap3A_128, %swap3A_129] {strides = array<i32>} : memref<16x1024xf32, #tpu.memory_space<vmem>>, vector<1x16xf32>,
        %swap3A_131 = vector.shape_cast %swap3A_130 : vector<1x16xf32> to vector<16xf32>
        %swap3A_132 = vector.shape_cast %add3A_127 : vector<16xf32> to vector<1x16xf32>
        tpu.vector_store %arg21[%swap3A_128, %swap3A_129], %swap3A_132 {strides = array<i32>} : memref<16x1024xf32, #tpu.memory_space<vmem>>, vector<1x16xf32>,
        %get3A_133 = arith.index_cast %scan3A_78 : i32 to index
        %get3A_134 = arith.constant 48 : index
        %get3A_135 = tpu.vector_load %arg19[%get3A_133, %get3A_134] {strides = array<i32>} : memref<16x1024xf32, #tpu.memory_space<vmem>>, vector<1x16xf32>,
        %get3A_136 = vector.shape_cast %get3A_135 : vector<1x16xf32> to vector<16xf32>
        %mul3A_137 = arith.mulf %get3A_81, %get3A_136 : vector<16xf32>
        %get3A_138 = arith.index_cast %scan3A_78 : i32 to index
        %get3A_139 = arith.constant 48 : index
        %get3A_140 = tpu.vector_load %arg20[%get3A_138, %get3A_139] {strides = array<i32>} : memref<16x1024xf32, #tpu.memory_space<vmem>>, vector<1x16xf32>,
        %get3A_141 = vector.shape_cast %get3A_140 : vector<1x16xf32> to vector<16xf32>
        %mul3A_142 = arith.mulf %get3A_85, %get3A_141 : vector<16xf32>
        %add3A_143 = arith.addf %mul3A_137, %mul3A_142 : vector<16xf32>
        %swap3A_144 = arith.index_cast %scan3A_78 : i32 to index
        %swap3A_145 = arith.constant 48 : index
        %swap3A_146 = tpu.vector_load %arg21[%swap3A_144, %swap3A_145] {strides = array<i32>} : memref<16x1024xf32, #tpu.memory_space<vmem>>, vector<1x16xf32>,
        %swap3A_147 = vector.shape_cast %swap3A_146 : vector<1x16xf32> to vector<16xf32>
        %swap3A_148 = vector.shape_cast %add3A_143 : vector<16xf32> to vector<1x16xf32>
        tpu.vector_store %arg21[%swap3A_144, %swap3A_145], %swap3A_148 {strides = array<i32>} : memref<16x1024xf32, #tpu.memory_space<vmem>>, vector<1x16xf32>,
        %get3A_149 = arith.index_cast %scan3A_78 : i32 to index
        %get3A_150 = arith.constant 64 : index
        %get3A_151 = tpu.vector_load %arg19[%get3A_149, %get3A_150] {strides = array<i32>} : memref<16x1024xf32, #tpu.memory_space<vmem>>, vector<1x16xf32>,
        %get3A_152 = vector.shape_cast %get3A_151 : vector<1x16xf32> to vector<16xf32>
        %mul3A_153 = arith.mulf %get3A_81, %get3A_152 : vector<16xf32>
        %get3A_154 = arith.index_cast %scan3A_78 : i32 to index
        %get3A_155 = arith.constant 64 : index
        %get3A_156 = tpu.vector_load %arg20[%get3A_154, %get3A_155] {strides = array<i32>} : memref<16x1024xf32, #tpu.memory_space<vmem>>, vector<1x16xf32>,
        %get3A_157 = vector.shape_cast %get3A_156 : vector<1x16xf32> to vector<16xf32>
        %mul3A_158 = arith.mulf %get3A_85, %get3A_157 : vector<16xf32>
        %add3A_159 = arith.addf %mul3A_153, %mul3A_158 : vector<16xf32>
        %swap3A_160 = arith.index_cast %scan3A_78 : i32 to index
        %swap3A_161 = arith.constant 64 : index
        %swap3A_162 = tpu.vector_load %arg21[%swap3A_160, %swap3A_161] {strides = array<i32>} : memref<16x1024xf32, #tpu.memory_space<vmem>>, vector<1x16xf32>,
        %swap3A_163 = vector.shape_cast %swap3A_162 : vector<1x16xf32> to vector<16xf32>
        %swap3A_164 = vector.shape_cast %add3A_159 : vector<16xf32> to vector<1x16xf32>
        tpu.vector_store %arg21[%swap3A_160, %swap3A_161], %swap3A_164 {strides = array<i32>} : memref<16x1024xf32, #tpu.memory_space<vmem>>, vector<1x16xf32>,
        %get3A_165 = arith.index_cast %scan3A_78 : i32 to index
        %get3A_166 = arith.constant 80 : index
        %get3A_167 = tpu.vector_load %arg19[%get3A_165, %get3A_166] {strides = array<i32>} : memref<16x1024xf32, #tpu.memory_space<vmem>>, vector<1x16xf32>,
        %get3A_168 = vector.shape_cast %get3A_167 : vector<1x16xf32> to vector<16xf32>
        %mul3A_169 = arith.mulf %get3A_81, %get3A_168 : vector<16xf32>
        %get3A_170 = arith.index_cast %scan3A_78 : i32 to index
        %get3A_171 = arith.constant 80 : index
        %get3A_172 = tpu.vector_load %arg20[%get3A_170, %get3A_171] {strides = array<i32>} : memref<16x1024xf32, #tpu.memory_space<vmem>>, vector<1x16xf32>,
        %get3A_173 = vector.shape_cast %get3A_172 : vector<1x16xf32> to vector<16xf32>
        %mul3A_174 = arith.mulf %get3A_85, %get3A_173 : vector<16xf32>
        %add3A_175 = arith.addf %mul3A_169, %mul3A_174 : vector<16xf32>
        %swap3A_176 = arith.index_cast %scan3A_78 : i32 to index
        %swap3A_177 = arith.constant 80 : index
        %swap3A_178 = tpu.vector_load %arg21[%swap3A_176, %swap3A_177] {strides = array<i32>} : memref<16x1024xf32, #tpu.memory_space<vmem>>, vector<1x16xf32>,
        %swap3A_179 = vector.shape_cast %swap3A_178 : vector<1x16xf32> to vector<16xf32>
        %swap3A_180 = vector.shape_cast %add3A_175 : vector<16xf32> to vector<1x16xf32>
        tpu.vector_store %arg21[%swap3A_176, %swap3A_177], %swap3A_180 {strides = array<i32>} : memref<16x1024xf32, #tpu.memory_space<vmem>>, vector<1x16xf32>,
        %get3A_181 = arith.index_cast %scan3A_78 : i32 to index
        %get3A_182 = arith.constant 96 : index
        %get3A_183 = tpu.vector_load %arg19[%get3A_181, %get3A_182] {strides = array<i32>} : memref<16x1024xf32, #tpu.memory_space<vmem>>, vector<1x16xf32>,
        %get3A_184 = vector.shape_cast %get3A_183 : vector<1x16xf32> to vector<16xf32>
        %mul3A_185 = arith.mulf %get3A_81, %get3A_184 : vector<16xf32>
        %get3A_186 = arith.index_cast %scan3A_78 : i32 to index
        %get3A_187 = arith.constant 96 : index
        %get3A_188 = tpu.vector_load %arg20[%get3A_186, %get3A_187] {strides = array<i32>} : memref<16x1024xf32, #tpu.memory_space<vmem>>, vector<1x16xf32>,
        %get3A_189 = vector.shape_cast %get3A_188 : vector<1x16xf32> to vector<16xf32>
        %mul3A_190 = arith.mulf %get3A_85, %get3A_189 : vector<16xf32>
        %add3A_191 = arith.addf %mul3A_185, %mul3A_190 : vector<16xf32>
        %swap3A_192 = arith.index_cast %scan3A_78 : i32 to index
        %swap3A_193 = arith.constant 96 : index
        %swap3A_194 = tpu.vector_load %arg21[%swap3A_192, %swap3A_193] {strides = array<i32>} : memref<16x1024xf32, #tpu.memory_space<vmem>>, vector<1x16xf32>,
        %swap3A_195 = vector.shape_cast %swap3A_194 : vector<1x16xf32> to vector<16xf32>
        %swap3A_196 = vector.shape_cast %add3A_191 : vector<16xf32> to vector<1x16xf32>
        tpu.vector_store %arg21[%swap3A_192, %swap3A_193], %swap3A_196 {strides = array<i32>} : memref<16x1024xf32, #tpu.memory_space<vmem>>, vector<1x16xf32>,
        %get3A_197 = arith.index_cast %scan3A_78 : i32 to index
        %get3A_198 = arith.constant 112 : index
        %get3A_199 = tpu.vector_load %arg19[%get3A_197, %get3A_198] {strides = array<i32>} : memref<16x1024xf32, #tpu.memory_space<vmem>>, vector<1x16xf32>,
        %get3A_200 = vector.shape_cast %get3A_199 : vector<1x16xf32> to vector<16xf32>
        %mul3A_201 = arith.mulf %get3A_81, %get3A_200 : vector<16xf32>
        %get3A_202 = arith.index_cast %scan3A_78 : i32 to index
        %get3A_203 = arith.constant 112 : index
        %get3A_204 = tpu.vector_load %arg20[%get3A_202, %get3A_203] {strides = array<i32>} : memref<16x1024xf32, #tpu.memory_space<vmem>>, vector<1x16xf32>,
        %get3A_205 = vector.shape_cast %get3A_204 : vector<1x16xf32> to vector<16xf32>
        %mul3A_206 = arith.mulf %get3A_85, %get3A_205 : vector<16xf32>
        %add3A_207 = arith.addf %mul3A_201, %mul3A_206 : vector<16xf32>
        %swap3A_208 = arith.index_cast %scan3A_78 : i32 to index
        %swap3A_209 = arith.constant 112 : index
        %swap3A_210 = tpu.vector_load %arg21[%swap3A_208, %swap3A_209] {strides = array<i32>} : memref<16x1024xf32, #tpu.memory_space<vmem>>, vector<1x16xf32>,
        %swap3A_211 = vector.shape_cast %swap3A_210 : vector<1x16xf32> to vector<16xf32>
        %swap3A_212 = vector.shape_cast %add3A_207 : vector<16xf32> to vector<1x16xf32>
        tpu.vector_store %arg21[%swap3A_208, %swap3A_209], %swap3A_212 {strides = array<i32>} : memref<16x1024xf32, #tpu.memory_space<vmem>>, vector<1x16xf32>,
        %get3A_213 = arith.index_cast %scan3A_78 : i32 to index
        %get3A_214 = arith.constant 128 : index
        %get3A_215 = tpu.vector_load %arg19[%get3A_213, %get3A_214] {strides = array<i32>} : memref<16x1024xf32, #tpu.memory_space<vmem>>, vector<1x16xf32>,
        %get3A_216 = vector.shape_cast %get3A_215 : vector<1x16xf32> to vector<16xf32>
        %mul3A_217 = arith.mulf %get3A_81, %get3A_216 : vector<16xf32>
        %get3A_218 = arith.index_cast %scan3A_78 : i32 to index
        %get3A_219 = arith.constant 128 : index
        %get3A_220 = tpu.vector_load %arg20[%get3A_218, %get3A_219] {strides = array<i32>} : memref<16x1024xf32, #tpu.memory_space<vmem>>, vector<1x16xf32>,
        %get3A_221 = vector.shape_cast %get3A_220 : vector<1x16xf32> to vector<16xf32>
        %mul3A_222 = arith.mulf %get3A_85, %get3A_221 : vector<16xf32>
        %add3A_223 = arith.addf %mul3A_217, %mul3A_222 : vector<16xf32>
        %swap3A_224 = arith.index_cast %scan3A_78 : i32 to index
        %swap3A_225 = arith.constant 128 : index
        %swap3A_226 = tpu.vector_load %arg21[%swap3A_224, %swap3A_225] {strides = array<i32>} : memref<16x1024xf32, #tpu.memory_space<vmem>>, vector<1x16xf32>,
        %swap3A_227 = vector.shape_cast %swap3A_226 : vector<1x16xf32> to vector<16xf32>
        %swap3A_228 = vector.shape_cast %add3A_223 : vector<16xf32> to vector<1x16xf32>
        tpu.vector_store %arg21[%swap3A_224, %swap3A_225], %swap3A_228 {strides = array<i32>} : memref<16x1024xf32, #tpu.memory_space<vmem>>, vector<1x16xf32>,
        %get3A_229 = arith.index_cast %scan3A_78 : i32 to index
        %get3A_230 = arith.constant 144 : index
        %get3A_231 = tpu.vector_load %arg19[%get3A_229, %get3A_230] {strides = array<i32>} : memref<16x1024xf32, #tpu.memory_space<vmem>>, vector<1x16xf32>,
        %get3A_232 = vector.shape_cast %get3A_231 : vector<1x16xf32> to vector<16xf32>
        %mul3A_233 = arith.mulf %get3A_81, %get3A_232 : vector<16xf32>
        %get3A_234 = arith.index_cast %scan3A_78 : i32 to index
        %get3A_235 = arith.constant 144 : index
        %get3A_236 = tpu.vector_load %arg20[%get3A_234, %get3A_235] {strides = array<i32>} : memref<16x1024xf32, #tpu.memory_space<vmem>>, vector<1x16xf32>,
        %get3A_237 = vector.shape_cast %get3A_236 : vector<1x16xf32> to vector<16xf32>
        %mul3A_238 = arith.mulf %get3A_85, %get3A_237 : vector<16xf32>
        %add3A_239 = arith.addf %mul3A_233, %mul3A_238 : vector<16xf32>
        %swap3A_240 = arith.index_cast %scan3A_78 : i32 to index
        %swap3A_241 = arith.constant 144 : index
        %swap3A_242 = tpu.vector_load %arg21[%swap3A_240, %swap3A_241] {strides = array<i32>} : memref<16x1024xf32, #tpu.memory_space<vmem>>, vector<1x16xf32>,
        %swap3A_243 = vector.shape_cast %swap3A_242 : vector<1x16xf32> to vector<16xf32>
        %swap3A_244 = vector.shape_cast %add3A_239 : vector<16xf32> to vector<1x16xf32>
        tpu.vector_store %arg21[%swap3A_240, %swap3A_241], %swap3A_244 {strides = array<i32>} : memref<16x1024xf32, #tpu.memory_space<vmem>>, vector<1x16xf32>,
        %get3A_245 = arith.index_cast %scan3A_78 : i32 to index
        %get3A_246 = arith.constant 160 : index
        %get3A_247 = tpu.vector_load %arg19[%get3A_245, %get3A_246] {strides = array<i32>} : memref<16x1024xf32, #tpu.memory_space<vmem>>, vector<1x16xf32>,
        %get3A_248 = vector.shape_cast %get3A_247 : vector<1x16xf32> to vector<16xf32>
        %mul3A_249 = arith.mulf %get3A_81, %get3A_248 : vector<16xf32>
        %get3A_250 = arith.index_cast %scan3A_78 : i32 to index
        %get3A_251 = arith.constant 160 : index
        %get3A_252 = tpu.vector_load %arg20[%get3A_250, %get3A_251] {strides = array<i32>} : memref<16x1024xf32, #tpu.memory_space<vmem>>, vector<1x16xf32>,
        %get3A_253 = vector.shape_cast %get3A_252 : vector<1x16xf32> to vector<16xf32>
        %mul3A_254 = arith.mulf %get3A_85, %get3A_253 : vector<16xf32>
        %add3A_255 = arith.addf %mul3A_249, %mul3A_254 : vector<16xf32>
        %swap3A_256 = arith.index_cast %scan3A_78 : i32 to index
        %swap3A_257 = arith.constant 160 : index
        %swap3A_258 = tpu.vector_load %arg21[%swap3A_256, %swap3A_257] {strides = array<i32>} : memref<16x1024xf32, #tpu.memory_space<vmem>>, vector<1x16xf32>,
        %swap3A_259 = vector.shape_cast %swap3A_258 : vector<1x16xf32> to vector<16xf32>
        %swap3A_260 = vector.shape_cast %add3A_255 : vector<16xf32> to vector<1x16xf32>
        tpu.vector_store %arg21[%swap3A_256, %swap3A_257], %swap3A_260 {strides = array<i32>} : memref<16x1024xf32, #tpu.memory_space<vmem>>, vector<1x16xf32>,
        %get3A_261 = arith.index_cast %scan3A_78 : i32 to index
        %get3A_262 = arith.constant 176 : index
        %get3A_263 = tpu.vector_load %arg19[%get3A_261, %get3A_262] {strides = array<i32>} : memref<16x1024xf32, #tpu.memory_space<vmem>>, vector<1x16xf32>,
        %get3A_264 = vector.shape_cast %get3A_263 : vector<1x16xf32> to vector<16xf32>
        %mul3A_265 = arith.mulf %get3A_81, %get3A_264 : vector<16xf32>
        %get3A_266 = arith.index_cast %scan3A_78 : i32 to index
        %get3A_267 = arith.constant 176 : index
        %get3A_268 = tpu.vector_load %arg20[%get3A_266, %get3A_267] {strides = array<i32>} : memref<16x1024xf32, #tpu.memory_space<vmem>>, vector<1x16xf32>,
        %get3A_269 = vector.shape_cast %get3A_268 : vector<1x16xf32> to vector<16xf32>
        %mul3A_270 = arith.mulf %get3A_85, %get3A_269 : vector<16xf32>
        %add3A_271 = arith.addf %mul3A_265, %mul3A_270 : vector<16xf32>
        %swap3A_272 = arith.index_cast %scan3A_78 : i32 to index
        %swap3A_273 = arith.constant 176 : index
        %swap3A_274 = tpu.vector_load %arg21[%swap3A_272, %swap3A_273] {strides = array<i32>} : memref<16x1024xf32, #tpu.memory_space<vmem>>, vector<1x16xf32>,
        %swap3A_275 = vector.shape_cast %swap3A_274 : vector<1x16xf32> to vector<16xf32>
        %swap3A_276 = vector.shape_cast %add3A_271 : vector<16xf32> to vector<1x16xf32>
        tpu.vector_store %arg21[%swap3A_272, %swap3A_273], %swap3A_276 {strides = array<i32>} : memref<16x1024xf32, #tpu.memory_space<vmem>>, vector<1x16xf32>,
        %get3A_277 = arith.index_cast %scan3A_78 : i32 to index
        %get3A_278 = arith.constant 192 : index
        %get3A_279 = tpu.vector_load %arg19[%get3A_277, %get3A_278] {strides = array<i32>} : memref<16x1024xf32, #tpu.memory_space<vmem>>, vector<1x16xf32>,
        %get3A_280 = vector.shape_cast %get3A_279 : vector<1x16xf32> to vector<16xf32>
        %mul3A_281 = arith.mulf %get3A_81, %get3A_280 : vector<16xf32>
        %get3A_282 = arith.index_cast %scan3A_78 : i32 to index
        %get3A_283 = arith.constant 192 : index
        %get3A_284 = tpu.vector_load %arg20[%get3A_282, %get3A_283] {strides = array<i32>} : memref<16x1024xf32, #tpu.memory_space<vmem>>, vector<1x16xf32>,
        %get3A_285 = vector.shape_cast %get3A_284 : vector<1x16xf32> to vector<16xf32>
        %mul3A_286 = arith.mulf %get3A_85, %get3A_285 : vector<16xf32>
        %add3A_287 = arith.addf %mul3A_281, %mul3A_286 : vector<16xf32>
        %swap3A_288 = arith.index_cast %scan3A_78 : i32 to index
        %swap3A_289 = arith.constant 192 : index
        %swap3A_290 = tpu.vector_load %arg21[%swap3A_288, %swap3A_289] {strides = array<i32>} : memref<16x1024xf32, #tpu.memory_space<vmem>>, vector<1x16xf32>,
        %swap3A_291 = vector.shape_cast %swap3A_290 : vector<1x16xf32> to vector<16xf32>
        %swap3A_292 = vector.shape_cast %add3A_287 : vector<16xf32> to vector<1x16xf32>
        tpu.vector_store %arg21[%swap3A_288, %swap3A_289], %swap3A_292 {strides = array<i32>} : memref<16x1024xf32, #tpu.memory_space<vmem>>, vector<1x16xf32>,
        %get3A_293 = arith.index_cast %scan3A_78 : i32 to index
        %get3A_294 = arith.constant 208 : index
        %get3A_295 = tpu.vector_load %arg19[%get3A_293, %get3A_294] {strides = array<i32>} : memref<16x1024xf32, #tpu.memory_space<vmem>>, vector<1x16xf32>,
        %get3A_296 = vector.shape_cast %get3A_295 : vector<1x16xf32> to vector<16xf32>
        %mul3A_297 = arith.mulf %get3A_81, %get3A_296 : vector<16xf32>
        %get3A_298 = arith.index_cast %scan3A_78 : i32 to index
        %get3A_299 = arith.constant 208 : index
        %get3A_300 = tpu.vector_load %arg20[%get3A_298, %get3A_299] {strides = array<i32>} : memref<16x1024xf32, #tpu.memory_space<vmem>>, vector<1x16xf32>,
        %get3A_301 = vector.shape_cast %get3A_300 : vector<1x16xf32> to vector<16xf32>
        %mul3A_302 = arith.mulf %get3A_85, %get3A_301 : vector<16xf32>
        %add3A_303 = arith.addf %mul3A_297, %mul3A_302 : vector<16xf32>
        %swap3A_304 = arith.index_cast %scan3A_78 : i32 to index
        %swap3A_305 = arith.constant 208 : index
        %swap3A_306 = tpu.vector_load %arg21[%swap3A_304, %swap3A_305] {strides = array<i32>} : memref<16x1024xf32, #tpu.memory_space<vmem>>, vector<1x16xf32>,
        %swap3A_307 = vector.shape_cast %swap3A_306 : vector<1x16xf32> to vector<16xf32>
        %swap3A_308 = vector.shape_cast %add3A_303 : vector<16xf32> to vector<1x16xf32>
        tpu.vector_store %arg21[%swap3A_304, %swap3A_305], %swap3A_308 {strides = array<i32>} : memref<16x1024xf32, #tpu.memory_space<vmem>>, vector<1x16xf32>,
        %get3A_309 = arith.index_cast %scan3A_78 : i32 to index
        %get3A_310 = arith.constant 224 : index
        %get3A_311 = tpu.vector_load %arg19[%get3A_309, %get3A_310] {strides = array<i32>} : memref<16x1024xf32, #tpu.memory_space<vmem>>, vector<1x16xf32>,
        %get3A_312 = vector.shape_cast %get3A_311 : vector<1x16xf32> to vector<16xf32>
        %mul3A_313 = arith.mulf %get3A_81, %get3A_312 : vector<16xf32>
        %get3A_314 = arith.index_cast %scan3A_78 : i32 to index
        %get3A_315 = arith.constant 224 : index
        %get3A_316 = tpu.vector_load %arg20[%get3A_314, %get3A_315] {strides = array<i32>} : memref<16x1024xf32, #tpu.memory_space<vmem>>, vector<1x16xf32>,
        %get3A_317 = vector.shape_cast %get3A_316 : vector<1x16xf32> to vector<16xf32>
        %mul3A_318 = arith.mulf %get3A_85, %get3A_317 : vector<16xf32>
        %add3A_319 = arith.addf %mul3A_313, %mul3A_318 : vector<16xf32>
        %swap3A_320 = arith.index_cast %scan3A_78 : i32 to index
        %swap3A_321 = arith.constant 224 : index
        %swap3A_322 = tpu.vector_load %arg21[%swap3A_320, %swap3A_321] {strides = array<i32>} : memref<16x1024xf32, #tpu.memory_space<vmem>>, vector<1x16xf32>,
        %swap3A_323 = vector.shape_cast %swap3A_322 : vector<1x16xf32> to vector<16xf32>
        %swap3A_324 = vector.shape_cast %add3A_319 : vector<16xf32> to vector<1x16xf32>
        tpu.vector_store %arg21[%swap3A_320, %swap3A_321], %swap3A_324 {strides = array<i32>} : memref<16x1024xf32, #tpu.memory_space<vmem>>, vector<1x16xf32>,
        %get3A_325 = arith.index_cast %scan3A_78 : i32 to index
        %get3A_326 = arith.constant 240 : index
        %get3A_327 = tpu.vector_load %arg19[%get3A_325, %get3A_326] {strides = array<i32>} : memref<16x1024xf32, #tpu.memory_space<vmem>>, vector<1x16xf32>,
        %get3A_328 = vector.shape_cast %get3A_327 : vector<1x16xf32> to vector<16xf32>
        %mul3A_329 = arith.mulf %get3A_81, %get3A_328 : vector<16xf32>
        %get3A_330 = arith.index_cast %scan3A_78 : i32 to index
        %get3A_331 = arith.constant 240 : index
        %get3A_332 = tpu.vector_load %arg20[%get3A_330, %get3A_331] {strides = array<i32>} : memref<16x1024xf32, #tpu.memory_space<vmem>>, vector<1x16xf32>,
        %get3A_333 = vector.shape_cast %get3A_332 : vector<1x16xf32> to vector<16xf32>
        %mul3A_334 = arith.mulf %get3A_85, %get3A_333 : vector<16xf32>
        %add3A_335 = arith.addf %mul3A_329, %mul3A_334 : vector<16xf32>
        %swap3A_336 = arith.index_cast %scan3A_78 : i32 to index
        %swap3A_337 = arith.constant 240 : index
        %swap3A_338 = tpu.vector_load %arg21[%swap3A_336, %swap3A_337] {strides = array<i32>} : memref<16x1024xf32, #tpu.memory_space<vmem>>, vector<1x16xf32>,
        %swap3A_339 = vector.shape_cast %swap3A_338 : vector<1x16xf32> to vector<16xf32>
        %swap3A_340 = vector.shape_cast %add3A_335 : vector<16xf32> to vector<1x16xf32>
        tpu.vector_store %arg21[%swap3A_336, %swap3A_337], %swap3A_340 {strides = array<i32>} : memref<16x1024xf32, #tpu.memory_space<vmem>>, vector<1x16xf32>,
        %get3A_341 = arith.index_cast %scan3A_78 : i32 to index
        %get3A_342 = arith.constant 256 : index
        %get3A_343 = tpu.vector_load %arg19[%get3A_341, %get3A_342] {strides = array<i32>} : memref<16x1024xf32, #tpu.memory_space<vmem>>, vector<1x16xf32>,
        %get3A_344 = vector.shape_cast %get3A_343 : vector<1x16xf32> to vector<16xf32>
        %mul3A_345 = arith.mulf %get3A_81, %get3A_344 : vector<16xf32>
        %get3A_346 = arith.index_cast %scan3A_78 : i32 to index
        %get3A_347 = arith.constant 256 : index
        %get3A_348 = tpu.vector_load %arg20[%get3A_346, %get3A_347] {strides = array<i32>} : memref<16x1024xf32, #tpu.memory_space<vmem>>, vector<1x16xf32>,
        %get3A_349 = vector.shape_cast %get3A_348 : vector<1x16xf32> to vector<16xf32>
        %mul3A_350 = arith.mulf %get3A_85, %get3A_349 : vector<16xf32>
        %add3A_351 = arith.addf %mul3A_345, %mul3A_350 : vector<16xf32>
        %swap3A_352 = arith.index_cast %scan3A_78 : i32 to index
        %swap3A_353 = arith.constant 256 : index
        %swap3A_354 = tpu.vector_load %arg21[%swap3A_352, %swap3A_353] {strides = array<i32>} : memref<16x1024xf32, #tpu.memory_space<vmem>>, vector<1x16xf32>,
        %swap3A_355 = vector.shape_cast %swap3A_354 : vector<1x16xf32> to vector<16xf32>
        %swap3A_356 = vector.shape_cast %add3A_351 : vector<16xf32> to vector<1x16xf32>
        tpu.vector_store %arg21[%swap3A_352, %swap3A_353], %swap3A_356 {strides = array<i32>} : memref<16x1024xf32, #tpu.memory_space<vmem>>, vector<1x16xf32>,
        %get3A_357 = arith.index_cast %scan3A_78 : i32 to index
        %get3A_358 = arith.constant 272 : index
        %get3A_359 = tpu.vector_load %arg19[%get3A_357, %get3A_358] {strides = array<i32>} : memref<16x1024xf32, #tpu.memory_space<vmem>>, vector<1x16xf32>,
        %get3A_360 = vector.shape_cast %get3A_359 : vector<1x16xf32> to vector<16xf32>
        %mul3A_361 = arith.mulf %get3A_81, %get3A_360 : vector<16xf32>
        %get3A_362 = arith.index_cast %scan3A_78 : i32 to index
        %get3A_363 = arith.constant 272 : index
        %get3A_364 = tpu.vector_load %arg20[%get3A_362, %get3A_363] {strides = array<i32>} : memref<16x1024xf32, #tpu.memory_space<vmem>>, vector<1x16xf32>,
        %get3A_365 = vector.shape_cast %get3A_364 : vector<1x16xf32> to vector<16xf32>
        %mul3A_366 = arith.mulf %get3A_85, %get3A_365 : vector<16xf32>
        %add3A_367 = arith.addf %mul3A_361, %mul3A_366 : vector<16xf32>
        %swap3A_368 = arith.index_cast %scan3A_78 : i32 to index
        %swap3A_369 = arith.constant 272 : index
        %swap3A_370 = tpu.vector_load %arg21[%swap3A_368, %swap3A_369] {strides = array<i32>} : memref<16x1024xf32, #tpu.memory_space<vmem>>, vector<1x16xf32>,
        %swap3A_371 = vector.shape_cast %swap3A_370 : vector<1x16xf32> to vector<16xf32>
        %swap3A_372 = vector.shape_cast %add3A_367 : vector<16xf32> to vector<1x16xf32>
        tpu.vector_store %arg21[%swap3A_368, %swap3A_369], %swap3A_372 {strides = array<i32>} : memref<16x1024xf32, #tpu.memory_space<vmem>>, vector<1x16xf32>,
        %get3A_373 = arith.index_cast %scan3A_78 : i32 to index
        %get3A_374 = arith.constant 288 : index
        %get3A_375 = tpu.vector_load %arg19[%get3A_373, %get3A_374] {strides = array<i32>} : memref<16x1024xf32, #tpu.memory_space<vmem>>, vector<1x16xf32>,
        %get3A_376 = vector.shape_cast %get3A_375 : vector<1x16xf32> to vector<16xf32>
        %mul3A_377 = arith.mulf %get3A_81, %get3A_376 : vector<16xf32>
        %get3A_378 = arith.index_cast %scan3A_78 : i32 to index
        %get3A_379 = arith.constant 288 : index
        %get3A_380 = tpu.vector_load %arg20[%get3A_378, %get3A_379] {strides = array<i32>} : memref<16x1024xf32, #tpu.memory_space<vmem>>, vector<1x16xf32>,
        %get3A_381 = vector.shape_cast %get3A_380 : vector<1x16xf32> to vector<16xf32>
        %mul3A_382 = arith.mulf %get3A_85, %get3A_381 : vector<16xf32>
        %add3A_383 = arith.addf %mul3A_377, %mul3A_382 : vector<16xf32>
        %swap3A_384 = arith.index_cast %scan3A_78 : i32 to index
        %swap3A_385 = arith.constant 288 : index
        %swap3A_386 = tpu.vector_load %arg21[%swap3A_384, %swap3A_385] {strides = array<i32>} : memref<16x1024xf32, #tpu.memory_space<vmem>>, vector<1x16xf32>,
        %swap3A_387 = vector.shape_cast %swap3A_386 : vector<1x16xf32> to vector<16xf32>
        %swap3A_388 = vector.shape_cast %add3A_383 : vector<16xf32> to vector<1x16xf32>
        tpu.vector_store %arg21[%swap3A_384, %swap3A_385], %swap3A_388 {strides = array<i32>} : memref<16x1024xf32, #tpu.memory_space<vmem>>, vector<1x16xf32>,
        %get3A_389 = arith.index_cast %scan3A_78 : i32 to index
        %get3A_390 = arith.constant 304 : index
        %get3A_391 = tpu.vector_load %arg19[%get3A_389, %get3A_390] {strides = array<i32>} : memref<16x1024xf32, #tpu.memory_space<vmem>>, vector<1x16xf32>,
        %get3A_392 = vector.shape_cast %get3A_391 : vector<1x16xf32> to vector<16xf32>
        %mul3A_393 = arith.mulf %get3A_81, %get3A_392 : vector<16xf32>
        %get3A_394 = arith.index_cast %scan3A_78 : i32 to index
        %get3A_395 = arith.constant 304 : index
        %get3A_396 = tpu.vector_load %arg20[%get3A_394, %get3A_395] {strides = array<i32>} : memref<16x1024xf32, #tpu.memory_space<vmem>>, vector<1x16xf32>,
        %get3A_397 = vector.shape_cast %get3A_396 : vector<1x16xf32> to vector<16xf32>
        %mul3A_398 = arith.mulf %get3A_85, %get3A_397 : vector<16xf32>
        %add3A_399 = arith.addf %mul3A_393, %mul3A_398 : vector<16xf32>
        %swap3A_400 = arith.index_cast %scan3A_78 : i32 to index
        %swap3A_401 = arith.constant 304 : index
        %swap3A_402 = tpu.vector_load %arg21[%swap3A_400, %swap3A_401] {strides = array<i32>} : memref<16x1024xf32, #tpu.memory_space<vmem>>, vector<1x16xf32>,
        %swap3A_403 = vector.shape_cast %swap3A_402 : vector<1x16xf32> to vector<16xf32>
        %swap3A_404 = vector.shape_cast %add3A_399 : vector<16xf32> to vector<1x16xf32>
        tpu.vector_store %arg21[%swap3A_400, %swap3A_401], %swap3A_404 {strides = array<i32>} : memref<16x1024xf32, #tpu.memory_space<vmem>>, vector<1x16xf32>,
        %get3A_405 = arith.index_cast %scan3A_78 : i32 to index
        %get3A_406 = arith.constant 320 : index
        %get3A_407 = tpu.vector_load %arg19[%get3A_405, %get3A_406] {strides = array<i32>} : memref<16x1024xf32, #tpu.memory_space<vmem>>, vector<1x16xf32>,
        %get3A_408 = vector.shape_cast %get3A_407 : vector<1x16xf32> to vector<16xf32>
        %mul3A_409 = arith.mulf %get3A_81, %get3A_408 : vector<16xf32>
        %get3A_410 = arith.index_cast %scan3A_78 : i32 to index
        %get3A_411 = arith.constant 320 : index
        %get3A_412 = tpu.vector_load %arg20[%get3A_410, %get3A_411] {strides = array<i32>} : memref<16x1024xf32, #tpu.memory_space<vmem>>, vector<1x16xf32>,
        %get3A_413 = vector.shape_cast %get3A_412 : vector<1x16xf32> to vector<16xf32>
        %mul3A_414 = arith.mulf %get3A_85, %get3A_413 : vector<16xf32>
        %add3A_415 = arith.addf %mul3A_409, %mul3A_414 : vector<16xf32>
        %swap3A_416 = arith.index_cast %scan3A_78 : i32 to index
        %swap3A_417 = arith.constant 320 : index
        %swap3A_418 = tpu.vector_load %arg21[%swap3A_416, %swap3A_417] {strides = array<i32>} : memref<16x1024xf32, #tpu.memory_space<vmem>>, vector<1x16xf32>,
        %swap3A_419 = vector.shape_cast %swap3A_418 : vector<1x16xf32> to vector<16xf32>
        %swap3A_420 = vector.shape_cast %add3A_415 : vector<16xf32> to vector<1x16xf32>
        tpu.vector_store %arg21[%swap3A_416, %swap3A_417], %swap3A_420 {strides = array<i32>} : memref<16x1024xf32, #tpu.memory_space<vmem>>, vector<1x16xf32>,
        %get3A_421 = arith.index_cast %scan3A_78 : i32 to index
        %get3A_422 = arith.constant 336 : index
        %get3A_423 = tpu.vector_load %arg19[%get3A_421, %get3A_422] {strides = array<i32>} : memref<16x1024xf32, #tpu.memory_space<vmem>>, vector<1x16xf32>,
        %get3A_424 = vector.shape_cast %get3A_423 : vector<1x16xf32> to vector<16xf32>
        %mul3A_425 = arith.mulf %get3A_81, %get3A_424 : vector<16xf32>
        %get3A_426 = arith.index_cast %scan3A_78 : i32 to index
        %get3A_427 = arith.constant 336 : index
        %get3A_428 = tpu.vector_load %arg20[%get3A_426, %get3A_427] {strides = array<i32>} : memref<16x1024xf32, #tpu.memory_space<vmem>>, vector<1x16xf32>,
        %get3A_429 = vector.shape_cast %get3A_428 : vector<1x16xf32> to vector<16xf32>
        %mul3A_430 = arith.mulf %get3A_85, %get3A_429 : vector<16xf32>
        %add3A_431 = arith.addf %mul3A_425, %mul3A_430 : vector<16xf32>
        %swap3A_432 = arith.index_cast %scan3A_78 : i32 to index
        %swap3A_433 = arith.constant 336 : index
        %swap3A_434 = tpu.vector_load %arg21[%swap3A_432, %swap3A_433] {strides = array<i32>} : memref<16x1024xf32, #tpu.memory_space<vmem>>, vector<1x16xf32>,
        %swap3A_435 = vector.shape_cast %swap3A_434 : vector<1x16xf32> to vector<16xf32>
        %swap3A_436 = vector.shape_cast %add3A_431 : vector<16xf32> to vector<1x16xf32>
        tpu.vector_store %arg21[%swap3A_432, %swap3A_433], %swap3A_436 {strides = array<i32>} : memref<16x1024xf32, #tpu.memory_space<vmem>>, vector<1x16xf32>,
        %get3A_437 = arith.index_cast %scan3A_78 : i32 to index
        %get3A_438 = arith.constant 352 : index
        %get3A_439 = tpu.vector_load %arg19[%get3A_437, %get3A_438] {strides = array<i32>} : memref<16x1024xf32, #tpu.memory_space<vmem>>, vector<1x16xf32>,
        %get3A_440 = vector.shape_cast %get3A_439 : vector<1x16xf32> to vector<16xf32>
        %mul3A_441 = arith.mulf %get3A_81, %get3A_440 : vector<16xf32>
        %get3A_442 = arith.index_cast %scan3A_78 : i32 to index
        %get3A_443 = arith.constant 352 : index
        %get3A_444 = tpu.vector_load %arg20[%get3A_442, %get3A_443] {strides = array<i32>} : memref<16x1024xf32, #tpu.memory_space<vmem>>, vector<1x16xf32>,
        %get3A_445 = vector.shape_cast %get3A_444 : vector<1x16xf32> to vector<16xf32>
        %mul3A_446 = arith.mulf %get3A_85, %get3A_445 : vector<16xf32>
        %add3A_447 = arith.addf %mul3A_441, %mul3A_446 : vector<16xf32>
        %swap3A_448 = arith.index_cast %scan3A_78 : i32 to index
        %swap3A_449 = arith.constant 352 : index
        %swap3A_450 = tpu.vector_load %arg21[%swap3A_448, %swap3A_449] {strides = array<i32>} : memref<16x1024xf32, #tpu.memory_space<vmem>>, vector<1x16xf32>,
        %swap3A_451 = vector.shape_cast %swap3A_450 : vector<1x16xf32> to vector<16xf32>
        %swap3A_452 = vector.shape_cast %add3A_447 : vector<16xf32> to vector<1x16xf32>
        tpu.vector_store %arg21[%swap3A_448, %swap3A_449], %swap3A_452 {strides = array<i32>} : memref<16x1024xf32, #tpu.memory_space<vmem>>, vector<1x16xf32>,
        %get3A_453 = arith.index_cast %scan3A_78 : i32 to index
        %get3A_454 = arith.constant 368 : index
        %get3A_455 = tpu.vector_load %arg19[%get3A_453, %get3A_454] {strides = array<i32>} : memref<16x1024xf32, #tpu.memory_space<vmem>>, vector<1x16xf32>,
        %get3A_456 = vector.shape_cast %get3A_455 : vector<1x16xf32> to vector<16xf32>
        %mul3A_457 = arith.mulf %get3A_81, %get3A_456 : vector<16xf32>
        %get3A_458 = arith.index_cast %scan3A_78 : i32 to index
        %get3A_459 = arith.constant 368 : index
        %get3A_460 = tpu.vector_load %arg20[%get3A_458, %get3A_459] {strides = array<i32>} : memref<16x1024xf32, #tpu.memory_space<vmem>>, vector<1x16xf32>,
        %get3A_461 = vector.shape_cast %get3A_460 : vector<1x16xf32> to vector<16xf32>
        %mul3A_462 = arith.mulf %get3A_85, %get3A_461 : vector<16xf32>
        %add3A_463 = arith.addf %mul3A_457, %mul3A_462 : vector<16xf32>
        %swap3A_464 = arith.index_cast %scan3A_78 : i32 to index
        %swap3A_465 = arith.constant 368 : index
        %swap3A_466 = tpu.vector_load %arg21[%swap3A_464, %swap3A_465] {strides = array<i32>} : memref<16x1024xf32, #tpu.memory_space<vmem>>, vector<1x16xf32>,
        %swap3A_467 = vector.shape_cast %swap3A_466 : vector<1x16xf32> to vector<16xf32>
        %swap3A_468 = vector.shape_cast %add3A_463 : vector<16xf32> to vector<1x16xf32>
        tpu.vector_store %arg21[%swap3A_464, %swap3A_465], %swap3A_468 {strides = array<i32>} : memref<16x1024xf32, #tpu.memory_space<vmem>>, vector<1x16xf32>,
        %get3A_469 = arith.index_cast %scan3A_78 : i32 to index
        %get3A_470 = arith.constant 384 : index
        %get3A_471 = tpu.vector_load %arg19[%get3A_469, %get3A_470] {strides = array<i32>} : memref<16x1024xf32, #tpu.memory_space<vmem>>, vector<1x16xf32>,
        %get3A_472 = vector.shape_cast %get3A_471 : vector<1x16xf32> to vector<16xf32>
        %mul3A_473 = arith.mulf %get3A_81, %get3A_472 : vector<16xf32>
        %get3A_474 = arith.index_cast %scan3A_78 : i32 to index
        %get3A_475 = arith.constant 384 : index
        %get3A_476 = tpu.vector_load %arg20[%get3A_474, %get3A_475] {strides = array<i32>} : memref<16x1024xf32, #tpu.memory_space<vmem>>, vector<1x16xf32>,
        %get3A_477 = vector.shape_cast %get3A_476 : vector<1x16xf32> to vector<16xf32>
        %mul3A_478 = arith.mulf %get3A_85, %get3A_477 : vector<16xf32>
        %add3A_479 = arith.addf %mul3A_473, %mul3A_478 : vector<16xf32>
        %swap3A_480 = arith.index_cast %scan3A_78 : i32 to index
        %swap3A_481 = arith.constant 384 : index
        %swap3A_482 = tpu.vector_load %arg21[%swap3A_480, %swap3A_481] {strides = array<i32>} : memref<16x1024xf32, #tpu.memory_space<vmem>>, vector<1x16xf32>,
        %swap3A_483 = vector.shape_cast %swap3A_482 : vector<1x16xf32> to vector<16xf32>
        %swap3A_484 = vector.shape_cast %add3A_479 : vector<16xf32> to vector<1x16xf32>
        tpu.vector_store %arg21[%swap3A_480, %swap3A_481], %swap3A_484 {strides = array<i32>} : memref<16x1024xf32, #tpu.memory_space<vmem>>, vector<1x16xf32>,
        %get3A_485 = arith.index_cast %scan3A_78 : i32 to index
        %get3A_486 = arith.constant 400 : index
        %get3A_487 = tpu.vector_load %arg19[%get3A_485, %get3A_486] {strides = array<i32>} : memref<16x1024xf32, #tpu.memory_space<vmem>>, vector<1x16xf32>,
        %get3A_488 = vector.shape_cast %get3A_487 : vector<1x16xf32> to vector<16xf32>
        %mul3A_489 = arith.mulf %get3A_81, %get3A_488 : vector<16xf32>
        %get3A_490 = arith.index_cast %scan3A_78 : i32 to index
        %get3A_491 = arith.constant 400 : index
        %get3A_492 = tpu.vector_load %arg20[%get3A_490, %get3A_491] {strides = array<i32>} : memref<16x1024xf32, #tpu.memory_space<vmem>>, vector<1x16xf32>,
        %get3A_493 = vector.shape_cast %get3A_492 : vector<1x16xf32> to vector<16xf32>
        %mul3A_494 = arith.mulf %get3A_85, %get3A_493 : vector<16xf32>
        %add3A_495 = arith.addf %mul3A_489, %mul3A_494 : vector<16xf32>
        %swap3A_496 = arith.index_cast %scan3A_78 : i32 to index
        %swap3A_497 = arith.constant 400 : index
        %swap3A_498 = tpu.vector_load %arg21[%swap3A_496, %swap3A_497] {strides = array<i32>} : memref<16x1024xf32, #tpu.memory_space<vmem>>, vector<1x16xf32>,
        %swap3A_499 = vector.shape_cast %swap3A_498 : vector<1x16xf32> to vector<16xf32>
        %swap3A_500 = vector.shape_cast %add3A_495 : vector<16xf32> to vector<1x16xf32>
        tpu.vector_store %arg21[%swap3A_496, %swap3A_497], %swap3A_500 {strides = array<i32>} : memref<16x1024xf32, #tpu.memory_space<vmem>>, vector<1x16xf32>,
        %get3A_501 = arith.index_cast %scan3A_78 : i32 to index
        %get3A_502 = arith.constant 416 : index
        %get3A_503 = tpu.vector_load %arg19[%get3A_501, %get3A_502] {strides = array<i32>} : memref<16x1024xf32, #tpu.memory_space<vmem>>, vector<1x16xf32>,
        %get3A_504 = vector.shape_cast %get3A_503 : vector<1x16xf32> to vector<16xf32>
        %mul3A_505 = arith.mulf %get3A_81, %get3A_504 : vector<16xf32>
        %get3A_506 = arith.index_cast %scan3A_78 : i32 to index
        %get3A_507 = arith.constant 416 : index
        %get3A_508 = tpu.vector_load %arg20[%get3A_506, %get3A_507] {strides = array<i32>} : memref<16x1024xf32, #tpu.memory_space<vmem>>, vector<1x16xf32>,
        %get3A_509 = vector.shape_cast %get3A_508 : vector<1x16xf32> to vector<16xf32>
        %mul3A_510 = arith.mulf %get3A_85, %get3A_509 : vector<16xf32>
        %add3A_511 = arith.addf %mul3A_505, %mul3A_510 : vector<16xf32>
        %swap3A_512 = arith.index_cast %scan3A_78 : i32 to index
        %swap3A_513 = arith.constant 416 : index
        %swap3A_514 = tpu.vector_load %arg21[%swap3A_512, %swap3A_513] {strides = array<i32>} : memref<16x1024xf32, #tpu.memory_space<vmem>>, vector<1x16xf32>,
        %swap3A_515 = vector.shape_cast %swap3A_514 : vector<1x16xf32> to vector<16xf32>
        %swap3A_516 = vector.shape_cast %add3A_511 : vector<16xf32> to vector<1x16xf32>
        tpu.vector_store %arg21[%swap3A_512, %swap3A_513], %swap3A_516 {strides = array<i32>} : memref<16x1024xf32, #tpu.memory_space<vmem>>, vector<1x16xf32>,
        %get3A_517 = arith.index_cast %scan3A_78 : i32 to index
        %get3A_518 = arith.constant 432 : index
        %get3A_519 = tpu.vector_load %arg19[%get3A_517, %get3A_518] {strides = array<i32>} : memref<16x1024xf32, #tpu.memory_space<vmem>>, vector<1x16xf32>,
        %get3A_520 = vector.shape_cast %get3A_519 : vector<1x16xf32> to vector<16xf32>
        %mul3A_521 = arith.mulf %get3A_81, %get3A_520 : vector<16xf32>
        %get3A_522 = arith.index_cast %scan3A_78 : i32 to index
        %get3A_523 = arith.constant 432 : index
        %get3A_524 = tpu.vector_load %arg20[%get3A_522, %get3A_523] {strides = array<i32>} : memref<16x1024xf32, #tpu.memory_space<vmem>>, vector<1x16xf32>,
        %get3A_525 = vector.shape_cast %get3A_524 : vector<1x16xf32> to vector<16xf32>
        %mul3A_526 = arith.mulf %get3A_85, %get3A_525 : vector<16xf32>
        %add3A_527 = arith.addf %mul3A_521, %mul3A_526 : vector<16xf32>
        %swap3A_528 = arith.index_cast %scan3A_78 : i32 to index
        %swap3A_529 = arith.constant 432 : index
        %swap3A_530 = tpu.vector_load %arg21[%swap3A_528, %swap3A_529] {strides = array<i32>} : memref<16x1024xf32, #tpu.memory_space<vmem>>, vector<1x16xf32>,
        %swap3A_531 = vector.shape_cast %swap3A_530 : vector<1x16xf32> to vector<16xf32>
        %swap3A_532 = vector.shape_cast %add3A_527 : vector<16xf32> to vector<1x16xf32>
        tpu.vector_store %arg21[%swap3A_528, %swap3A_529], %swap3A_532 {strides = array<i32>} : memref<16x1024xf32, #tpu.memory_space<vmem>>, vector<1x16xf32>,
        %get3A_533 = arith.index_cast %scan3A_78 : i32 to index
        %get3A_534 = arith.constant 448 : index
        %get3A_535 = tpu.vector_load %arg19[%get3A_533, %get3A_534] {strides = array<i32>} : memref<16x1024xf32, #tpu.memory_space<vmem>>, vector<1x16xf32>,
        %get3A_536 = vector.shape_cast %get3A_535 : vector<1x16xf32> to vector<16xf32>
        %mul3A_537 = arith.mulf %get3A_81, %get3A_536 : vector<16xf32>
        %get3A_538 = arith.index_cast %scan3A_78 : i32 to index
        %get3A_539 = arith.constant 448 : index
        %get3A_540 = tpu.vector_load %arg20[%get3A_538, %get3A_539] {strides = array<i32>} : memref<16x1024xf32, #tpu.memory_space<vmem>>, vector<1x16xf32>,
        %get3A_541 = vector.shape_cast %get3A_540 : vector<1x16xf32> to vector<16xf32>
        %mul3A_542 = arith.mulf %get3A_85, %get3A_541 : vector<16xf32>
        %add3A_543 = arith.addf %mul3A_537, %mul3A_542 : vector<16xf32>
        %swap3A_544 = arith.index_cast %scan3A_78 : i32 to index
        %swap3A_545 = arith.constant 448 : index
        %swap3A_546 = tpu.vector_load %arg21[%swap3A_544, %swap3A_545] {strides = array<i32>} : memref<16x1024xf32, #tpu.memory_space<vmem>>, vector<1x16xf32>,
        %swap3A_547 = vector.shape_cast %swap3A_546 : vector<1x16xf32> to vector<16xf32>
        %swap3A_548 = vector.shape_cast %add3A_543 : vector<16xf32> to vector<1x16xf32>
        tpu.vector_store %arg21[%swap3A_544, %swap3A_545], %swap3A_548 {strides = array<i32>} : memref<16x1024xf32, #tpu.memory_space<vmem>>, vector<1x16xf32>,
        %get3A_549 = arith.index_cast %scan3A_78 : i32 to index
        %get3A_550 = arith.constant 464 : index
        %get3A_551 = tpu.vector_load %arg19[%get3A_549, %get3A_550] {strides = array<i32>} : memref<16x1024xf32, #tpu.memory_space<vmem>>, vector<1x16xf32>,
        %get3A_552 = vector.shape_cast %get3A_551 : vector<1x16xf32> to vector<16xf32>
        %mul3A_553 = arith.mulf %get3A_81, %get3A_552 : vector<16xf32>
        %get3A_554 = arith.index_cast %scan3A_78 : i32 to index
        %get3A_555 = arith.constant 464 : index
        %get3A_556 = tpu.vector_load %arg20[%get3A_554, %get3A_555] {strides = array<i32>} : memref<16x1024xf32, #tpu.memory_space<vmem>>, vector<1x16xf32>,
        %get3A_557 = vector.shape_cast %get3A_556 : vector<1x16xf32> to vector<16xf32>
        %mul3A_558 = arith.mulf %get3A_85, %get3A_557 : vector<16xf32>
        %add3A_559 = arith.addf %mul3A_553, %mul3A_558 : vector<16xf32>
        %swap3A_560 = arith.index_cast %scan3A_78 : i32 to index
        %swap3A_561 = arith.constant 464 : index
        %swap3A_562 = tpu.vector_load %arg21[%swap3A_560, %swap3A_561] {strides = array<i32>} : memref<16x1024xf32, #tpu.memory_space<vmem>>, vector<1x16xf32>,
        %swap3A_563 = vector.shape_cast %swap3A_562 : vector<1x16xf32> to vector<16xf32>
        %swap3A_564 = vector.shape_cast %add3A_559 : vector<16xf32> to vector<1x16xf32>
        tpu.vector_store %arg21[%swap3A_560, %swap3A_561], %swap3A_564 {strides = array<i32>} : memref<16x1024xf32, #tpu.memory_space<vmem>>, vector<1x16xf32>,
        %get3A_565 = arith.index_cast %scan3A_78 : i32 to index
        %get3A_566 = arith.constant 480 : index
        %get3A_567 = tpu.vector_load %arg19[%get3A_565, %get3A_566] {strides = array<i32>} : memref<16x1024xf32, #tpu.memory_space<vmem>>, vector<1x16xf32>,
        %get3A_568 = vector.shape_cast %get3A_567 : vector<1x16xf32> to vector<16xf32>
        %mul3A_569 = arith.mulf %get3A_81, %get3A_568 : vector<16xf32>
        %get3A_570 = arith.index_cast %scan3A_78 : i32 to index
        %get3A_571 = arith.constant 480 : index
        %get3A_572 = tpu.vector_load %arg20[%get3A_570, %get3A_571] {strides = array<i32>} : memref<16x1024xf32, #tpu.memory_space<vmem>>, vector<1x16xf32>,
        %get3A_573 = vector.shape_cast %get3A_572 : vector<1x16xf32> to vector<16xf32>
        %mul3A_574 = arith.mulf %get3A_85, %get3A_573 : vector<16xf32>
        %add3A_575 = arith.addf %mul3A_569, %mul3A_574 : vector<16xf32>
        %swap3A_576 = arith.index_cast %scan3A_78 : i32 to index
        %swap3A_577 = arith.constant 480 : index
        %swap3A_578 = tpu.vector_load %arg21[%swap3A_576, %swap3A_577] {strides = array<i32>} : memref<16x1024xf32, #tpu.memory_space<vmem>>, vector<1x16xf32>,
        %swap3A_579 = vector.shape_cast %swap3A_578 : vector<1x16xf32> to vector<16xf32>
        %swap3A_580 = vector.shape_cast %add3A_575 : vector<16xf32> to vector<1x16xf32>
        tpu.vector_store %arg21[%swap3A_576, %swap3A_577], %swap3A_580 {strides = array<i32>} : memref<16x1024xf32, #tpu.memory_space<vmem>>, vector<1x16xf32>,
        %get3A_581 = arith.index_cast %scan3A_78 : i32 to index
        %get3A_582 = arith.constant 496 : index
        %get3A_583 = tpu.vector_load %arg19[%get3A_581, %get3A_582] {strides = array<i32>} : memref<16x1024xf32, #tpu.memory_space<vmem>>, vector<1x16xf32>,
        %get3A_584 = vector.shape_cast %get3A_583 : vector<1x16xf32> to vector<16xf32>
        %mul3A_585 = arith.mulf %get3A_81, %get3A_584 : vector<16xf32>
        %get3A_586 = arith.index_cast %scan3A_78 : i32 to index
        %get3A_587 = arith.constant 496 : index
        %get3A_588 = tpu.vector_load %arg20[%get3A_586, %get3A_587] {strides = array<i32>} : memref<16x1024xf32, #tpu.memory_space<vmem>>, vector<1x16xf32>,
        %get3A_589 = vector.shape_cast %get3A_588 : vector<1x16xf32> to vector<16xf32>
        %mul3A_590 = arith.mulf %get3A_85, %get3A_589 : vector<16xf32>
        %add3A_591 = arith.addf %mul3A_585, %mul3A_590 : vector<16xf32>
        %swap3A_592 = arith.index_cast %scan3A_78 : i32 to index
        %swap3A_593 = arith.constant 496 : index
        %swap3A_594 = tpu.vector_load %arg21[%swap3A_592, %swap3A_593] {strides = array<i32>} : memref<16x1024xf32, #tpu.memory_space<vmem>>, vector<1x16xf32>,
        %swap3A_595 = vector.shape_cast %swap3A_594 : vector<1x16xf32> to vector<16xf32>
        %swap3A_596 = vector.shape_cast %add3A_591 : vector<16xf32> to vector<1x16xf32>
        tpu.vector_store %arg21[%swap3A_592, %swap3A_593], %swap3A_596 {strides = array<i32>} : memref<16x1024xf32, #tpu.memory_space<vmem>>, vector<1x16xf32>,
        %get3A_597 = arith.index_cast %scan3A_78 : i32 to index
        %get3A_598 = arith.constant 512 : index
        %get3A_599 = tpu.vector_load %arg19[%get3A_597, %get3A_598] {strides = array<i32>} : memref<16x1024xf32, #tpu.memory_space<vmem>>, vector<1x16xf32>,
        %get3A_600 = vector.shape_cast %get3A_599 : vector<1x16xf32> to vector<16xf32>
        %mul3A_601 = arith.mulf %get3A_81, %get3A_600 : vector<16xf32>
        %get3A_602 = arith.index_cast %scan3A_78 : i32 to index
        %get3A_603 = arith.constant 512 : index
        %get3A_604 = tpu.vector_load %arg20[%get3A_602, %get3A_603] {strides = array<i32>} : memref<16x1024xf32, #tpu.memory_space<vmem>>, vector<1x16xf32>,
        %get3A_605 = vector.shape_cast %get3A_604 : vector<1x16xf32> to vector<16xf32>
        %mul3A_606 = arith.mulf %get3A_85, %get3A_605 : vector<16xf32>
        %add3A_607 = arith.addf %mul3A_601, %mul3A_606 : vector<16xf32>
        %swap3A_608 = arith.index_cast %scan3A_78 : i32 to index
        %swap3A_609 = arith.constant 512 : index
        %swap3A_610 = tpu.vector_load %arg21[%swap3A_608, %swap3A_609] {strides = array<i32>} : memref<16x1024xf32, #tpu.memory_space<vmem>>, vector<1x16xf32>,
        %swap3A_611 = vector.shape_cast %swap3A_610 : vector<1x16xf32> to vector<16xf32>
        %swap3A_612 = vector.shape_cast %add3A_607 : vector<16xf32> to vector<1x16xf32>
        tpu.vector_store %arg21[%swap3A_608, %swap3A_609], %swap3A_612 {strides = array<i32>} : memref<16x1024xf32, #tpu.memory_space<vmem>>, vector<1x16xf32>,
        %get3A_613 = arith.index_cast %scan3A_78 : i32 to index
        %get3A_614 = arith.constant 528 : index
        %get3A_615 = tpu.vector_load %arg19[%get3A_613, %get3A_614] {strides = array<i32>} : memref<16x1024xf32, #tpu.memory_space<vmem>>, vector<1x16xf32>,
        %get3A_616 = vector.shape_cast %get3A_615 : vector<1x16xf32> to vector<16xf32>
        %mul3A_617 = arith.mulf %get3A_81, %get3A_616 : vector<16xf32>
        %get3A_618 = arith.index_cast %scan3A_78 : i32 to index
        %get3A_619 = arith.constant 528 : index
        %get3A_620 = tpu.vector_load %arg20[%get3A_618, %get3A_619] {strides = array<i32>} : memref<16x1024xf32, #tpu.memory_space<vmem>>, vector<1x16xf32>,
        %get3A_621 = vector.shape_cast %get3A_620 : vector<1x16xf32> to vector<16xf32>
        %mul3A_622 = arith.mulf %get3A_85, %get3A_621 : vector<16xf32>
        %add3A_623 = arith.addf %mul3A_617, %mul3A_622 : vector<16xf32>
        %swap3A_624 = arith.index_cast %scan3A_78 : i32 to index
        %swap3A_625 = arith.constant 528 : index
        %swap3A_626 = tpu.vector_load %arg21[%swap3A_624, %swap3A_625] {strides = array<i32>} : memref<16x1024xf32, #tpu.memory_space<vmem>>, vector<1x16xf32>,
        %swap3A_627 = vector.shape_cast %swap3A_626 : vector<1x16xf32> to vector<16xf32>
        %swap3A_628 = vector.shape_cast %add3A_623 : vector<16xf32> to vector<1x16xf32>
        tpu.vector_store %arg21[%swap3A_624, %swap3A_625], %swap3A_628 {strides = array<i32>} : memref<16x1024xf32, #tpu.memory_space<vmem>>, vector<1x16xf32>,
        %get3A_629 = arith.index_cast %scan3A_78 : i32 to index
        %get3A_630 = arith.constant 544 : index
        %get3A_631 = tpu.vector_load %arg19[%get3A_629, %get3A_630] {strides = array<i32>} : memref<16x1024xf32, #tpu.memory_space<vmem>>, vector<1x16xf32>,
        %get3A_632 = vector.shape_cast %get3A_631 : vector<1x16xf32> to vector<16xf32>
        %mul3A_633 = arith.mulf %get3A_81, %get3A_632 : vector<16xf32>
        %get3A_634 = arith.index_cast %scan3A_78 : i32 to index
        %get3A_635 = arith.constant 544 : index
        %get3A_636 = tpu.vector_load %arg20[%get3A_634, %get3A_635] {strides = array<i32>} : memref<16x1024xf32, #tpu.memory_space<vmem>>, vector<1x16xf32>,
        %get3A_637 = vector.shape_cast %get3A_636 : vector<1x16xf32> to vector<16xf32>
        %mul3A_638 = arith.mulf %get3A_85, %get3A_637 : vector<16xf32>
        %add3A_639 = arith.addf %mul3A_633, %mul3A_638 : vector<16xf32>
        %swap3A_640 = arith.index_cast %scan3A_78 : i32 to index
        %swap3A_641 = arith.constant 544 : index
        %swap3A_642 = tpu.vector_load %arg21[%swap3A_640, %swap3A_641] {strides = array<i32>} : memref<16x1024xf32, #tpu.memory_space<vmem>>, vector<1x16xf32>,
        %swap3A_643 = vector.shape_cast %swap3A_642 : vector<1x16xf32> to vector<16xf32>
        %swap3A_644 = vector.shape_cast %add3A_639 : vector<16xf32> to vector<1x16xf32>
        tpu.vector_store %arg21[%swap3A_640, %swap3A_641], %swap3A_644 {strides = array<i32>} : memref<16x1024xf32, #tpu.memory_space<vmem>>, vector<1x16xf32>,
        %get3A_645 = arith.index_cast %scan3A_78 : i32 to index
        %get3A_646 = arith.constant 560 : index
        %get3A_647 = tpu.vector_load %arg19[%get3A_645, %get3A_646] {strides = array<i32>} : memref<16x1024xf32, #tpu.memory_space<vmem>>, vector<1x16xf32>,
        %get3A_648 = vector.shape_cast %get3A_647 : vector<1x16xf32> to vector<16xf32>
        %mul3A_649 = arith.mulf %get3A_81, %get3A_648 : vector<16xf32>
        %get3A_650 = arith.index_cast %scan3A_78 : i32 to index
        %get3A_651 = arith.constant 560 : index
        %get3A_652 = tpu.vector_load %arg20[%get3A_650, %get3A_651] {strides = array<i32>} : memref<16x1024xf32, #tpu.memory_space<vmem>>, vector<1x16xf32>,
        %get3A_653 = vector.shape_cast %get3A_652 : vector<1x16xf32> to vector<16xf32>
        %mul3A_654 = arith.mulf %get3A_85, %get3A_653 : vector<16xf32>
        %add3A_655 = arith.addf %mul3A_649, %mul3A_654 : vector<16xf32>
        %swap3A_656 = arith.index_cast %scan3A_78 : i32 to index
        %swap3A_657 = arith.constant 560 : index
        %swap3A_658 = tpu.vector_load %arg21[%swap3A_656, %swap3A_657] {strides = array<i32>} : memref<16x1024xf32, #tpu.memory_space<vmem>>, vector<1x16xf32>,
        %swap3A_659 = vector.shape_cast %swap3A_658 : vector<1x16xf32> to vector<16xf32>
        %swap3A_660 = vector.shape_cast %add3A_655 : vector<16xf32> to vector<1x16xf32>
        tpu.vector_store %arg21[%swap3A_656, %swap3A_657], %swap3A_660 {strides = array<i32>} : memref<16x1024xf32, #tpu.memory_space<vmem>>, vector<1x16xf32>,
        %get3A_661 = arith.index_cast %scan3A_78 : i32 to index
        %get3A_662 = arith.constant 576 : index
        %get3A_663 = tpu.vector_load %arg19[%get3A_661, %get3A_662] {strides = array<i32>} : memref<16x1024xf32, #tpu.memory_space<vmem>>, vector<1x16xf32>,
        %get3A_664 = vector.shape_cast %get3A_663 : vector<1x16xf32> to vector<16xf32>
        %mul3A_665 = arith.mulf %get3A_81, %get3A_664 : vector<16xf32>
        %get3A_666 = arith.index_cast %scan3A_78 : i32 to index
        %get3A_667 = arith.constant 576 : index
        %get3A_668 = tpu.vector_load %arg20[%get3A_666, %get3A_667] {strides = array<i32>} : memref<16x1024xf32, #tpu.memory_space<vmem>>, vector<1x16xf32>,
        %get3A_669 = vector.shape_cast %get3A_668 : vector<1x16xf32> to vector<16xf32>
        %mul3A_670 = arith.mulf %get3A_85, %get3A_669 : vector<16xf32>
        %add3A_671 = arith.addf %mul3A_665, %mul3A_670 : vector<16xf32>
        %swap3A_672 = arith.index_cast %scan3A_78 : i32 to index
        %swap3A_673 = arith.constant 576 : index
        %swap3A_674 = tpu.vector_load %arg21[%swap3A_672, %swap3A_673] {strides = array<i32>} : memref<16x1024xf32, #tpu.memory_space<vmem>>, vector<1x16xf32>,
        %swap3A_675 = vector.shape_cast %swap3A_674 : vector<1x16xf32> to vector<16xf32>
        %swap3A_676 = vector.shape_cast %add3A_671 : vector<16xf32> to vector<1x16xf32>
        tpu.vector_store %arg21[%swap3A_672, %swap3A_673], %swap3A_676 {strides = array<i32>} : memref<16x1024xf32, #tpu.memory_space<vmem>>, vector<1x16xf32>,
        %get3A_677 = arith.index_cast %scan3A_78 : i32 to index
        %get3A_678 = arith.constant 592 : index
        %get3A_679 = tpu.vector_load %arg19[%get3A_677, %get3A_678] {strides = array<i32>} : memref<16x1024xf32, #tpu.memory_space<vmem>>, vector<1x16xf32>,
        %get3A_680 = vector.shape_cast %get3A_679 : vector<1x16xf32> to vector<16xf32>
        %mul3A_681 = arith.mulf %get3A_81, %get3A_680 : vector<16xf32>
        %get3A_682 = arith.index_cast %scan3A_78 : i32 to index
        %get3A_683 = arith.constant 592 : index
        %get3A_684 = tpu.vector_load %arg20[%get3A_682, %get3A_683] {strides = array<i32>} : memref<16x1024xf32, #tpu.memory_space<vmem>>, vector<1x16xf32>,
        %get3A_685 = vector.shape_cast %get3A_684 : vector<1x16xf32> to vector<16xf32>
        %mul3A_686 = arith.mulf %get3A_85, %get3A_685 : vector<16xf32>
        %add3A_687 = arith.addf %mul3A_681, %mul3A_686 : vector<16xf32>
        %swap3A_688 = arith.index_cast %scan3A_78 : i32 to index
        %swap3A_689 = arith.constant 592 : index
        %swap3A_690 = tpu.vector_load %arg21[%swap3A_688, %swap3A_689] {strides = array<i32>} : memref<16x1024xf32, #tpu.memory_space<vmem>>, vector<1x16xf32>,
        %swap3A_691 = vector.shape_cast %swap3A_690 : vector<1x16xf32> to vector<16xf32>
        %swap3A_692 = vector.shape_cast %add3A_687 : vector<16xf32> to vector<1x16xf32>
        tpu.vector_store %arg21[%swap3A_688, %swap3A_689], %swap3A_692 {strides = array<i32>} : memref<16x1024xf32, #tpu.memory_space<vmem>>, vector<1x16xf32>,
        %get3A_693 = arith.index_cast %scan3A_78 : i32 to index
        %get3A_694 = arith.constant 608 : index
        %get3A_695 = tpu.vector_load %arg19[%get3A_693, %get3A_694] {strides = array<i32>} : memref<16x1024xf32, #tpu.memory_space<vmem>>, vector<1x16xf32>,
        %get3A_696 = vector.shape_cast %get3A_695 : vector<1x16xf32> to vector<16xf32>
        %mul3A_697 = arith.mulf %get3A_81, %get3A_696 : vector<16xf32>
        %get3A_698 = arith.index_cast %scan3A_78 : i32 to index
        %get3A_699 = arith.constant 608 : index
        %get3A_700 = tpu.vector_load %arg20[%get3A_698, %get3A_699] {strides = array<i32>} : memref<16x1024xf32, #tpu.memory_space<vmem>>, vector<1x16xf32>,
        %get3A_701 = vector.shape_cast %get3A_700 : vector<1x16xf32> to vector<16xf32>
        %mul3A_702 = arith.mulf %get3A_85, %get3A_701 : vector<16xf32>
        %add3A_703 = arith.addf %mul3A_697, %mul3A_702 : vector<16xf32>
        %swap3A_704 = arith.index_cast %scan3A_78 : i32 to index
        %swap3A_705 = arith.constant 608 : index
        %swap3A_706 = tpu.vector_load %arg21[%swap3A_704, %swap3A_705] {strides = array<i32>} : memref<16x1024xf32, #tpu.memory_space<vmem>>, vector<1x16xf32>,
        %swap3A_707 = vector.shape_cast %swap3A_706 : vector<1x16xf32> to vector<16xf32>
        %swap3A_708 = vector.shape_cast %add3A_703 : vector<16xf32> to vector<1x16xf32>
        tpu.vector_store %arg21[%swap3A_704, %swap3A_705], %swap3A_708 {strides = array<i32>} : memref<16x1024xf32, #tpu.memory_space<vmem>>, vector<1x16xf32>,
        %get3A_709 = arith.index_cast %scan3A_78 : i32 to index
        %get3A_710 = arith.constant 624 : index
        %get3A_711 = tpu.vector_load %arg19[%get3A_709, %get3A_710] {strides = array<i32>} : memref<16x1024xf32, #tpu.memory_space<vmem>>, vector<1x16xf32>,
        %get3A_712 = vector.shape_cast %get3A_711 : vector<1x16xf32> to vector<16xf32>
        %mul3A_713 = arith.mulf %get3A_81, %get3A_712 : vector<16xf32>
        %get3A_714 = arith.index_cast %scan3A_78 : i32 to index
        %get3A_715 = arith.constant 624 : index
        %get3A_716 = tpu.vector_load %arg20[%get3A_714, %get3A_715] {strides = array<i32>} : memref<16x1024xf32, #tpu.memory_space<vmem>>, vector<1x16xf32>,
        %get3A_717 = vector.shape_cast %get3A_716 : vector<1x16xf32> to vector<16xf32>
        %mul3A_718 = arith.mulf %get3A_85, %get3A_717 : vector<16xf32>
        %add3A_719 = arith.addf %mul3A_713, %mul3A_718 : vector<16xf32>
        %swap3A_720 = arith.index_cast %scan3A_78 : i32 to index
        %swap3A_721 = arith.constant 624 : index
        %swap3A_722 = tpu.vector_load %arg21[%swap3A_720, %swap3A_721] {strides = array<i32>} : memref<16x1024xf32, #tpu.memory_space<vmem>>, vector<1x16xf32>,
        %swap3A_723 = vector.shape_cast %swap3A_722 : vector<1x16xf32> to vector<16xf32>
        %swap3A_724 = vector.shape_cast %add3A_719 : vector<16xf32> to vector<1x16xf32>
        tpu.vector_store %arg21[%swap3A_720, %swap3A_721], %swap3A_724 {strides = array<i32>} : memref<16x1024xf32, #tpu.memory_space<vmem>>, vector<1x16xf32>,
        %get3A_725 = arith.index_cast %scan3A_78 : i32 to index
        %get3A_726 = arith.constant 640 : index
        %get3A_727 = tpu.vector_load %arg19[%get3A_725, %get3A_726] {strides = array<i32>} : memref<16x1024xf32, #tpu.memory_space<vmem>>, vector<1x16xf32>,
        %get3A_728 = vector.shape_cast %get3A_727 : vector<1x16xf32> to vector<16xf32>
        %mul3A_729 = arith.mulf %get3A_81, %get3A_728 : vector<16xf32>
        %get3A_730 = arith.index_cast %scan3A_78 : i32 to index
        %get3A_731 = arith.constant 640 : index
        %get3A_732 = tpu.vector_load %arg20[%get3A_730, %get3A_731] {strides = array<i32>} : memref<16x1024xf32, #tpu.memory_space<vmem>>, vector<1x16xf32>,
        %get3A_733 = vector.shape_cast %get3A_732 : vector<1x16xf32> to vector<16xf32>
        %mul3A_734 = arith.mulf %get3A_85, %get3A_733 : vector<16xf32>
        %add3A_735 = arith.addf %mul3A_729, %mul3A_734 : vector<16xf32>
        %swap3A_736 = arith.index_cast %scan3A_78 : i32 to index
        %swap3A_737 = arith.constant 640 : index
        %swap3A_738 = tpu.vector_load %arg21[%swap3A_736, %swap3A_737] {strides = array<i32>} : memref<16x1024xf32, #tpu.memory_space<vmem>>, vector<1x16xf32>,
        %swap3A_739 = vector.shape_cast %swap3A_738 : vector<1x16xf32> to vector<16xf32>
        %swap3A_740 = vector.shape_cast %add3A_735 : vector<16xf32> to vector<1x16xf32>
        tpu.vector_store %arg21[%swap3A_736, %swap3A_737], %swap3A_740 {strides = array<i32>} : memref<16x1024xf32, #tpu.memory_space<vmem>>, vector<1x16xf32>,
        %get3A_741 = arith.index_cast %scan3A_78 : i32 to index
        %get3A_742 = arith.constant 656 : index
        %get3A_743 = tpu.vector_load %arg19[%get3A_741, %get3A_742] {strides = array<i32>} : memref<16x1024xf32, #tpu.memory_space<vmem>>, vector<1x16xf32>,
        %get3A_744 = vector.shape_cast %get3A_743 : vector<1x16xf32> to vector<16xf32>
        %mul3A_745 = arith.mulf %get3A_81, %get3A_744 : vector<16xf32>
        %get3A_746 = arith.index_cast %scan3A_78 : i32 to index
        %get3A_747 = arith.constant 656 : index
        %get3A_748 = tpu.vector_load %arg20[%get3A_746, %get3A_747] {strides = array<i32>} : memref<16x1024xf32, #tpu.memory_space<vmem>>, vector<1x16xf32>,
        %get3A_749 = vector.shape_cast %get3A_748 : vector<1x16xf32> to vector<16xf32>
        %mul3A_750 = arith.mulf %get3A_85, %get3A_749 : vector<16xf32>
        %add3A_751 = arith.addf %mul3A_745, %mul3A_750 : vector<16xf32>
        %swap3A_752 = arith.index_cast %scan3A_78 : i32 to index
        %swap3A_753 = arith.constant 656 : index
        %swap3A_754 = tpu.vector_load %arg21[%swap3A_752, %swap3A_753] {strides = array<i32>} : memref<16x1024xf32, #tpu.memory_space<vmem>>, vector<1x16xf32>,
        %swap3A_755 = vector.shape_cast %swap3A_754 : vector<1x16xf32> to vector<16xf32>
        %swap3A_756 = vector.shape_cast %add3A_751 : vector<16xf32> to vector<1x16xf32>
        tpu.vector_store %arg21[%swap3A_752, %swap3A_753], %swap3A_756 {strides = array<i32>} : memref<16x1024xf32, #tpu.memory_space<vmem>>, vector<1x16xf32>,
        %get3A_757 = arith.index_cast %scan3A_78 : i32 to index
        %get3A_758 = arith.constant 672 : index
        %get3A_759 = tpu.vector_load %arg19[%get3A_757, %get3A_758] {strides = array<i32>} : memref<16x1024xf32, #tpu.memory_space<vmem>>, vector<1x16xf32>,
        %get3A_760 = vector.shape_cast %get3A_759 : vector<1x16xf32> to vector<16xf32>
        %mul3A_761 = arith.mulf %get3A_81, %get3A_760 : vector<16xf32>
        %get3A_762 = arith.index_cast %scan3A_78 : i32 to index
        %get3A_763 = arith.constant 672 : index
        %get3A_764 = tpu.vector_load %arg20[%get3A_762, %get3A_763] {strides = array<i32>} : memref<16x1024xf32, #tpu.memory_space<vmem>>, vector<1x16xf32>,
        %get3A_765 = vector.shape_cast %get3A_764 : vector<1x16xf32> to vector<16xf32>
        %mul3A_766 = arith.mulf %get3A_85, %get3A_765 : vector<16xf32>
        %add3A_767 = arith.addf %mul3A_761, %mul3A_766 : vector<16xf32>
        %swap3A_768 = arith.index_cast %scan3A_78 : i32 to index
        %swap3A_769 = arith.constant 672 : index
        %swap3A_770 = tpu.vector_load %arg21[%swap3A_768, %swap3A_769] {strides = array<i32>} : memref<16x1024xf32, #tpu.memory_space<vmem>>, vector<1x16xf32>,
        %swap3A_771 = vector.shape_cast %swap3A_770 : vector<1x16xf32> to vector<16xf32>
        %swap3A_772 = vector.shape_cast %add3A_767 : vector<16xf32> to vector<1x16xf32>
        tpu.vector_store %arg21[%swap3A_768, %swap3A_769], %swap3A_772 {strides = array<i32>} : memref<16x1024xf32, #tpu.memory_space<vmem>>, vector<1x16xf32>,
        %get3A_773 = arith.index_cast %scan3A_78 : i32 to index
        %get3A_774 = arith.constant 688 : index
        %get3A_775 = tpu.vector_load %arg19[%get3A_773, %get3A_774] {strides = array<i32>} : memref<16x1024xf32, #tpu.memory_space<vmem>>, vector<1x16xf32>,
        %get3A_776 = vector.shape_cast %get3A_775 : vector<1x16xf32> to vector<16xf32>
        %mul3A_777 = arith.mulf %get3A_81, %get3A_776 : vector<16xf32>
        %get3A_778 = arith.index_cast %scan3A_78 : i32 to index
        %get3A_779 = arith.constant 688 : index
        %get3A_780 = tpu.vector_load %arg20[%get3A_778, %get3A_779] {strides = array<i32>} : memref<16x1024xf32, #tpu.memory_space<vmem>>, vector<1x16xf32>,
        %get3A_781 = vector.shape_cast %get3A_780 : vector<1x16xf32> to vector<16xf32>
        %mul3A_782 = arith.mulf %get3A_85, %get3A_781 : vector<16xf32>
        %add3A_783 = arith.addf %mul3A_777, %mul3A_782 : vector<16xf32>
        %swap3A_784 = arith.index_cast %scan3A_78 : i32 to index
        %swap3A_785 = arith.constant 688 : index
        %swap3A_786 = tpu.vector_load %arg21[%swap3A_784, %swap3A_785] {strides = array<i32>} : memref<16x1024xf32, #tpu.memory_space<vmem>>, vector<1x16xf32>,
        %swap3A_787 = vector.shape_cast %swap3A_786 : vector<1x16xf32> to vector<16xf32>
        %swap3A_788 = vector.shape_cast %add3A_783 : vector<16xf32> to vector<1x16xf32>
        tpu.vector_store %arg21[%swap3A_784, %swap3A_785], %swap3A_788 {strides = array<i32>} : memref<16x1024xf32, #tpu.memory_space<vmem>>, vector<1x16xf32>,
        %get3A_789 = arith.index_cast %scan3A_78 : i32 to index
        %get3A_790 = arith.constant 704 : index
        %get3A_791 = tpu.vector_load %arg19[%get3A_789, %get3A_790] {strides = array<i32>} : memref<16x1024xf32, #tpu.memory_space<vmem>>, vector<1x16xf32>,
        %get3A_792 = vector.shape_cast %get3A_791 : vector<1x16xf32> to vector<16xf32>
        %mul3A_793 = arith.mulf %get3A_81, %get3A_792 : vector<16xf32>
        %get3A_794 = arith.index_cast %scan3A_78 : i32 to index
        %get3A_795 = arith.constant 704 : index
        %get3A_796 = tpu.vector_load %arg20[%get3A_794, %get3A_795] {strides = array<i32>} : memref<16x1024xf32, #tpu.memory_space<vmem>>, vector<1x16xf32>,
        %get3A_797 = vector.shape_cast %get3A_796 : vector<1x16xf32> to vector<16xf32>
        %mul3A_798 = arith.mulf %get3A_85, %get3A_797 : vector<16xf32>
        %add3A_799 = arith.addf %mul3A_793, %mul3A_798 : vector<16xf32>
        %swap3A_800 = arith.index_cast %scan3A_78 : i32 to index
        %swap3A_801 = arith.constant 704 : index
        %swap3A_802 = tpu.vector_load %arg21[%swap3A_800, %swap3A_801] {strides = array<i32>} : memref<16x1024xf32, #tpu.memory_space<vmem>>, vector<1x16xf32>,
        %swap3A_803 = vector.shape_cast %swap3A_802 : vector<1x16xf32> to vector<16xf32>
        %swap3A_804 = vector.shape_cast %add3A_799 : vector<16xf32> to vector<1x16xf32>
        tpu.vector_store %arg21[%swap3A_800, %swap3A_801], %swap3A_804 {strides = array<i32>} : memref<16x1024xf32, #tpu.memory_space<vmem>>, vector<1x16xf32>,
        %get3A_805 = arith.index_cast %scan3A_78 : i32 to index
        %get3A_806 = arith.constant 720 : index
        %get3A_807 = tpu.vector_load %arg19[%get3A_805, %get3A_806] {strides = array<i32>} : memref<16x1024xf32, #tpu.memory_space<vmem>>, vector<1x16xf32>,
        %get3A_808 = vector.shape_cast %get3A_807 : vector<1x16xf32> to vector<16xf32>
        %mul3A_809 = arith.mulf %get3A_81, %get3A_808 : vector<16xf32>
        %get3A_810 = arith.index_cast %scan3A_78 : i32 to index
        %get3A_811 = arith.constant 720 : index
        %get3A_812 = tpu.vector_load %arg20[%get3A_810, %get3A_811] {strides = array<i32>} : memref<16x1024xf32, #tpu.memory_space<vmem>>, vector<1x16xf32>,
        %get3A_813 = vector.shape_cast %get3A_812 : vector<1x16xf32> to vector<16xf32>
        %mul3A_814 = arith.mulf %get3A_85, %get3A_813 : vector<16xf32>
        %add3A_815 = arith.addf %mul3A_809, %mul3A_814 : vector<16xf32>
        %swap3A_816 = arith.index_cast %scan3A_78 : i32 to index
        %swap3A_817 = arith.constant 720 : index
        %swap3A_818 = tpu.vector_load %arg21[%swap3A_816, %swap3A_817] {strides = array<i32>} : memref<16x1024xf32, #tpu.memory_space<vmem>>, vector<1x16xf32>,
        %swap3A_819 = vector.shape_cast %swap3A_818 : vector<1x16xf32> to vector<16xf32>
        %swap3A_820 = vector.shape_cast %add3A_815 : vector<16xf32> to vector<1x16xf32>
        tpu.vector_store %arg21[%swap3A_816, %swap3A_817], %swap3A_820 {strides = array<i32>} : memref<16x1024xf32, #tpu.memory_space<vmem>>, vector<1x16xf32>,
        %get3A_821 = arith.index_cast %scan3A_78 : i32 to index
        %get3A_822 = arith.constant 736 : index
        %get3A_823 = tpu.vector_load %arg19[%get3A_821, %get3A_822] {strides = array<i32>} : memref<16x1024xf32, #tpu.memory_space<vmem>>, vector<1x16xf32>,
        %get3A_824 = vector.shape_cast %get3A_823 : vector<1x16xf32> to vector<16xf32>
        %mul3A_825 = arith.mulf %get3A_81, %get3A_824 : vector<16xf32>
        %get3A_826 = arith.index_cast %scan3A_78 : i32 to index
        %get3A_827 = arith.constant 736 : index
        %get3A_828 = tpu.vector_load %arg20[%get3A_826, %get3A_827] {strides = array<i32>} : memref<16x1024xf32, #tpu.memory_space<vmem>>, vector<1x16xf32>,
        %get3A_829 = vector.shape_cast %get3A_828 : vector<1x16xf32> to vector<16xf32>
        %mul3A_830 = arith.mulf %get3A_85, %get3A_829 : vector<16xf32>
        %add3A_831 = arith.addf %mul3A_825, %mul3A_830 : vector<16xf32>
        %swap3A_832 = arith.index_cast %scan3A_78 : i32 to index
        %swap3A_833 = arith.constant 736 : index
        %swap3A_834 = tpu.vector_load %arg21[%swap3A_832, %swap3A_833] {strides = array<i32>} : memref<16x1024xf32, #tpu.memory_space<vmem>>, vector<1x16xf32>,
        %swap3A_835 = vector.shape_cast %swap3A_834 : vector<1x16xf32> to vector<16xf32>
        %swap3A_836 = vector.shape_cast %add3A_831 : vector<16xf32> to vector<1x16xf32>
        tpu.vector_store %arg21[%swap3A_832, %swap3A_833], %swap3A_836 {strides = array<i32>} : memref<16x1024xf32, #tpu.memory_space<vmem>>, vector<1x16xf32>,
        %get3A_837 = arith.index_cast %scan3A_78 : i32 to index
        %get3A_838 = arith.constant 752 : index
        %get3A_839 = tpu.vector_load %arg19[%get3A_837, %get3A_838] {strides = array<i32>} : memref<16x1024xf32, #tpu.memory_space<vmem>>, vector<1x16xf32>,
        %get3A_840 = vector.shape_cast %get3A_839 : vector<1x16xf32> to vector<16xf32>
        %mul3A_841 = arith.mulf %get3A_81, %get3A_840 : vector<16xf32>
        %get3A_842 = arith.index_cast %scan3A_78 : i32 to index
        %get3A_843 = arith.constant 752 : index
        %get3A_844 = tpu.vector_load %arg20[%get3A_842, %get3A_843] {strides = array<i32>} : memref<16x1024xf32, #tpu.memory_space<vmem>>, vector<1x16xf32>,
        %get3A_845 = vector.shape_cast %get3A_844 : vector<1x16xf32> to vector<16xf32>
        %mul3A_846 = arith.mulf %get3A_85, %get3A_845 : vector<16xf32>
        %add3A_847 = arith.addf %mul3A_841, %mul3A_846 : vector<16xf32>
        %swap3A_848 = arith.index_cast %scan3A_78 : i32 to index
        %swap3A_849 = arith.constant 752 : index
        %swap3A_850 = tpu.vector_load %arg21[%swap3A_848, %swap3A_849] {strides = array<i32>} : memref<16x1024xf32, #tpu.memory_space<vmem>>, vector<1x16xf32>,
        %swap3A_851 = vector.shape_cast %swap3A_850 : vector<1x16xf32> to vector<16xf32>
        %swap3A_852 = vector.shape_cast %add3A_847 : vector<16xf32> to vector<1x16xf32>
        tpu.vector_store %arg21[%swap3A_848, %swap3A_849], %swap3A_852 {strides = array<i32>} : memref<16x1024xf32, #tpu.memory_space<vmem>>, vector<1x16xf32>,
        %get3A_853 = arith.index_cast %scan3A_78 : i32 to index
        %get3A_854 = arith.constant 768 : index
        %get3A_855 = tpu.vector_load %arg19[%get3A_853, %get3A_854] {strides = array<i32>} : memref<16x1024xf32, #tpu.memory_space<vmem>>, vector<1x16xf32>,
        %get3A_856 = vector.shape_cast %get3A_855 : vector<1x16xf32> to vector<16xf32>
        %mul3A_857 = arith.mulf %get3A_81, %get3A_856 : vector<16xf32>
        %get3A_858 = arith.index_cast %scan3A_78 : i32 to index
        %get3A_859 = arith.constant 768 : index
        %get3A_860 = tpu.vector_load %arg20[%get3A_858, %get3A_859] {strides = array<i32>} : memref<16x1024xf32, #tpu.memory_space<vmem>>, vector<1x16xf32>,
        %get3A_861 = vector.shape_cast %get3A_860 : vector<1x16xf32> to vector<16xf32>
        %mul3A_862 = arith.mulf %get3A_85, %get3A_861 : vector<16xf32>
        %add3A_863 = arith.addf %mul3A_857, %mul3A_862 : vector<16xf32>
        %swap3A_864 = arith.index_cast %scan3A_78 : i32 to index
        %swap3A_865 = arith.constant 768 : index
        %swap3A_866 = tpu.vector_load %arg21[%swap3A_864, %swap3A_865] {strides = array<i32>} : memref<16x1024xf32, #tpu.memory_space<vmem>>, vector<1x16xf32>,
        %swap3A_867 = vector.shape_cast %swap3A_866 : vector<1x16xf32> to vector<16xf32>
        %swap3A_868 = vector.shape_cast %add3A_863 : vector<16xf32> to vector<1x16xf32>
        tpu.vector_store %arg21[%swap3A_864, %swap3A_865], %swap3A_868 {strides = array<i32>} : memref<16x1024xf32, #tpu.memory_space<vmem>>, vector<1x16xf32>,
        %get3A_869 = arith.index_cast %scan3A_78 : i32 to index
        %get3A_870 = arith.constant 784 : index
        %get3A_871 = tpu.vector_load %arg19[%get3A_869, %get3A_870] {strides = array<i32>} : memref<16x1024xf32, #tpu.memory_space<vmem>>, vector<1x16xf32>,
        %get3A_872 = vector.shape_cast %get3A_871 : vector<1x16xf32> to vector<16xf32>
        %mul3A_873 = arith.mulf %get3A_81, %get3A_872 : vector<16xf32>
        %get3A_874 = arith.index_cast %scan3A_78 : i32 to index
        %get3A_875 = arith.constant 784 : index
        %get3A_876 = tpu.vector_load %arg20[%get3A_874, %get3A_875] {strides = array<i32>} : memref<16x1024xf32, #tpu.memory_space<vmem>>, vector<1x16xf32>,
        %get3A_877 = vector.shape_cast %get3A_876 : vector<1x16xf32> to vector<16xf32>
        %mul3A_878 = arith.mulf %get3A_85, %get3A_877 : vector<16xf32>
        %add3A_879 = arith.addf %mul3A_873, %mul3A_878 : vector<16xf32>
        %swap3A_880 = arith.index_cast %scan3A_78 : i32 to index
        %swap3A_881 = arith.constant 784 : index
        %swap3A_882 = tpu.vector_load %arg21[%swap3A_880, %swap3A_881] {strides = array<i32>} : memref<16x1024xf32, #tpu.memory_space<vmem>>, vector<1x16xf32>,
        %swap3A_883 = vector.shape_cast %swap3A_882 : vector<1x16xf32> to vector<16xf32>
        %swap3A_884 = vector.shape_cast %add3A_879 : vector<16xf32> to vector<1x16xf32>
        tpu.vector_store %arg21[%swap3A_880, %swap3A_881], %swap3A_884 {strides = array<i32>} : memref<16x1024xf32, #tpu.memory_space<vmem>>, vector<1x16xf32>,
        %get3A_885 = arith.index_cast %scan3A_78 : i32 to index
        %get3A_886 = arith.constant 800 : index
        %get3A_887 = tpu.vector_load %arg19[%get3A_885, %get3A_886] {strides = array<i32>} : memref<16x1024xf32, #tpu.memory_space<vmem>>, vector<1x16xf32>,
        %get3A_888 = vector.shape_cast %get3A_887 : vector<1x16xf32> to vector<16xf32>
        %mul3A_889 = arith.mulf %get3A_81, %get3A_888 : vector<16xf32>
        %get3A_890 = arith.index_cast %scan3A_78 : i32 to index
        %get3A_891 = arith.constant 800 : index
        %get3A_892 = tpu.vector_load %arg20[%get3A_890, %get3A_891] {strides = array<i32>} : memref<16x1024xf32, #tpu.memory_space<vmem>>, vector<1x16xf32>,
        %get3A_893 = vector.shape_cast %get3A_892 : vector<1x16xf32> to vector<16xf32>
        %mul3A_894 = arith.mulf %get3A_85, %get3A_893 : vector<16xf32>
        %add3A_895 = arith.addf %mul3A_889, %mul3A_894 : vector<16xf32>
        %swap3A_896 = arith.index_cast %scan3A_78 : i32 to index
        %swap3A_897 = arith.constant 800 : index
        %swap3A_898 = tpu.vector_load %arg21[%swap3A_896, %swap3A_897] {strides = array<i32>} : memref<16x1024xf32, #tpu.memory_space<vmem>>, vector<1x16xf32>,
        %swap3A_899 = vector.shape_cast %swap3A_898 : vector<1x16xf32> to vector<16xf32>
        %swap3A_900 = vector.shape_cast %add3A_895 : vector<16xf32> to vector<1x16xf32>
        tpu.vector_store %arg21[%swap3A_896, %swap3A_897], %swap3A_900 {strides = array<i32>} : memref<16x1024xf32, #tpu.memory_space<vmem>>, vector<1x16xf32>,
        %get3A_901 = arith.index_cast %scan3A_78 : i32 to index
        %get3A_902 = arith.constant 816 : index
        %get3A_903 = tpu.vector_load %arg19[%get3A_901, %get3A_902] {strides = array<i32>} : memref<16x1024xf32, #tpu.memory_space<vmem>>, vector<1x16xf32>,
        %get3A_904 = vector.shape_cast %get3A_903 : vector<1x16xf32> to vector<16xf32>
        %mul3A_905 = arith.mulf %get3A_81, %get3A_904 : vector<16xf32>
        %get3A_906 = arith.index_cast %scan3A_78 : i32 to index
        %get3A_907 = arith.constant 816 : index
        %get3A_908 = tpu.vector_load %arg20[%get3A_906, %get3A_907] {strides = array<i32>} : memref<16x1024xf32, #tpu.memory_space<vmem>>, vector<1x16xf32>,
        %get3A_909 = vector.shape_cast %get3A_908 : vector<1x16xf32> to vector<16xf32>
        %mul3A_910 = arith.mulf %get3A_85, %get3A_909 : vector<16xf32>
        %add3A_911 = arith.addf %mul3A_905, %mul3A_910 : vector<16xf32>
        %swap3A_912 = arith.index_cast %scan3A_78 : i32 to index
        %swap3A_913 = arith.constant 816 : index
        %swap3A_914 = tpu.vector_load %arg21[%swap3A_912, %swap3A_913] {strides = array<i32>} : memref<16x1024xf32, #tpu.memory_space<vmem>>, vector<1x16xf32>,
        %swap3A_915 = vector.shape_cast %swap3A_914 : vector<1x16xf32> to vector<16xf32>
        %swap3A_916 = vector.shape_cast %add3A_911 : vector<16xf32> to vector<1x16xf32>
        tpu.vector_store %arg21[%swap3A_912, %swap3A_913], %swap3A_916 {strides = array<i32>} : memref<16x1024xf32, #tpu.memory_space<vmem>>, vector<1x16xf32>,
        %get3A_917 = arith.index_cast %scan3A_78 : i32 to index
        %get3A_918 = arith.constant 832 : index
        %get3A_919 = tpu.vector_load %arg19[%get3A_917, %get3A_918] {strides = array<i32>} : memref<16x1024xf32, #tpu.memory_space<vmem>>, vector<1x16xf32>,
        %get3A_920 = vector.shape_cast %get3A_919 : vector<1x16xf32> to vector<16xf32>
        %mul3A_921 = arith.mulf %get3A_81, %get3A_920 : vector<16xf32>
        %get3A_922 = arith.index_cast %scan3A_78 : i32 to index
        %get3A_923 = arith.constant 832 : index
        %get3A_924 = tpu.vector_load %arg20[%get3A_922, %get3A_923] {strides = array<i32>} : memref<16x1024xf32, #tpu.memory_space<vmem>>, vector<1x16xf32>,
        %get3A_925 = vector.shape_cast %get3A_924 : vector<1x16xf32> to vector<16xf32>
        %mul3A_926 = arith.mulf %get3A_85, %get3A_925 : vector<16xf32>
        %add3A_927 = arith.addf %mul3A_921, %mul3A_926 : vector<16xf32>
        %swap3A_928 = arith.index_cast %scan3A_78 : i32 to index
        %swap3A_929 = arith.constant 832 : index
        %swap3A_930 = tpu.vector_load %arg21[%swap3A_928, %swap3A_929] {strides = array<i32>} : memref<16x1024xf32, #tpu.memory_space<vmem>>, vector<1x16xf32>,
        %swap3A_931 = vector.shape_cast %swap3A_930 : vector<1x16xf32> to vector<16xf32>
        %swap3A_932 = vector.shape_cast %add3A_927 : vector<16xf32> to vector<1x16xf32>
        tpu.vector_store %arg21[%swap3A_928, %swap3A_929], %swap3A_932 {strides = array<i32>} : memref<16x1024xf32, #tpu.memory_space<vmem>>, vector<1x16xf32>,
        %get3A_933 = arith.index_cast %scan3A_78 : i32 to index
        %get3A_934 = arith.constant 848 : index
        %get3A_935 = tpu.vector_load %arg19[%get3A_933, %get3A_934] {strides = array<i32>} : memref<16x1024xf32, #tpu.memory_space<vmem>>, vector<1x16xf32>,
        %get3A_936 = vector.shape_cast %get3A_935 : vector<1x16xf32> to vector<16xf32>
        %mul3A_937 = arith.mulf %get3A_81, %get3A_936 : vector<16xf32>
        %get3A_938 = arith.index_cast %scan3A_78 : i32 to index
        %get3A_939 = arith.constant 848 : index
        %get3A_940 = tpu.vector_load %arg20[%get3A_938, %get3A_939] {strides = array<i32>} : memref<16x1024xf32, #tpu.memory_space<vmem>>, vector<1x16xf32>,
        %get3A_941 = vector.shape_cast %get3A_940 : vector<1x16xf32> to vector<16xf32>
        %mul3A_942 = arith.mulf %get3A_85, %get3A_941 : vector<16xf32>
        %add3A_943 = arith.addf %mul3A_937, %mul3A_942 : vector<16xf32>
        %swap3A_944 = arith.index_cast %scan3A_78 : i32 to index
        %swap3A_945 = arith.constant 848 : index
        %swap3A_946 = tpu.vector_load %arg21[%swap3A_944, %swap3A_945] {strides = array<i32>} : memref<16x1024xf32, #tpu.memory_space<vmem>>, vector<1x16xf32>,
        %swap3A_947 = vector.shape_cast %swap3A_946 : vector<1x16xf32> to vector<16xf32>
        %swap3A_948 = vector.shape_cast %add3A_943 : vector<16xf32> to vector<1x16xf32>
        tpu.vector_store %arg21[%swap3A_944, %swap3A_945], %swap3A_948 {strides = array<i32>} : memref<16x1024xf32, #tpu.memory_space<vmem>>, vector<1x16xf32>,
        %get3A_949 = arith.index_cast %scan3A_78 : i32 to index
        %get3A_950 = arith.constant 864 : index
        %get3A_951 = tpu.vector_load %arg19[%get3A_949, %get3A_950] {strides = array<i32>} : memref<16x1024xf32, #tpu.memory_space<vmem>>, vector<1x16xf32>,
        %get3A_952 = vector.shape_cast %get3A_951 : vector<1x16xf32> to vector<16xf32>
        %mul3A_953 = arith.mulf %get3A_81, %get3A_952 : vector<16xf32>
        %get3A_954 = arith.index_cast %scan3A_78 : i32 to index
        %get3A_955 = arith.constant 864 : index
        %get3A_956 = tpu.vector_load %arg20[%get3A_954, %get3A_955] {strides = array<i32>} : memref<16x1024xf32, #tpu.memory_space<vmem>>, vector<1x16xf32>,
        %get3A_957 = vector.shape_cast %get3A_956 : vector<1x16xf32> to vector<16xf32>
        %mul3A_958 = arith.mulf %get3A_85, %get3A_957 : vector<16xf32>
        %add3A_959 = arith.addf %mul3A_953, %mul3A_958 : vector<16xf32>
        %swap3A_960 = arith.index_cast %scan3A_78 : i32 to index
        %swap3A_961 = arith.constant 864 : index
        %swap3A_962 = tpu.vector_load %arg21[%swap3A_960, %swap3A_961] {strides = array<i32>} : memref<16x1024xf32, #tpu.memory_space<vmem>>, vector<1x16xf32>,
        %swap3A_963 = vector.shape_cast %swap3A_962 : vector<1x16xf32> to vector<16xf32>
        %swap3A_964 = vector.shape_cast %add3A_959 : vector<16xf32> to vector<1x16xf32>
        tpu.vector_store %arg21[%swap3A_960, %swap3A_961], %swap3A_964 {strides = array<i32>} : memref<16x1024xf32, #tpu.memory_space<vmem>>, vector<1x16xf32>,
        %get3A_965 = arith.index_cast %scan3A_78 : i32 to index
        %get3A_966 = arith.constant 880 : index
        %get3A_967 = tpu.vector_load %arg19[%get3A_965, %get3A_966] {strides = array<i32>} : memref<16x1024xf32, #tpu.memory_space<vmem>>, vector<1x16xf32>,
        %get3A_968 = vector.shape_cast %get3A_967 : vector<1x16xf32> to vector<16xf32>
        %mul3A_969 = arith.mulf %get3A_81, %get3A_968 : vector<16xf32>
        %get3A_970 = arith.index_cast %scan3A_78 : i32 to index
        %get3A_971 = arith.constant 880 : index
        %get3A_972 = tpu.vector_load %arg20[%get3A_970, %get3A_971] {strides = array<i32>} : memref<16x1024xf32, #tpu.memory_space<vmem>>, vector<1x16xf32>,
        %get3A_973 = vector.shape_cast %get3A_972 : vector<1x16xf32> to vector<16xf32>
        %mul3A_974 = arith.mulf %get3A_85, %get3A_973 : vector<16xf32>
        %add3A_975 = arith.addf %mul3A_969, %mul3A_974 : vector<16xf32>
        %swap3A_976 = arith.index_cast %scan3A_78 : i32 to index
        %swap3A_977 = arith.constant 880 : index
        %swap3A_978 = tpu.vector_load %arg21[%swap3A_976, %swap3A_977] {strides = array<i32>} : memref<16x1024xf32, #tpu.memory_space<vmem>>, vector<1x16xf32>,
        %swap3A_979 = vector.shape_cast %swap3A_978 : vector<1x16xf32> to vector<16xf32>
        %swap3A_980 = vector.shape_cast %add3A_975 : vector<16xf32> to vector<1x16xf32>
        tpu.vector_store %arg21[%swap3A_976, %swap3A_977], %swap3A_980 {strides = array<i32>} : memref<16x1024xf32, #tpu.memory_space<vmem>>, vector<1x16xf32>,
        %get3A_981 = arith.index_cast %scan3A_78 : i32 to index
        %get3A_982 = arith.constant 896 : index
        %get3A_983 = tpu.vector_load %arg19[%get3A_981, %get3A_982] {strides = array<i32>} : memref<16x1024xf32, #tpu.memory_space<vmem>>, vector<1x16xf32>,
        %get3A_984 = vector.shape_cast %get3A_983 : vector<1x16xf32> to vector<16xf32>
        %mul3A_985 = arith.mulf %get3A_81, %get3A_984 : vector<16xf32>
        %get3A_986 = arith.index_cast %scan3A_78 : i32 to index
        %get3A_987 = arith.constant 896 : index
        %get3A_988 = tpu.vector_load %arg20[%get3A_986, %get3A_987] {strides = array<i32>} : memref<16x1024xf32, #tpu.memory_space<vmem>>, vector<1x16xf32>,
        %get3A_989 = vector.shape_cast %get3A_988 : vector<1x16xf32> to vector<16xf32>
        %mul3A_990 = arith.mulf %get3A_85, %get3A_989 : vector<16xf32>
        %add3A_991 = arith.addf %mul3A_985, %mul3A_990 : vector<16xf32>
        %swap3A_992 = arith.index_cast %scan3A_78 : i32 to index
        %swap3A_993 = arith.constant 896 : index
        %swap3A_994 = tpu.vector_load %arg21[%swap3A_992, %swap3A_993] {strides = array<i32>} : memref<16x1024xf32, #tpu.memory_space<vmem>>, vector<1x16xf32>,
        %swap3A_995 = vector.shape_cast %swap3A_994 : vector<1x16xf32> to vector<16xf32>
        %swap3A_996 = vector.shape_cast %add3A_991 : vector<16xf32> to vector<1x16xf32>
        tpu.vector_store %arg21[%swap3A_992, %swap3A_993], %swap3A_996 {strides = array<i32>} : memref<16x1024xf32, #tpu.memory_space<vmem>>, vector<1x16xf32>,
        %get3A_997 = arith.index_cast %scan3A_78 : i32 to index
        %get3A_998 = arith.constant 912 : index
        %get3A_999 = tpu.vector_load %arg19[%get3A_997, %get3A_998] {strides = array<i32>} : memref<16x1024xf32, #tpu.memory_space<vmem>>, vector<1x16xf32>,
        %get3A_1000 = vector.shape_cast %get3A_999 : vector<1x16xf32> to vector<16xf32>
        %mul3A_1001 = arith.mulf %get3A_81, %get3A_1000 : vector<16xf32>
        %get3A_1002 = arith.index_cast %scan3A_78 : i32 to index
        %get3A_1003 = arith.constant 912 : index
        %get3A_1004 = tpu.vector_load %arg20[%get3A_1002, %get3A_1003] {strides = array<i32>} : memref<16x1024xf32, #tpu.memory_space<vmem>>, vector<1x16xf32>,
        %get3A_1005 = vector.shape_cast %get3A_1004 : vector<1x16xf32> to vector<16xf32>
        %mul3A_1006 = arith.mulf %get3A_85, %get3A_1005 : vector<16xf32>
        %add3A_1007 = arith.addf %mul3A_1001, %mul3A_1006 : vector<16xf32>
        %swap3A_1008 = arith.index_cast %scan3A_78 : i32 to index
        %swap3A_1009 = arith.constant 912 : index
        %swap3A_1010 = tpu.vector_load %arg21[%swap3A_1008, %swap3A_1009] {strides = array<i32>} : memref<16x1024xf32, #tpu.memory_space<vmem>>, vector<1x16xf32>,
        %swap3A_1011 = vector.shape_cast %swap3A_1010 : vector<1x16xf32> to vector<16xf32>
        %swap3A_1012 = vector.shape_cast %add3A_1007 : vector<16xf32> to vector<1x16xf32>
        tpu.vector_store %arg21[%swap3A_1008, %swap3A_1009], %swap3A_1012 {strides = array<i32>} : memref<16x1024xf32, #tpu.memory_space<vmem>>, vector<1x16xf32>,
        %get3A_1013 = arith.index_cast %scan3A_78 : i32 to index
        %get3A_1014 = arith.constant 928 : index
        %get3A_1015 = tpu.vector_load %arg19[%get3A_1013, %get3A_1014] {strides = array<i32>} : memref<16x1024xf32, #tpu.memory_space<vmem>>, vector<1x16xf32>,
        %get3A_1016 = vector.shape_cast %get3A_1015 : vector<1x16xf32> to vector<16xf32>
        %mul3A_1017 = arith.mulf %get3A_81, %get3A_1016 : vector<16xf32>
        %get3A_1018 = arith.index_cast %scan3A_78 : i32 to index
        %get3A_1019 = arith.constant 928 : index
        %get3A_1020 = tpu.vector_load %arg20[%get3A_1018, %get3A_1019] {strides = array<i32>} : memref<16x1024xf32, #tpu.memory_space<vmem>>, vector<1x16xf32>,
        %get3A_1021 = vector.shape_cast %get3A_1020 : vector<1x16xf32> to vector<16xf32>
        %mul3A_1022 = arith.mulf %get3A_85, %get3A_1021 : vector<16xf32>
        %add3A_1023 = arith.addf %mul3A_1017, %mul3A_1022 : vector<16xf32>
        %swap3A_1024 = arith.index_cast %scan3A_78 : i32 to index
        %swap3A_1025 = arith.constant 928 : index
        %swap3A_1026 = tpu.vector_load %arg21[%swap3A_1024, %swap3A_1025] {strides = array<i32>} : memref<16x1024xf32, #tpu.memory_space<vmem>>, vector<1x16xf32>,
        %swap3A_1027 = vector.shape_cast %swap3A_1026 : vector<1x16xf32> to vector<16xf32>
        %swap3A_1028 = vector.shape_cast %add3A_1023 : vector<16xf32> to vector<1x16xf32>
        tpu.vector_store %arg21[%swap3A_1024, %swap3A_1025], %swap3A_1028 {strides = array<i32>} : memref<16x1024xf32, #tpu.memory_space<vmem>>, vector<1x16xf32>,
        %get3A_1029 = arith.index_cast %scan3A_78 : i32 to index
        %get3A_1030 = arith.constant 944 : index
        %get3A_1031 = tpu.vector_load %arg19[%get3A_1029, %get3A_1030] {strides = array<i32>} : memref<16x1024xf32, #tpu.memory_space<vmem>>, vector<1x16xf32>,
        %get3A_1032 = vector.shape_cast %get3A_1031 : vector<1x16xf32> to vector<16xf32>
        %mul3A_1033 = arith.mulf %get3A_81, %get3A_1032 : vector<16xf32>
        %get3A_1034 = arith.index_cast %scan3A_78 : i32 to index
        %get3A_1035 = arith.constant 944 : index
        %get3A_1036 = tpu.vector_load %arg20[%get3A_1034, %get3A_1035] {strides = array<i32>} : memref<16x1024xf32, #tpu.memory_space<vmem>>, vector<1x16xf32>,
        %get3A_1037 = vector.shape_cast %get3A_1036 : vector<1x16xf32> to vector<16xf32>
        %mul3A_1038 = arith.mulf %get3A_85, %get3A_1037 : vector<16xf32>
        %add3A_1039 = arith.addf %mul3A_1033, %mul3A_1038 : vector<16xf32>
        %swap3A_1040 = arith.index_cast %scan3A_78 : i32 to index
        %swap3A_1041 = arith.constant 944 : index
        %swap3A_1042 = tpu.vector_load %arg21[%swap3A_1040, %swap3A_1041] {strides = array<i32>} : memref<16x1024xf32, #tpu.memory_space<vmem>>, vector<1x16xf32>,
        %swap3A_1043 = vector.shape_cast %swap3A_1042 : vector<1x16xf32> to vector<16xf32>
        %swap3A_1044 = vector.shape_cast %add3A_1039 : vector<16xf32> to vector<1x16xf32>
        tpu.vector_store %arg21[%swap3A_1040, %swap3A_1041], %swap3A_1044 {strides = array<i32>} : memref<16x1024xf32, #tpu.memory_space<vmem>>, vector<1x16xf32>,
        %get3A_1045 = arith.index_cast %scan3A_78 : i32 to index
        %get3A_1046 = arith.constant 960 : index
        %get3A_1047 = tpu.vector_load %arg19[%get3A_1045, %get3A_1046] {strides = array<i32>} : memref<16x1024xf32, #tpu.memory_space<vmem>>, vector<1x16xf32>,
        %get3A_1048 = vector.shape_cast %get3A_1047 : vector<1x16xf32> to vector<16xf32>
        %mul3A_1049 = arith.mulf %get3A_81, %get3A_1048 : vector<16xf32>
        %get3A_1050 = arith.index_cast %scan3A_78 : i32 to index
        %get3A_1051 = arith.constant 960 : index
        %get3A_1052 = tpu.vector_load %arg20[%get3A_1050, %get3A_1051] {strides = array<i32>} : memref<16x1024xf32, #tpu.memory_space<vmem>>, vector<1x16xf32>,
        %get3A_1053 = vector.shape_cast %get3A_1052 : vector<1x16xf32> to vector<16xf32>
        %mul3A_1054 = arith.mulf %get3A_85, %get3A_1053 : vector<16xf32>
        %add3A_1055 = arith.addf %mul3A_1049, %mul3A_1054 : vector<16xf32>
        %swap3A_1056 = arith.index_cast %scan3A_78 : i32 to index
        %swap3A_1057 = arith.constant 960 : index
        %swap3A_1058 = tpu.vector_load %arg21[%swap3A_1056, %swap3A_1057] {strides = array<i32>} : memref<16x1024xf32, #tpu.memory_space<vmem>>, vector<1x16xf32>,
        %swap3A_1059 = vector.shape_cast %swap3A_1058 : vector<1x16xf32> to vector<16xf32>
        %swap3A_1060 = vector.shape_cast %add3A_1055 : vector<16xf32> to vector<1x16xf32>
        tpu.vector_store %arg21[%swap3A_1056, %swap3A_1057], %swap3A_1060 {strides = array<i32>} : memref<16x1024xf32, #tpu.memory_space<vmem>>, vector<1x16xf32>,
        %get3A_1061 = arith.index_cast %scan3A_78 : i32 to index
        %get3A_1062 = arith.constant 976 : index
        %get3A_1063 = tpu.vector_load %arg19[%get3A_1061, %get3A_1062] {strides = array<i32>} : memref<16x1024xf32, #tpu.memory_space<vmem>>, vector<1x16xf32>,
        %get3A_1064 = vector.shape_cast %get3A_1063 : vector<1x16xf32> to vector<16xf32>
        %mul3A_1065 = arith.mulf %get3A_81, %get3A_1064 : vector<16xf32>
        %get3A_1066 = arith.index_cast %scan3A_78 : i32 to index
        %get3A_1067 = arith.constant 976 : index
        %get3A_1068 = tpu.vector_load %arg20[%get3A_1066, %get3A_1067] {strides = array<i32>} : memref<16x1024xf32, #tpu.memory_space<vmem>>, vector<1x16xf32>,
        %get3A_1069 = vector.shape_cast %get3A_1068 : vector<1x16xf32> to vector<16xf32>
        %mul3A_1070 = arith.mulf %get3A_85, %get3A_1069 : vector<16xf32>
        %add3A_1071 = arith.addf %mul3A_1065, %mul3A_1070 : vector<16xf32>
        %swap3A_1072 = arith.index_cast %scan3A_78 : i32 to index
        %swap3A_1073 = arith.constant 976 : index
        %swap3A_1074 = tpu.vector_load %arg21[%swap3A_1072, %swap3A_1073] {strides = array<i32>} : memref<16x1024xf32, #tpu.memory_space<vmem>>, vector<1x16xf32>,
        %swap3A_1075 = vector.shape_cast %swap3A_1074 : vector<1x16xf32> to vector<16xf32>
        %swap3A_1076 = vector.shape_cast %add3A_1071 : vector<16xf32> to vector<1x16xf32>
        tpu.vector_store %arg21[%swap3A_1072, %swap3A_1073], %swap3A_1076 {strides = array<i32>} : memref<16x1024xf32, #tpu.memory_space<vmem>>, vector<1x16xf32>,
        %get3A_1077 = arith.index_cast %scan3A_78 : i32 to index
        %get3A_1078 = arith.constant 992 : index
        %get3A_1079 = tpu.vector_load %arg19[%get3A_1077, %get3A_1078] {strides = array<i32>} : memref<16x1024xf32, #tpu.memory_space<vmem>>, vector<1x16xf32>,
        %get3A_1080 = vector.shape_cast %get3A_1079 : vector<1x16xf32> to vector<16xf32>
        %mul3A_1081 = arith.mulf %get3A_81, %get3A_1080 : vector<16xf32>
        %get3A_1082 = arith.index_cast %scan3A_78 : i32 to index
        %get3A_1083 = arith.constant 992 : index
        %get3A_1084 = tpu.vector_load %arg20[%get3A_1082, %get3A_1083] {strides = array<i32>} : memref<16x1024xf32, #tpu.memory_space<vmem>>, vector<1x16xf32>,
        %get3A_1085 = vector.shape_cast %get3A_1084 : vector<1x16xf32> to vector<16xf32>
        %mul3A_1086 = arith.mulf %get3A_85, %get3A_1085 : vector<16xf32>
        %add3A_1087 = arith.addf %mul3A_1081, %mul3A_1086 : vector<16xf32>
        %swap3A_1088 = arith.index_cast %scan3A_78 : i32 to index
        %swap3A_1089 = arith.constant 992 : index
        %swap3A_1090 = tpu.vector_load %arg21[%swap3A_1088, %swap3A_1089] {strides = array<i32>} : memref<16x1024xf32, #tpu.memory_space<vmem>>, vector<1x16xf32>,
        %swap3A_1091 = vector.shape_cast %swap3A_1090 : vector<1x16xf32> to vector<16xf32>
        %swap3A_1092 = vector.shape_cast %add3A_1087 : vector<16xf32> to vector<1x16xf32>
        tpu.vector_store %arg21[%swap3A_1088, %swap3A_1089], %swap3A_1092 {strides = array<i32>} : memref<16x1024xf32, #tpu.memory_space<vmem>>, vector<1x16xf32>,
        %get3A_1093 = arith.index_cast %scan3A_78 : i32 to index
        %get3A_1094 = arith.constant 1008 : index
        %get3A_1095 = tpu.vector_load %arg19[%get3A_1093, %get3A_1094] {strides = array<i32>} : memref<16x1024xf32, #tpu.memory_space<vmem>>, vector<1x16xf32>,
        %get3A_1096 = vector.shape_cast %get3A_1095 : vector<1x16xf32> to vector<16xf32>
        %mul3A_1097 = arith.mulf %get3A_81, %get3A_1096 : vector<16xf32>
        %get3A_1098 = arith.index_cast %scan3A_78 : i32 to index
        %get3A_1099 = arith.constant 1008 : index
        %get3A_1100 = tpu.vector_load %arg20[%get3A_1098, %get3A_1099] {strides = array<i32>} : memref<16x1024xf32, #tpu.memory_space<vmem>>, vector<1x16xf32>,
        %get3A_1101 = vector.shape_cast %get3A_1100 : vector<1x16xf32> to vector<16xf32>
        %mul3A_1102 = arith.mulf %get3A_85, %get3A_1101 : vector<16xf32>
        %add3A_1103 = arith.addf %mul3A_1097, %mul3A_1102 : vector<16xf32>
        %swap3A_1104 = arith.index_cast %scan3A_78 : i32 to index
        %swap3A_1105 = arith.constant 1008 : index
        %swap3A_1106 = tpu.vector_load %arg21[%swap3A_1104, %swap3A_1105] {strides = array<i32>} : memref<16x1024xf32, #tpu.memory_space<vmem>>, vector<1x16xf32>,
        %swap3A_1107 = vector.shape_cast %swap3A_1106 : vector<1x16xf32> to vector<16xf32>
        %swap3A_1108 = vector.shape_cast %add3A_1103 : vector<16xf32> to vector<1x16xf32>
        tpu.vector_store %arg21[%swap3A_1104, %swap3A_1105], %swap3A_1108 {strides = array<i32>} : memref<16x1024xf32, #tpu.memory_space<vmem>>, vector<1x16xf32>,
      }
      %scan3A_67 = arith.constant 16 : i32
      %add3A_68 = arith.constant 16 : i32
      %add3A_69 = arith.addi %add3A_37, %add3A_68 : i32
      %dma_start3A_70 = arith.constant 0 : i32
      %dma_start3A_71 = tpu.memref_slice %arg7[%add3A_69, %dma_start3A_70] : memref<8192x1024xf32, #tpu.memory_space<hbm>> -> memref<16x1024xf32, #tpu.memory_space<hbm>>
      %dma_start3A_72 = arith.constant 0 : i32
      %dma_start3A_73 = tpu.memref_slice %arg7[%add3A_69, %dma_start3A_72] : memref<8192x1024xf32, #tpu.memory_space<hbm>> -> memref<16x1024xf32, #tpu.memory_space<hbm>>
      tpu.enqueue_dma source(%arg21 : memref<16x1024xf32, #tpu.memory_space<vmem>>) target(%dma_start3A_73 : memref<16x1024xf32, #tpu.memory_space<hbm>>) target_semaphore(%arg27 : memref<!tpu.dma_semaphore, #tpu.memory_space<semaphore_mem>>)
      %lt3A = arith.constant 7 : i32
      %lt3A_74 = arith.cmpi slt, %scan3A_32, %lt3A : i32
      %convert_element_type3A_75 = arith.extui %lt3A_74 : i1 to i32
      %cond3A_76 = arith.constant 0 : i32
      %cond3A_77 = arith.cmpi ne, %convert_element_type3A_75, %cond3A_76 : i32
      scf.if %cond3A_77 {
        %add3A_78 = arith.constant 32 : i32
        %add3A_79 = arith.addi %add3A_37, %add3A_78 : i32
        "tpu.region"() ({
          %run_scoped3A = tpu.sem_alloc : memref<!tpu.dma_semaphore, #tpu.memory_space<semaphore_mem>>
          %dma_start3A_94 = tpu.memref_slice %arg3[%add3A_79] : memref<8192xi32, #tpu.memory_space<hbm>> -> memref<16xi32, #tpu.memory_space<hbm>>
          %dma_start3A_95 = tpu.memref_slice %arg3[%add3A_79] : memref<8192xi32, #tpu.memory_space<hbm>> -> memref<16xi32, #tpu.memory_space<hbm>>
          tpu.enqueue_dma source(%dma_start3A_95 : memref<16xi32, #tpu.memory_space<hbm>>) target(%arg8 : memref<16xi32, #tpu.memory_space<vmem>>) target_semaphore(%run_scoped3A : memref<!tpu.dma_semaphore, #tpu.memory_space<semaphore_mem>>)
          %dma_wait3A_96 = tpu.memref_slice %arg3[%add3A_79] : memref<8192xi32, #tpu.memory_space<hbm>> -> memref<16xi32, #tpu.memory_space<hbm>>
          %dma_wait3A_97 = tpu.memref_slice %arg3[%add3A_79] : memref<8192xi32, #tpu.memory_space<hbm>> -> memref<16xi32, #tpu.memory_space<hbm>>
          tpu.wait_dma2 semaphore(%run_scoped3A : memref<!tpu.dma_semaphore, #tpu.memory_space<semaphore_mem>>) src(%dma_wait3A_97 : memref<16xi32, #tpu.memory_space<hbm>>) dst(%arg8 : memref<16xi32, #tpu.memory_space<vmem>>)
          tpu.yield
        }) : () -> ()
        "tpu.region"() ({
          %run_scoped3A = tpu.sem_alloc : memref<!tpu.dma_semaphore, #tpu.memory_space<semaphore_mem>>
          %dma_start3A_94 = tpu.memref_slice %arg4[%add3A_79] : memref<8192xi32, #tpu.memory_space<hbm>> -> memref<16xi32, #tpu.memory_space<hbm>>
          %dma_start3A_95 = tpu.memref_slice %arg4[%add3A_79] : memref<8192xi32, #tpu.memory_space<hbm>> -> memref<16xi32, #tpu.memory_space<hbm>>
          tpu.enqueue_dma source(%dma_start3A_95 : memref<16xi32, #tpu.memory_space<hbm>>) target(%arg9 : memref<16xi32, #tpu.memory_space<vmem>>) target_semaphore(%run_scoped3A : memref<!tpu.dma_semaphore, #tpu.memory_space<semaphore_mem>>)
          %dma_wait3A_96 = tpu.memref_slice %arg4[%add3A_79] : memref<8192xi32, #tpu.memory_space<hbm>> -> memref<16xi32, #tpu.memory_space<hbm>>
          %dma_wait3A_97 = tpu.memref_slice %arg4[%add3A_79] : memref<8192xi32, #tpu.memory_space<hbm>> -> memref<16xi32, #tpu.memory_space<hbm>>
          tpu.wait_dma2 semaphore(%run_scoped3A : memref<!tpu.dma_semaphore, #tpu.memory_space<semaphore_mem>>) src(%dma_wait3A_97 : memref<16xi32, #tpu.memory_space<hbm>>) dst(%arg9 : memref<16xi32, #tpu.memory_space<vmem>>)
          tpu.yield
        }) : () -> ()
        "tpu.region"() ({
          %run_scoped3A = tpu.sem_alloc : memref<!tpu.dma_semaphore, #tpu.memory_space<semaphore_mem>>
          %dma_start3A_94 = arith.constant 0 : i32
          %dma_start3A_95 = tpu.memref_slice %arg5[%add3A_79, %dma_start3A_94] : memref<8192x16xf32, #tpu.memory_space<hbm>> -> memref<16x16xf32, #tpu.memory_space<hbm>>
          %dma_start3A_96 = arith.constant 0 : i32
          %dma_start3A_97 = tpu.memref_slice %arg5[%add3A_79, %dma_start3A_96] : memref<8192x16xf32, #tpu.memory_space<hbm>> -> memref<16x16xf32, #tpu.memory_space<hbm>>
          tpu.enqueue_dma source(%dma_start3A_97 : memref<16x16xf32, #tpu.memory_space<hbm>>) target(%arg10 : memref<16x16xf32, #tpu.memory_space<vmem>>) target_semaphore(%run_scoped3A : memref<!tpu.dma_semaphore, #tpu.memory_space<semaphore_mem>>)
          %dma_wait3A_98 = arith.constant 0 : i32
          %dma_wait3A_99 = tpu.memref_slice %arg5[%add3A_79, %dma_wait3A_98] : memref<8192x16xf32, #tpu.memory_space<hbm>> -> memref<16x16xf32, #tpu.memory_space<hbm>>
          %dma_wait3A_100 = arith.constant 0 : i32
          %dma_wait3A_101 = tpu.memref_slice %arg5[%add3A_79, %dma_wait3A_100] : memref<8192x16xf32, #tpu.memory_space<hbm>> -> memref<16x16xf32, #tpu.memory_space<hbm>>
          tpu.wait_dma2 semaphore(%run_scoped3A : memref<!tpu.dma_semaphore, #tpu.memory_space<semaphore_mem>>) src(%dma_wait3A_101 : memref<16x16xf32, #tpu.memory_space<hbm>>) dst(%arg10 : memref<16x16xf32, #tpu.memory_space<vmem>>)
          tpu.yield
        }) : () -> ()
        "tpu.region"() ({
          %run_scoped3A = tpu.sem_alloc : memref<!tpu.dma_semaphore, #tpu.memory_space<semaphore_mem>>
          %dma_start3A_94 = arith.constant 0 : i32
          %dma_start3A_95 = tpu.memref_slice %arg6[%add3A_79, %dma_start3A_94] : memref<8192x16xf32, #tpu.memory_space<hbm>> -> memref<16x16xf32, #tpu.memory_space<hbm>>
          %dma_start3A_96 = arith.constant 0 : i32
          %dma_start3A_97 = tpu.memref_slice %arg6[%add3A_79, %dma_start3A_96] : memref<8192x16xf32, #tpu.memory_space<hbm>> -> memref<16x16xf32, #tpu.memory_space<hbm>>
          tpu.enqueue_dma source(%dma_start3A_97 : memref<16x16xf32, #tpu.memory_space<hbm>>) target(%arg11 : memref<16x16xf32, #tpu.memory_space<vmem>>) target_semaphore(%run_scoped3A : memref<!tpu.dma_semaphore, #tpu.memory_space<semaphore_mem>>)
          %dma_wait3A_98 = arith.constant 0 : i32
          %dma_wait3A_99 = tpu.memref_slice %arg6[%add3A_79, %dma_wait3A_98] : memref<8192x16xf32, #tpu.memory_space<hbm>> -> memref<16x16xf32, #tpu.memory_space<hbm>>
          %dma_wait3A_100 = arith.constant 0 : i32
          %dma_wait3A_101 = tpu.memref_slice %arg6[%add3A_79, %dma_wait3A_100] : memref<8192x16xf32, #tpu.memory_space<hbm>> -> memref<16x16xf32, #tpu.memory_space<hbm>>
          tpu.wait_dma2 semaphore(%run_scoped3A : memref<!tpu.dma_semaphore, #tpu.memory_space<semaphore_mem>>) src(%dma_wait3A_101 : memref<16x16xf32, #tpu.memory_space<hbm>>) dst(%arg11 : memref<16x16xf32, #tpu.memory_space<vmem>>)
          tpu.yield
        }) : () -> ()
        %dma_start3A_80 = arith.constant 0 : i32
        %dma_start3A_81 = arith.constant 0 : i32
        %dma_start3A_82 = tpu.memref_slice %arg2[%dma_start3A_80, %dma_start3A_81] : memref<20480x1024xf32, #tpu.memory_space<hbm>> -> memref<20480x1024xf32, #tpu.memory_space<hbm>>
        tpu.enqueue_indirect_dma source(%dma_start3A_82 : memref<20480x1024xf32, #tpu.memory_space<hbm>>) target(%arg12 : memref<16x1024xf32, #tpu.memory_space<vmem>>) offsets(%arg8 : memref<16xi32, #tpu.memory_space<vmem>>) semaphore(%arg22 : memref<!tpu.dma_semaphore, #tpu.memory_space<semaphore_mem>>)
        %dma_start3A_83 = arith.constant 0 : i32
        %dma_start3A_84 = arith.constant 0 : i32
        %dma_start3A_85 = tpu.memref_slice %arg2[%dma_start3A_83, %dma_start3A_84] : memref<20480x1024xf32, #tpu.memory_space<hbm>> -> memref<20480x1024xf32, #tpu.memory_space<hbm>>
        tpu.enqueue_indirect_dma source(%dma_start3A_85 : memref<20480x1024xf32, #tpu.memory_space<hbm>>) target(%arg13 : memref<16x1024xf32, #tpu.memory_space<vmem>>) offsets(%arg9 : memref<16xi32, #tpu.memory_space<vmem>>) semaphore(%arg23 : memref<!tpu.dma_semaphore, #tpu.memory_space<semaphore_mem>>)
        %add3A_86 = arith.constant 16 : i32
        %add3A_87 = arith.addi %add3A_79, %add3A_86 : i32
        "tpu.region"() ({
          %run_scoped3A = tpu.sem_alloc : memref<!tpu.dma_semaphore, #tpu.memory_space<semaphore_mem>>
          %dma_start3A_94 = tpu.memref_slice %arg3[%add3A_87] : memref<8192xi32, #tpu.memory_space<hbm>> -> memref<16xi32, #tpu.memory_space<hbm>>
          %dma_start3A_95 = tpu.memref_slice %arg3[%add3A_87] : memref<8192xi32, #tpu.memory_space<hbm>> -> memref<16xi32, #tpu.memory_space<hbm>>
          tpu.enqueue_dma source(%dma_start3A_95 : memref<16xi32, #tpu.memory_space<hbm>>) target(%arg15 : memref<16xi32, #tpu.memory_space<vmem>>) target_semaphore(%run_scoped3A : memref<!tpu.dma_semaphore, #tpu.memory_space<semaphore_mem>>)
          %dma_wait3A_96 = tpu.memref_slice %arg3[%add3A_87] : memref<8192xi32, #tpu.memory_space<hbm>> -> memref<16xi32, #tpu.memory_space<hbm>>
          %dma_wait3A_97 = tpu.memref_slice %arg3[%add3A_87] : memref<8192xi32, #tpu.memory_space<hbm>> -> memref<16xi32, #tpu.memory_space<hbm>>
          tpu.wait_dma2 semaphore(%run_scoped3A : memref<!tpu.dma_semaphore, #tpu.memory_space<semaphore_mem>>) src(%dma_wait3A_97 : memref<16xi32, #tpu.memory_space<hbm>>) dst(%arg15 : memref<16xi32, #tpu.memory_space<vmem>>)
          tpu.yield
        }) : () -> ()
        "tpu.region"() ({
          %run_scoped3A = tpu.sem_alloc : memref<!tpu.dma_semaphore, #tpu.memory_space<semaphore_mem>>
          %dma_start3A_94 = tpu.memref_slice %arg4[%add3A_87] : memref<8192xi32, #tpu.memory_space<hbm>> -> memref<16xi32, #tpu.memory_space<hbm>>
          %dma_start3A_95 = tpu.memref_slice %arg4[%add3A_87] : memref<8192xi32, #tpu.memory_space<hbm>> -> memref<16xi32, #tpu.memory_space<hbm>>
          tpu.enqueue_dma source(%dma_start3A_95 : memref<16xi32, #tpu.memory_space<hbm>>) target(%arg16 : memref<16xi32, #tpu.memory_space<vmem>>) target_semaphore(%run_scoped3A : memref<!tpu.dma_semaphore, #tpu.memory_space<semaphore_mem>>)
          %dma_wait3A_96 = tpu.memref_slice %arg4[%add3A_87] : memref<8192xi32, #tpu.memory_space<hbm>> -> memref<16xi32, #tpu.memory_space<hbm>>
          %dma_wait3A_97 = tpu.memref_slice %arg4[%add3A_87] : memref<8192xi32, #tpu.memory_space<hbm>> -> memref<16xi32, #tpu.memory_space<hbm>>
          tpu.wait_dma2 semaphore(%run_scoped3A : memref<!tpu.dma_semaphore, #tpu.memory_space<semaphore_mem>>) src(%dma_wait3A_97 : memref<16xi32, #tpu.memory_space<hbm>>) dst(%arg16 : memref<16xi32, #tpu.memory_space<vmem>>)
          tpu.yield
        }) : () -> ()
        "tpu.region"() ({
          %run_scoped3A = tpu.sem_alloc : memref<!tpu.dma_semaphore, #tpu.memory_space<semaphore_mem>>
          %dma_start3A_94 = arith.constant 0 : i32
          %dma_start3A_95 = tpu.memref_slice %arg5[%add3A_87, %dma_start3A_94] : memref<8192x16xf32, #tpu.memory_space<hbm>> -> memref<16x16xf32, #tpu.memory_space<hbm>>
          %dma_start3A_96 = arith.constant 0 : i32
          %dma_start3A_97 = tpu.memref_slice %arg5[%add3A_87, %dma_start3A_96] : memref<8192x16xf32, #tpu.memory_space<hbm>> -> memref<16x16xf32, #tpu.memory_space<hbm>>
          tpu.enqueue_dma source(%dma_start3A_97 : memref<16x16xf32, #tpu.memory_space<hbm>>) target(%arg17 : memref<16x16xf32, #tpu.memory_space<vmem>>) target_semaphore(%run_scoped3A : memref<!tpu.dma_semaphore, #tpu.memory_space<semaphore_mem>>)
          %dma_wait3A_98 = arith.constant 0 : i32
          %dma_wait3A_99 = tpu.memref_slice %arg5[%add3A_87, %dma_wait3A_98] : memref<8192x16xf32, #tpu.memory_space<hbm>> -> memref<16x16xf32, #tpu.memory_space<hbm>>
          %dma_wait3A_100 = arith.constant 0 : i32
          %dma_wait3A_101 = tpu.memref_slice %arg5[%add3A_87, %dma_wait3A_100] : memref<8192x16xf32, #tpu.memory_space<hbm>> -> memref<16x16xf32, #tpu.memory_space<hbm>>
          tpu.wait_dma2 semaphore(%run_scoped3A : memref<!tpu.dma_semaphore, #tpu.memory_space<semaphore_mem>>) src(%dma_wait3A_101 : memref<16x16xf32, #tpu.memory_space<hbm>>) dst(%arg17 : memref<16x16xf32, #tpu.memory_space<vmem>>)
          tpu.yield
        }) : () -> ()
        "tpu.region"() ({
          %run_scoped3A = tpu.sem_alloc : memref<!tpu.dma_semaphore, #tpu.memory_space<semaphore_mem>>
          %dma_start3A_94 = arith.constant 0 : i32
          %dma_start3A_95 = tpu.memref_slice %arg6[%add3A_87, %dma_start3A_94] : memref<8192x16xf32, #tpu.memory_space<hbm>> -> memref<16x16xf32, #tpu.memory_space<hbm>>
          %dma_start3A_96 = arith.constant 0 : i32
          %dma_start3A_97 = tpu.memref_slice %arg6[%add3A_87, %dma_start3A_96] : memref<8192x16xf32, #tpu.memory_space<hbm>> -> memref<16x16xf32, #tpu.memory_space<hbm>>
          tpu.enqueue_dma source(%dma_start3A_97 : memref<16x16xf32, #tpu.memory_space<hbm>>) target(%arg18 : memref<16x16xf32, #tpu.memory_space<vmem>>) target_semaphore(%run_scoped3A : memref<!tpu.dma_semaphore, #tpu.memory_space<semaphore_mem>>)
          %dma_wait3A_98 = arith.constant 0 : i32
          %dma_wait3A_99 = tpu.memref_slice %arg6[%add3A_87, %dma_wait3A_98] : memref<8192x16xf32, #tpu.memory_space<hbm>> -> memref<16x16xf32, #tpu.memory_space<hbm>>
          %dma_wait3A_100 = arith.constant 0 : i32
          %dma_wait3A_101 = tpu.memref_slice %arg6[%add3A_87, %dma_wait3A_100] : memref<8192x16xf32, #tpu.memory_space<hbm>> -> memref<16x16xf32, #tpu.memory_space<hbm>>
          tpu.wait_dma2 semaphore(%run_scoped3A : memref<!tpu.dma_semaphore, #tpu.memory_space<semaphore_mem>>) src(%dma_wait3A_101 : memref<16x16xf32, #tpu.memory_space<hbm>>) dst(%arg18 : memref<16x16xf32, #tpu.memory_space<vmem>>)
          tpu.yield
        }) : () -> ()
        %dma_start3A_88 = arith.constant 0 : i32
        %dma_start3A_89 = arith.constant 0 : i32
        %dma_start3A_90 = tpu.memref_slice %arg2[%dma_start3A_88, %dma_start3A_89] : memref<20480x1024xf32, #tpu.memory_space<hbm>> -> memref<20480x1024xf32, #tpu.memory_space<hbm>>
        tpu.enqueue_indirect_dma source(%dma_start3A_90 : memref<20480x1024xf32, #tpu.memory_space<hbm>>) target(%arg19 : memref<16x1024xf32, #tpu.memory_space<vmem>>) offsets(%arg15 : memref<16xi32, #tpu.memory_space<vmem>>) semaphore(%arg24 : memref<!tpu.dma_semaphore, #tpu.memory_space<semaphore_mem>>)
        %dma_start3A_91 = arith.constant 0 : i32
        %dma_start3A_92 = arith.constant 0 : i32
        %dma_start3A_93 = tpu.memref_slice %arg2[%dma_start3A_91, %dma_start3A_92] : memref<20480x1024xf32, #tpu.memory_space<hbm>> -> memref<20480x1024xf32, #tpu.memory_space<hbm>>
        tpu.enqueue_indirect_dma source(%dma_start3A_93 : memref<20480x1024xf32, #tpu.memory_space<hbm>>) target(%arg20 : memref<16x1024xf32, #tpu.memory_space<vmem>>) offsets(%arg16 : memref<16xi32, #tpu.memory_space<vmem>>) semaphore(%arg25 : memref<!tpu.dma_semaphore, #tpu.memory_space<semaphore_mem>>)
      } else {
      }
    }
    %scan3A_20 = arith.constant 8 : i32
    %add3A_21 = arith.constant 224 : i32
    %add3A_22 = arith.addi %mul3A_2, %add3A_21 : i32
    %dma_wait3A = arith.constant 0 : i32
    %dma_wait3A_23 = tpu.memref_slice %arg7[%add3A_22, %dma_wait3A] : memref<8192x1024xf32, #tpu.memory_space<hbm>> -> memref<16x1024xf32, #tpu.memory_space<hbm>>
    %dma_wait3A_24 = arith.constant 0 : i32
    %dma_wait3A_25 = tpu.memref_slice %arg7[%add3A_22, %dma_wait3A_24] : memref<8192x1024xf32, #tpu.memory_space<hbm>> -> memref<16x1024xf32, #tpu.memory_space<hbm>>
    tpu.wait_dma2 semaphore(%arg26 : memref<!tpu.dma_semaphore, #tpu.memory_space<semaphore_mem>>) src(%arg14 : memref<16x1024xf32, #tpu.memory_space<vmem>>) dst(%dma_wait3A_25 : memref<16x1024xf32, #tpu.memory_space<hbm>>)
    %add3A_26 = arith.constant 16 : i32
    %add3A_27 = arith.addi %add3A_22, %add3A_26 : i32
    %dma_wait3A_28 = arith.constant 0 : i32
    %dma_wait3A_29 = tpu.memref_slice %arg7[%add3A_27, %dma_wait3A_28] : memref<8192x1024xf32, #tpu.memory_space<hbm>> -> memref<16x1024xf32, #tpu.memory_space<hbm>>
    %dma_wait3A_30 = arith.constant 0 : i32
    %dma_wait3A_31 = tpu.memref_slice %arg7[%add3A_27, %dma_wait3A_30] : memref<8192x1024xf32, #tpu.memory_space<hbm>> -> memref<16x1024xf32, #tpu.memory_space<hbm>>
    tpu.wait_dma2 semaphore(%arg27 : memref<!tpu.dma_semaphore, #tpu.memory_space<semaphore_mem>>) src(%arg21 : memref<16x1024xf32, #tpu.memory_space<vmem>>) dst(%dma_wait3A_31 : memref<16x1024xf32, #tpu.memory_space<hbm>>)
    return
  }
}

#map = affine_map<(d0, d1) -> (0, 0)>
#map1 = affine_map<(d0, d1) -> (0)>
module attributes {stable_mosaic.version = 14 : i64} {
  func.func @dispatch_kernel(%arg0: i32, %arg1: i32, %arg2: memref<8192x1024xf32, #tpu.memory_space<hbm>>, %arg3: memref<8192xi32, #tpu.memory_space<hbm>>, %arg4: memref<8192xi32, #tpu.memory_space<hbm>>, %arg5: memref<20480x1024xf32, #tpu.memory_space<hbm>>, %arg6: memref<32xi32, #tpu.memory_space<vmem>>, %arg7: memref<32xi32, #tpu.memory_space<vmem>>, %arg8: memref<32xi32, #tpu.memory_space<vmem>>, %arg9: memref<32xi32, #tpu.memory_space<vmem>>, %arg10: memref<32xi32, #tpu.memory_space<vmem>>, %arg11: memref<32xi32, #tpu.memory_space<vmem>>, %arg12: memref<32x1024xf32, #tpu.memory_space<vmem>>, %arg13: memref<32x1024xf32, #tpu.memory_space<vmem>>, %arg14: memref<32x1024xf32, #tpu.memory_space<vmem>>, %arg15: memref<!tpu.dma_semaphore, #tpu.memory_space<semaphore_mem>>, %arg16: memref<!tpu.dma_semaphore, #tpu.memory_space<semaphore_mem>>, %arg17: memref<!tpu.dma_semaphore, #tpu.memory_space<semaphore_mem>>, %arg18: memref<!tpu.dma_semaphore, #tpu.memory_space<semaphore_mem>>, %arg19: memref<!tpu.dma_semaphore, #tpu.memory_space<semaphore_mem>>, %arg20: memref<!tpu.dma_semaphore, #tpu.memory_space<semaphore_mem>>, %arg21: memref<!tpu.dma_semaphore, #tpu.memory_space<semaphore_mem>>, %arg22: memref<!tpu.dma_semaphore, #tpu.memory_space<semaphore_mem>>, %arg23: memref<!tpu.dma_semaphore, #tpu.memory_space<semaphore_mem>>) attributes {dimension_semantics = [#tpu.dimension_semantics<core_parallel>, #tpu.dimension_semantics<subcore_parallel>], iteration_bounds = array<i64: 2, 16>, scalar_prefetch = 0 : i64, scratch_operands = 18 : i64, tpu.core_type = #tpu.core_type<sc_vector_subcore>, window_params = [{transform_indices = #map}, {transform_indices = #map1}, {transform_indices = #map1}, {transform_indices = #map}]} {
    %mul3A = arith.constant 2 : i32
    %mul3A_0 = arith.muli %arg1, %mul3A : i32
    %add3A = arith.addi %mul3A_0, %arg0 : i32
    %mul3A_1 = arith.constant 256 : i32
    %mul3A_2 = arith.muli %add3A, %mul3A_1 : i32
    %add3A_3 = arith.constant 0 : i32
    %add3A_4 = arith.addi %mul3A_2, %add3A_3 : i32
    %dma_start3A = arith.constant 0 : i32
    %dma_start3A_5 = tpu.memref_slice %arg2[%add3A_4, %dma_start3A] : memref<8192x1024xf32, #tpu.memory_space<hbm>> -> memref<32x1024xf32, #tpu.memory_space<hbm>>
    %dma_start3A_6 = arith.constant 0 : i32
    %dma_start3A_7 = tpu.memref_slice %arg2[%add3A_4, %dma_start3A_6] : memref<8192x1024xf32, #tpu.memory_space<hbm>> -> memref<32x1024xf32, #tpu.memory_space<hbm>>
    tpu.enqueue_dma source(%dma_start3A_7 : memref<32x1024xf32, #tpu.memory_space<hbm>>) target(%arg12 : memref<32x1024xf32, #tpu.memory_space<vmem>>) target_semaphore(%arg15 : memref<!tpu.dma_semaphore, #tpu.memory_space<semaphore_mem>>)
    "tpu.region"() ({
      %run_scoped3A = tpu.sem_alloc : memref<!tpu.dma_semaphore, #tpu.memory_space<semaphore_mem>>
      %dma_start3A_191 = tpu.memref_slice %arg3[%add3A_4] : memref<8192xi32, #tpu.memory_space<hbm>> -> memref<32xi32, #tpu.memory_space<hbm>>
      %dma_start3A_192 = tpu.memref_slice %arg3[%add3A_4] : memref<8192xi32, #tpu.memory_space<hbm>> -> memref<32xi32, #tpu.memory_space<hbm>>
      tpu.enqueue_dma source(%dma_start3A_192 : memref<32xi32, #tpu.memory_space<hbm>>) target(%arg6 : memref<32xi32, #tpu.memory_space<vmem>>) target_semaphore(%run_scoped3A : memref<!tpu.dma_semaphore, #tpu.memory_space<semaphore_mem>>)
      %dma_wait3A_193 = tpu.memref_slice %arg3[%add3A_4] : memref<8192xi32, #tpu.memory_space<hbm>> -> memref<32xi32, #tpu.memory_space<hbm>>
      %dma_wait3A_194 = tpu.memref_slice %arg3[%add3A_4] : memref<8192xi32, #tpu.memory_space<hbm>> -> memref<32xi32, #tpu.memory_space<hbm>>
      tpu.wait_dma2 semaphore(%run_scoped3A : memref<!tpu.dma_semaphore, #tpu.memory_space<semaphore_mem>>) src(%dma_wait3A_194 : memref<32xi32, #tpu.memory_space<hbm>>) dst(%arg6 : memref<32xi32, #tpu.memory_space<vmem>>)
      tpu.yield
    }) : () -> ()
    "tpu.region"() ({
      %run_scoped3A = tpu.sem_alloc : memref<!tpu.dma_semaphore, #tpu.memory_space<semaphore_mem>>
      %dma_start3A_191 = tpu.memref_slice %arg4[%add3A_4] : memref<8192xi32, #tpu.memory_space<hbm>> -> memref<32xi32, #tpu.memory_space<hbm>>
      %dma_start3A_192 = tpu.memref_slice %arg4[%add3A_4] : memref<8192xi32, #tpu.memory_space<hbm>> -> memref<32xi32, #tpu.memory_space<hbm>>
      tpu.enqueue_dma source(%dma_start3A_192 : memref<32xi32, #tpu.memory_space<hbm>>) target(%arg9 : memref<32xi32, #tpu.memory_space<vmem>>) target_semaphore(%run_scoped3A : memref<!tpu.dma_semaphore, #tpu.memory_space<semaphore_mem>>)
      %dma_wait3A_193 = tpu.memref_slice %arg4[%add3A_4] : memref<8192xi32, #tpu.memory_space<hbm>> -> memref<32xi32, #tpu.memory_space<hbm>>
      %dma_wait3A_194 = tpu.memref_slice %arg4[%add3A_4] : memref<8192xi32, #tpu.memory_space<hbm>> -> memref<32xi32, #tpu.memory_space<hbm>>
      tpu.wait_dma2 semaphore(%run_scoped3A : memref<!tpu.dma_semaphore, #tpu.memory_space<semaphore_mem>>) src(%dma_wait3A_194 : memref<32xi32, #tpu.memory_space<hbm>>) dst(%arg9 : memref<32xi32, #tpu.memory_space<vmem>>)
      tpu.yield
    }) : () -> ()
    %mul3A_8 = arith.constant 256 : i32
    %mul3A_9 = arith.muli %add3A, %mul3A_8 : i32
    %add3A_10 = arith.constant 32 : i32
    %add3A_11 = arith.addi %mul3A_9, %add3A_10 : i32
    %dma_start3A_12 = arith.constant 0 : i32
    %dma_start3A_13 = tpu.memref_slice %arg2[%add3A_11, %dma_start3A_12] : memref<8192x1024xf32, #tpu.memory_space<hbm>> -> memref<32x1024xf32, #tpu.memory_space<hbm>>
    %dma_start3A_14 = arith.constant 0 : i32
    %dma_start3A_15 = tpu.memref_slice %arg2[%add3A_11, %dma_start3A_14] : memref<8192x1024xf32, #tpu.memory_space<hbm>> -> memref<32x1024xf32, #tpu.memory_space<hbm>>
    tpu.enqueue_dma source(%dma_start3A_15 : memref<32x1024xf32, #tpu.memory_space<hbm>>) target(%arg13 : memref<32x1024xf32, #tpu.memory_space<vmem>>) target_semaphore(%arg16 : memref<!tpu.dma_semaphore, #tpu.memory_space<semaphore_mem>>)
    "tpu.region"() ({
      %run_scoped3A = tpu.sem_alloc : memref<!tpu.dma_semaphore, #tpu.memory_space<semaphore_mem>>
      %dma_start3A_191 = tpu.memref_slice %arg3[%add3A_11] : memref<8192xi32, #tpu.memory_space<hbm>> -> memref<32xi32, #tpu.memory_space<hbm>>
      %dma_start3A_192 = tpu.memref_slice %arg3[%add3A_11] : memref<8192xi32, #tpu.memory_space<hbm>> -> memref<32xi32, #tpu.memory_space<hbm>>
      tpu.enqueue_dma source(%dma_start3A_192 : memref<32xi32, #tpu.memory_space<hbm>>) target(%arg7 : memref<32xi32, #tpu.memory_space<vmem>>) target_semaphore(%run_scoped3A : memref<!tpu.dma_semaphore, #tpu.memory_space<semaphore_mem>>)
      %dma_wait3A_193 = tpu.memref_slice %arg3[%add3A_11] : memref<8192xi32, #tpu.memory_space<hbm>> -> memref<32xi32, #tpu.memory_space<hbm>>
      %dma_wait3A_194 = tpu.memref_slice %arg3[%add3A_11] : memref<8192xi32, #tpu.memory_space<hbm>> -> memref<32xi32, #tpu.memory_space<hbm>>
      tpu.wait_dma2 semaphore(%run_scoped3A : memref<!tpu.dma_semaphore, #tpu.memory_space<semaphore_mem>>) src(%dma_wait3A_194 : memref<32xi32, #tpu.memory_space<hbm>>) dst(%arg7 : memref<32xi32, #tpu.memory_space<vmem>>)
      tpu.yield
    }) : () -> ()
    "tpu.region"() ({
      %run_scoped3A = tpu.sem_alloc : memref<!tpu.dma_semaphore, #tpu.memory_space<semaphore_mem>>
      %dma_start3A_191 = tpu.memref_slice %arg4[%add3A_11] : memref<8192xi32, #tpu.memory_space<hbm>> -> memref<32xi32, #tpu.memory_space<hbm>>
      %dma_start3A_192 = tpu.memref_slice %arg4[%add3A_11] : memref<8192xi32, #tpu.memory_space<hbm>> -> memref<32xi32, #tpu.memory_space<hbm>>
      tpu.enqueue_dma source(%dma_start3A_192 : memref<32xi32, #tpu.memory_space<hbm>>) target(%arg10 : memref<32xi32, #tpu.memory_space<vmem>>) target_semaphore(%run_scoped3A : memref<!tpu.dma_semaphore, #tpu.memory_space<semaphore_mem>>)
      %dma_wait3A_193 = tpu.memref_slice %arg4[%add3A_11] : memref<8192xi32, #tpu.memory_space<hbm>> -> memref<32xi32, #tpu.memory_space<hbm>>
      %dma_wait3A_194 = tpu.memref_slice %arg4[%add3A_11] : memref<8192xi32, #tpu.memory_space<hbm>> -> memref<32xi32, #tpu.memory_space<hbm>>
      tpu.wait_dma2 semaphore(%run_scoped3A : memref<!tpu.dma_semaphore, #tpu.memory_space<semaphore_mem>>) src(%dma_wait3A_194 : memref<32xi32, #tpu.memory_space<hbm>>) dst(%arg10 : memref<32xi32, #tpu.memory_space<vmem>>)
      tpu.yield
    }) : () -> ()
    %dma_wait3A = arith.constant 0 : i32
    %dma_wait3A_16 = tpu.memref_slice %arg2[%add3A_4, %dma_wait3A] : memref<8192x1024xf32, #tpu.memory_space<hbm>> -> memref<32x1024xf32, #tpu.memory_space<hbm>>
    %dma_wait3A_17 = arith.constant 0 : i32
    %dma_wait3A_18 = tpu.memref_slice %arg2[%add3A_4, %dma_wait3A_17] : memref<8192x1024xf32, #tpu.memory_space<hbm>> -> memref<32x1024xf32, #tpu.memory_space<hbm>>
    tpu.wait_dma2 semaphore(%arg15 : memref<!tpu.dma_semaphore, #tpu.memory_space<semaphore_mem>>) src(%dma_wait3A_18 : memref<32x1024xf32, #tpu.memory_space<hbm>>) dst(%arg12 : memref<32x1024xf32, #tpu.memory_space<vmem>>)
    %dma_start3A_19 = arith.constant 0 : i32
    %dma_start3A_20 = arith.constant 0 : i32
    %dma_start3A_21 = tpu.memref_slice %arg5[%dma_start3A_19, %dma_start3A_20] : memref<20480x1024xf32, #tpu.memory_space<hbm>> -> memref<20480x1024xf32, #tpu.memory_space<hbm>>
    tpu.enqueue_indirect_dma source(%arg12 : memref<32x1024xf32, #tpu.memory_space<vmem>>) target(%dma_start3A_21 : memref<20480x1024xf32, #tpu.memory_space<hbm>>) offsets(%arg6 : memref<32xi32, #tpu.memory_space<vmem>>) semaphore(%arg18 : memref<!tpu.dma_semaphore, #tpu.memory_space<semaphore_mem>>)
    %dma_start3A_22 = arith.constant 0 : i32
    %dma_start3A_23 = arith.constant 0 : i32
    %dma_start3A_24 = tpu.memref_slice %arg5[%dma_start3A_22, %dma_start3A_23] : memref<20480x1024xf32, #tpu.memory_space<hbm>> -> memref<20480x1024xf32, #tpu.memory_space<hbm>>
    tpu.enqueue_indirect_dma source(%arg12 : memref<32x1024xf32, #tpu.memory_space<vmem>>) target(%dma_start3A_24 : memref<20480x1024xf32, #tpu.memory_space<hbm>>) offsets(%arg9 : memref<32xi32, #tpu.memory_space<vmem>>) semaphore(%arg21 : memref<!tpu.dma_semaphore, #tpu.memory_space<semaphore_mem>>)
    %mul3A_25 = arith.constant 256 : i32
    %mul3A_26 = arith.muli %add3A, %mul3A_25 : i32
    %add3A_27 = arith.constant 64 : i32
    %add3A_28 = arith.addi %mul3A_26, %add3A_27 : i32
    %dma_start3A_29 = arith.constant 0 : i32
    %dma_start3A_30 = tpu.memref_slice %arg2[%add3A_28, %dma_start3A_29] : memref<8192x1024xf32, #tpu.memory_space<hbm>> -> memref<32x1024xf32, #tpu.memory_space<hbm>>
    %dma_start3A_31 = arith.constant 0 : i32
    %dma_start3A_32 = tpu.memref_slice %arg2[%add3A_28, %dma_start3A_31] : memref<8192x1024xf32, #tpu.memory_space<hbm>> -> memref<32x1024xf32, #tpu.memory_space<hbm>>
    tpu.enqueue_dma source(%dma_start3A_32 : memref<32x1024xf32, #tpu.memory_space<hbm>>) target(%arg14 : memref<32x1024xf32, #tpu.memory_space<vmem>>) target_semaphore(%arg17 : memref<!tpu.dma_semaphore, #tpu.memory_space<semaphore_mem>>)
    "tpu.region"() ({
      %run_scoped3A = tpu.sem_alloc : memref<!tpu.dma_semaphore, #tpu.memory_space<semaphore_mem>>
      %dma_start3A_191 = tpu.memref_slice %arg3[%add3A_28] : memref<8192xi32, #tpu.memory_space<hbm>> -> memref<32xi32, #tpu.memory_space<hbm>>
      %dma_start3A_192 = tpu.memref_slice %arg3[%add3A_28] : memref<8192xi32, #tpu.memory_space<hbm>> -> memref<32xi32, #tpu.memory_space<hbm>>
      tpu.enqueue_dma source(%dma_start3A_192 : memref<32xi32, #tpu.memory_space<hbm>>) target(%arg8 : memref<32xi32, #tpu.memory_space<vmem>>) target_semaphore(%run_scoped3A : memref<!tpu.dma_semaphore, #tpu.memory_space<semaphore_mem>>)
      %dma_wait3A_193 = tpu.memref_slice %arg3[%add3A_28] : memref<8192xi32, #tpu.memory_space<hbm>> -> memref<32xi32, #tpu.memory_space<hbm>>
      %dma_wait3A_194 = tpu.memref_slice %arg3[%add3A_28] : memref<8192xi32, #tpu.memory_space<hbm>> -> memref<32xi32, #tpu.memory_space<hbm>>
      tpu.wait_dma2 semaphore(%run_scoped3A : memref<!tpu.dma_semaphore, #tpu.memory_space<semaphore_mem>>) src(%dma_wait3A_194 : memref<32xi32, #tpu.memory_space<hbm>>) dst(%arg8 : memref<32xi32, #tpu.memory_space<vmem>>)
      tpu.yield
    }) : () -> ()
    "tpu.region"() ({
      %run_scoped3A = tpu.sem_alloc : memref<!tpu.dma_semaphore, #tpu.memory_space<semaphore_mem>>
      %dma_start3A_191 = tpu.memref_slice %arg4[%add3A_28] : memref<8192xi32, #tpu.memory_space<hbm>> -> memref<32xi32, #tpu.memory_space<hbm>>
      %dma_start3A_192 = tpu.memref_slice %arg4[%add3A_28] : memref<8192xi32, #tpu.memory_space<hbm>> -> memref<32xi32, #tpu.memory_space<hbm>>
      tpu.enqueue_dma source(%dma_start3A_192 : memref<32xi32, #tpu.memory_space<hbm>>) target(%arg11 : memref<32xi32, #tpu.memory_space<vmem>>) target_semaphore(%run_scoped3A : memref<!tpu.dma_semaphore, #tpu.memory_space<semaphore_mem>>)
      %dma_wait3A_193 = tpu.memref_slice %arg4[%add3A_28] : memref<8192xi32, #tpu.memory_space<hbm>> -> memref<32xi32, #tpu.memory_space<hbm>>
      %dma_wait3A_194 = tpu.memref_slice %arg4[%add3A_28] : memref<8192xi32, #tpu.memory_space<hbm>> -> memref<32xi32, #tpu.memory_space<hbm>>
      tpu.wait_dma2 semaphore(%run_scoped3A : memref<!tpu.dma_semaphore, #tpu.memory_space<semaphore_mem>>) src(%dma_wait3A_194 : memref<32xi32, #tpu.memory_space<hbm>>) dst(%arg11 : memref<32xi32, #tpu.memory_space<vmem>>)
      tpu.yield
    }) : () -> ()
    %dma_wait3A_33 = arith.constant 0 : i32
    %dma_wait3A_34 = tpu.memref_slice %arg2[%add3A_11, %dma_wait3A_33] : memref<8192x1024xf32, #tpu.memory_space<hbm>> -> memref<32x1024xf32, #tpu.memory_space<hbm>>
    %dma_wait3A_35 = arith.constant 0 : i32
    %dma_wait3A_36 = tpu.memref_slice %arg2[%add3A_11, %dma_wait3A_35] : memref<8192x1024xf32, #tpu.memory_space<hbm>> -> memref<32x1024xf32, #tpu.memory_space<hbm>>
    tpu.wait_dma2 semaphore(%arg16 : memref<!tpu.dma_semaphore, #tpu.memory_space<semaphore_mem>>) src(%dma_wait3A_36 : memref<32x1024xf32, #tpu.memory_space<hbm>>) dst(%arg13 : memref<32x1024xf32, #tpu.memory_space<vmem>>)
    %dma_start3A_37 = arith.constant 0 : i32
    %dma_start3A_38 = arith.constant 0 : i32
    %dma_start3A_39 = tpu.memref_slice %arg5[%dma_start3A_37, %dma_start3A_38] : memref<20480x1024xf32, #tpu.memory_space<hbm>> -> memref<20480x1024xf32, #tpu.memory_space<hbm>>
    tpu.enqueue_indirect_dma source(%arg13 : memref<32x1024xf32, #tpu.memory_space<vmem>>) target(%dma_start3A_39 : memref<20480x1024xf32, #tpu.memory_space<hbm>>) offsets(%arg7 : memref<32xi32, #tpu.memory_space<vmem>>) semaphore(%arg19 : memref<!tpu.dma_semaphore, #tpu.memory_space<semaphore_mem>>)
    %dma_start3A_40 = arith.constant 0 : i32
    %dma_start3A_41 = arith.constant 0 : i32
    %dma_start3A_42 = tpu.memref_slice %arg5[%dma_start3A_40, %dma_start3A_41] : memref<20480x1024xf32, #tpu.memory_space<hbm>> -> memref<20480x1024xf32, #tpu.memory_space<hbm>>
    tpu.enqueue_indirect_dma source(%arg13 : memref<32x1024xf32, #tpu.memory_space<vmem>>) target(%dma_start3A_42 : memref<20480x1024xf32, #tpu.memory_space<hbm>>) offsets(%arg10 : memref<32xi32, #tpu.memory_space<vmem>>) semaphore(%arg22 : memref<!tpu.dma_semaphore, #tpu.memory_space<semaphore_mem>>)
    %mul3A_43 = arith.constant 256 : i32
    %mul3A_44 = arith.muli %add3A, %mul3A_43 : i32
    %add3A_45 = arith.constant 96 : i32
    %add3A_46 = arith.addi %mul3A_44, %add3A_45 : i32
    %dma_wait3A_47 = arith.constant 0 : i32
    %dma_wait3A_48 = arith.constant 0 : i32
    %dma_wait3A_49 = tpu.memref_slice %arg5[%dma_wait3A_47, %dma_wait3A_48] : memref<20480x1024xf32, #tpu.memory_space<hbm>> -> memref<20480x1024xf32, #tpu.memory_space<hbm>>
    tpu.wait_indirect_dma semaphore(%arg18 : memref<!tpu.dma_semaphore, #tpu.memory_space<semaphore_mem>>) src(%arg12 : memref<32x1024xf32, #tpu.memory_space<vmem>>) dst(%dma_wait3A_49 : memref<20480x1024xf32, #tpu.memory_space<hbm>>)
    %dma_wait3A_50 = arith.constant 0 : i32
    %dma_wait3A_51 = arith.constant 0 : i32
    %dma_wait3A_52 = tpu.memref_slice %arg5[%dma_wait3A_50, %dma_wait3A_51] : memref<20480x1024xf32, #tpu.memory_space<hbm>> -> memref<20480x1024xf32, #tpu.memory_space<hbm>>
    tpu.wait_indirect_dma semaphore(%arg21 : memref<!tpu.dma_semaphore, #tpu.memory_space<semaphore_mem>>) src(%arg12 : memref<32x1024xf32, #tpu.memory_space<vmem>>) dst(%dma_wait3A_52 : memref<20480x1024xf32, #tpu.memory_space<hbm>>)
    %dma_start3A_53 = arith.constant 0 : i32
    %dma_start3A_54 = tpu.memref_slice %arg2[%add3A_46, %dma_start3A_53] : memref<8192x1024xf32, #tpu.memory_space<hbm>> -> memref<32x1024xf32, #tpu.memory_space<hbm>>
    %dma_start3A_55 = arith.constant 0 : i32
    %dma_start3A_56 = tpu.memref_slice %arg2[%add3A_46, %dma_start3A_55] : memref<8192x1024xf32, #tpu.memory_space<hbm>> -> memref<32x1024xf32, #tpu.memory_space<hbm>>
    tpu.enqueue_dma source(%dma_start3A_56 : memref<32x1024xf32, #tpu.memory_space<hbm>>) target(%arg12 : memref<32x1024xf32, #tpu.memory_space<vmem>>) target_semaphore(%arg15 : memref<!tpu.dma_semaphore, #tpu.memory_space<semaphore_mem>>)
    "tpu.region"() ({
      %run_scoped3A = tpu.sem_alloc : memref<!tpu.dma_semaphore, #tpu.memory_space<semaphore_mem>>
      %dma_start3A_191 = tpu.memref_slice %arg3[%add3A_46] : memref<8192xi32, #tpu.memory_space<hbm>> -> memref<32xi32, #tpu.memory_space<hbm>>
      %dma_start3A_192 = tpu.memref_slice %arg3[%add3A_46] : memref<8192xi32, #tpu.memory_space<hbm>> -> memref<32xi32, #tpu.memory_space<hbm>>
      tpu.enqueue_dma source(%dma_start3A_192 : memref<32xi32, #tpu.memory_space<hbm>>) target(%arg6 : memref<32xi32, #tpu.memory_space<vmem>>) target_semaphore(%run_scoped3A : memref<!tpu.dma_semaphore, #tpu.memory_space<semaphore_mem>>)
      %dma_wait3A_193 = tpu.memref_slice %arg3[%add3A_46] : memref<8192xi32, #tpu.memory_space<hbm>> -> memref<32xi32, #tpu.memory_space<hbm>>
      %dma_wait3A_194 = tpu.memref_slice %arg3[%add3A_46] : memref<8192xi32, #tpu.memory_space<hbm>> -> memref<32xi32, #tpu.memory_space<hbm>>
      tpu.wait_dma2 semaphore(%run_scoped3A : memref<!tpu.dma_semaphore, #tpu.memory_space<semaphore_mem>>) src(%dma_wait3A_194 : memref<32xi32, #tpu.memory_space<hbm>>) dst(%arg6 : memref<32xi32, #tpu.memory_space<vmem>>)
      tpu.yield
    }) : () -> ()
    "tpu.region"() ({
      %run_scoped3A = tpu.sem_alloc : memref<!tpu.dma_semaphore, #tpu.memory_space<semaphore_mem>>
      %dma_start3A_191 = tpu.memref_slice %arg4[%add3A_46] : memref<8192xi32, #tpu.memory_space<hbm>> -> memref<32xi32, #tpu.memory_space<hbm>>
      %dma_start3A_192 = tpu.memref_slice %arg4[%add3A_46] : memref<8192xi32, #tpu.memory_space<hbm>> -> memref<32xi32, #tpu.memory_space<hbm>>
      tpu.enqueue_dma source(%dma_start3A_192 : memref<32xi32, #tpu.memory_space<hbm>>) target(%arg9 : memref<32xi32, #tpu.memory_space<vmem>>) target_semaphore(%run_scoped3A : memref<!tpu.dma_semaphore, #tpu.memory_space<semaphore_mem>>)
      %dma_wait3A_193 = tpu.memref_slice %arg4[%add3A_46] : memref<8192xi32, #tpu.memory_space<hbm>> -> memref<32xi32, #tpu.memory_space<hbm>>
      %dma_wait3A_194 = tpu.memref_slice %arg4[%add3A_46] : memref<8192xi32, #tpu.memory_space<hbm>> -> memref<32xi32, #tpu.memory_space<hbm>>
      tpu.wait_dma2 semaphore(%run_scoped3A : memref<!tpu.dma_semaphore, #tpu.memory_space<semaphore_mem>>) src(%dma_wait3A_194 : memref<32xi32, #tpu.memory_space<hbm>>) dst(%arg9 : memref<32xi32, #tpu.memory_space<vmem>>)
      tpu.yield
    }) : () -> ()
    %dma_wait3A_57 = arith.constant 0 : i32
    %dma_wait3A_58 = tpu.memref_slice %arg2[%add3A_28, %dma_wait3A_57] : memref<8192x1024xf32, #tpu.memory_space<hbm>> -> memref<32x1024xf32, #tpu.memory_space<hbm>>
    %dma_wait3A_59 = arith.constant 0 : i32
    %dma_wait3A_60 = tpu.memref_slice %arg2[%add3A_28, %dma_wait3A_59] : memref<8192x1024xf32, #tpu.memory_space<hbm>> -> memref<32x1024xf32, #tpu.memory_space<hbm>>
    tpu.wait_dma2 semaphore(%arg17 : memref<!tpu.dma_semaphore, #tpu.memory_space<semaphore_mem>>) src(%dma_wait3A_60 : memref<32x1024xf32, #tpu.memory_space<hbm>>) dst(%arg14 : memref<32x1024xf32, #tpu.memory_space<vmem>>)
    %dma_start3A_61 = arith.constant 0 : i32
    %dma_start3A_62 = arith.constant 0 : i32
    %dma_start3A_63 = tpu.memref_slice %arg5[%dma_start3A_61, %dma_start3A_62] : memref<20480x1024xf32, #tpu.memory_space<hbm>> -> memref<20480x1024xf32, #tpu.memory_space<hbm>>
    tpu.enqueue_indirect_dma source(%arg14 : memref<32x1024xf32, #tpu.memory_space<vmem>>) target(%dma_start3A_63 : memref<20480x1024xf32, #tpu.memory_space<hbm>>) offsets(%arg8 : memref<32xi32, #tpu.memory_space<vmem>>) semaphore(%arg20 : memref<!tpu.dma_semaphore, #tpu.memory_space<semaphore_mem>>)
    %dma_start3A_64 = arith.constant 0 : i32
    %dma_start3A_65 = arith.constant 0 : i32
    %dma_start3A_66 = tpu.memref_slice %arg5[%dma_start3A_64, %dma_start3A_65] : memref<20480x1024xf32, #tpu.memory_space<hbm>> -> memref<20480x1024xf32, #tpu.memory_space<hbm>>
    tpu.enqueue_indirect_dma source(%arg14 : memref<32x1024xf32, #tpu.memory_space<vmem>>) target(%dma_start3A_66 : memref<20480x1024xf32, #tpu.memory_space<hbm>>) offsets(%arg11 : memref<32xi32, #tpu.memory_space<vmem>>) semaphore(%arg23 : memref<!tpu.dma_semaphore, #tpu.memory_space<semaphore_mem>>)
    %mul3A_67 = arith.constant 256 : i32
    %mul3A_68 = arith.muli %add3A, %mul3A_67 : i32
    %add3A_69 = arith.constant 128 : i32
    %add3A_70 = arith.addi %mul3A_68, %add3A_69 : i32
    %dma_wait3A_71 = arith.constant 0 : i32
    %dma_wait3A_72 = arith.constant 0 : i32
    %dma_wait3A_73 = tpu.memref_slice %arg5[%dma_wait3A_71, %dma_wait3A_72] : memref<20480x1024xf32, #tpu.memory_space<hbm>> -> memref<20480x1024xf32, #tpu.memory_space<hbm>>
    tpu.wait_indirect_dma semaphore(%arg19 : memref<!tpu.dma_semaphore, #tpu.memory_space<semaphore_mem>>) src(%arg13 : memref<32x1024xf32, #tpu.memory_space<vmem>>) dst(%dma_wait3A_73 : memref<20480x1024xf32, #tpu.memory_space<hbm>>)
    %dma_wait3A_74 = arith.constant 0 : i32
    %dma_wait3A_75 = arith.constant 0 : i32
    %dma_wait3A_76 = tpu.memref_slice %arg5[%dma_wait3A_74, %dma_wait3A_75] : memref<20480x1024xf32, #tpu.memory_space<hbm>> -> memref<20480x1024xf32, #tpu.memory_space<hbm>>
    tpu.wait_indirect_dma semaphore(%arg22 : memref<!tpu.dma_semaphore, #tpu.memory_space<semaphore_mem>>) src(%arg13 : memref<32x1024xf32, #tpu.memory_space<vmem>>) dst(%dma_wait3A_76 : memref<20480x1024xf32, #tpu.memory_space<hbm>>)
    %dma_start3A_77 = arith.constant 0 : i32
    %dma_start3A_78 = tpu.memref_slice %arg2[%add3A_70, %dma_start3A_77] : memref<8192x1024xf32, #tpu.memory_space<hbm>> -> memref<32x1024xf32, #tpu.memory_space<hbm>>
    %dma_start3A_79 = arith.constant 0 : i32
    %dma_start3A_80 = tpu.memref_slice %arg2[%add3A_70, %dma_start3A_79] : memref<8192x1024xf32, #tpu.memory_space<hbm>> -> memref<32x1024xf32, #tpu.memory_space<hbm>>
    tpu.enqueue_dma source(%dma_start3A_80 : memref<32x1024xf32, #tpu.memory_space<hbm>>) target(%arg13 : memref<32x1024xf32, #tpu.memory_space<vmem>>) target_semaphore(%arg16 : memref<!tpu.dma_semaphore, #tpu.memory_space<semaphore_mem>>)
    "tpu.region"() ({
      %run_scoped3A = tpu.sem_alloc : memref<!tpu.dma_semaphore, #tpu.memory_space<semaphore_mem>>
      %dma_start3A_191 = tpu.memref_slice %arg3[%add3A_70] : memref<8192xi32, #tpu.memory_space<hbm>> -> memref<32xi32, #tpu.memory_space<hbm>>
      %dma_start3A_192 = tpu.memref_slice %arg3[%add3A_70] : memref<8192xi32, #tpu.memory_space<hbm>> -> memref<32xi32, #tpu.memory_space<hbm>>
      tpu.enqueue_dma source(%dma_start3A_192 : memref<32xi32, #tpu.memory_space<hbm>>) target(%arg7 : memref<32xi32, #tpu.memory_space<vmem>>) target_semaphore(%run_scoped3A : memref<!tpu.dma_semaphore, #tpu.memory_space<semaphore_mem>>)
      %dma_wait3A_193 = tpu.memref_slice %arg3[%add3A_70] : memref<8192xi32, #tpu.memory_space<hbm>> -> memref<32xi32, #tpu.memory_space<hbm>>
      %dma_wait3A_194 = tpu.memref_slice %arg3[%add3A_70] : memref<8192xi32, #tpu.memory_space<hbm>> -> memref<32xi32, #tpu.memory_space<hbm>>
      tpu.wait_dma2 semaphore(%run_scoped3A : memref<!tpu.dma_semaphore, #tpu.memory_space<semaphore_mem>>) src(%dma_wait3A_194 : memref<32xi32, #tpu.memory_space<hbm>>) dst(%arg7 : memref<32xi32, #tpu.memory_space<vmem>>)
      tpu.yield
    }) : () -> ()
    "tpu.region"() ({
      %run_scoped3A = tpu.sem_alloc : memref<!tpu.dma_semaphore, #tpu.memory_space<semaphore_mem>>
      %dma_start3A_191 = tpu.memref_slice %arg4[%add3A_70] : memref<8192xi32, #tpu.memory_space<hbm>> -> memref<32xi32, #tpu.memory_space<hbm>>
      %dma_start3A_192 = tpu.memref_slice %arg4[%add3A_70] : memref<8192xi32, #tpu.memory_space<hbm>> -> memref<32xi32, #tpu.memory_space<hbm>>
      tpu.enqueue_dma source(%dma_start3A_192 : memref<32xi32, #tpu.memory_space<hbm>>) target(%arg10 : memref<32xi32, #tpu.memory_space<vmem>>) target_semaphore(%run_scoped3A : memref<!tpu.dma_semaphore, #tpu.memory_space<semaphore_mem>>)
      %dma_wait3A_193 = tpu.memref_slice %arg4[%add3A_70] : memref<8192xi32, #tpu.memory_space<hbm>> -> memref<32xi32, #tpu.memory_space<hbm>>
      %dma_wait3A_194 = tpu.memref_slice %arg4[%add3A_70] : memref<8192xi32, #tpu.memory_space<hbm>> -> memref<32xi32, #tpu.memory_space<hbm>>
      tpu.wait_dma2 semaphore(%run_scoped3A : memref<!tpu.dma_semaphore, #tpu.memory_space<semaphore_mem>>) src(%dma_wait3A_194 : memref<32xi32, #tpu.memory_space<hbm>>) dst(%arg10 : memref<32xi32, #tpu.memory_space<vmem>>)
      tpu.yield
    }) : () -> ()
    %dma_wait3A_81 = arith.constant 0 : i32
    %dma_wait3A_82 = tpu.memref_slice %arg2[%add3A_46, %dma_wait3A_81] : memref<8192x1024xf32, #tpu.memory_space<hbm>> -> memref<32x1024xf32, #tpu.memory_space<hbm>>
    %dma_wait3A_83 = arith.constant 0 : i32
    %dma_wait3A_84 = tpu.memref_slice %arg2[%add3A_46, %dma_wait3A_83] : memref<8192x1024xf32, #tpu.memory_space<hbm>> -> memref<32x1024xf32, #tpu.memory_space<hbm>>
    tpu.wait_dma2 semaphore(%arg15 : memref<!tpu.dma_semaphore, #tpu.memory_space<semaphore_mem>>) src(%dma_wait3A_84 : memref<32x1024xf32, #tpu.memory_space<hbm>>) dst(%arg12 : memref<32x1024xf32, #tpu.memory_space<vmem>>)
    %dma_start3A_85 = arith.constant 0 : i32
    %dma_start3A_86 = arith.constant 0 : i32
    %dma_start3A_87 = tpu.memref_slice %arg5[%dma_start3A_85, %dma_start3A_86] : memref<20480x1024xf32, #tpu.memory_space<hbm>> -> memref<20480x1024xf32, #tpu.memory_space<hbm>>
    tpu.enqueue_indirect_dma source(%arg12 : memref<32x1024xf32, #tpu.memory_space<vmem>>) target(%dma_start3A_87 : memref<20480x1024xf32, #tpu.memory_space<hbm>>) offsets(%arg6 : memref<32xi32, #tpu.memory_space<vmem>>) semaphore(%arg18 : memref<!tpu.dma_semaphore, #tpu.memory_space<semaphore_mem>>)
    %dma_start3A_88 = arith.constant 0 : i32
    %dma_start3A_89 = arith.constant 0 : i32
    %dma_start3A_90 = tpu.memref_slice %arg5[%dma_start3A_88, %dma_start3A_89] : memref<20480x1024xf32, #tpu.memory_space<hbm>> -> memref<20480x1024xf32, #tpu.memory_space<hbm>>
    tpu.enqueue_indirect_dma source(%arg12 : memref<32x1024xf32, #tpu.memory_space<vmem>>) target(%dma_start3A_90 : memref<20480x1024xf32, #tpu.memory_space<hbm>>) offsets(%arg9 : memref<32xi32, #tpu.memory_space<vmem>>) semaphore(%arg21 : memref<!tpu.dma_semaphore, #tpu.memory_space<semaphore_mem>>)
    %mul3A_91 = arith.constant 256 : i32
    %mul3A_92 = arith.muli %add3A, %mul3A_91 : i32
    %add3A_93 = arith.constant 160 : i32
    %add3A_94 = arith.addi %mul3A_92, %add3A_93 : i32
    %dma_wait3A_95 = arith.constant 0 : i32
    %dma_wait3A_96 = arith.constant 0 : i32
    %dma_wait3A_97 = tpu.memref_slice %arg5[%dma_wait3A_95, %dma_wait3A_96] : memref<20480x1024xf32, #tpu.memory_space<hbm>> -> memref<20480x1024xf32, #tpu.memory_space<hbm>>
    tpu.wait_indirect_dma semaphore(%arg20 : memref<!tpu.dma_semaphore, #tpu.memory_space<semaphore_mem>>) src(%arg14 : memref<32x1024xf32, #tpu.memory_space<vmem>>) dst(%dma_wait3A_97 : memref<20480x1024xf32, #tpu.memory_space<hbm>>)
    %dma_wait3A_98 = arith.constant 0 : i32
    %dma_wait3A_99 = arith.constant 0 : i32
    %dma_wait3A_100 = tpu.memref_slice %arg5[%dma_wait3A_98, %dma_wait3A_99] : memref<20480x1024xf32, #tpu.memory_space<hbm>> -> memref<20480x1024xf32, #tpu.memory_space<hbm>>
    tpu.wait_indirect_dma semaphore(%arg23 : memref<!tpu.dma_semaphore, #tpu.memory_space<semaphore_mem>>) src(%arg14 : memref<32x1024xf32, #tpu.memory_space<vmem>>) dst(%dma_wait3A_100 : memref<20480x1024xf32, #tpu.memory_space<hbm>>)
    %dma_start3A_101 = arith.constant 0 : i32
    %dma_start3A_102 = tpu.memref_slice %arg2[%add3A_94, %dma_start3A_101] : memref<8192x1024xf32, #tpu.memory_space<hbm>> -> memref<32x1024xf32, #tpu.memory_space<hbm>>
    %dma_start3A_103 = arith.constant 0 : i32
    %dma_start3A_104 = tpu.memref_slice %arg2[%add3A_94, %dma_start3A_103] : memref<8192x1024xf32, #tpu.memory_space<hbm>> -> memref<32x1024xf32, #tpu.memory_space<hbm>>
    tpu.enqueue_dma source(%dma_start3A_104 : memref<32x1024xf32, #tpu.memory_space<hbm>>) target(%arg14 : memref<32x1024xf32, #tpu.memory_space<vmem>>) target_semaphore(%arg17 : memref<!tpu.dma_semaphore, #tpu.memory_space<semaphore_mem>>)
    "tpu.region"() ({
      %run_scoped3A = tpu.sem_alloc : memref<!tpu.dma_semaphore, #tpu.memory_space<semaphore_mem>>
      %dma_start3A_191 = tpu.memref_slice %arg3[%add3A_94] : memref<8192xi32, #tpu.memory_space<hbm>> -> memref<32xi32, #tpu.memory_space<hbm>>
      %dma_start3A_192 = tpu.memref_slice %arg3[%add3A_94] : memref<8192xi32, #tpu.memory_space<hbm>> -> memref<32xi32, #tpu.memory_space<hbm>>
      tpu.enqueue_dma source(%dma_start3A_192 : memref<32xi32, #tpu.memory_space<hbm>>) target(%arg8 : memref<32xi32, #tpu.memory_space<vmem>>) target_semaphore(%run_scoped3A : memref<!tpu.dma_semaphore, #tpu.memory_space<semaphore_mem>>)
      %dma_wait3A_193 = tpu.memref_slice %arg3[%add3A_94] : memref<8192xi32, #tpu.memory_space<hbm>> -> memref<32xi32, #tpu.memory_space<hbm>>
      %dma_wait3A_194 = tpu.memref_slice %arg3[%add3A_94] : memref<8192xi32, #tpu.memory_space<hbm>> -> memref<32xi32, #tpu.memory_space<hbm>>
      tpu.wait_dma2 semaphore(%run_scoped3A : memref<!tpu.dma_semaphore, #tpu.memory_space<semaphore_mem>>) src(%dma_wait3A_194 : memref<32xi32, #tpu.memory_space<hbm>>) dst(%arg8 : memref<32xi32, #tpu.memory_space<vmem>>)
      tpu.yield
    }) : () -> ()
    "tpu.region"() ({
      %run_scoped3A = tpu.sem_alloc : memref<!tpu.dma_semaphore, #tpu.memory_space<semaphore_mem>>
      %dma_start3A_191 = tpu.memref_slice %arg4[%add3A_94] : memref<8192xi32, #tpu.memory_space<hbm>> -> memref<32xi32, #tpu.memory_space<hbm>>
      %dma_start3A_192 = tpu.memref_slice %arg4[%add3A_94] : memref<8192xi32, #tpu.memory_space<hbm>> -> memref<32xi32, #tpu.memory_space<hbm>>
      tpu.enqueue_dma source(%dma_start3A_192 : memref<32xi32, #tpu.memory_space<hbm>>) target(%arg11 : memref<32xi32, #tpu.memory_space<vmem>>) target_semaphore(%run_scoped3A : memref<!tpu.dma_semaphore, #tpu.memory_space<semaphore_mem>>)
      %dma_wait3A_193 = tpu.memref_slice %arg4[%add3A_94] : memref<8192xi32, #tpu.memory_space<hbm>> -> memref<32xi32, #tpu.memory_space<hbm>>
      %dma_wait3A_194 = tpu.memref_slice %arg4[%add3A_94] : memref<8192xi32, #tpu.memory_space<hbm>> -> memref<32xi32, #tpu.memory_space<hbm>>
      tpu.wait_dma2 semaphore(%run_scoped3A : memref<!tpu.dma_semaphore, #tpu.memory_space<semaphore_mem>>) src(%dma_wait3A_194 : memref<32xi32, #tpu.memory_space<hbm>>) dst(%arg11 : memref<32xi32, #tpu.memory_space<vmem>>)
      tpu.yield
    }) : () -> ()
    %dma_wait3A_105 = arith.constant 0 : i32
    %dma_wait3A_106 = tpu.memref_slice %arg2[%add3A_70, %dma_wait3A_105] : memref<8192x1024xf32, #tpu.memory_space<hbm>> -> memref<32x1024xf32, #tpu.memory_space<hbm>>
    %dma_wait3A_107 = arith.constant 0 : i32
    %dma_wait3A_108 = tpu.memref_slice %arg2[%add3A_70, %dma_wait3A_107] : memref<8192x1024xf32, #tpu.memory_space<hbm>> -> memref<32x1024xf32, #tpu.memory_space<hbm>>
    tpu.wait_dma2 semaphore(%arg16 : memref<!tpu.dma_semaphore, #tpu.memory_space<semaphore_mem>>) src(%dma_wait3A_108 : memref<32x1024xf32, #tpu.memory_space<hbm>>) dst(%arg13 : memref<32x1024xf32, #tpu.memory_space<vmem>>)
    %dma_start3A_109 = arith.constant 0 : i32
    %dma_start3A_110 = arith.constant 0 : i32
    %dma_start3A_111 = tpu.memref_slice %arg5[%dma_start3A_109, %dma_start3A_110] : memref<20480x1024xf32, #tpu.memory_space<hbm>> -> memref<20480x1024xf32, #tpu.memory_space<hbm>>
    tpu.enqueue_indirect_dma source(%arg13 : memref<32x1024xf32, #tpu.memory_space<vmem>>) target(%dma_start3A_111 : memref<20480x1024xf32, #tpu.memory_space<hbm>>) offsets(%arg7 : memref<32xi32, #tpu.memory_space<vmem>>) semaphore(%arg19 : memref<!tpu.dma_semaphore, #tpu.memory_space<semaphore_mem>>)
    %dma_start3A_112 = arith.constant 0 : i32
    %dma_start3A_113 = arith.constant 0 : i32
    %dma_start3A_114 = tpu.memref_slice %arg5[%dma_start3A_112, %dma_start3A_113] : memref<20480x1024xf32, #tpu.memory_space<hbm>> -> memref<20480x1024xf32, #tpu.memory_space<hbm>>
    tpu.enqueue_indirect_dma source(%arg13 : memref<32x1024xf32, #tpu.memory_space<vmem>>) target(%dma_start3A_114 : memref<20480x1024xf32, #tpu.memory_space<hbm>>) offsets(%arg10 : memref<32xi32, #tpu.memory_space<vmem>>) semaphore(%arg22 : memref<!tpu.dma_semaphore, #tpu.memory_space<semaphore_mem>>)
    %mul3A_115 = arith.constant 256 : i32
    %mul3A_116 = arith.muli %add3A, %mul3A_115 : i32
    %add3A_117 = arith.constant 192 : i32
    %add3A_118 = arith.addi %mul3A_116, %add3A_117 : i32
    %dma_wait3A_119 = arith.constant 0 : i32
    %dma_wait3A_120 = arith.constant 0 : i32
    %dma_wait3A_121 = tpu.memref_slice %arg5[%dma_wait3A_119, %dma_wait3A_120] : memref<20480x1024xf32, #tpu.memory_space<hbm>> -> memref<20480x1024xf32, #tpu.memory_space<hbm>>
    tpu.wait_indirect_dma semaphore(%arg18 : memref<!tpu.dma_semaphore, #tpu.memory_space<semaphore_mem>>) src(%arg12 : memref<32x1024xf32, #tpu.memory_space<vmem>>) dst(%dma_wait3A_121 : memref<20480x1024xf32, #tpu.memory_space<hbm>>)
    %dma_wait3A_122 = arith.constant 0 : i32
    %dma_wait3A_123 = arith.constant 0 : i32
    %dma_wait3A_124 = tpu.memref_slice %arg5[%dma_wait3A_122, %dma_wait3A_123] : memref<20480x1024xf32, #tpu.memory_space<hbm>> -> memref<20480x1024xf32, #tpu.memory_space<hbm>>
    tpu.wait_indirect_dma semaphore(%arg21 : memref<!tpu.dma_semaphore, #tpu.memory_space<semaphore_mem>>) src(%arg12 : memref<32x1024xf32, #tpu.memory_space<vmem>>) dst(%dma_wait3A_124 : memref<20480x1024xf32, #tpu.memory_space<hbm>>)
    %dma_start3A_125 = arith.constant 0 : i32
    %dma_start3A_126 = tpu.memref_slice %arg2[%add3A_118, %dma_start3A_125] : memref<8192x1024xf32, #tpu.memory_space<hbm>> -> memref<32x1024xf32, #tpu.memory_space<hbm>>
    %dma_start3A_127 = arith.constant 0 : i32
    %dma_start3A_128 = tpu.memref_slice %arg2[%add3A_118, %dma_start3A_127] : memref<8192x1024xf32, #tpu.memory_space<hbm>> -> memref<32x1024xf32, #tpu.memory_space<hbm>>
    tpu.enqueue_dma source(%dma_start3A_128 : memref<32x1024xf32, #tpu.memory_space<hbm>>) target(%arg12 : memref<32x1024xf32, #tpu.memory_space<vmem>>) target_semaphore(%arg15 : memref<!tpu.dma_semaphore, #tpu.memory_space<semaphore_mem>>)
    "tpu.region"() ({
      %run_scoped3A = tpu.sem_alloc : memref<!tpu.dma_semaphore, #tpu.memory_space<semaphore_mem>>
      %dma_start3A_191 = tpu.memref_slice %arg3[%add3A_118] : memref<8192xi32, #tpu.memory_space<hbm>> -> memref<32xi32, #tpu.memory_space<hbm>>
      %dma_start3A_192 = tpu.memref_slice %arg3[%add3A_118] : memref<8192xi32, #tpu.memory_space<hbm>> -> memref<32xi32, #tpu.memory_space<hbm>>
      tpu.enqueue_dma source(%dma_start3A_192 : memref<32xi32, #tpu.memory_space<hbm>>) target(%arg6 : memref<32xi32, #tpu.memory_space<vmem>>) target_semaphore(%run_scoped3A : memref<!tpu.dma_semaphore, #tpu.memory_space<semaphore_mem>>)
      %dma_wait3A_193 = tpu.memref_slice %arg3[%add3A_118] : memref<8192xi32, #tpu.memory_space<hbm>> -> memref<32xi32, #tpu.memory_space<hbm>>
      %dma_wait3A_194 = tpu.memref_slice %arg3[%add3A_118] : memref<8192xi32, #tpu.memory_space<hbm>> -> memref<32xi32, #tpu.memory_space<hbm>>
      tpu.wait_dma2 semaphore(%run_scoped3A : memref<!tpu.dma_semaphore, #tpu.memory_space<semaphore_mem>>) src(%dma_wait3A_194 : memref<32xi32, #tpu.memory_space<hbm>>) dst(%arg6 : memref<32xi32, #tpu.memory_space<vmem>>)
      tpu.yield
    }) : () -> ()
    "tpu.region"() ({
      %run_scoped3A = tpu.sem_alloc : memref<!tpu.dma_semaphore, #tpu.memory_space<semaphore_mem>>
      %dma_start3A_191 = tpu.memref_slice %arg4[%add3A_118] : memref<8192xi32, #tpu.memory_space<hbm>> -> memref<32xi32, #tpu.memory_space<hbm>>
      %dma_start3A_192 = tpu.memref_slice %arg4[%add3A_118] : memref<8192xi32, #tpu.memory_space<hbm>> -> memref<32xi32, #tpu.memory_space<hbm>>
      tpu.enqueue_dma source(%dma_start3A_192 : memref<32xi32, #tpu.memory_space<hbm>>) target(%arg9 : memref<32xi32, #tpu.memory_space<vmem>>) target_semaphore(%run_scoped3A : memref<!tpu.dma_semaphore, #tpu.memory_space<semaphore_mem>>)
      %dma_wait3A_193 = tpu.memref_slice %arg4[%add3A_118] : memref<8192xi32, #tpu.memory_space<hbm>> -> memref<32xi32, #tpu.memory_space<hbm>>
      %dma_wait3A_194 = tpu.memref_slice %arg4[%add3A_118] : memref<8192xi32, #tpu.memory_space<hbm>> -> memref<32xi32, #tpu.memory_space<hbm>>
      tpu.wait_dma2 semaphore(%run_scoped3A : memref<!tpu.dma_semaphore, #tpu.memory_space<semaphore_mem>>) src(%dma_wait3A_194 : memref<32xi32, #tpu.memory_space<hbm>>) dst(%arg9 : memref<32xi32, #tpu.memory_space<vmem>>)
      tpu.yield
    }) : () -> ()
    %dma_wait3A_129 = arith.constant 0 : i32
    %dma_wait3A_130 = tpu.memref_slice %arg2[%add3A_94, %dma_wait3A_129] : memref<8192x1024xf32, #tpu.memory_space<hbm>> -> memref<32x1024xf32, #tpu.memory_space<hbm>>
    %dma_wait3A_131 = arith.constant 0 : i32
    %dma_wait3A_132 = tpu.memref_slice %arg2[%add3A_94, %dma_wait3A_131] : memref<8192x1024xf32, #tpu.memory_space<hbm>> -> memref<32x1024xf32, #tpu.memory_space<hbm>>
    tpu.wait_dma2 semaphore(%arg17 : memref<!tpu.dma_semaphore, #tpu.memory_space<semaphore_mem>>) src(%dma_wait3A_132 : memref<32x1024xf32, #tpu.memory_space<hbm>>) dst(%arg14 : memref<32x1024xf32, #tpu.memory_space<vmem>>)
    %dma_start3A_133 = arith.constant 0 : i32
    %dma_start3A_134 = arith.constant 0 : i32
    %dma_start3A_135 = tpu.memref_slice %arg5[%dma_start3A_133, %dma_start3A_134] : memref<20480x1024xf32, #tpu.memory_space<hbm>> -> memref<20480x1024xf32, #tpu.memory_space<hbm>>
    tpu.enqueue_indirect_dma source(%arg14 : memref<32x1024xf32, #tpu.memory_space<vmem>>) target(%dma_start3A_135 : memref<20480x1024xf32, #tpu.memory_space<hbm>>) offsets(%arg8 : memref<32xi32, #tpu.memory_space<vmem>>) semaphore(%arg20 : memref<!tpu.dma_semaphore, #tpu.memory_space<semaphore_mem>>)
    %dma_start3A_136 = arith.constant 0 : i32
    %dma_start3A_137 = arith.constant 0 : i32
    %dma_start3A_138 = tpu.memref_slice %arg5[%dma_start3A_136, %dma_start3A_137] : memref<20480x1024xf32, #tpu.memory_space<hbm>> -> memref<20480x1024xf32, #tpu.memory_space<hbm>>
    tpu.enqueue_indirect_dma source(%arg14 : memref<32x1024xf32, #tpu.memory_space<vmem>>) target(%dma_start3A_138 : memref<20480x1024xf32, #tpu.memory_space<hbm>>) offsets(%arg11 : memref<32xi32, #tpu.memory_space<vmem>>) semaphore(%arg23 : memref<!tpu.dma_semaphore, #tpu.memory_space<semaphore_mem>>)
    %mul3A_139 = arith.constant 256 : i32
    %mul3A_140 = arith.muli %add3A, %mul3A_139 : i32
    %add3A_141 = arith.constant 224 : i32
    %add3A_142 = arith.addi %mul3A_140, %add3A_141 : i32
    %dma_wait3A_143 = arith.constant 0 : i32
    %dma_wait3A_144 = arith.constant 0 : i32
    %dma_wait3A_145 = tpu.memref_slice %arg5[%dma_wait3A_143, %dma_wait3A_144] : memref<20480x1024xf32, #tpu.memory_space<hbm>> -> memref<20480x1024xf32, #tpu.memory_space<hbm>>
    tpu.wait_indirect_dma semaphore(%arg19 : memref<!tpu.dma_semaphore, #tpu.memory_space<semaphore_mem>>) src(%arg13 : memref<32x1024xf32, #tpu.memory_space<vmem>>) dst(%dma_wait3A_145 : memref<20480x1024xf32, #tpu.memory_space<hbm>>)
    %dma_wait3A_146 = arith.constant 0 : i32
    %dma_wait3A_147 = arith.constant 0 : i32
    %dma_wait3A_148 = tpu.memref_slice %arg5[%dma_wait3A_146, %dma_wait3A_147] : memref<20480x1024xf32, #tpu.memory_space<hbm>> -> memref<20480x1024xf32, #tpu.memory_space<hbm>>
    tpu.wait_indirect_dma semaphore(%arg22 : memref<!tpu.dma_semaphore, #tpu.memory_space<semaphore_mem>>) src(%arg13 : memref<32x1024xf32, #tpu.memory_space<vmem>>) dst(%dma_wait3A_148 : memref<20480x1024xf32, #tpu.memory_space<hbm>>)
    %dma_start3A_149 = arith.constant 0 : i32
    %dma_start3A_150 = tpu.memref_slice %arg2[%add3A_142, %dma_start3A_149] : memref<8192x1024xf32, #tpu.memory_space<hbm>> -> memref<32x1024xf32, #tpu.memory_space<hbm>>
    %dma_start3A_151 = arith.constant 0 : i32
    %dma_start3A_152 = tpu.memref_slice %arg2[%add3A_142, %dma_start3A_151] : memref<8192x1024xf32, #tpu.memory_space<hbm>> -> memref<32x1024xf32, #tpu.memory_space<hbm>>
    tpu.enqueue_dma source(%dma_start3A_152 : memref<32x1024xf32, #tpu.memory_space<hbm>>) target(%arg13 : memref<32x1024xf32, #tpu.memory_space<vmem>>) target_semaphore(%arg16 : memref<!tpu.dma_semaphore, #tpu.memory_space<semaphore_mem>>)
    "tpu.region"() ({
      %run_scoped3A = tpu.sem_alloc : memref<!tpu.dma_semaphore, #tpu.memory_space<semaphore_mem>>
      %dma_start3A_191 = tpu.memref_slice %arg3[%add3A_142] : memref<8192xi32, #tpu.memory_space<hbm>> -> memref<32xi32, #tpu.memory_space<hbm>>
      %dma_start3A_192 = tpu.memref_slice %arg3[%add3A_142] : memref<8192xi32, #tpu.memory_space<hbm>> -> memref<32xi32, #tpu.memory_space<hbm>>
      tpu.enqueue_dma source(%dma_start3A_192 : memref<32xi32, #tpu.memory_space<hbm>>) target(%arg7 : memref<32xi32, #tpu.memory_space<vmem>>) target_semaphore(%run_scoped3A : memref<!tpu.dma_semaphore, #tpu.memory_space<semaphore_mem>>)
      %dma_wait3A_193 = tpu.memref_slice %arg3[%add3A_142] : memref<8192xi32, #tpu.memory_space<hbm>> -> memref<32xi32, #tpu.memory_space<hbm>>
      %dma_wait3A_194 = tpu.memref_slice %arg3[%add3A_142] : memref<8192xi32, #tpu.memory_space<hbm>> -> memref<32xi32, #tpu.memory_space<hbm>>
      tpu.wait_dma2 semaphore(%run_scoped3A : memref<!tpu.dma_semaphore, #tpu.memory_space<semaphore_mem>>) src(%dma_wait3A_194 : memref<32xi32, #tpu.memory_space<hbm>>) dst(%arg7 : memref<32xi32, #tpu.memory_space<vmem>>)
      tpu.yield
    }) : () -> ()
    "tpu.region"() ({
      %run_scoped3A = tpu.sem_alloc : memref<!tpu.dma_semaphore, #tpu.memory_space<semaphore_mem>>
      %dma_start3A_191 = tpu.memref_slice %arg4[%add3A_142] : memref<8192xi32, #tpu.memory_space<hbm>> -> memref<32xi32, #tpu.memory_space<hbm>>
      %dma_start3A_192 = tpu.memref_slice %arg4[%add3A_142] : memref<8192xi32, #tpu.memory_space<hbm>> -> memref<32xi32, #tpu.memory_space<hbm>>
      tpu.enqueue_dma source(%dma_start3A_192 : memref<32xi32, #tpu.memory_space<hbm>>) target(%arg10 : memref<32xi32, #tpu.memory_space<vmem>>) target_semaphore(%run_scoped3A : memref<!tpu.dma_semaphore, #tpu.memory_space<semaphore_mem>>)
      %dma_wait3A_193 = tpu.memref_slice %arg4[%add3A_142] : memref<8192xi32, #tpu.memory_space<hbm>> -> memref<32xi32, #tpu.memory_space<hbm>>
      %dma_wait3A_194 = tpu.memref_slice %arg4[%add3A_142] : memref<8192xi32, #tpu.memory_space<hbm>> -> memref<32xi32, #tpu.memory_space<hbm>>
      tpu.wait_dma2 semaphore(%run_scoped3A : memref<!tpu.dma_semaphore, #tpu.memory_space<semaphore_mem>>) src(%dma_wait3A_194 : memref<32xi32, #tpu.memory_space<hbm>>) dst(%arg10 : memref<32xi32, #tpu.memory_space<vmem>>)
      tpu.yield
    }) : () -> ()
    %dma_wait3A_153 = arith.constant 0 : i32
    %dma_wait3A_154 = tpu.memref_slice %arg2[%add3A_118, %dma_wait3A_153] : memref<8192x1024xf32, #tpu.memory_space<hbm>> -> memref<32x1024xf32, #tpu.memory_space<hbm>>
    %dma_wait3A_155 = arith.constant 0 : i32
    %dma_wait3A_156 = tpu.memref_slice %arg2[%add3A_118, %dma_wait3A_155] : memref<8192x1024xf32, #tpu.memory_space<hbm>> -> memref<32x1024xf32, #tpu.memory_space<hbm>>
    tpu.wait_dma2 semaphore(%arg15 : memref<!tpu.dma_semaphore, #tpu.memory_space<semaphore_mem>>) src(%dma_wait3A_156 : memref<32x1024xf32, #tpu.memory_space<hbm>>) dst(%arg12 : memref<32x1024xf32, #tpu.memory_space<vmem>>)
    %dma_start3A_157 = arith.constant 0 : i32
    %dma_start3A_158 = arith.constant 0 : i32
    %dma_start3A_159 = tpu.memref_slice %arg5[%dma_start3A_157, %dma_start3A_158] : memref<20480x1024xf32, #tpu.memory_space<hbm>> -> memref<20480x1024xf32, #tpu.memory_space<hbm>>
    tpu.enqueue_indirect_dma source(%arg12 : memref<32x1024xf32, #tpu.memory_space<vmem>>) target(%dma_start3A_159 : memref<20480x1024xf32, #tpu.memory_space<hbm>>) offsets(%arg6 : memref<32xi32, #tpu.memory_space<vmem>>) semaphore(%arg18 : memref<!tpu.dma_semaphore, #tpu.memory_space<semaphore_mem>>)
    %dma_start3A_160 = arith.constant 0 : i32
    %dma_start3A_161 = arith.constant 0 : i32
    %dma_start3A_162 = tpu.memref_slice %arg5[%dma_start3A_160, %dma_start3A_161] : memref<20480x1024xf32, #tpu.memory_space<hbm>> -> memref<20480x1024xf32, #tpu.memory_space<hbm>>
    tpu.enqueue_indirect_dma source(%arg12 : memref<32x1024xf32, #tpu.memory_space<vmem>>) target(%dma_start3A_162 : memref<20480x1024xf32, #tpu.memory_space<hbm>>) offsets(%arg9 : memref<32xi32, #tpu.memory_space<vmem>>) semaphore(%arg21 : memref<!tpu.dma_semaphore, #tpu.memory_space<semaphore_mem>>)
    %dma_wait3A_163 = arith.constant 0 : i32
    %dma_wait3A_164 = tpu.memref_slice %arg2[%add3A_142, %dma_wait3A_163] : memref<8192x1024xf32, #tpu.memory_space<hbm>> -> memref<32x1024xf32, #tpu.memory_space<hbm>>
    %dma_wait3A_165 = arith.constant 0 : i32
    %dma_wait3A_166 = tpu.memref_slice %arg2[%add3A_142, %dma_wait3A_165] : memref<8192x1024xf32, #tpu.memory_space<hbm>> -> memref<32x1024xf32, #tpu.memory_space<hbm>>
    tpu.wait_dma2 semaphore(%arg16 : memref<!tpu.dma_semaphore, #tpu.memory_space<semaphore_mem>>) src(%dma_wait3A_166 : memref<32x1024xf32, #tpu.memory_space<hbm>>) dst(%arg13 : memref<32x1024xf32, #tpu.memory_space<vmem>>)
    %dma_start3A_167 = arith.constant 0 : i32
    %dma_start3A_168 = arith.constant 0 : i32
    %dma_start3A_169 = tpu.memref_slice %arg5[%dma_start3A_167, %dma_start3A_168] : memref<20480x1024xf32, #tpu.memory_space<hbm>> -> memref<20480x1024xf32, #tpu.memory_space<hbm>>
    tpu.enqueue_indirect_dma source(%arg13 : memref<32x1024xf32, #tpu.memory_space<vmem>>) target(%dma_start3A_169 : memref<20480x1024xf32, #tpu.memory_space<hbm>>) offsets(%arg7 : memref<32xi32, #tpu.memory_space<vmem>>) semaphore(%arg19 : memref<!tpu.dma_semaphore, #tpu.memory_space<semaphore_mem>>)
    %dma_start3A_170 = arith.constant 0 : i32
    %dma_start3A_171 = arith.constant 0 : i32
    %dma_start3A_172 = tpu.memref_slice %arg5[%dma_start3A_170, %dma_start3A_171] : memref<20480x1024xf32, #tpu.memory_space<hbm>> -> memref<20480x1024xf32, #tpu.memory_space<hbm>>
    tpu.enqueue_indirect_dma source(%arg13 : memref<32x1024xf32, #tpu.memory_space<vmem>>) target(%dma_start3A_172 : memref<20480x1024xf32, #tpu.memory_space<hbm>>) offsets(%arg10 : memref<32xi32, #tpu.memory_space<vmem>>) semaphore(%arg22 : memref<!tpu.dma_semaphore, #tpu.memory_space<semaphore_mem>>)
    %dma_wait3A_173 = arith.constant 0 : i32
    %dma_wait3A_174 = arith.constant 0 : i32
    %dma_wait3A_175 = tpu.memref_slice %arg5[%dma_wait3A_173, %dma_wait3A_174] : memref<20480x1024xf32, #tpu.memory_space<hbm>> -> memref<20480x1024xf32, #tpu.memory_space<hbm>>
    tpu.wait_indirect_dma semaphore(%arg18 : memref<!tpu.dma_semaphore, #tpu.memory_space<semaphore_mem>>) src(%arg12 : memref<32x1024xf32, #tpu.memory_space<vmem>>) dst(%dma_wait3A_175 : memref<20480x1024xf32, #tpu.memory_space<hbm>>)
    %dma_wait3A_176 = arith.constant 0 : i32
    %dma_wait3A_177 = arith.constant 0 : i32
    %dma_wait3A_178 = tpu.memref_slice %arg5[%dma_wait3A_176, %dma_wait3A_177] : memref<20480x1024xf32, #tpu.memory_space<hbm>> -> memref<20480x1024xf32, #tpu.memory_space<hbm>>
    tpu.wait_indirect_dma semaphore(%arg21 : memref<!tpu.dma_semaphore, #tpu.memory_space<semaphore_mem>>) src(%arg12 : memref<32x1024xf32, #tpu.memory_space<vmem>>) dst(%dma_wait3A_178 : memref<20480x1024xf32, #tpu.memory_space<hbm>>)
    %dma_wait3A_179 = arith.constant 0 : i32
    %dma_wait3A_180 = arith.constant 0 : i32
    %dma_wait3A_181 = tpu.memref_slice %arg5[%dma_wait3A_179, %dma_wait3A_180] : memref<20480x1024xf32, #tpu.memory_space<hbm>> -> memref<20480x1024xf32, #tpu.memory_space<hbm>>
    tpu.wait_indirect_dma semaphore(%arg19 : memref<!tpu.dma_semaphore, #tpu.memory_space<semaphore_mem>>) src(%arg13 : memref<32x1024xf32, #tpu.memory_space<vmem>>) dst(%dma_wait3A_181 : memref<20480x1024xf32, #tpu.memory_space<hbm>>)
    %dma_wait3A_182 = arith.constant 0 : i32
    %dma_wait3A_183 = arith.constant 0 : i32
    %dma_wait3A_184 = tpu.memref_slice %arg5[%dma_wait3A_182, %dma_wait3A_183] : memref<20480x1024xf32, #tpu.memory_space<hbm>> -> memref<20480x1024xf32, #tpu.memory_space<hbm>>
    tpu.wait_indirect_dma semaphore(%arg22 : memref<!tpu.dma_semaphore, #tpu.memory_space<semaphore_mem>>) src(%arg13 : memref<32x1024xf32, #tpu.memory_space<vmem>>) dst(%dma_wait3A_184 : memref<20480x1024xf32, #tpu.memory_space<hbm>>)
    %dma_wait3A_185 = arith.constant 0 : i32
    %dma_wait3A_186 = arith.constant 0 : i32
    %dma_wait3A_187 = tpu.memref_slice %arg5[%dma_wait3A_185, %dma_wait3A_186] : memref<20480x1024xf32, #tpu.memory_space<hbm>> -> memref<20480x1024xf32, #tpu.memory_space<hbm>>
    tpu.wait_indirect_dma semaphore(%arg20 : memref<!tpu.dma_semaphore, #tpu.memory_space<semaphore_mem>>) src(%arg14 : memref<32x1024xf32, #tpu.memory_space<vmem>>) dst(%dma_wait3A_187 : memref<20480x1024xf32, #tpu.memory_space<hbm>>)
    %dma_wait3A_188 = arith.constant 0 : i32
    %dma_wait3A_189 = arith.constant 0 : i32
    %dma_wait3A_190 = tpu.memref_slice %arg5[%dma_wait3A_188, %dma_wait3A_189] : memref<20480x1024xf32, #tpu.memory_space<hbm>> -> memref<20480x1024xf32, #tpu.memory_space<hbm>>
    tpu.wait_indirect_dma semaphore(%arg23 : memref<!tpu.dma_semaphore, #tpu.memory_space<semaphore_mem>>) src(%arg14 : memref<32x1024xf32, #tpu.memory_space<vmem>>) dst(%dma_wait3A_190 : memref<20480x1024xf32, #tpu.memory_space<hbm>>)
    return
  }
}

module attributes {stable_mosaic.version = 14 : i64} {
  func.func @_gating_body(%arg0: i32, %arg1: memref<512x1024xf32, #tpu.memory_space<vmem>>, %arg2: memref<1024x8xf32, #tpu.memory_space<vmem>>, %arg3: memref<1x8xf32, #tpu.memory_space<vmem>>, %arg4: memref<512x16xf32, #tpu.memory_space<vmem>>, %arg5: memref<512x16xf32, #tpu.memory_space<vmem>>, %arg6: memref<512x2xi32, #tpu.memory_space<vmem>>) attributes {dimension_semantics = [#tpu.dimension_semantics<arbitrary>], iteration_bounds = array<i64: 16>, scalar_prefetch = 0 : i64, scratch_operands = 0 : i64, tpu.core_type = #tpu.core_type<tc>, window_params = [{transform_indices = @transform_0, window_bounds = array<i64: 512, 1024>}, {pipeline_mode = #tpu.pipeline_mode<synchronous>, transform_indices = @transform_1, window_bounds = array<i64: 1024, 8>}, {pipeline_mode = #tpu.pipeline_mode<synchronous>, transform_indices = @transform_2, window_bounds = array<i64: 1, 8>}, {transform_indices = @transform_3, window_bounds = array<i64: 512, 16>}, {transform_indices = @transform_4, window_bounds = array<i64: 512, 16>}, {transform_indices = @transform_5, window_bounds = array<i64: 512, 2>}]} {
    %get3A = arith.constant 0 : index
    %get3A_0 = arith.constant 0 : index
    %get3A_1 = vector.load %arg1[%get3A, %get3A_0] : memref<512x1024xf32, #tpu.memory_space<vmem>>, vector<512x1024xf32>
    %get3A_2 = arith.constant 0 : index
    %get3A_3 = arith.constant 0 : index
    %get3A_4 = vector.load %arg2[%get3A_2, %get3A_3] : memref<1024x8xf32, #tpu.memory_space<vmem>>, vector<1024x8xf32>
    %dot_general3A = arith.constant dense<0.000000e+00> : vector<512x8xf32>
    %dot_general3A_5 = tpu.matmul %get3A_1, %get3A_4, %dot_general3A {dimension_numbers = #tpu.dot_dimension_numbers<[1], [0], [0], [1], [0, 0, 1, 1], [], []>, transpose_lhs_hint = false} : vector<512x1024xf32>, vector<1024x8xf32>, vector<512x8xf32> -> vector<512x8xf32>
    %get3A_6 = arith.constant 0 : index
    %get3A_7 = arith.constant 0 : index
    %get3A_8 = vector.load %arg3[%get3A_6, %get3A_7] : memref<1x8xf32, #tpu.memory_space<vmem>>, vector<1x8xf32>
    %add3A = vector.broadcast %get3A_8 : vector<1x8xf32> to vector<512x8xf32>
    %add3A_9 = arith.addf %dot_general3A_5, %add3A : vector<512x8xf32>
    %div3A = arith.constant 1.00000095 : f32
    %div3A_10 = vector.broadcast %div3A : f32 to vector<512x8xf32>
    %div3A_11 = arith.divf %add3A_9, %div3A_10 : vector<512x8xf32>
    %iota3A = tpu.iota {dimensions = array<i32: 1>} : vector<512x8xi32>
    %reduce_max3A = arith.constant dense<0xFF800000> : vector<512xf32>
    %reduce_max3A_12 = vector.multi_reduction <maximumf>, %div3A_11, %reduce_max3A [1] : vector<512x8xf32> to vector<512xf32>
    %broadcast_in_dim3A = vector.shape_cast %reduce_max3A_12 : vector<512xf32> to vector<512x1xf32>
    %eq3A = vector.broadcast %broadcast_in_dim3A : vector<512x1xf32> to vector<512x8xf32>
    %eq3A_13 = arith.cmpf oeq, %div3A_11, %eq3A : vector<512x8xf32>
    %jit3A = arith.constant 8 : i32
    %broadcast_in_dim3A_14 = vector.broadcast %jit3A : i32 to vector<512x8xi32>
    %select_n3A = arith.select %eq3A_13, %iota3A, %broadcast_in_dim3A_14 : vector<512x8xi1>, vector<512x8xi32>
    %reduce_min3A = arith.constant dense<2147483647> : vector<512xi32>
    %reduce_min3A_15 = vector.multi_reduction <minsi>, %select_n3A, %reduce_min3A [1] : vector<512x8xi32> to vector<512xi32>
    %broadcast_in_dim3A_16 = vector.shape_cast %reduce_min3A_15 : vector<512xi32> to vector<512x1xi32>
    %eq3A_17 = vector.broadcast %broadcast_in_dim3A_16 : vector<512x1xi32> to vector<512x8xi32>
    %eq3A_18 = arith.cmpi eq, %iota3A, %eq3A_17 : vector<512x8xi32>
    %jit3A_19 = arith.constant 0xFF800000 : f32
    %broadcast_in_dim3A_20 = vector.broadcast %jit3A_19 : f32 to vector<512x8xf32>
    %select_n3A_21 = arith.select %eq3A_18, %broadcast_in_dim3A_20, %div3A_11 : vector<512x8xi1>, vector<512x8xf32>
    %reduce_max3A_22 = arith.constant dense<0xFF800000> : vector<512xf32>
    %reduce_max3A_23 = vector.multi_reduction <maximumf>, %select_n3A_21, %reduce_max3A_22 [1] : vector<512x8xf32> to vector<512xf32>
    %broadcast_in_dim3A_24 = vector.shape_cast %reduce_max3A_23 : vector<512xf32> to vector<512x1xf32>
    %eq3A_25 = vector.broadcast %broadcast_in_dim3A_24 : vector<512x1xf32> to vector<512x8xf32>
    %eq3A_26 = arith.cmpf oeq, %select_n3A_21, %eq3A_25 : vector<512x8xf32>
    %jit3A_27 = arith.constant 8 : i32
    %broadcast_in_dim3A_28 = vector.broadcast %jit3A_27 : i32 to vector<512x8xi32>
    %select_n3A_29 = arith.select %eq3A_26, %iota3A, %broadcast_in_dim3A_28 : vector<512x8xi1>, vector<512x8xi32>
    %reduce_min3A_30 = arith.constant dense<2147483647> : vector<512xi32>
    %reduce_min3A_31 = vector.multi_reduction <minsi>, %select_n3A_29, %reduce_min3A_30 [1] : vector<512x8xi32> to vector<512xi32>
    %broadcast_in_dim3A_32 = vector.shape_cast %reduce_min3A_31 : vector<512xi32> to vector<512x1xi32>
    %sub3A = arith.subf %broadcast_in_dim3A_24, %broadcast_in_dim3A : vector<512x1xf32>
    %exp3A = math.exp %sub3A : vector<512x1xf32>
    %add3A_33 = arith.constant 1.000000e+00 : f32
    %add3A_34 = vector.broadcast %add3A_33 : f32 to vector<512x1xf32>
    %add3A_35 = arith.addf %add3A_34, %exp3A : vector<512x1xf32>
    %div3A_36 = arith.constant 1.000000e+00 : f32
    %div3A_37 = vector.broadcast %div3A_36 : f32 to vector<512x1xf32>
    %div3A_38 = arith.divf %div3A_37, %add3A_35 : vector<512x1xf32>
    %broadcast_in_dim3A_39 = vector.shape_cast %div3A_38 : vector<512x1xf32> to vector<512x1xf32>
    %broadcast_in_dim3A_40 = vector.broadcast %broadcast_in_dim3A_39 : vector<512x1xf32> to vector<512x16xf32>
    %swap3A = arith.constant 0 : index
    %swap3A_41 = arith.constant 0 : index
    %swap3A_42 = vector.load %arg4[%swap3A, %swap3A_41] : memref<512x16xf32, #tpu.memory_space<vmem>>, vector<512x16xf32>
    tpu.vector_store %arg4[%swap3A, %swap3A_41], %broadcast_in_dim3A_40 {strides = array<i32>} : memref<512x16xf32, #tpu.memory_space<vmem>>, vector<512x16xf32>,
    %div3A_43 = arith.divf %exp3A, %add3A_35 : vector<512x1xf32>
    %broadcast_in_dim3A_44 = vector.shape_cast %div3A_43 : vector<512x1xf32> to vector<512x1xf32>
    %broadcast_in_dim3A_45 = vector.broadcast %broadcast_in_dim3A_44 : vector<512x1xf32> to vector<512x16xf32>
    %swap3A_46 = arith.constant 0 : index
    %swap3A_47 = arith.constant 0 : index
    %swap3A_48 = vector.load %arg5[%swap3A_46, %swap3A_47] : memref<512x16xf32, #tpu.memory_space<vmem>>, vector<512x16xf32>
    tpu.vector_store %arg5[%swap3A_46, %swap3A_47], %broadcast_in_dim3A_45 {strides = array<i32>} : memref<512x16xf32, #tpu.memory_space<vmem>>, vector<512x16xf32>,
    %concatenate3A = tpu.concatenate %broadcast_in_dim3A_16, %broadcast_in_dim3A_32 in 1 : vector<512x1xi32>, vector<512x1xi32> -> vector<512x2xi32>
    %swap3A_49 = arith.constant 0 : index
    %swap3A_50 = arith.constant 0 : index
    %swap3A_51 = vector.load %arg6[%swap3A_49, %swap3A_50] : memref<512x2xi32, #tpu.memory_space<vmem>>, vector<512x2xi32>
    tpu.vector_store %arg6[%swap3A_49, %swap3A_50], %concatenate3A {strides = array<i32>} : memref<512x2xi32, #tpu.memory_space<vmem>>, vector<512x2xi32>,
    return
  }
  func.func @transform_0(%arg0: i32) -> (i32, i32) {
    %c0_i32 = arith.constant 0 : i32
    %c0_i32_0 = arith.constant 0 : i32
    return %arg0, %c0_i32 : i32, i32
  }
  func.func @transform_1(%arg0: i32) -> (i32, i32) {
    %c0_i32 = arith.constant 0 : i32
    %c0_i32_0 = arith.constant 0 : i32
    %c0_i32_1 = arith.constant 0 : i32
    return %c0_i32, %c0_i32_0 : i32, i32
  }
  func.func @transform_2(%arg0: i32) -> (i32, i32) {
    %c0_i32 = arith.constant 0 : i32
    %c0_i32_0 = arith.constant 0 : i32
    %c0_i32_1 = arith.constant 0 : i32
    return %c0_i32, %c0_i32_0 : i32, i32
  }
  func.func @transform_3(%arg0: i32) -> (i32, i32) {
    %c0_i32 = arith.constant 0 : i32
    %c0_i32_0 = arith.constant 0 : i32
    return %arg0, %c0_i32 : i32, i32
  }
  func.func @transform_4(%arg0: i32) -> (i32, i32) {
    %c0_i32 = arith.constant 0 : i32
    %c0_i32_0 = arith.constant 0 : i32
    return %arg0, %c0_i32 : i32, i32
  }
  func.func @transform_5(%arg0: i32) -> (i32, i32) {
    %c0_i32 = arith.constant 0 : i32
    %c0_i32_0 = arith.constant 0 : i32
    return %arg0, %c0_i32 : i32, i32
  }
}

module attributes {stable_mosaic.version = 14 : i64} {
  func.func @_ffn_body(%arg0: i32, %arg1: memref<40xi32, #tpu.memory_space<smem>>, %arg2: memref<1xi32, #tpu.memory_space<smem>>, %arg3: memref<512x1024xf32, #tpu.memory_space<vmem>>, %arg4: memref<1x1024x4096xbf16, #tpu.memory_space<vmem>>, %arg5: memref<1x1x4096xf32, #tpu.memory_space<vmem>>, %arg6: memref<1x4096x1024xbf16, #tpu.memory_space<vmem>>, %arg7: memref<1x1x1024xf32, #tpu.memory_space<vmem>>, %arg8: memref<512x1024xf32, #tpu.memory_space<vmem>>) attributes {dimension_semantics = [#tpu.dimension_semantics<arbitrary>], iteration_bounds = array<i64: 40>, scalar_prefetch = 2 : i64, scratch_operands = 0 : i64, tpu.core_type = #tpu.core_type<tc>, window_params = [{transform_indices = @transform_0, window_bounds = array<i64: 512, 1024>}, {transform_indices = @transform_1, window_bounds = array<i64: 1, 1024, 4096>}, {transform_indices = @transform_2, window_bounds = array<i64: 1, 1, 4096>}, {transform_indices = @transform_3, window_bounds = array<i64: 1, 4096, 1024>}, {transform_indices = @transform_4, window_bounds = array<i64: 1, 1, 1024>}, {transform_indices = @transform_5, window_bounds = array<i64: 512, 1024>}]} {
    %get3A = arith.constant 0 : index
    %get3A_0 = memref.load %arg2[%get3A] : memref<1xi32, #tpu.memory_space<smem>>
    %lt3A = arith.cmpi slt, %arg0, %get3A_0 : i32
    %convert_element_type3A = arith.extui %lt3A : i1 to i32
    %cond3A = arith.constant 0 : i32
    %cond3A_1 = arith.cmpi ne, %convert_element_type3A, %cond3A : i32
    scf.if %cond3A_1 {
      %get3A_2 = arith.constant 0 : index
      %get3A_3 = arith.constant 0 : index
      %get3A_4 = vector.load %arg3[%get3A_2, %get3A_3] : memref<512x1024xf32, #tpu.memory_space<vmem>>, vector<512x1024xf32>
      %convert_element_type3A_5 = arith.truncf %get3A_4 : vector<512x1024xf32> to vector<512x1024xbf16>
      %broadcast_in_dim3A = arith.constant 0.000000e+00 : f32
      %broadcast_in_dim3A_6 = vector.broadcast %broadcast_in_dim3A : f32 to vector<512x1024xf32>
      %get3A_7 = arith.constant 0 : index
      %get3A_8 = arith.constant 0 : index
      %get3A_9 = arith.constant 0 : index
      %get3A_10 = vector.load %arg4[%get3A_7, %get3A_8, %get3A_9] : memref<1x1024x4096xbf16, #tpu.memory_space<vmem>>, vector<1x1024x1024xbf16>
      %get3A_11 = vector.shape_cast %get3A_10 : vector<1x1024x1024xbf16> to vector<1024x1024xbf16>
      %dot_general3A = arith.constant dense<0.000000e+00> : vector<512x1024xf32>
      %dot_general3A_12 = tpu.matmul %convert_element_type3A_5, %get3A_11, %dot_general3A {dimension_numbers = #tpu.dot_dimension_numbers<[1], [0], [0], [1], [0, 0, 1, 1], [], []>, transpose_lhs_hint = false} : vector<512x1024xbf16>, vector<1024x1024xbf16>, vector<512x1024xf32> -> vector<512x1024xf32>
      %get3A_13 = arith.constant 0 : index
      %get3A_14 = arith.constant 0 : index
      %get3A_15 = arith.constant 0 : index
      %get3A_16 = vector.load %arg5[%get3A_13, %get3A_14, %get3A_15] : memref<1x1x4096xf32, #tpu.memory_space<vmem>>, vector<1x1x1024xf32>
      %get3A_17 = vector.shape_cast %get3A_16 : vector<1x1x1024xf32> to vector<1024xf32>
      %broadcast_in_dim3A_18 = vector.shape_cast %get3A_17 : vector<1024xf32> to vector<1x1024xf32>
      %add3A = vector.broadcast %broadcast_in_dim3A_18 : vector<1x1024xf32> to vector<512x1024xf32>
      %add3A_19 = arith.addf %dot_general3A_12, %add3A : vector<512x1024xf32>
      %neg3A = arith.constant 0.000000e+00 : f32
      %neg3A_20 = vector.broadcast %neg3A : f32 to vector<512x1024xf32>
      %neg3A_21 = arith.subf %neg3A_20, %add3A_19 : vector<512x1024xf32>
      %exp3A = math.exp %neg3A_21 : vector<512x1024xf32>
      %add3A_22 = arith.constant 1.000000e+00 : f32
      %add3A_23 = vector.broadcast %add3A_22 : f32 to vector<512x1024xf32>
      %add3A_24 = arith.addf %add3A_23, %exp3A : vector<512x1024xf32>
      %div3A = arith.constant 1.000000e+00 : f32
      %div3A_25 = vector.broadcast %div3A : f32 to vector<512x1024xf32>
      %div3A_26 = arith.divf %div3A_25, %add3A_24 : vector<512x1024xf32>
      %mul3A = arith.mulf %add3A_19, %div3A_26 : vector<512x1024xf32>
      %get3A_27 = arith.constant 0 : index
      %get3A_28 = arith.constant 0 : index
      %get3A_29 = arith.constant 0 : index
      %get3A_30 = vector.load %arg6[%get3A_27, %get3A_28, %get3A_29] : memref<1x4096x1024xbf16, #tpu.memory_space<vmem>>, vector<1x1024x1024xbf16>
      %get3A_31 = vector.shape_cast %get3A_30 : vector<1x1024x1024xbf16> to vector<1024x1024xbf16>
      %convert_element_type3A_32 = arith.truncf %mul3A : vector<512x1024xf32> to vector<512x1024xbf16>
      %dot_general3A_33 = arith.constant dense<0.000000e+00> : vector<512x1024xf32>
      %dot_general3A_34 = tpu.matmul %convert_element_type3A_32, %get3A_31, %dot_general3A_33 {dimension_numbers = #tpu.dot_dimension_numbers<[1], [0], [0], [1], [0, 0, 1, 1], [], []>, transpose_lhs_hint = false} : vector<512x1024xbf16>, vector<1024x1024xbf16>, vector<512x1024xf32> -> vector<512x1024xf32>
      %add3A_35 = arith.addf %broadcast_in_dim3A_6, %dot_general3A_34 : vector<512x1024xf32>
      %get3A_36 = arith.constant 0 : index
      %get3A_37 = arith.constant 0 : index
      %get3A_38 = arith.constant 1024 : index
      %get3A_39 = vector.load %arg4[%get3A_36, %get3A_37, %get3A_38] : memref<1x1024x4096xbf16, #tpu.memory_space<vmem>>, vector<1x1024x1024xbf16>
      %get3A_40 = vector.shape_cast %get3A_39 : vector<1x1024x1024xbf16> to vector<1024x1024xbf16>
      %dot_general3A_41 = arith.constant dense<0.000000e+00> : vector<512x1024xf32>
      %dot_general3A_42 = tpu.matmul %convert_element_type3A_5, %get3A_40, %dot_general3A_41 {dimension_numbers = #tpu.dot_dimension_numbers<[1], [0], [0], [1], [0, 0, 1, 1], [], []>, transpose_lhs_hint = false} : vector<512x1024xbf16>, vector<1024x1024xbf16>, vector<512x1024xf32> -> vector<512x1024xf32>
      %get3A_43 = arith.constant 0 : index
      %get3A_44 = arith.constant 0 : index
      %get3A_45 = arith.constant 1024 : index
      %get3A_46 = vector.load %arg5[%get3A_43, %get3A_44, %get3A_45] : memref<1x1x4096xf32, #tpu.memory_space<vmem>>, vector<1x1x1024xf32>
      %get3A_47 = vector.shape_cast %get3A_46 : vector<1x1x1024xf32> to vector<1024xf32>
      %broadcast_in_dim3A_48 = vector.shape_cast %get3A_47 : vector<1024xf32> to vector<1x1024xf32>
      %add3A_49 = vector.broadcast %broadcast_in_dim3A_48 : vector<1x1024xf32> to vector<512x1024xf32>
      %add3A_50 = arith.addf %dot_general3A_42, %add3A_49 : vector<512x1024xf32>
      %neg3A_51 = arith.constant 0.000000e+00 : f32
      %neg3A_52 = vector.broadcast %neg3A_51 : f32 to vector<512x1024xf32>
      %neg3A_53 = arith.subf %neg3A_52, %add3A_50 : vector<512x1024xf32>
      %exp3A_54 = math.exp %neg3A_53 : vector<512x1024xf32>
      %add3A_55 = arith.constant 1.000000e+00 : f32
      %add3A_56 = vector.broadcast %add3A_55 : f32 to vector<512x1024xf32>
      %add3A_57 = arith.addf %add3A_56, %exp3A_54 : vector<512x1024xf32>
      %div3A_58 = arith.constant 1.000000e+00 : f32
      %div3A_59 = vector.broadcast %div3A_58 : f32 to vector<512x1024xf32>
      %div3A_60 = arith.divf %div3A_59, %add3A_57 : vector<512x1024xf32>
      %mul3A_61 = arith.mulf %add3A_50, %div3A_60 : vector<512x1024xf32>
      %get3A_62 = arith.constant 0 : index
      %get3A_63 = arith.constant 1024 : index
      %get3A_64 = arith.constant 0 : index
      %get3A_65 = vector.load %arg6[%get3A_62, %get3A_63, %get3A_64] : memref<1x4096x1024xbf16, #tpu.memory_space<vmem>>, vector<1x1024x1024xbf16>
      %get3A_66 = vector.shape_cast %get3A_65 : vector<1x1024x1024xbf16> to vector<1024x1024xbf16>
      %convert_element_type3A_67 = arith.truncf %mul3A_61 : vector<512x1024xf32> to vector<512x1024xbf16>
      %dot_general3A_68 = arith.constant dense<0.000000e+00> : vector<512x1024xf32>
      %dot_general3A_69 = tpu.matmul %convert_element_type3A_67, %get3A_66, %dot_general3A_68 {dimension_numbers = #tpu.dot_dimension_numbers<[1], [0], [0], [1], [0, 0, 1, 1], [], []>, transpose_lhs_hint = false} : vector<512x1024xbf16>, vector<1024x1024xbf16>, vector<512x1024xf32> -> vector<512x1024xf32>
      %add3A_70 = arith.addf %add3A_35, %dot_general3A_69 : vector<512x1024xf32>
      %get3A_71 = arith.constant 0 : index
      %get3A_72 = arith.constant 0 : index
      %get3A_73 = arith.constant 2048 : index
      %get3A_74 = vector.load %arg4[%get3A_71, %get3A_72, %get3A_73] : memref<1x1024x4096xbf16, #tpu.memory_space<vmem>>, vector<1x1024x1024xbf16>
      %get3A_75 = vector.shape_cast %get3A_74 : vector<1x1024x1024xbf16> to vector<1024x1024xbf16>
      %dot_general3A_76 = arith.constant dense<0.000000e+00> : vector<512x1024xf32>
      %dot_general3A_77 = tpu.matmul %convert_element_type3A_5, %get3A_75, %dot_general3A_76 {dimension_numbers = #tpu.dot_dimension_numbers<[1], [0], [0], [1], [0, 0, 1, 1], [], []>, transpose_lhs_hint = false} : vector<512x1024xbf16>, vector<1024x1024xbf16>, vector<512x1024xf32> -> vector<512x1024xf32>
      %get3A_78 = arith.constant 0 : index
      %get3A_79 = arith.constant 0 : index
      %get3A_80 = arith.constant 2048 : index
      %get3A_81 = vector.load %arg5[%get3A_78, %get3A_79, %get3A_80] : memref<1x1x4096xf32, #tpu.memory_space<vmem>>, vector<1x1x1024xf32>
      %get3A_82 = vector.shape_cast %get3A_81 : vector<1x1x1024xf32> to vector<1024xf32>
      %broadcast_in_dim3A_83 = vector.shape_cast %get3A_82 : vector<1024xf32> to vector<1x1024xf32>
      %add3A_84 = vector.broadcast %broadcast_in_dim3A_83 : vector<1x1024xf32> to vector<512x1024xf32>
      %add3A_85 = arith.addf %dot_general3A_77, %add3A_84 : vector<512x1024xf32>
      %neg3A_86 = arith.constant 0.000000e+00 : f32
      %neg3A_87 = vector.broadcast %neg3A_86 : f32 to vector<512x1024xf32>
      %neg3A_88 = arith.subf %neg3A_87, %add3A_85 : vector<512x1024xf32>
      %exp3A_89 = math.exp %neg3A_88 : vector<512x1024xf32>
      %add3A_90 = arith.constant 1.000000e+00 : f32
      %add3A_91 = vector.broadcast %add3A_90 : f32 to vector<512x1024xf32>
      %add3A_92 = arith.addf %add3A_91, %exp3A_89 : vector<512x1024xf32>
      %div3A_93 = arith.constant 1.000000e+00 : f32
      %div3A_94 = vector.broadcast %div3A_93 : f32 to vector<512x1024xf32>
      %div3A_95 = arith.divf %div3A_94, %add3A_92 : vector<512x1024xf32>
      %mul3A_96 = arith.mulf %add3A_85, %div3A_95 : vector<512x1024xf32>
      %get3A_97 = arith.constant 0 : index
      %get3A_98 = arith.constant 2048 : index
      %get3A_99 = arith.constant 0 : index
      %get3A_100 = vector.load %arg6[%get3A_97, %get3A_98, %get3A_99] : memref<1x4096x1024xbf16, #tpu.memory_space<vmem>>, vector<1x1024x1024xbf16>
      %get3A_101 = vector.shape_cast %get3A_100 : vector<1x1024x1024xbf16> to vector<1024x1024xbf16>
      %convert_element_type3A_102 = arith.truncf %mul3A_96 : vector<512x1024xf32> to vector<512x1024xbf16>
      %dot_general3A_103 = arith.constant dense<0.000000e+00> : vector<512x1024xf32>
      %dot_general3A_104 = tpu.matmul %convert_element_type3A_102, %get3A_101, %dot_general3A_103 {dimension_numbers = #tpu.dot_dimension_numbers<[1], [0], [0], [1], [0, 0, 1, 1], [], []>, transpose_lhs_hint = false} : vector<512x1024xbf16>, vector<1024x1024xbf16>, vector<512x1024xf32> -> vector<512x1024xf32>
      %add3A_105 = arith.addf %add3A_70, %dot_general3A_104 : vector<512x1024xf32>
      %get3A_106 = arith.constant 0 : index
      %get3A_107 = arith.constant 0 : index
      %get3A_108 = arith.constant 3072 : index
      %get3A_109 = vector.load %arg4[%get3A_106, %get3A_107, %get3A_108] : memref<1x1024x4096xbf16, #tpu.memory_space<vmem>>, vector<1x1024x1024xbf16>
      %get3A_110 = vector.shape_cast %get3A_109 : vector<1x1024x1024xbf16> to vector<1024x1024xbf16>
      %dot_general3A_111 = arith.constant dense<0.000000e+00> : vector<512x1024xf32>
      %dot_general3A_112 = tpu.matmul %convert_element_type3A_5, %get3A_110, %dot_general3A_111 {dimension_numbers = #tpu.dot_dimension_numbers<[1], [0], [0], [1], [0, 0, 1, 1], [], []>, transpose_lhs_hint = false} : vector<512x1024xbf16>, vector<1024x1024xbf16>, vector<512x1024xf32> -> vector<512x1024xf32>
      %get3A_113 = arith.constant 0 : index
      %get3A_114 = arith.constant 0 : index
      %get3A_115 = arith.constant 3072 : index
      %get3A_116 = vector.load %arg5[%get3A_113, %get3A_114, %get3A_115] : memref<1x1x4096xf32, #tpu.memory_space<vmem>>, vector<1x1x1024xf32>
      %get3A_117 = vector.shape_cast %get3A_116 : vector<1x1x1024xf32> to vector<1024xf32>
      %broadcast_in_dim3A_118 = vector.shape_cast %get3A_117 : vector<1024xf32> to vector<1x1024xf32>
      %add3A_119 = vector.broadcast %broadcast_in_dim3A_118 : vector<1x1024xf32> to vector<512x1024xf32>
      %add3A_120 = arith.addf %dot_general3A_112, %add3A_119 : vector<512x1024xf32>
      %neg3A_121 = arith.constant 0.000000e+00 : f32
      %neg3A_122 = vector.broadcast %neg3A_121 : f32 to vector<512x1024xf32>
      %neg3A_123 = arith.subf %neg3A_122, %add3A_120 : vector<512x1024xf32>
      %exp3A_124 = math.exp %neg3A_123 : vector<512x1024xf32>
      %add3A_125 = arith.constant 1.000000e+00 : f32
      %add3A_126 = vector.broadcast %add3A_125 : f32 to vector<512x1024xf32>
      %add3A_127 = arith.addf %add3A_126, %exp3A_124 : vector<512x1024xf32>
      %div3A_128 = arith.constant 1.000000e+00 : f32
      %div3A_129 = vector.broadcast %div3A_128 : f32 to vector<512x1024xf32>
      %div3A_130 = arith.divf %div3A_129, %add3A_127 : vector<512x1024xf32>
      %mul3A_131 = arith.mulf %add3A_120, %div3A_130 : vector<512x1024xf32>
      %get3A_132 = arith.constant 0 : index
      %get3A_133 = arith.constant 3072 : index
      %get3A_134 = arith.constant 0 : index
      %get3A_135 = vector.load %arg6[%get3A_132, %get3A_133, %get3A_134] : memref<1x4096x1024xbf16, #tpu.memory_space<vmem>>, vector<1x1024x1024xbf16>
      %get3A_136 = vector.shape_cast %get3A_135 : vector<1x1024x1024xbf16> to vector<1024x1024xbf16>
      %convert_element_type3A_137 = arith.truncf %mul3A_131 : vector<512x1024xf32> to vector<512x1024xbf16>
      %dot_general3A_138 = arith.constant dense<0.000000e+00> : vector<512x1024xf32>
      %dot_general3A_139 = tpu.matmul %convert_element_type3A_137, %get3A_136, %dot_general3A_138 {dimension_numbers = #tpu.dot_dimension_numbers<[1], [0], [0], [1], [0, 0, 1, 1], [], []>, transpose_lhs_hint = false} : vector<512x1024xbf16>, vector<1024x1024xbf16>, vector<512x1024xf32> -> vector<512x1024xf32>
      %add3A_140 = arith.addf %add3A_105, %dot_general3A_139 : vector<512x1024xf32>
      %get3A_141 = arith.constant 0 : index
      %get3A_142 = arith.constant 0 : index
      %get3A_143 = arith.constant 0 : index
      %get3A_144 = vector.load %arg7[%get3A_141, %get3A_142, %get3A_143] : memref<1x1x1024xf32, #tpu.memory_space<vmem>>, vector<1x1x1024xf32>
      %get3A_145 = vector.shape_cast %get3A_144 : vector<1x1x1024xf32> to vector<1x1024xf32>
      %add3A_146 = vector.broadcast %get3A_145 : vector<1x1024xf32> to vector<512x1024xf32>
      %add3A_147 = arith.addf %add3A_140, %add3A_146 : vector<512x1024xf32>
      %swap3A = arith.constant 0 : index
      %swap3A_148 = arith.constant 0 : index
      %swap3A_149 = vector.load %arg8[%swap3A, %swap3A_148] : memref<512x1024xf32, #tpu.memory_space<vmem>>, vector<512x1024xf32>
      tpu.vector_store %arg8[%swap3A, %swap3A_148], %add3A_147 {strides = array<i32>} : memref<512x1024xf32, #tpu.memory_space<vmem>>, vector<512x1024xf32>,
    } else {
    }
    return
  }
  func.func @transform_0(%arg0: i32, %arg1: memref<40xi32, #tpu.memory_space<smem>>, %arg2: memref<1xi32, #tpu.memory_space<smem>>) -> (i32, i32) {
    %c0_i32 = arith.constant 0 : i32
    %c0_i32_0 = arith.constant 0 : i32
    return %arg0, %c0_i32 : i32, i32
  }
  func.func @transform_1(%arg0: i32, %arg1: memref<40xi32, #tpu.memory_space<smem>>, %arg2: memref<1xi32, #tpu.memory_space<smem>>) -> (i32, i32, i32) {
    %get3A = arith.index_cast %arg0 : i32 to index
    %get3A_0 = memref.load %arg1[%get3A] : memref<40xi32, #tpu.memory_space<smem>>
    %c0_i32 = arith.constant 0 : i32
    %c0_i32_1 = arith.constant 0 : i32
    %c0_i32_2 = arith.constant 0 : i32
    return %get3A_0, %c0_i32, %c0_i32_1 : i32, i32, i32
  }
  func.func @transform_2(%arg0: i32, %arg1: memref<40xi32, #tpu.memory_space<smem>>, %arg2: memref<1xi32, #tpu.memory_space<smem>>) -> (i32, i32, i32) {
    %get3A = arith.index_cast %arg0 : i32 to index
    %get3A_0 = memref.load %arg1[%get3A] : memref<40xi32, #tpu.memory_space<smem>>
    %c0_i32 = arith.constant 0 : i32
    %c0_i32_1 = arith.constant 0 : i32
    %c0_i32_2 = arith.constant 0 : i32
    return %get3A_0, %c0_i32, %c0_i32_1 : i32, i32, i32
  }
  func.func @transform_3(%arg0: i32, %arg1: memref<40xi32, #tpu.memory_space<smem>>, %arg2: memref<1xi32, #tpu.memory_space<smem>>) -> (i32, i32, i32) {
    %get3A = arith.index_cast %arg0 : i32 to index
    %get3A_0 = memref.load %arg1[%get3A] : memref<40xi32, #tpu.memory_space<smem>>
    %c0_i32 = arith.constant 0 : i32
    %c0_i32_1 = arith.constant 0 : i32
    %c0_i32_2 = arith.constant 0 : i32
    return %get3A_0, %c0_i32, %c0_i32_1 : i32, i32, i32
  }
  func.func @transform_4(%arg0: i32, %arg1: memref<40xi32, #tpu.memory_space<smem>>, %arg2: memref<1xi32, #tpu.memory_space<smem>>) -> (i32, i32, i32) {
    %get3A = arith.index_cast %arg0 : i32 to index
    %get3A_0 = memref.load %arg1[%get3A] : memref<40xi32, #tpu.memory_space<smem>>
    %c0_i32 = arith.constant 0 : i32
    %c0_i32_1 = arith.constant 0 : i32
    %c0_i32_2 = arith.constant 0 : i32
    return %get3A_0, %c0_i32, %c0_i32_1 : i32, i32, i32
  }
  func.func @transform_5(%arg0: i32, %arg1: memref<40xi32, #tpu.memory_space<smem>>, %arg2: memref<1xi32, #tpu.memory_space<smem>>) -> (i32, i32) {
    %c0_i32 = arith.constant 0 : i32
    %c0_i32_0 = arith.constant 0 : i32
    return %arg0, %c0_i32 : i32, i32
  }
}

</mosaic_0001>

<sc_bundles>
// kernel: kernel.6.cloned.1.call-start
scs
__scs_entry_jumppad:
0x0: {  	(pc) =	sbr.rel $0x88, $3  }
0x1: {  	(tag) =	ssettag $0x0;
	lr =	simm.s32 $0x1  }
0x2: {  	[smem:$0x3F9A] =	sst lr;
	_ =	strace $0xD0000000  }
0x3: {  	_ = 	snop  }
0x4: {  	_ = 	snop  }
0x5: {  	_ = 	snop  }
0x6: {  	_ = 	snop  }
0x7: {  	_ = 	snop  }
__scs_overlays_trampoline_lowered:
0x8: {  	[smem:$0x3FA9] =	sst s0  }
0x9: {  	[smem:$0x3FAA] =	sst s1  }
0xa: {  	[smem:$0x3FAB] =	sst s2  }
0xb: {  	[smem:$0x3FAC] =	sst s3  }
0xc: {  	[smem:$0x3FAD] =	sst s4  }
0xd: {  	[smem:$0x3FAE] =	sst s5  }
0xe: {  	[smem:$0x3FAF] =	sst s6  }
0xf: {  	[smem:$0x3FB0] =	sst s7  }
0x10: {  	[smem:$0x3FB1] =	sst s8  }
0x11: {  	[smem:$0x3FB2] =	sst s9;
	s0 =	simm.s32 @!p0 $0x0  }
0x12: {  	s1 =	sld [smem:$0x3F98];
	s0 =	simm.s32 @p0 $0x1  }
0x13: {  	[smem:$0x3FB3] =	sst s0;
	s0 =	simm.s32 @!p1 $0x0  }
0x14: {  	s2 =	sld [smem:$0x3F97];
	s0 =	simm.s32 @p1 $0x1  }
0x15: {  	[smem:$0x3FB4] =	sst s0;
	s0 =	simm.s32 @!p2 $0x0  }
0x16: {  	s3 =	sld [smem:$0x3FDB];
	s0 =	simm.s32 @p2 $0x1  }
0x17: {  	s4 =	simm.s32 $0x1BF5;
	[smem:$0x3FB6] =	sst s0  }
0x18: {  	s0 =	sld [smem:$0x3F99];
	_ =	swait.ge [sflag:s4], $0x0  }
0x19: {  	s7 =	sld [smem:$0x3F9A]  }
0x1a: {  	s8 =	sadd.s32 $0xFFFFE003, lr  }
0x1b: {  	s9 =	sadd.s32 $0xFFFFFEF7, lr;
	s5 =	simm.s32 $0xFFFFFFFF;
	p2 =	slt.u32 s8, $0xFFFFF086  }
0x1c: {  	p1 =	slt.u32 s9, $0xF7A;
	s5 =	simm.s32 @!p2 $0x0  }
0x1d: {  	s5 =	simm.s32 @p1 $0x1;
	p0 =	seq.s32 s7, s2  }
0x1e: {  	s7 =	smul.u32 @!p0 $0xF7A, s2;
	p2 =	seq.s32 @!p0 s5, $0x0  }
0x1f: {  	s9 =	smul.u32 $0xF7A, s1;
	s8 =	simm.s32 @!p0 $0x1BF5;
	p2 =	por !p2, p0  }
0x20: {  	[sflag:s8] =	ssyncset.s32 @!p0 $0xFFFFF086;
	s6 =	sadd.s32 @!p0 s3, s7;
	s7 =	simm.s32 @!p0 $0x108  }
0x21: {  	s3 =	sadd.s32 s3, s9;
	s6 =	sadd.s32 @!p0 $0x88, s6;
	s7 =	simm.s32 @p2 $0x1082  }
0x22: {  	[simem:s7], [sflag:s8] =	dma.local @!p0 [hbm:s6], $0xF7A  }
0x23: {  	s9 =	sor.u32 $0xD0000000, s2;
	s6 =	simm.s32 $0x108;
	_ =	swait.ge @!p0 [sflag:s8], $0x0  }
0x24: {  	s3 =	sadd.s32 $0x88, s3;
	s6 =	simm.s32 @!p1 $0x1082;
	[sflag:s4] =	ssyncset.s32 $0xFFFFF086  }
0x25: {  	[simem:s6], [sflag:s4] =	dma.local [hbm:s3], $0xF7A  }
0x26: {  	[smem:$0x3F9A] =	sst s1;
	(tag) =	ssettag s2;
	_ =	strace s9  }
0x27: {  	s1 =	sld [smem:$0x3FAA]  }
0x28: {  	s2 =	sld [smem:$0x3FAB]  }
0x29: {  	s4 =	sld [smem:$0x3FAD]  }
0x2a: {  	p0 =	seq.s32 s5, $0x0;
	s5 =	sld [smem:$0x3FAE]  }
0x2b: {  	s6 =	sld [smem:$0x3FAF]  }
0x2c: {  	s7 =	sld [smem:$0x3FB0]  }
0x2d: {  	s3 =	simm.s32 $0x108;
	s8 =	sld [smem:$0x3FB1]  }
0x2e: {  	s3 =	simm.s32 @!p0 $0x1082;
	s9 =	sld [smem:$0x3FB2]  }
0x2f: {  	lr =	sadd.s32 s0, s3;
	s0 =	sld [smem:$0x3FA9]  }
0x30: {  	s3 =	sld [smem:$0x3FAC]  }
0x31: {  	[smem:$0x3FB5] =	sst s10  }
0x32: {  	s10 =	sld [smem:$0x3FB3];
	_ =	sdelay $0x3  }
0x33: {  	p0 =	seq.s32 s10, $0x1;
	s10 =	sld [smem:$0x3FB5];
	_ =	sdelay $0x3  }
0x34: {  	[smem:$0x3FB5] =	sst s10  }
0x35: {  	s10 =	sld [smem:$0x3FB4];
	_ =	sdelay $0x3  }
0x36: {  	p1 =	seq.s32 s10, $0x1;
	s10 =	sld [smem:$0x3FB5];
	_ =	sdelay $0x3  }
0x37: {  	[smem:$0x3FB5] =	sst s10  }
0x38: {  	s10 =	sld [smem:$0x3FB6]  }
0x39: {  	_ = 	snop;
	(pc) =	sbr.ind lr, $3  }
0x3a: {  	_ = 	snop  }
0x3b: {  	_ = 	snop  }
0x3c: {  	p2 =	seq.s32 s10, $0x1;
	s10 =	sld [smem:$0x3FB5]  }
0x3d: {  	_ =	shalt  }
0x3e: {  	_ =	shalt  }
0x3f: {  	_ =	shalt  }
0x40: {  	_ =	shalt  }
0x41: {  	_ =	shalt  }
0x42: {  	_ =	shalt  }
0x43: {  	_ =	shalt  }
0x44: {  	_ =	shalt  }
0x45: {  	_ =	shalt  }
0x46: {  	_ =	shalt  }
0x47: {  	_ =	shalt  }
0x48: {  	_ =	shalt  }
0x49: {  	_ =	shalt  }
0x4a: {  	_ =	shalt  }
0x4b: {  	_ =	shalt  }
0x4c: {  	_ =	shalt  }
0x4d: {  	_ =	shalt  }
0x4e: {  	_ =	shalt  }
0x4f: {  	_ =	shalt  }
0x50: {  	_ =	shalt  }
0x51: {  	_ =	shalt  }
0x52: {  	_ =	shalt  }
0x53: {  	_ =	shalt  }
0x54: {  	_ =	shalt  }
0x55: {  	_ =	shalt  }
0x56: {  	_ =	shalt  }
0x57: {  	_ =	shalt  }
0x58: {  	_ =	shalt  }
0x59: {  	_ =	shalt  }
0x5a: {  	_ =	shalt  }
0x5b: {  	_ =	shalt  }
0x5c: {  	_ =	shalt  }
0x5d: {  	_ =	shalt  }
0x5e: {  	_ =	shalt  }
0x5f: {  	_ =	shalt  }
0x60: {  	_ =	shalt  }
0x61: {  	_ =	shalt  }
0x62: {  	_ =	shalt  }
0x63: {  	_ =	shalt  }
0x64: {  	_ =	shalt  }
0x65: {  	_ =	shalt  }
0x66: {  	_ =	shalt  }
0x67: {  	_ =	shalt  }
0x68: {  	_ =	shalt  }
0x69: {  	_ =	shalt  }
0x6a: {  	_ =	shalt  }
0x6b: {  	_ =	shalt  }
0x6c: {  	_ =	shalt  }
0x6d: {  	_ =	shalt  }
0x6e: {  	_ =	shalt  }
0x6f: {  	_ =	shalt  }
0x70: {  	_ =	shalt  }
0x71: {  	_ =	shalt  }
0x72: {  	_ =	shalt  }
0x73: {  	_ =	shalt  }
0x74: {  	_ =	shalt  }
0x75: {  	_ =	shalt  }
0x76: {  	_ =	shalt  }
0x77: {  	_ =	shalt  }
0x78: {  	_ =	shalt  }
0x79: {  	_ =	shalt  }
0x7a: {  	_ =	shalt  }
0x7b: {  	_ =	shalt  }
0x7c: {  	_ =	shalt  }
0x7d: {  	_ =	shalt  }
0x7e: {  	_ =	shalt  }
0x7f: {  	_ =	shalt  }
0x80: {  	_ =	shalt  }
0x81: {  	_ =	shalt  }
0x82: {  	_ =	shalt  }
0x83: {  	_ =	shalt  }
0x84: {  	_ =	shalt  }
0x85: {  	_ =	shalt  }
0x86: {  	_ =	shalt  }
0x87: {  	_ =	shalt  }
.Lfunc_end0:
.L_simem_size_0:
called_computation_lowered:
.L_overlay_start_0:
0x88: {  	s2 =	sld [smem:$0x3FD9]  }
0x89: {  	s3 =	sld [smem:$0x3FFE];
	_ =	sdelay $0x1  }
0x8a: {  	s1 =	srdreg.scid  }
0x8b: {  	s0 =	sand.u32 $0x1, s1  }
0x8c: {  	s17 =	sshll.u32 s0, $0xA;
	s2 =	sadd.s32 s3, s2  }
0x8d: {  	s2 =	sadd.s32 s2, s17  }
0x8e: {  	[smem:$0x3FC1] =	sst s2  }
0x8f: {  	_ = 	snop  }
0x90: {  	s2 =	sld [smem:$0x3FC9];
	(tm) =	ssettm $0x1  }
0x91: {  	s18 =	sld [smem:$0x3FFB];
	_ =	sdelay $0x3  }
0x92: {  	_ =	strace s18  }
0x93: {  	s3 =	sld [smem:$0x3FFC];
	_ =	sdelay $0x3  }
0x94: {  	_ =	strace s3  }
0x95: {  	s3 =	sld [smem:$0x3FFD];
	_ =	sdelay $0x3  }
0x96: {  	_ =	strace s3  }
0x97: {  	_ =	strace $0x8FFFFFFF  }
0x98: {  	s19 =	sld [smem:$0x3FDB];
	_ =	sdelay $0x1  }
0x99: {  	s4 =	simm.s32 $_scs_section_size  }
0x9a: {  	s5 =	simm.s32 $_size__tile_overlayer_lowered;
	s6 =	simm.s32 $_tile_overlayer_lowered  }
0x9b: {  	s22 =	simm.s32 $0x1BFF;
	s21 =	sshll.u32 s6, $0x1;
	s3 =	sadd.s32 s4, s19  }
0x9c: {  	s7 =	simm.s32 $0x0;
	s20 =	sshll.u32 s5, $0x1;
	s5 =	sadd.s32 s21, s3  }
0x9d: {  	[timem:s7], [sflag:s22] =	dma.local [hbm:s5], s20  }
0x9e: {  	_ =	swait.ge [sflag:s22], s20  }
0x9f: {  	s4 =	ssub.s32 $0x0, s20;
	[sflag:s22] =	ssyncset.done $0x0  }
0xa0: {  	[sflag:s22] =	ssyncadd.s32 s4;
	_ =	sdelay $0x1  }
0xa1: {  	s23 =	simm.s32 $0x1B8B  }
0xa2: {  	_ =	swait.ge [sflag:s23], $0x1  }
0xa3: {  	[sflag:s23] =	ssyncset.done $0x0  }
0xa4: {  	s25 =	simm.s32 $0x1B8E;
	s24 =	sld [smem:$0x3FFE];
	[sflag:s23] =	ssyncadd.s32 $0xFFFFFFFF  }
0xa5: {  	s26 =	simm.s32 $execute0_lowered;
	[smem:$0x3FD2] =	sst s25  }
0xa6: {  	s5 =	sshll.u32 s26, $0x1;
	_ =	strace $0x80000046;
	[dreg:$0x1] =	wrdreg $0xFFFFFFFF  }
0xa7: {  	s28 =	simm.s32 $_size_execute0_lowered;
	s3 =	sadd.s32 s3, s5;
	[dreg:$0x0] =	wrdreg $0x0  }
0xa8: {  	s5 =	sshll.u32 s28, $0x1;
	[dreg:$0x2] =	wrdreg s3  }
0xa9: {  	[dreg:$0x3] =	wrdreg s5  }
0xaa: {  	[dreg:$0x4] =	wrdreg $0xC0  }
0xab: {  	_ =	task [dreg:s7], $0x5FFFF  }
0xac: {  	[dreg:$0x1] =	wrdreg $0xFFFFFFFF  }
0xad: {  	[dreg:$0x0] =	wrdreg $0x60  }
0xae: {  	[dreg:$0x2] =	wrdreg s2  }
0xaf: {  	[dreg:$0x3] =	wrdreg s24  }
0xb0: {  	[dreg:$0x4] =	wrdreg $0x9  }
0xb1: {  	_ =	task.clear_ibuf [dreg:s7], $0x5FFFF;
	_ =	strace $0x90000046  }
0xb2: {  	s29 =	simm.s32 $0x9;
	_ =	strace $0x80000048  }
0xb3: {  	_ =	swait.ge [sflag:s29], $0x1  }
0xb4: {  	[sflag:s29] =	ssyncadd.s32 $0xFFFFFFFF  }
0xb5: {  	_ =	strace $0x90000048  }
0xb6: {  	_ =	sfence  }
0xb7: {  	s30 =	sld [smem:$0x0];
	_ =	sdelay $0x2  }
0xb8: {  	s31 =	sshll.u32 s1, $0xD;
	s1 =	sshrl.u32 s1, $0x2  }
0xb9: {  	s3 =	sand.u32 $0x4000, s31;
	s1 =	sadd.s32 s1, s30  }
0xba: {  	s0 =	sor.u32 s3, s0;
	s1 =	sshll.u32 s1, $0x11  }
0xbb: {  	s0 =	sor.u32 s1, s0  }
0xbc: {  	s0 =	sadd.s32 $0x8F2B, s0  }
0xbd: {  	[sflag:s0] =	ssyncadd.remote.s32 $0x1  }
0xbe: {  	_ =	sfence.sel $0xFFFF  }
0xbf: {  	[dreg:$0x0] =	wrdreg $0xFFFFFFFF;
	(pc) =	sbr.abs _section_cstart, $3  }
0xc0: {  	[dreg:$0x1] =	wrdreg $0xFFFFFFFF  }
0xc1: {  	_ =	task.clear_ibuf [dreg:s7], $0x2FFFF;
	_ =	strace $0x9FFFFFFF  }
0xc2: {  	(tm) =	ssettm $0x7FFFFFFF  }
0xc3: {  	_ =	shalt  }
tec
execute0_lowered:
.L_overlay_start_1:
0x0: {  	(tag) =	ssettag $0x1  }
0x1: {  	s1 =	rddreg [dreg:$0x0]  }
0x2: {  	s0 =	rddreg [dreg:$0x1];
	s2 =	simm.s32 $0x0  }
0x3: {  	s3 =	srdreg.scid;
	s4 =	stileid.u32;
	s28 =	simm.s32 $0x5  }
0x4: {  	s30 =	simm.s32 $0x8;
	s31 =	simm.s32 $0x6;
	[smem:$0x7FF] =	sst s2  }
0x5: {  	s3 =	sand.u32 $0x1, s3;
	s5 =	sadd.s32 $0x40400, s0;
	s4 =	sshll.u32 s4, $0x9  }
0x6: {  	s6 =	sadd.s32 $0x40000, s0;
	s7 =	sshll.u32 s3, $0x8;
	s8 =	ssub.s32 $0x2, s3  }
0x7: {  	_ =	strace $0x80000047;
	s4 =	sor.u32 s7, s4;
	s20 =	sshrl.u32 s8, $0x1  }
0x8: {  	s3 =	sadd.s32 $0x40800, s0;
	s9 =	sshll.u32 s4, $0x7;
	s7 =	ssub.s32 s8, s20  }
0x9: {  	s22 =	sshrl.u32 s4, $0x3;
	s10 =	sor.u32 $0x20, s4;
	s21 =	sadd.s32 s1, s9  }
0xa: {  	s11 =	sor.u32 $0x40, s4;
	s23 =	sadd.s32 s5, s22;
	[dreg:$0x3] =	wrdreg s21  }
0xb: {  	s24 =	sadd.s32 s6, s22;
	s25 =	sshll.u32 s10, $0x7;
	[dreg:$0x4] =	wrdreg s23  }
0xc: {  	s29 =	sshrl.u32 s10, $0x3;
	[dreg:$0x5] =	wrdreg s24;
	s26 =	sadd.s32 s1, s25  }
0xd: {  	s17 =	sor.u32 $0x60, s4;
	s10 =	sadd.s32 s5, s29;
	[dreg:$0x6] =	wrdreg s26  }
0xe: {  	s13 =	sshll.u32 s11, $0x7;
	s12 =	sadd.s32 s6, s29;
	[dreg:$0x7] =	wrdreg s10  }
0xf: {  	s15 =	sshrl.u32 s11, $0x3;
	s14 =	sadd.s32 s1, s13;
	[dreg:$0x8] =	wrdreg s12  }
0x10: {  	s19 =	sshll.u32 s17, $0x7;
	s16 =	sadd.s32 s5, s15;
	[dreg:$0x9] =	wrdreg s14  }
0x11: {  	s11 =	sor.u32 $0xA0, s4;
	s18 =	sadd.s32 s6, s15;
	[dreg:$0xa] =	wrdreg s16  }
0x12: {  	s20 =	sadd.s32 s1, s19;
	s21 =	sshrl.u32 s17, $0x3;
	[dreg:$0xb] =	wrdreg s18  }
0x13: {  	s9 =	simm.s32 $0xA;
	[dreg:$0xc] =	wrdreg s20;
	s22 =	sadd.s32 s5, s21  }
0x14: {  	s13 =	sshll.u32 s11, $0x7;
	s24 =	sadd.s32 s6, s21;
	[dreg:$0xd] =	wrdreg s22  }
0x15: {  	s15 =	sshrl.u32 s11, $0x3;
	s14 =	sadd.s32 s1, s13;
	[dreg:$0xe] =	wrdreg s24  }
0x16: {  	s23 =	sor.u32 $0x80, s4;
	s16 =	sadd.s32 s5, s15;
	[dreg:$0x12] =	wrdreg s14  }
0x17: {  	s25 =	sshll.u32 s23, $0x7;
	s18 =	sadd.s32 s6, s15;
	[dreg:$0x13] =	wrdreg s16  }
0x18: {  	s29 =	sshrl.u32 s23, $0x3;
	s26 =	sadd.s32 s1, s25;
	[dreg:$0x14] =	wrdreg s18  }
0x19: {  	s17 =	sor.u32 $0xC0, s4;
	s10 =	sadd.s32 s5, s29;
	[dreg:$0xf] =	wrdreg s26  }
0x1a: {  	s19 =	sshll.u32 s17, $0x7;
	s12 =	sadd.s32 s6, s29;
	[dreg:$0x10] =	wrdreg s10  }
0x1b: {  	s21 =	sshrl.u32 s17, $0x3;
	s20 =	sadd.s32 s1, s19;
	[dreg:$0x11] =	wrdreg s12  }
0x1c: {  	s4 =	sor.u32 $0xE0, s4;
	s22 =	sadd.s32 s5, s21;
	[dreg:$0x15] =	wrdreg s20  }
0x1d: {  	s23 =	sadd.s32 s6, s21;
	s24 =	sshll.u32 s4, $0x7;
	[dreg:$0x16] =	wrdreg s22  }
0x1e: {  	s25 =	sshrl.u32 s4, $0x3;
	[dreg:$0x17] =	wrdreg s23;
	s1 =	sadd.s32 s1, s24  }
0x1f: {  	v2 =	vlaneseq.u32;
	s4 =	sadd.s32 $0x40900, s0;
	s26 =	sadd.s32 s5, s25;
	[dreg:$0x18] =	wrdreg s1  }
0x20: {  	vm0 =	vmmov $0xffff;
	v1 =	vshrl.u32 v2, $0x3;
	s5 =	sadd.s32 $0x40A00, s0;
	s29 =	sadd.s32 s6, s25;
	[dreg:$0x19] =	wrdreg s26  }
0x21: {  	v0 =	vand.u32 $0x7, v2;
	v2 =	vor.u32 $0x8, v2;
	v1 =	vmul.u32 $0x8, v1;
	s6 =	sadd.s32 $0x40B00, s0;
	s0 =	smax.u32 s7, $0x1;
	[dreg:$0x1a] =	wrdreg s29  }
.LBB2_1:
0x22: {  	[dreg:$0x1b] =	wrdreg s0  }
0x23: {  	s12 =	rddreg [dreg:$0x3];
	s1 =	simm.s32 $0x300  }
0x24: {  	[tilespmem:s1], [sflag:$0x1] =	stream.linear.gather [hbm4b:s12+s2], $0x8000, $0x38;
	[tilespmem:$0x18300] =	vst v63  }
0x25: {  	s13 =	rddreg [dreg:$0x4]  }
0x26: {  	[tilespmem:s2], [sflag:$0xA] =	stream.linear.gather [hbm4b:s13+s2], $0x20, $0x38;
	[tilespmem:$0x18300] =	vst v63  }
0x27: {  	_ =	swait.ge [sflag:s9], $0x20  }
0x28: {  	[sflag:s9] =	ssyncset.done $0x0  }
0x29: {  	s8 =	simm.s32 $0x180;
	s7 =	rddreg [dreg:$0x5];
	[sflag:s9] =	ssyncadd.s32 $0xFFFFFFE0  }
0x2a: {  	[tilespmem:s8], [sflag:$0xA] =	stream.linear.gather [hbm4b:s7+s2], $0x20, $0x38;
	[tilespmem:$0x18300] =	vst v63  }
0x2b: {  	_ =	swait.ge [sflag:s9], $0x20  }
0x2c: {  	[sflag:s9] =	ssyncset.done $0x0  }
0x2d: {  	s14 =	simm.s32 $0x8300;
	s10 =	rddreg [dreg:$0x6];
	[sflag:s9] =	ssyncadd.s32 $0xFFFFFFE0  }
0x2e: {  	[tilespmem:s14], [sflag:$0x2] =	stream.linear.gather [hbm4b:s10+s2], $0x8000, $0x38;
	[tilespmem:$0x18300] =	vst v63  }
0x2f: {  	s15 =	simm.s32 $0x80;
	s11 =	rddreg [dreg:$0x7]  }
0x30: {  	[tilespmem:s15], [sflag:$0xA] =	stream.linear.gather [hbm4b:s11+s2], $0x20, $0x38;
	[tilespmem:$0x18300] =	vst v63  }
0x31: {  	_ =	swait.ge [sflag:s9], $0x20  }
0x32: {  	[sflag:s9] =	ssyncset.done $0x0  }
0x33: {  	s17 =	simm.s32 $0x200;
	s16 =	rddreg [dreg:$0x8];
	[sflag:s9] =	ssyncadd.s32 $0xFFFFFFE0  }
0x34: {  	[tilespmem:s17], [sflag:$0xA] =	stream.linear.gather [hbm4b:s16+s2], $0x20, $0x38;
	[tilespmem:$0x18300] =	vst v63  }
0x35: {  	_ =	swait.ge [sflag:s9], $0x20  }
0x36: {  	[sflag:s9] =	ssyncset.done $0x0  }
0x37: {  	s18 =	simm.s32 $0x1;
	[sflag:s9] =	ssyncadd.s32 $0xFFFFFFE0  }
0x38: {  	_ =	swait.ge [sflag:s18], $0x8000  }
0x39: {  	[sflag:s18] =	ssyncset.done $0x0  }
0x3a: {  	[sflag:s18] =	ssyncadd.s32 $0xFFFF8000  }
0x3b: {  	v3 =	vld [tilespmem:$0x0];
	_ =	sdelay $0x4  }
0x3c: {  	v4 =	vshll.u32 v3, $0x3  }
0x3d: {  	v3 =	vand.u32 $0x7, v3;
	v4 =	vand.u32 $0xFFFFFFC0, v4  }
0x3e: {  	v3 =	vor.u32 v3, v4  }
0x3f: {  	v4 =	vperm.xlane v3, v0;
	_ =	sdelay $0x1  }
0x40: {  	v4 =	vadd.s32 v1, v4;
	_ =	sdelay $0x3  }
0x41: {  	s24 =	simm.s32 $0x300  }
0x42: {  	[hbm4b:s3+s2] =	stream.indirect_vreg.scatter [tilespmem:s24], [sflag:$0x4], $0x80, v4, vm0, $0xb8;
	[tilespmem:$0x18300] =	vst v63  }
0x43: {  	s1 =	simm.s32 $0xB00;
	v3 =	vperm.xlane v3, v2  }
0x44: {  	[hbm4b:s4+s2] =	stream.indirect_vreg.scatter [tilespmem:s1], [sflag:$0x4], $0x80, v4, vm0, $0xb8;
	[tilespmem:$0x18300] =	vst v63  }
0x45: {  	s19 =	simm.s32 $0x1300;
	v3 =	vadd.s32 v1, v3  }
0x46: {  	[hbm4b:s5+s2] =	stream.indirect_vreg.scatter [tilespmem:s19], [sflag:$0x4], $0x80, v4, vm0, $0xb8;
	[tilespmem:$0x18300] =	vst v63  }
0x47: {  	s20 =	simm.s32 $0x1B00  }
0x48: {  	[hbm4b:s6+s2] =	stream.indirect_vreg.scatter [tilespmem:s20], [sflag:$0x4], $0x80, v4, vm0, $0xb8;
	[tilespmem:$0x18300] =	vst v63  }
0x49: {  	s22 =	simm.s32 $0x2300  }
0x4a: {  	[hbm4b:s3+s2] =	stream.indirect_vreg.scatter [tilespmem:s22], [sflag:$0x4], $0x80, v3, vm0, $0xb8;
	[tilespmem:$0x18300] =	vst v63  }
0x4b: {  	s23 =	simm.s32 $0x2B00  }
0x4c: {  	[hbm4b:s4+s2] =	stream.indirect_vreg.scatter [tilespmem:s23], [sflag:$0x4], $0x80, v3, vm0, $0xb8;
	[tilespmem:$0x18300] =	vst v63  }
0x4d: {  	s0 =	simm.s32 $0x3300  }
0x4e: {  	[hbm4b:s5+s2] =	stream.indirect_vreg.scatter [tilespmem:s0], [sflag:$0x4], $0x80, v3, vm0, $0xb8;
	[tilespmem:$0x18300] =	vst v63  }
0x4f: {  	s11 =	simm.s32 $0x3B00  }
0x50: {  	[hbm4b:s6+s2] =	stream.indirect_vreg.scatter [tilespmem:s11], [sflag:$0x4], $0x80, v3, vm0, $0xb8;
	[tilespmem:$0x18300] =	vst v63  }
0x51: {  	v3 =	vld [tilespmem:$0x10];
	_ =	sdelay $0x4  }
0x52: {  	v33 =	vshll.u32 v3, $0x3  }
0x53: {  	v3 =	vand.u32 $0x7, v3;
	v4 =	vand.u32 $0xFFFFFFC0, v33  }
0x54: {  	v3 =	vor.u32 v3, v4  }
0x55: {  	v4 =	vperm.xlane v3, v0;
	_ =	sdelay $0x1  }
0x56: {  	v4 =	vadd.s32 v1, v4;
	_ =	sdelay $0x3  }
0x57: {  	s15 =	simm.s32 $0x4300  }
0x58: {  	[hbm4b:s3+s2] =	stream.indirect_vreg.scatter [tilespmem:s15], [sflag:$0x4], $0x80, v4, vm0, $0xb8;
	[tilespmem:$0x18300] =	vst v63  }
0x59: {  	s16 =	simm.s32 $0x4B00;
	v3 =	vperm.xlane v3, v2  }
0x5a: {  	[hbm4b:s4+s2] =	stream.indirect_vreg.scatter [tilespmem:s16], [sflag:$0x4], $0x80, v4, vm0, $0xb8;
	[tilespmem:$0x18300] =	vst v63  }
0x5b: {  	s17 =	simm.s32 $0x5300;
	v3 =	vadd.s32 v1, v3  }
0x5c: {  	[hbm4b:s5+s2] =	stream.indirect_vreg.scatter [tilespmem:s17], [sflag:$0x4], $0x80, v4, vm0, $0xb8;
	[tilespmem:$0x18300] =	vst v63  }
0x5d: {  	s18 =	simm.s32 $0x5B00  }
0x5e: {  	[hbm4b:s6+s2] =	stream.indirect_vreg.scatter [tilespmem:s18], [sflag:$0x4], $0x80, v4, vm0, $0xb8;
	[tilespmem:$0x18300] =	vst v63  }
0x5f: {  	s19 =	simm.s32 $0x6300  }
0x60: {  	[hbm4b:s3+s2] =	stream.indirect_vreg.scatter [tilespmem:s19], [sflag:$0x4], $0x80, v3, vm0, $0xb8;
	[tilespmem:$0x18300] =	vst v63  }
0x61: {  	s20 =	simm.s32 $0x6B00  }
0x62: {  	[hbm4b:s4+s2] =	stream.indirect_vreg.scatter [tilespmem:s20], [sflag:$0x4], $0x80, v3, vm0, $0xb8;
	[tilespmem:$0x18300] =	vst v63  }
0x63: {  	s0 =	simm.s32 $0x7300  }
0x64: {  	[hbm4b:s5+s2] =	stream.indirect_vreg.scatter [tilespmem:s0], [sflag:$0x4], $0x80, v3, vm0, $0xb8;
	[tilespmem:$0x18300] =	vst v63  }
0x65: {  	s11 =	simm.s32 $0x7B00  }
0x66: {  	[hbm4b:s6+s2] =	stream.indirect_vreg.scatter [tilespmem:s11], [sflag:$0x4], $0x80, v3, vm0, $0xb8;
	[tilespmem:$0x18300] =	vst v63  }
0x67: {  	v3 =	vld [tilespmem:$0x180];
	_ =	sdelay $0x4  }
0x68: {  	v34 =	vshll.u32 v3, $0x3  }
0x69: {  	v3 =	vand.u32 $0x7, v3;
	v4 =	vand.u32 $0xFFFFFFC0, v34  }
0x6a: {  	v3 =	vor.u32 v3, v4  }
0x6b: {  	v4 =	vperm.xlane v3, v0;
	_ =	sdelay $0x1  }
0x6c: {  	v4 =	vadd.s32 v1, v4;
	_ =	sdelay $0x4  }
0x6d: {  	[hbm4b:s3+s2] =	stream.indirect_vreg.scatter [tilespmem:s24], [sflag:$0x7], $0x80, v4, vm0, $0xb8;
	[tilespmem:$0x18300] =	vst v63  }
0x6e: {  	s21 =	simm.s32 $0xB00;
	v3 =	vperm.xlane v3, v2  }
0x6f: {  	[hbm4b:s4+s2] =	stream.indirect_vreg.scatter [tilespmem:s21], [sflag:$0x7], $0x80, v4, vm0, $0xb8;
	[tilespmem:$0x18300] =	vst v63  }
0x70: {  	s7 =	simm.s32 $0x1300;
	v3 =	vadd.s32 v1, v3  }
0x71: {  	[hbm4b:s5+s2] =	stream.indirect_vreg.scatter [tilespmem:s7], [sflag:$0x7], $0x80, v4, vm0, $0xb8;
	[tilespmem:$0x18300] =	vst v63  }
0x72: {  	s8 =	simm.s32 $0x1B00  }
0x73: {  	[hbm4b:s6+s2] =	stream.indirect_vreg.scatter [tilespmem:s8], [sflag:$0x7], $0x80, v4, vm0, $0xb8;
	[tilespmem:$0x18300] =	vst v63  }
0x74: {  	s12 =	simm.s32 $0x2300  }
0x75: {  	[hbm4b:s3+s2] =	stream.indirect_vreg.scatter [tilespmem:s12], [sflag:$0x7], $0x80, v3, vm0, $0xb8;
	[tilespmem:$0x18300] =	vst v63  }
0x76: {  	s13 =	simm.s32 $0x2B00  }
0x77: {  	[hbm4b:s4+s2] =	stream.indirect_vreg.scatter [tilespmem:s13], [sflag:$0x7], $0x80, v3, vm0, $0xb8;
	[tilespmem:$0x18300] =	vst v63  }
0x78: {  	s14 =	simm.s32 $0x3300  }
0x79: {  	[hbm4b:s5+s2] =	stream.indirect_vreg.scatter [tilespmem:s14], [sflag:$0x7], $0x80, v3, vm0, $0xb8;
	[tilespmem:$0x18300] =	vst v63  }
0x7a: {  	s22 =	simm.s32 $0x3B00  }
0x7b: {  	[hbm4b:s6+s2] =	stream.indirect_vreg.scatter [tilespmem:s22], [sflag:$0x7], $0x80, v3, vm0, $0xb8;
	[tilespmem:$0x18300] =	vst v63  }
0x7c: {  	v3 =	vld [tilespmem:$0x190];
	_ =	sdelay $0x4  }
0x7d: {  	v35 =	vshll.u32 v3, $0x3  }
0x7e: {  	v3 =	vand.u32 $0x7, v3;
	v4 =	vand.u32 $0xFFFFFFC0, v35  }
0x7f: {  	v3 =	vor.u32 v3, v4  }
0x80: {  	v4 =	vperm.xlane v3, v0;
	_ =	sdelay $0x1  }
0x81: {  	v4 =	vadd.s32 v1, v4;
	_ =	sdelay $0x3  }
0x82: {  	s15 =	simm.s32 $0x4300  }
0x83: {  	[hbm4b:s3+s2] =	stream.indirect_vreg.scatter [tilespmem:s15], [sflag:$0x7], $0x80, v4, vm0, $0xb8;
	[tilespmem:$0x18300] =	vst v63  }
0x84: {  	s23 =	simm.s32 $0x4B00;
	v3 =	vperm.xlane v3, v2  }
0x85: {  	[hbm4b:s4+s2] =	stream.indirect_vreg.scatter [tilespmem:s23], [sflag:$0x7], $0x80, v4, vm0, $0xb8;
	[tilespmem:$0x18300] =	vst v63  }
0x86: {  	s16 =	simm.s32 $0x5300;
	v3 =	vadd.s32 v1, v3  }
0x87: {  	[hbm4b:s5+s2] =	stream.indirect_vreg.scatter [tilespmem:s16], [sflag:$0x7], $0x80, v4, vm0, $0xb8;
	[tilespmem:$0x18300] =	vst v63  }
0x88: {  	s17 =	simm.s32 $0x5B00  }
0x89: {  	[hbm4b:s6+s2] =	stream.indirect_vreg.scatter [tilespmem:s17], [sflag:$0x7], $0x80, v4, vm0, $0xb8;
	[tilespmem:$0x18300] =	vst v63  }
0x8a: {  	s18 =	simm.s32 $0x6300  }
0x8b: {  	[hbm4b:s3+s2] =	stream.indirect_vreg.scatter [tilespmem:s18], [sflag:$0x7], $0x80, v3, vm0, $0xb8;
	[tilespmem:$0x18300] =	vst v63  }
0x8c: {  	s19 =	simm.s32 $0x6B00  }
0x8d: {  	[hbm4b:s4+s2] =	stream.indirect_vreg.scatter [tilespmem:s19], [sflag:$0x7], $0x80, v3, vm0, $0xb8;
	[tilespmem:$0x18300] =	vst v63  }
0x8e: {  	s20 =	simm.s32 $0x7300  }
0x8f: {  	[hbm4b:s5+s2] =	stream.indirect_vreg.scatter [tilespmem:s20], [sflag:$0x7], $0x80, v3, vm0, $0xb8;
	[tilespmem:$0x18300] =	vst v63  }
0x90: {  	s0 =	simm.s32 $0x7B00  }
0x91: {  	[hbm4b:s6+s2] =	stream.indirect_vreg.scatter [tilespmem:s0], [sflag:$0x7], $0x80, v3, vm0, $0xb8;
	[tilespmem:$0x18300] =	vst v63  }
0x92: {  	s8 =	rddreg [dreg:$0x9];
	s14 =	simm.s32 $0x10300  }
0x93: {  	[tilespmem:s14], [sflag:$0x3] =	stream.linear.gather [hbm4b:s8+s2], $0x8000, $0x38;
	[tilespmem:$0x18300] =	vst v63  }
0x94: {  	s11 =	rddreg [dreg:$0xa];
	s15 =	simm.s32 $0x100  }
0x95: {  	[tilespmem:s15], [sflag:$0xA] =	stream.linear.gather [hbm4b:s11+s2], $0x20, $0x38;
	[tilespmem:$0x18300] =	vst v63  }
0x96: {  	_ =	swait.ge [sflag:s9], $0x20  }
0x97: {  	[sflag:s9] =	ssyncset.done $0x0  }
0x98: {  	s17 =	simm.s32 $0x280;
	s16 =	rddreg [dreg:$0xb];
	[sflag:s9] =	ssyncadd.s32 $0xFFFFFFE0  }
0x99: {  	[tilespmem:s17], [sflag:$0xA] =	stream.linear.gather [hbm4b:s16+s2], $0x20, $0x38;
	[tilespmem:$0x18300] =	vst v63  }
0x9a: {  	_ =	swait.ge [sflag:s9], $0x20  }
0x9b: {  	[sflag:s9] =	ssyncset.done $0x0  }
0x9c: {  	s18 =	simm.s32 $0x2;
	[sflag:s9] =	ssyncadd.s32 $0xFFFFFFE0  }
0x9d: {  	_ =	swait.ge [sflag:s18], $0x8000  }
0x9e: {  	[sflag:s18] =	ssyncset.done $0x0  }
0x9f: {  	[sflag:s18] =	ssyncadd.s32 $0xFFFF8000  }
0xa0: {  	v3 =	vld [tilespmem:$0x80];
	_ =	sdelay $0x4  }
0xa1: {  	v36 =	vshll.u32 v3, $0x3  }
0xa2: {  	v3 =	vand.u32 $0x7, v3;
	v4 =	vand.u32 $0xFFFFFFC0, v36  }
0xa3: {  	v3 =	vor.u32 v3, v4  }
0xa4: {  	v4 =	vperm.xlane v3, v0;
	_ =	sdelay $0x1  }
0xa5: {  	v4 =	vadd.s32 v1, v4;
	_ =	sdelay $0x3  }
0xa6: {  	s10 =	simm.s32 $0x8300  }
0xa7: {  	[hbm4b:s3+s2] =	stream.indirect_vreg.scatter [tilespmem:s10], [sflag:$0x5], $0x80, v4, vm0, $0xb8;
	[tilespmem:$0x18300] =	vst v63  }
0xa8: {  	s19 =	simm.s32 $0x8B00;
	v3 =	vperm.xlane v3, v2  }
0xa9: {  	[hbm4b:s4+s2] =	stream.indirect_vreg.scatter [tilespmem:s19], [sflag:$0x5], $0x80, v4, vm0, $0xb8;
	[tilespmem:$0x18300] =	vst v63  }
0xaa: {  	s20 =	simm.s32 $0x9300;
	v3 =	vadd.s32 v1, v3  }
0xab: {  	[hbm4b:s5+s2] =	stream.indirect_vreg.scatter [tilespmem:s20], [sflag:$0x5], $0x80, v4, vm0, $0xb8;
	[tilespmem:$0x18300] =	vst v63  }
0xac: {  	s21 =	simm.s32 $0x9B00  }
0xad: {  	[hbm4b:s6+s2] =	stream.indirect_vreg.scatter [tilespmem:s21], [sflag:$0x5], $0x80, v4, vm0, $0xb8;
	[tilespmem:$0x18300] =	vst v63  }
0xae: {  	s22 =	simm.s32 $0xA300  }
0xaf: {  	[hbm4b:s3+s2] =	stream.indirect_vreg.scatter [tilespmem:s22], [sflag:$0x5], $0x80, v3, vm0, $0xb8;
	[tilespmem:$0x18300] =	vst v63  }
0xb0: {  	s23 =	simm.s32 $0xAB00  }
0xb1: {  	[hbm4b:s4+s2] =	stream.indirect_vreg.scatter [tilespmem:s23], [sflag:$0x5], $0x80, v3, vm0, $0xb8;
	[tilespmem:$0x18300] =	vst v63  }
0xb2: {  	s0 =	simm.s32 $0xB300  }
0xb3: {  	[hbm4b:s5+s2] =	stream.indirect_vreg.scatter [tilespmem:s0], [sflag:$0x5], $0x80, v3, vm0, $0xb8;
	[tilespmem:$0x18300] =	vst v63  }
0xb4: {  	s11 =	simm.s32 $0xBB00  }
0xb5: {  	[hbm4b:s6+s2] =	stream.indirect_vreg.scatter [tilespmem:s11], [sflag:$0x5], $0x80, v3, vm0, $0xb8;
	[tilespmem:$0x18300] =	vst v63  }
0xb6: {  	v3 =	vld [tilespmem:$0x90];
	_ =	sdelay $0x4  }
0xb7: {  	v37 =	vshll.u32 v3, $0x3  }
0xb8: {  	v3 =	vand.u32 $0x7, v3;
	v4 =	vand.u32 $0xFFFFFFC0, v37  }
0xb9: {  	v3 =	vor.u32 v3, v4  }
0xba: {  	v4 =	vperm.xlane v3, v0;
	_ =	sdelay $0x1  }
0xbb: {  	v4 =	vadd.s32 v1, v4;
	_ =	sdelay $0x3  }
0xbc: {  	s15 =	simm.s32 $0xC300  }
0xbd: {  	[hbm4b:s3+s2] =	stream.indirect_vreg.scatter [tilespmem:s15], [sflag:$0x5], $0x80, v4, vm0, $0xb8;
	[tilespmem:$0x18300] =	vst v63  }
0xbe: {  	s16 =	simm.s32 $0xCB00;
	v3 =	vperm.xlane v3, v2  }
0xbf: {  	[hbm4b:s4+s2] =	stream.indirect_vreg.scatter [tilespmem:s16], [sflag:$0x5], $0x80, v4, vm0, $0xb8;
	[tilespmem:$0x18300] =	vst v63  }
0xc0: {  	s17 =	simm.s32 $0xD300;
	v3 =	vadd.s32 v1, v3  }
0xc1: {  	[hbm4b:s5+s2] =	stream.indirect_vreg.scatter [tilespmem:s17], [sflag:$0x5], $0x80, v4, vm0, $0xb8;
	[tilespmem:$0x18300] =	vst v63  }
0xc2: {  	s21 =	simm.s32 $0xDB00  }
0xc3: {  	[hbm4b:s6+s2] =	stream.indirect_vreg.scatter [tilespmem:s21], [sflag:$0x5], $0x80, v4, vm0, $0xb8;
	[tilespmem:$0x18300] =	vst v63  }
0xc4: {  	s23 =	simm.s32 $0xE300  }
0xc5: {  	[hbm4b:s3+s2] =	stream.indirect_vreg.scatter [tilespmem:s23], [sflag:$0x5], $0x80, v3, vm0, $0xb8;
	[tilespmem:$0x18300] =	vst v63  }
0xc6: {  	s0 =	simm.s32 $0xEB00  }
0xc7: {  	[hbm4b:s4+s2] =	stream.indirect_vreg.scatter [tilespmem:s0], [sflag:$0x5], $0x80, v3, vm0, $0xb8;
	[tilespmem:$0x18300] =	vst v63  }
0xc8: {  	s16 =	simm.s32 $0xF300  }
0xc9: {  	[hbm4b:s5+s2] =	stream.indirect_vreg.scatter [tilespmem:s16], [sflag:$0x5], $0x80, v3, vm0, $0xb8;
	[tilespmem:$0x18300] =	vst v63  }
0xca: {  	s21 =	simm.s32 $0xFB00  }
0xcb: {  	[hbm4b:s6+s2] =	stream.indirect_vreg.scatter [tilespmem:s21], [sflag:$0x5], $0x80, v3, vm0, $0xb8;
	[tilespmem:$0x18300] =	vst v63  }
0xcc: {  	v3 =	vld [tilespmem:$0x200];
	_ =	sdelay $0x4  }
0xcd: {  	v38 =	vshll.u32 v3, $0x3  }
0xce: {  	v3 =	vand.u32 $0x7, v3;
	v4 =	vand.u32 $0xFFFFFFC0, v38  }
0xcf: {  	v3 =	vor.u32 v3, v4  }
0xd0: {  	v4 =	vperm.xlane v3, v0;
	_ =	sdelay $0x1  }
0xd1: {  	v4 =	vadd.s32 v1, v4;
	_ =	sdelay $0x4  }
0xd2: {  	[hbm4b:s3+s2] =	stream.indirect_vreg.scatter [tilespmem:s10], [sflag:$0x8], $0x80, v4, vm0, $0xb8;
	[tilespmem:$0x18300] =	vst v63  }
0xd3: {  	s19 =	simm.s32 $0x8B00;
	v3 =	vperm.xlane v3, v2  }
0xd4: {  	[hbm4b:s4+s2] =	stream.indirect_vreg.scatter [tilespmem:s19], [sflag:$0x8], $0x80, v4, vm0, $0xb8;
	[tilespmem:$0x18300] =	vst v63  }
0xd5: {  	s7 =	simm.s32 $0x9300;
	v3 =	vadd.s32 v1, v3  }
0xd6: {  	[hbm4b:s5+s2] =	stream.indirect_vreg.scatter [tilespmem:s7], [sflag:$0x8], $0x80, v4, vm0, $0xb8;
	[tilespmem:$0x18300] =	vst v63  }
0xd7: {  	s8 =	simm.s32 $0x9B00  }
0xd8: {  	[hbm4b:s6+s2] =	stream.indirect_vreg.scatter [tilespmem:s8], [sflag:$0x8], $0x80, v4, vm0, $0xb8;
	[tilespmem:$0x18300] =	vst v63  }
0xd9: {  	s12 =	simm.s32 $0xA300  }
0xda: {  	[hbm4b:s3+s2] =	stream.indirect_vreg.scatter [tilespmem:s12], [sflag:$0x8], $0x80, v3, vm0, $0xb8;
	[tilespmem:$0x18300] =	vst v63  }
0xdb: {  	s13 =	simm.s32 $0xAB00  }
0xdc: {  	[hbm4b:s4+s2] =	stream.indirect_vreg.scatter [tilespmem:s13], [sflag:$0x8], $0x80, v3, vm0, $0xb8;
	[tilespmem:$0x18300] =	vst v63  }
0xdd: {  	s14 =	simm.s32 $0xB300  }
0xde: {  	[hbm4b:s5+s2] =	stream.indirect_vreg.scatter [tilespmem:s14], [sflag:$0x8], $0x80, v3, vm0, $0xb8;
	[tilespmem:$0x18300] =	vst v63  }
0xdf: {  	s20 =	simm.s32 $0xBB00  }
0xe0: {  	[hbm4b:s6+s2] =	stream.indirect_vreg.scatter [tilespmem:s20], [sflag:$0x8], $0x80, v3, vm0, $0xb8;
	[tilespmem:$0x18300] =	vst v63  }
0xe1: {  	v3 =	vld [tilespmem:$0x210];
	_ =	sdelay $0x4  }
0xe2: {  	v39 =	vshll.u32 v3, $0x3  }
0xe3: {  	v3 =	vand.u32 $0x7, v3;
	v4 =	vand.u32 $0xFFFFFFC0, v39  }
0xe4: {  	v3 =	vor.u32 v3, v4  }
0xe5: {  	v4 =	vperm.xlane v3, v0;
	_ =	sdelay $0x1  }
0xe6: {  	v4 =	vadd.s32 v1, v4;
	_ =	sdelay $0x3  }
0xe7: {  	s18 =	simm.s32 $0xC300  }
0xe8: {  	[hbm4b:s3+s2] =	stream.indirect_vreg.scatter [tilespmem:s18], [sflag:$0x8], $0x80, v4, vm0, $0xb8;
	[tilespmem:$0x18300] =	vst v63  }
0xe9: {  	s22 =	simm.s32 $0xCB00;
	v3 =	vperm.xlane v3, v2  }
0xea: {  	[hbm4b:s4+s2] =	stream.indirect_vreg.scatter [tilespmem:s22], [sflag:$0x8], $0x80, v4, vm0, $0xb8;
	[tilespmem:$0x18300] =	vst v63  }
0xeb: {  	s15 =	simm.s32 $0xD300;
	v3 =	vadd.s32 v1, v3  }
0xec: {  	[hbm4b:s5+s2] =	stream.indirect_vreg.scatter [tilespmem:s15], [sflag:$0x8], $0x80, v4, vm0, $0xb8;
	[tilespmem:$0x18300] =	vst v63  }
0xed: {  	s17 =	simm.s32 $0xDB00  }
0xee: {  	[hbm4b:s6+s2] =	stream.indirect_vreg.scatter [tilespmem:s17], [sflag:$0x8], $0x80, v4, vm0, $0xb8;
	[tilespmem:$0x18300] =	vst v63  }
0xef: {  	s11 =	simm.s32 $0xE300  }
0xf0: {  	[hbm4b:s3+s2] =	stream.indirect_vreg.scatter [tilespmem:s11], [sflag:$0x8], $0x80, v3, vm0, $0xb8;
	[tilespmem:$0x18300] =	vst v63  }
0xf1: {  	s0 =	simm.s32 $0xEB00  }
0xf2: {  	[hbm4b:s4+s2] =	stream.indirect_vreg.scatter [tilespmem:s0], [sflag:$0x8], $0x80, v3, vm0, $0xb8;
	[tilespmem:$0x18300] =	vst v63  }
0xf3: {  	s16 =	simm.s32 $0xF300  }
0xf4: {  	[hbm4b:s5+s2] =	stream.indirect_vreg.scatter [tilespmem:s16], [sflag:$0x8], $0x80, v3, vm0, $0xb8;
	[tilespmem:$0x18300] =	vst v63  }
0xf5: {  	s23 =	simm.s32 $0xFB00;
	s11 =	simm.s32 $0x4  }
0xf6: {  	[hbm4b:s6+s2] =	stream.indirect_vreg.scatter [tilespmem:s23], [sflag:$0x8], $0x80, v3, vm0, $0xb8;
	[tilespmem:$0x18300] =	vst v63  }
0xf7: {  	_ =	swait.ge [sflag:s11], $0x8000  }
0xf8: {  	[sflag:s11] =	ssyncset.done $0x0  }
0xf9: {  	s12 =	simm.s32 $0x7;
	[sflag:s11] =	ssyncadd.s32 $0xFFFF8000  }
0xfa: {  	_ =	swait.ge [sflag:s12], $0x8000  }
0xfb: {  	[sflag:s12] =	ssyncset.done $0x0  }
0xfc: {  	s24 =	simm.s32 $0x300;
	s13 =	rddreg [dreg:$0xc];
	[sflag:s12] =	ssyncadd.s32 $0xFFFF8000  }
0xfd: {  	[tilespmem:s24], [sflag:$0x1] =	stream.linear.gather [hbm4b:s13+s2], $0x8000, $0x38;
	[tilespmem:$0x18300] =	vst v63  }
0xfe: {  	s14 =	rddreg [dreg:$0xd]  }
0xff: {  	[tilespmem:s2], [sflag:$0xA] =	stream.linear.gather [hbm4b:s14+s2], $0x20, $0x38;
	[tilespmem:$0x18300] =	vst v63  }
0x100: {  	_ =	swait.ge [sflag:s9], $0x20  }
0x101: {  	[sflag:s9] =	ssyncset.done $0x0  }
0x102: {  	s29 =	simm.s32 $0x180;
	s15 =	rddreg [dreg:$0xe];
	[sflag:s9] =	ssyncadd.s32 $0xFFFFFFE0  }
0x103: {  	[tilespmem:s29], [sflag:$0xA] =	stream.linear.gather [hbm4b:s15+s2], $0x20, $0x38;
	[tilespmem:$0x18300] =	vst v63  }
0x104: {  	_ =	swait.ge [sflag:s9], $0x20  }
0x105: {  	[sflag:s9] =	ssyncset.done $0x0  }
0x106: {  	s17 =	simm.s32 $0x3;
	[sflag:s9] =	ssyncadd.s32 $0xFFFFFFE0  }
0x107: {  	_ =	swait.ge [sflag:s17], $0x8000  }
0x108: {  	[sflag:s17] =	ssyncset.done $0x0  }
0x109: {  	[sflag:s17] =	ssyncadd.s32 $0xFFFF8000  }
0x10a: {  	v3 =	vld [tilespmem:$0x100];
	_ =	sdelay $0x4  }
0x10b: {  	v40 =	vshll.u32 v3, $0x3  }
0x10c: {  	v3 =	vand.u32 $0x7, v3;
	v4 =	vand.u32 $0xFFFFFFC0, v40  }
0x10d: {  	v3 =	vor.u32 v3, v4  }
0x10e: {  	v4 =	vperm.xlane v3, v0;
	_ =	sdelay $0x1  }
0x10f: {  	v4 =	vadd.s32 v1, v4;
	_ =	sdelay $0x3  }
0x110: {  	s0 =	simm.s32 $0x10300  }
0x111: {  	[hbm4b:s3+s2] =	stream.indirect_vreg.scatter [tilespmem:s0], [sflag:$0x6], $0x80, v4, vm0, $0xb8;
	[tilespmem:$0x18300] =	vst v63  }
0x112: {  	s16 =	simm.s32 $0x10B00;
	v3 =	vperm.xlane v3, v2  }
0x113: {  	[hbm4b:s4+s2] =	stream.indirect_vreg.scatter [tilespmem:s16], [sflag:$0x6], $0x80, v4, vm0, $0xb8;
	[tilespmem:$0x18300] =	vst v63  }
0x114: {  	s18 =	simm.s32 $0x11300;
	v3 =	vadd.s32 v1, v3  }
0x115: {  	[hbm4b:s5+s2] =	stream.indirect_vreg.scatter [tilespmem:s18], [sflag:$0x6], $0x80, v4, vm0, $0xb8;
	[tilespmem:$0x18300] =	vst v63  }
0x116: {  	s20 =	simm.s32 $0x11B00  }
0x117: {  	[hbm4b:s6+s2] =	stream.indirect_vreg.scatter [tilespmem:s20], [sflag:$0x6], $0x80, v4, vm0, $0xb8;
	[tilespmem:$0x18300] =	vst v63  }
0x118: {  	s21 =	simm.s32 $0x12300  }
0x119: {  	[hbm4b:s3+s2] =	stream.indirect_vreg.scatter [tilespmem:s21], [sflag:$0x6], $0x80, v3, vm0, $0xb8;
	[tilespmem:$0x18300] =	vst v63  }
0x11a: {  	s22 =	simm.s32 $0x12B00  }
0x11b: {  	[hbm4b:s4+s2] =	stream.indirect_vreg.scatter [tilespmem:s22], [sflag:$0x6], $0x80, v3, vm0, $0xb8;
	[tilespmem:$0x18300] =	vst v63  }
0x11c: {  	s23 =	simm.s32 $0x13300  }
0x11d: {  	[hbm4b:s5+s2] =	stream.indirect_vreg.scatter [tilespmem:s23], [sflag:$0x6], $0x80, v3, vm0, $0xb8;
	[tilespmem:$0x18300] =	vst v63  }
0x11e: {  	s24 =	simm.s32 $0x13B00  }
0x11f: {  	[hbm4b:s6+s2] =	stream.indirect_vreg.scatter [tilespmem:s24], [sflag:$0x6], $0x80, v3, vm0, $0xb8;
	[tilespmem:$0x18300] =	vst v63  }
0x120: {  	v3 =	vld [tilespmem:$0x110];
	_ =	sdelay $0x4  }
0x121: {  	v41 =	vshll.u32 v3, $0x3  }
0x122: {  	v3 =	vand.u32 $0x7, v3;
	v4 =	vand.u32 $0xFFFFFFC0, v41  }
0x123: {  	v3 =	vor.u32 v3, v4  }
0x124: {  	v4 =	vperm.xlane v3, v0;
	_ =	sdelay $0x1  }
0x125: {  	v4 =	vadd.s32 v1, v4;
	_ =	sdelay $0x3  }
0x126: {  	s29 =	simm.s32 $0x14300  }
0x127: {  	[hbm4b:s3+s2] =	stream.indirect_vreg.scatter [tilespmem:s29], [sflag:$0x6], $0x80, v4, vm0, $0xb8;
	[tilespmem:$0x18300] =	vst v63  }
0x128: {  	s14 =	simm.s32 $0x14B00;
	v3 =	vperm.xlane v3, v2  }
0x129: {  	[hbm4b:s4+s2] =	stream.indirect_vreg.scatter [tilespmem:s14], [sflag:$0x6], $0x80, v4, vm0, $0xb8;
	[tilespmem:$0x18300] =	vst v63  }
0x12a: {  	s15 =	simm.s32 $0x15300;
	v3 =	vadd.s32 v1, v3  }
0x12b: {  	[hbm4b:s5+s2] =	stream.indirect_vreg.scatter [tilespmem:s15], [sflag:$0x6], $0x80, v4, vm0, $0xb8;
	[tilespmem:$0x18300] =	vst v63  }
0x12c: {  	s22 =	simm.s32 $0x15B00  }
0x12d: {  	[hbm4b:s6+s2] =	stream.indirect_vreg.scatter [tilespmem:s22], [sflag:$0x6], $0x80, v4, vm0, $0xb8;
	[tilespmem:$0x18300] =	vst v63  }
0x12e: {  	s16 =	simm.s32 $0x16300  }
0x12f: {  	[hbm4b:s3+s2] =	stream.indirect_vreg.scatter [tilespmem:s16], [sflag:$0x6], $0x80, v3, vm0, $0xb8;
	[tilespmem:$0x18300] =	vst v63  }
0x130: {  	s18 =	simm.s32 $0x16B00  }
0x131: {  	[hbm4b:s4+s2] =	stream.indirect_vreg.scatter [tilespmem:s18], [sflag:$0x6], $0x80, v3, vm0, $0xb8;
	[tilespmem:$0x18300] =	vst v63  }
0x132: {  	s24 =	simm.s32 $0x17300  }
0x133: {  	[hbm4b:s5+s2] =	stream.indirect_vreg.scatter [tilespmem:s24], [sflag:$0x6], $0x80, v3, vm0, $0xb8;
	[tilespmem:$0x18300] =	vst v63  }
0x134: {  	s29 =	simm.s32 $0x17B00  }
0x135: {  	[hbm4b:s6+s2] =	stream.indirect_vreg.scatter [tilespmem:s29], [sflag:$0x6], $0x80, v3, vm0, $0xb8;
	[tilespmem:$0x18300] =	vst v63  }
0x136: {  	v3 =	vld [tilespmem:$0x280];
	_ =	sdelay $0x4  }
0x137: {  	v42 =	vshll.u32 v3, $0x3  }
0x138: {  	v3 =	vand.u32 $0x7, v3;
	v4 =	vand.u32 $0xFFFFFFC0, v42  }
0x139: {  	v3 =	vor.u32 v3, v4  }
0x13a: {  	v4 =	vperm.xlane v3, v0;
	_ =	sdelay $0x1  }
0x13b: {  	v4 =	vadd.s32 v1, v4;
	_ =	sdelay $0x4  }
0x13c: {  	[hbm4b:s3+s2] =	stream.indirect_vreg.scatter [tilespmem:s0], [sflag:$0x9], $0x80, v4, vm0, $0xb8;
	[tilespmem:$0x18300] =	vst v63  }
0x13d: {  	s19 =	simm.s32 $0x10B00;
	v3 =	vperm.xlane v3, v2  }
0x13e: {  	[hbm4b:s4+s2] =	stream.indirect_vreg.scatter [tilespmem:s19], [sflag:$0x9], $0x80, v4, vm0, $0xb8;
	[tilespmem:$0x18300] =	vst v63  }
0x13f: {  	s7 =	simm.s32 $0x11300;
	v3 =	vadd.s32 v1, v3  }
0x140: {  	[hbm4b:s5+s2] =	stream.indirect_vreg.scatter [tilespmem:s7], [sflag:$0x9], $0x80, v4, vm0, $0xb8;
	[tilespmem:$0x18300] =	vst v63  }
0x141: {  	s8 =	simm.s32 $0x11B00  }
0x142: {  	[hbm4b:s6+s2] =	stream.indirect_vreg.scatter [tilespmem:s8], [sflag:$0x9], $0x80, v4, vm0, $0xb8;
	[tilespmem:$0x18300] =	vst v63  }
0x143: {  	s11 =	simm.s32 $0x12300  }
0x144: {  	[hbm4b:s3+s2] =	stream.indirect_vreg.scatter [tilespmem:s11], [sflag:$0x9], $0x80, v3, vm0, $0xb8;
	[tilespmem:$0x18300] =	vst v63  }
0x145: {  	s12 =	simm.s32 $0x12B00  }
0x146: {  	[hbm4b:s4+s2] =	stream.indirect_vreg.scatter [tilespmem:s12], [sflag:$0x9], $0x80, v3, vm0, $0xb8;
	[tilespmem:$0x18300] =	vst v63  }
0x147: {  	s13 =	simm.s32 $0x13300  }
0x148: {  	[hbm4b:s5+s2] =	stream.indirect_vreg.scatter [tilespmem:s13], [sflag:$0x9], $0x80, v3, vm0, $0xb8;
	[tilespmem:$0x18300] =	vst v63  }
0x149: {  	s20 =	simm.s32 $0x13B00  }
0x14a: {  	[hbm4b:s6+s2] =	stream.indirect_vreg.scatter [tilespmem:s20], [sflag:$0x9], $0x80, v3, vm0, $0xb8;
	[tilespmem:$0x18300] =	vst v63  }
0x14b: {  	v3 =	vld [tilespmem:$0x290];
	_ =	sdelay $0x4  }
0x14c: {  	v43 =	vshll.u32 v3, $0x3  }
0x14d: {  	v3 =	vand.u32 $0x7, v3;
	v4 =	vand.u32 $0xFFFFFFC0, v43  }
0x14e: {  	v3 =	vor.u32 v3, v4  }
0x14f: {  	v4 =	vperm.xlane v3, v0;
	_ =	sdelay $0x1  }
0x150: {  	v4 =	vadd.s32 v1, v4;
	_ =	sdelay $0x3  }
0x151: {  	s21 =	simm.s32 $0x14300  }
0x152: {  	[hbm4b:s3+s2] =	stream.indirect_vreg.scatter [tilespmem:s21], [sflag:$0x9], $0x80, v4, vm0, $0xb8;
	[tilespmem:$0x18300] =	vst v63  }
0x153: {  	s23 =	simm.s32 $0x14B00;
	v3 =	vperm.xlane v3, v2  }
0x154: {  	[hbm4b:s4+s2] =	stream.indirect_vreg.scatter [tilespmem:s23], [sflag:$0x9], $0x80, v4, vm0, $0xb8;
	[tilespmem:$0x18300] =	vst v63  }
0x155: {  	s14 =	simm.s32 $0x15300;
	v3 =	vadd.s32 v1, v3  }
0x156: {  	[hbm4b:s5+s2] =	stream.indirect_vreg.scatter [tilespmem:s14], [sflag:$0x9], $0x80, v4, vm0, $0xb8;
	[tilespmem:$0x18300] =	vst v63  }
0x157: {  	_ = 	snop  }
0x158: {  	[hbm4b:s6+s2] =	stream.indirect_vreg.scatter [tilespmem:s22], [sflag:$0x9], $0x80, v4, vm0, $0xb8;
	[tilespmem:$0x18300] =	vst v63  }
0x159: {  	s15 =	simm.s32 $0x16300  }
0x15a: {  	[hbm4b:s3+s2] =	stream.indirect_vreg.scatter [tilespmem:s15], [sflag:$0x9], $0x80, v3, vm0, $0xb8;
	[tilespmem:$0x18300] =	vst v63  }
0x15b: {  	s16 =	simm.s32 $0x16B00  }
0x15c: {  	[hbm4b:s4+s2] =	stream.indirect_vreg.scatter [tilespmem:s16], [sflag:$0x9], $0x80, v3, vm0, $0xb8;
	[tilespmem:$0x18300] =	vst v63  }
0x15d: {  	s18 =	simm.s32 $0x17300  }
0x15e: {  	[hbm4b:s5+s2] =	stream.indirect_vreg.scatter [tilespmem:s18], [sflag:$0x9], $0x80, v3, vm0, $0xb8;
	[tilespmem:$0x18300] =	vst v63  }
0x15f: {  	s24 =	simm.s32 $0x17B00  }
0x160: {  	[hbm4b:s6+s2] =	stream.indirect_vreg.scatter [tilespmem:s24], [sflag:$0x9], $0x80, v3, vm0, $0xb8;
	[tilespmem:$0x18300] =	vst v63  }
0x161: {  	_ =	swait.ge [sflag:s28], $0x8000  }
0x162: {  	[sflag:s28] =	ssyncset.done $0x0  }
0x163: {  	[sflag:s28] =	ssyncadd.s32 $0xFFFF8000  }
0x164: {  	_ =	swait.ge [sflag:s30], $0x8000  }
0x165: {  	[sflag:s30] =	ssyncset.done $0x0  }
0x166: {  	s0 =	rddreg [dreg:$0xf];
	[sflag:s30] =	ssyncadd.s32 $0xFFFF8000  }
0x167: {  	[tilespmem:s10], [sflag:$0x2] =	stream.linear.gather [hbm4b:s0+s2], $0x8000, $0x38;
	[tilespmem:$0x18300] =	vst v63  }
0x168: {  	s25 =	simm.s32 $0x80;
	s1 =	rddreg [dreg:$0x10]  }
0x169: {  	[tilespmem:s25], [sflag:$0xA] =	stream.linear.gather [hbm4b:s1+s2], $0x20, $0x38;
	[tilespmem:$0x18300] =	vst v63  }
0x16a: {  	_ =	swait.ge [sflag:s9], $0x20  }
0x16b: {  	[sflag:s9] =	ssyncset.done $0x0  }
0x16c: {  	s26 =	simm.s32 $0x200;
	s7 =	rddreg [dreg:$0x11];
	[sflag:s9] =	ssyncadd.s32 $0xFFFFFFE0  }
0x16d: {  	[tilespmem:s26], [sflag:$0xA] =	stream.linear.gather [hbm4b:s7+s2], $0x20, $0x38;
	[tilespmem:$0x18300] =	vst v63  }
0x16e: {  	_ =	swait.ge [sflag:s9], $0x20  }
0x16f: {  	[sflag:s9] =	ssyncset.done $0x0  }
0x170: {  	s8 =	simm.s32 $0x1;
	[sflag:s9] =	ssyncadd.s32 $0xFFFFFFE0  }
0x171: {  	_ =	swait.ge [sflag:s8], $0x8000  }
0x172: {  	[sflag:s8] =	ssyncset.done $0x0  }
0x173: {  	[sflag:s8] =	ssyncadd.s32 $0xFFFF8000  }
0x174: {  	v3 =	vld [tilespmem:$0x0];
	_ =	sdelay $0x4  }
0x175: {  	v44 =	vshll.u32 v3, $0x3  }
0x176: {  	v3 =	vand.u32 $0x7, v3;
	v4 =	vand.u32 $0xFFFFFFC0, v44  }
0x177: {  	v3 =	vor.u32 v3, v4  }
0x178: {  	v4 =	vperm.xlane v3, v0;
	_ =	sdelay $0x1  }
0x179: {  	v4 =	vadd.s32 v1, v4;
	_ =	sdelay $0x3  }
0x17a: {  	s10 =	simm.s32 $0x300  }
0x17b: {  	[hbm4b:s3+s2] =	stream.indirect_vreg.scatter [tilespmem:s10], [sflag:$0x4], $0x80, v4, vm0, $0xb8;
	[tilespmem:$0x18300] =	vst v63  }
0x17c: {  	s12 =	simm.s32 $0xB00;
	v3 =	vperm.xlane v3, v2  }
0x17d: {  	[hbm4b:s4+s2] =	stream.indirect_vreg.scatter [tilespmem:s12], [sflag:$0x4], $0x80, v4, vm0, $0xb8;
	[tilespmem:$0x18300] =	vst v63  }
0x17e: {  	s13 =	simm.s32 $0x1300;
	v3 =	vadd.s32 v1, v3  }
0x17f: {  	[hbm4b:s5+s2] =	stream.indirect_vreg.scatter [tilespmem:s13], [sflag:$0x4], $0x80, v4, vm0, $0xb8;
	[tilespmem:$0x18300] =	vst v63  }
0x180: {  	s0 =	simm.s32 $0x1B00  }
0x181: {  	[hbm4b:s6+s2] =	stream.indirect_vreg.scatter [tilespmem:s0], [sflag:$0x4], $0x80, v4, vm0, $0xb8;
	[tilespmem:$0x18300] =	vst v63  }
0x182: {  	s1 =	simm.s32 $0x2300  }
0x183: {  	[hbm4b:s3+s2] =	stream.indirect_vreg.scatter [tilespmem:s1], [sflag:$0x4], $0x80, v3, vm0, $0xb8;
	[tilespmem:$0x18300] =	vst v63  }
0x184: {  	s15 =	simm.s32 $0x2B00  }
0x185: {  	[hbm4b:s4+s2] =	stream.indirect_vreg.scatter [tilespmem:s15], [sflag:$0x4], $0x80, v3, vm0, $0xb8;
	[tilespmem:$0x18300] =	vst v63  }
0x186: {  	s23 =	simm.s32 $0x3300  }
0x187: {  	[hbm4b:s5+s2] =	stream.indirect_vreg.scatter [tilespmem:s23], [sflag:$0x4], $0x80, v3, vm0, $0xb8;
	[tilespmem:$0x18300] =	vst v63  }
0x188: {  	s24 =	simm.s32 $0x3B00  }
0x189: {  	[hbm4b:s6+s2] =	stream.indirect_vreg.scatter [tilespmem:s24], [sflag:$0x4], $0x80, v3, vm0, $0xb8;
	[tilespmem:$0x18300] =	vst v63  }
0x18a: {  	v3 =	vld [tilespmem:$0x10];
	_ =	sdelay $0x4  }
0x18b: {  	v45 =	vshll.u32 v3, $0x3  }
0x18c: {  	v3 =	vand.u32 $0x7, v3;
	v4 =	vand.u32 $0xFFFFFFC0, v45  }
0x18d: {  	v3 =	vor.u32 v3, v4  }
0x18e: {  	v4 =	vperm.xlane v3, v0;
	_ =	sdelay $0x1  }
0x18f: {  	v4 =	vadd.s32 v1, v4;
	_ =	sdelay $0x3  }
0x190: {  	s7 =	simm.s32 $0x4300  }
0x191: {  	[hbm4b:s3+s2] =	stream.indirect_vreg.scatter [tilespmem:s7], [sflag:$0x4], $0x80, v4, vm0, $0xb8;
	[tilespmem:$0x18300] =	vst v63  }
0x192: {  	s8 =	simm.s32 $0x4B00;
	v3 =	vperm.xlane v3, v2  }
0x193: {  	[hbm4b:s4+s2] =	stream.indirect_vreg.scatter [tilespmem:s8], [sflag:$0x4], $0x80, v4, vm0, $0xb8;
	[tilespmem:$0x18300] =	vst v63  }
0x194: {  	s11 =	simm.s32 $0x5300;
	v3 =	vadd.s32 v1, v3  }
0x195: {  	[hbm4b:s5+s2] =	stream.indirect_vreg.scatter [tilespmem:s11], [sflag:$0x4], $0x80, v4, vm0, $0xb8;
	[tilespmem:$0x18300] =	vst v63  }
0x196: {  	s19 =	simm.s32 $0x5B00  }
0x197: {  	[hbm4b:s6+s2] =	stream.indirect_vreg.scatter [tilespmem:s19], [sflag:$0x4], $0x80, v4, vm0, $0xb8;
	[tilespmem:$0x18300] =	vst v63  }
0x198: {  	s20 =	simm.s32 $0x6300  }
0x199: {  	[hbm4b:s3+s2] =	stream.indirect_vreg.scatter [tilespmem:s20], [sflag:$0x4], $0x80, v3, vm0, $0xb8;
	[tilespmem:$0x18300] =	vst v63  }
0x19a: {  	s21 =	simm.s32 $0x6B00  }
0x19b: {  	[hbm4b:s4+s2] =	stream.indirect_vreg.scatter [tilespmem:s21], [sflag:$0x4], $0x80, v3, vm0, $0xb8;
	[tilespmem:$0x18300] =	vst v63  }
0x19c: {  	s25 =	simm.s32 $0x7300  }
0x19d: {  	[hbm4b:s5+s2] =	stream.indirect_vreg.scatter [tilespmem:s25], [sflag:$0x4], $0x80, v3, vm0, $0xb8;
	[tilespmem:$0x18300] =	vst v63  }
0x19e: {  	s26 =	simm.s32 $0x7B00  }
0x19f: {  	[hbm4b:s6+s2] =	stream.indirect_vreg.scatter [tilespmem:s26], [sflag:$0x4], $0x80, v3, vm0, $0xb8;
	[tilespmem:$0x18300] =	vst v63  }
0x1a0: {  	v3 =	vld [tilespmem:$0x180];
	_ =	sdelay $0x4  }
0x1a1: {  	v46 =	vshll.u32 v3, $0x3  }
0x1a2: {  	v3 =	vand.u32 $0x7, v3;
	v4 =	vand.u32 $0xFFFFFFC0, v46  }
0x1a3: {  	v3 =	vor.u32 v3, v4  }
0x1a4: {  	v4 =	vperm.xlane v3, v0;
	_ =	sdelay $0x1  }
0x1a5: {  	v4 =	vadd.s32 v1, v4;
	_ =	sdelay $0x4  }
0x1a6: {  	[hbm4b:s3+s2] =	stream.indirect_vreg.scatter [tilespmem:s10], [sflag:$0x7], $0x80, v4, vm0, $0xb8;
	[tilespmem:$0x18300] =	vst v63  }
0x1a7: {  	v3 =	vperm.xlane v3, v2  }
0x1a8: {  	[hbm4b:s4+s2] =	stream.indirect_vreg.scatter [tilespmem:s12], [sflag:$0x7], $0x80, v4, vm0, $0xb8;
	[tilespmem:$0x18300] =	vst v63  }
0x1a9: {  	v3 =	vadd.s32 v1, v3  }
0x1aa: {  	[hbm4b:s5+s2] =	stream.indirect_vreg.scatter [tilespmem:s13], [sflag:$0x7], $0x80, v4, vm0, $0xb8;
	[tilespmem:$0x18300] =	vst v63  }
0x1ab: {  	_ = 	snop  }
0x1ac: {  	[hbm4b:s6+s2] =	stream.indirect_vreg.scatter [tilespmem:s0], [sflag:$0x7], $0x80, v4, vm0, $0xb8;
	[tilespmem:$0x18300] =	vst v63  }
0x1ad: {  	_ = 	snop  }
0x1ae: {  	[hbm4b:s3+s2] =	stream.indirect_vreg.scatter [tilespmem:s1], [sflag:$0x7], $0x80, v3, vm0, $0xb8;
	[tilespmem:$0x18300] =	vst v63  }
0x1af: {  	_ = 	snop  }
0x1b0: {  	[hbm4b:s4+s2] =	stream.indirect_vreg.scatter [tilespmem:s15], [sflag:$0x7], $0x80, v3, vm0, $0xb8;
	[tilespmem:$0x18300] =	vst v63  }
0x1b1: {  	_ = 	snop  }
0x1b2: {  	[hbm4b:s5+s2] =	stream.indirect_vreg.scatter [tilespmem:s23], [sflag:$0x7], $0x80, v3, vm0, $0xb8;
	[tilespmem:$0x18300] =	vst v63  }
0x1b3: {  	_ = 	snop  }
0x1b4: {  	[hbm4b:s6+s2] =	stream.indirect_vreg.scatter [tilespmem:s24], [sflag:$0x7], $0x80, v3, vm0, $0xb8;
	[tilespmem:$0x18300] =	vst v63  }
0x1b5: {  	v3 =	vld [tilespmem:$0x190];
	_ =	sdelay $0x4  }
0x1b6: {  	v47 =	vshll.u32 v3, $0x3  }
0x1b7: {  	v3 =	vand.u32 $0x7, v3;
	v4 =	vand.u32 $0xFFFFFFC0, v47  }
0x1b8: {  	v3 =	vor.u32 v3, v4  }
0x1b9: {  	v4 =	vperm.xlane v3, v0;
	_ =	sdelay $0x1  }
0x1ba: {  	v4 =	vadd.s32 v1, v4;
	_ =	sdelay $0x4  }
0x1bb: {  	[hbm4b:s3+s2] =	stream.indirect_vreg.scatter [tilespmem:s7], [sflag:$0x7], $0x80, v4, vm0, $0xb8;
	[tilespmem:$0x18300] =	vst v63  }
0x1bc: {  	v3 =	vperm.xlane v3, v2  }
0x1bd: {  	[hbm4b:s4+s2] =	stream.indirect_vreg.scatter [tilespmem:s8], [sflag:$0x7], $0x80, v4, vm0, $0xb8;
	[tilespmem:$0x18300] =	vst v63  }
0x1be: {  	v3 =	vadd.s32 v1, v3  }
0x1bf: {  	[hbm4b:s5+s2] =	stream.indirect_vreg.scatter [tilespmem:s11], [sflag:$0x7], $0x80, v4, vm0, $0xb8;
	[tilespmem:$0x18300] =	vst v63  }
0x1c0: {  	_ = 	snop  }
0x1c1: {  	[hbm4b:s6+s2] =	stream.indirect_vreg.scatter [tilespmem:s19], [sflag:$0x7], $0x80, v4, vm0, $0xb8;
	[tilespmem:$0x18300] =	vst v63  }
0x1c2: {  	_ = 	snop  }
0x1c3: {  	[hbm4b:s3+s2] =	stream.indirect_vreg.scatter [tilespmem:s20], [sflag:$0x7], $0x80, v3, vm0, $0xb8;
	[tilespmem:$0x18300] =	vst v63  }
0x1c4: {  	_ = 	snop  }
0x1c5: {  	[hbm4b:s4+s2] =	stream.indirect_vreg.scatter [tilespmem:s21], [sflag:$0x7], $0x80, v3, vm0, $0xb8;
	[tilespmem:$0x18300] =	vst v63  }
0x1c6: {  	_ = 	snop  }
0x1c7: {  	[hbm4b:s5+s2] =	stream.indirect_vreg.scatter [tilespmem:s25], [sflag:$0x7], $0x80, v3, vm0, $0xb8;
	[tilespmem:$0x18300] =	vst v63  }
0x1c8: {  	_ = 	snop  }
0x1c9: {  	[hbm4b:s6+s2] =	stream.indirect_vreg.scatter [tilespmem:s26], [sflag:$0x7], $0x80, v3, vm0, $0xb8;
	[tilespmem:$0x18300] =	vst v63  }
0x1ca: {  	_ =	swait.ge [sflag:s31], $0x8000  }
0x1cb: {  	[sflag:s31] =	ssyncset.done $0x0  }
0x1cc: {  	s14 =	simm.s32 $0x9;
	[sflag:s31] =	ssyncadd.s32 $0xFFFF8000  }
0x1cd: {  	_ =	swait.ge [sflag:s14], $0x8000  }
0x1ce: {  	[sflag:s14] =	ssyncset.done $0x0  }
0x1cf: {  	s29 =	simm.s32 $0x10300;
	s15 =	rddreg [dreg:$0x12];
	[sflag:s14] =	ssyncadd.s32 $0xFFFF8000  }
0x1d0: {  	[tilespmem:s29], [sflag:$0x3] =	stream.linear.gather [hbm4b:s15+s2], $0x8000, $0x38;
	[tilespmem:$0x18300] =	vst v63  }
0x1d1: {  	s19 =	simm.s32 $0x100;
	s16 =	rddreg [dreg:$0x13]  }
0x1d2: {  	[tilespmem:s19], [sflag:$0xA] =	stream.linear.gather [hbm4b:s16+s2], $0x20, $0x38;
	[tilespmem:$0x18300] =	vst v63  }
0x1d3: {  	_ =	swait.ge [sflag:s9], $0x20  }
0x1d4: {  	[sflag:s9] =	ssyncset.done $0x0  }
0x1d5: {  	s21 =	simm.s32 $0x280;
	s20 =	rddreg [dreg:$0x14];
	[sflag:s9] =	ssyncadd.s32 $0xFFFFFFE0  }
0x1d6: {  	[tilespmem:s21], [sflag:$0xA] =	stream.linear.gather [hbm4b:s20+s2], $0x20, $0x38;
	[tilespmem:$0x18300] =	vst v63  }
0x1d7: {  	_ =	swait.ge [sflag:s9], $0x20  }
0x1d8: {  	[sflag:s9] =	ssyncset.done $0x0  }
0x1d9: {  	s23 =	simm.s32 $0x2;
	[sflag:s9] =	ssyncadd.s32 $0xFFFFFFE0  }
0x1da: {  	_ =	swait.ge [sflag:s23], $0x8000  }
0x1db: {  	[sflag:s23] =	ssyncset.done $0x0  }
0x1dc: {  	[sflag:s23] =	ssyncadd.s32 $0xFFFF8000  }
0x1dd: {  	v3 =	vld [tilespmem:$0x80];
	_ =	sdelay $0x4  }
0x1de: {  	v48 =	vshll.u32 v3, $0x3  }
0x1df: {  	v3 =	vand.u32 $0x7, v3;
	v4 =	vand.u32 $0xFFFFFFC0, v48  }
0x1e0: {  	v3 =	vor.u32 v3, v4  }
0x1e1: {  	v4 =	vperm.xlane v3, v0;
	_ =	sdelay $0x1  }
0x1e2: {  	v4 =	vadd.s32 v1, v4;
	_ =	sdelay $0x3  }
0x1e3: {  	s24 =	simm.s32 $0x8300  }
0x1e4: {  	[hbm4b:s3+s2] =	stream.indirect_vreg.scatter [tilespmem:s24], [sflag:$0x5], $0x80, v4, vm0, $0xb8;
	[tilespmem:$0x18300] =	vst v63  }
0x1e5: {  	s13 =	simm.s32 $0x8B00;
	v3 =	vperm.xlane v3, v2  }
0x1e6: {  	[hbm4b:s4+s2] =	stream.indirect_vreg.scatter [tilespmem:s13], [sflag:$0x5], $0x80, v4, vm0, $0xb8;
	[tilespmem:$0x18300] =	vst v63  }
0x1e7: {  	s15 =	simm.s32 $0x9300;
	v3 =	vadd.s32 v1, v3  }
0x1e8: {  	[hbm4b:s5+s2] =	stream.indirect_vreg.scatter [tilespmem:s15], [sflag:$0x5], $0x80, v4, vm0, $0xb8;
	[tilespmem:$0x18300] =	vst v63  }
0x1e9: {  	s23 =	simm.s32 $0x9B00  }
0x1ea: {  	[hbm4b:s6+s2] =	stream.indirect_vreg.scatter [tilespmem:s23], [sflag:$0x5], $0x80, v4, vm0, $0xb8;
	[tilespmem:$0x18300] =	vst v63  }
0x1eb: {  	s25 =	simm.s32 $0xA300  }
0x1ec: {  	[hbm4b:s3+s2] =	stream.indirect_vreg.scatter [tilespmem:s25], [sflag:$0x5], $0x80, v3, vm0, $0xb8;
	[tilespmem:$0x18300] =	vst v63  }
0x1ed: {  	s8 =	simm.s32 $0xAB00  }
0x1ee: {  	[hbm4b:s4+s2] =	stream.indirect_vreg.scatter [tilespmem:s8], [sflag:$0x5], $0x80, v3, vm0, $0xb8;
	[tilespmem:$0x18300] =	vst v63  }
0x1ef: {  	s10 =	simm.s32 $0xB300  }
0x1f0: {  	[hbm4b:s5+s2] =	stream.indirect_vreg.scatter [tilespmem:s10], [sflag:$0x5], $0x80, v3, vm0, $0xb8;
	[tilespmem:$0x18300] =	vst v63  }
0x1f1: {  	s11 =	simm.s32 $0xBB00  }
0x1f2: {  	[hbm4b:s6+s2] =	stream.indirect_vreg.scatter [tilespmem:s11], [sflag:$0x5], $0x80, v3, vm0, $0xb8;
	[tilespmem:$0x18300] =	vst v63  }
0x1f3: {  	v3 =	vld [tilespmem:$0x90];
	_ =	sdelay $0x4  }
0x1f4: {  	v49 =	vshll.u32 v3, $0x3  }
0x1f5: {  	v3 =	vand.u32 $0x7, v3;
	v4 =	vand.u32 $0xFFFFFFC0, v49  }
0x1f6: {  	v3 =	vor.u32 v3, v4  }
0x1f7: {  	v4 =	vperm.xlane v3, v0;
	_ =	sdelay $0x1  }
0x1f8: {  	v4 =	vadd.s32 v1, v4;
	_ =	sdelay $0x3  }
0x1f9: {  	s14 =	simm.s32 $0xC300  }
0x1fa: {  	[hbm4b:s3+s2] =	stream.indirect_vreg.scatter [tilespmem:s14], [sflag:$0x5], $0x80, v4, vm0, $0xb8;
	[tilespmem:$0x18300] =	vst v63  }
0x1fb: {  	s26 =	simm.s32 $0xCB00;
	v3 =	vperm.xlane v3, v2  }
0x1fc: {  	[hbm4b:s4+s2] =	stream.indirect_vreg.scatter [tilespmem:s26], [sflag:$0x5], $0x80, v4, vm0, $0xb8;
	[tilespmem:$0x18300] =	vst v63  }
0x1fd: {  	s0 =	simm.s32 $0xD300;
	v3 =	vadd.s32 v1, v3  }
0x1fe: {  	[hbm4b:s5+s2] =	stream.indirect_vreg.scatter [tilespmem:s0], [sflag:$0x5], $0x80, v4, vm0, $0xb8;
	[tilespmem:$0x18300] =	vst v63  }
0x1ff: {  	s1 =	simm.s32 $0xDB00  }
0x200: {  	[hbm4b:s6+s2] =	stream.indirect_vreg.scatter [tilespmem:s1], [sflag:$0x5], $0x80, v4, vm0, $0xb8;
	[tilespmem:$0x18300] =	vst v63  }
0x201: {  	s7 =	simm.s32 $0xE300  }
0x202: {  	[hbm4b:s3+s2] =	stream.indirect_vreg.scatter [tilespmem:s7], [sflag:$0x5], $0x80, v3, vm0, $0xb8;
	[tilespmem:$0x18300] =	vst v63  }
0x203: {  	s16 =	simm.s32 $0xEB00  }
0x204: {  	[hbm4b:s4+s2] =	stream.indirect_vreg.scatter [tilespmem:s16], [sflag:$0x5], $0x80, v3, vm0, $0xb8;
	[tilespmem:$0x18300] =	vst v63  }
0x205: {  	s19 =	simm.s32 $0xF300  }
0x206: {  	[hbm4b:s5+s2] =	stream.indirect_vreg.scatter [tilespmem:s19], [sflag:$0x5], $0x80, v3, vm0, $0xb8;
	[tilespmem:$0x18300] =	vst v63  }
0x207: {  	s20 =	simm.s32 $0xFB00  }
0x208: {  	[hbm4b:s6+s2] =	stream.indirect_vreg.scatter [tilespmem:s20], [sflag:$0x5], $0x80, v3, vm0, $0xb8;
	[tilespmem:$0x18300] =	vst v63  }
0x209: {  	v3 =	vld [tilespmem:$0x200];
	_ =	sdelay $0x4  }
0x20a: {  	v50 =	vshll.u32 v3, $0x3  }
0x20b: {  	v3 =	vand.u32 $0x7, v3;
	v4 =	vand.u32 $0xFFFFFFC0, v50  }
0x20c: {  	v3 =	vor.u32 v3, v4  }
0x20d: {  	v4 =	vperm.xlane v3, v0;
	_ =	sdelay $0x1  }
0x20e: {  	v4 =	vadd.s32 v1, v4;
	_ =	sdelay $0x4  }
0x20f: {  	[hbm4b:s3+s2] =	stream.indirect_vreg.scatter [tilespmem:s24], [sflag:$0x8], $0x80, v4, vm0, $0xb8;
	[tilespmem:$0x18300] =	vst v63  }
0x210: {  	v3 =	vperm.xlane v3, v2  }
0x211: {  	[hbm4b:s4+s2] =	stream.indirect_vreg.scatter [tilespmem:s13], [sflag:$0x8], $0x80, v4, vm0, $0xb8;
	[tilespmem:$0x18300] =	vst v63  }
0x212: {  	v3 =	vadd.s32 v1, v3  }
0x213: {  	[hbm4b:s5+s2] =	stream.indirect_vreg.scatter [tilespmem:s15], [sflag:$0x8], $0x80, v4, vm0, $0xb8;
	[tilespmem:$0x18300] =	vst v63  }
0x214: {  	_ = 	snop  }
0x215: {  	[hbm4b:s6+s2] =	stream.indirect_vreg.scatter [tilespmem:s23], [sflag:$0x8], $0x80, v4, vm0, $0xb8;
	[tilespmem:$0x18300] =	vst v63  }
0x216: {  	_ = 	snop  }
0x217: {  	[hbm4b:s3+s2] =	stream.indirect_vreg.scatter [tilespmem:s25], [sflag:$0x8], $0x80, v3, vm0, $0xb8;
	[tilespmem:$0x18300] =	vst v63  }
0x218: {  	_ = 	snop  }
0x219: {  	[hbm4b:s4+s2] =	stream.indirect_vreg.scatter [tilespmem:s8], [sflag:$0x8], $0x80, v3, vm0, $0xb8;
	[tilespmem:$0x18300] =	vst v63  }
0x21a: {  	_ = 	snop  }
0x21b: {  	[hbm4b:s5+s2] =	stream.indirect_vreg.scatter [tilespmem:s10], [sflag:$0x8], $0x80, v3, vm0, $0xb8;
	[tilespmem:$0x18300] =	vst v63  }
0x21c: {  	_ = 	snop  }
0x21d: {  	[hbm4b:s6+s2] =	stream.indirect_vreg.scatter [tilespmem:s11], [sflag:$0x8], $0x80, v3, vm0, $0xb8;
	[tilespmem:$0x18300] =	vst v63  }
0x21e: {  	v3 =	vld [tilespmem:$0x210];
	_ =	sdelay $0x4  }
0x21f: {  	v51 =	vshll.u32 v3, $0x3  }
0x220: {  	v3 =	vand.u32 $0x7, v3;
	v4 =	vand.u32 $0xFFFFFFC0, v51  }
0x221: {  	v3 =	vor.u32 v3, v4  }
0x222: {  	v4 =	vperm.xlane v3, v0;
	_ =	sdelay $0x1  }
0x223: {  	v4 =	vadd.s32 v1, v4;
	_ =	sdelay $0x4  }
0x224: {  	[hbm4b:s3+s2] =	stream.indirect_vreg.scatter [tilespmem:s14], [sflag:$0x8], $0x80, v4, vm0, $0xb8;
	[tilespmem:$0x18300] =	vst v63  }
0x225: {  	v3 =	vperm.xlane v3, v2  }
0x226: {  	[hbm4b:s4+s2] =	stream.indirect_vreg.scatter [tilespmem:s26], [sflag:$0x8], $0x80, v4, vm0, $0xb8;
	[tilespmem:$0x18300] =	vst v63  }
0x227: {  	v3 =	vadd.s32 v1, v3  }
0x228: {  	[hbm4b:s5+s2] =	stream.indirect_vreg.scatter [tilespmem:s0], [sflag:$0x8], $0x80, v4, vm0, $0xb8;
	[tilespmem:$0x18300] =	vst v63  }
0x229: {  	_ = 	snop  }
0x22a: {  	[hbm4b:s6+s2] =	stream.indirect_vreg.scatter [tilespmem:s1], [sflag:$0x8], $0x80, v4, vm0, $0xb8;
	[tilespmem:$0x18300] =	vst v63  }
0x22b: {  	_ = 	snop  }
0x22c: {  	[hbm4b:s3+s2] =	stream.indirect_vreg.scatter [tilespmem:s7], [sflag:$0x8], $0x80, v3, vm0, $0xb8;
	[tilespmem:$0x18300] =	vst v63  }
0x22d: {  	_ = 	snop  }
0x22e: {  	[hbm4b:s4+s2] =	stream.indirect_vreg.scatter [tilespmem:s16], [sflag:$0x8], $0x80, v3, vm0, $0xb8;
	[tilespmem:$0x18300] =	vst v63  }
0x22f: {  	_ = 	snop  }
0x230: {  	[hbm4b:s5+s2] =	stream.indirect_vreg.scatter [tilespmem:s19], [sflag:$0x8], $0x80, v3, vm0, $0xb8;
	[tilespmem:$0x18300] =	vst v63  }
0x231: {  	s11 =	simm.s32 $0x4  }
0x232: {  	[hbm4b:s6+s2] =	stream.indirect_vreg.scatter [tilespmem:s20], [sflag:$0x8], $0x80, v3, vm0, $0xb8;
	[tilespmem:$0x18300] =	vst v63  }
0x233: {  	_ =	swait.ge [sflag:s11], $0x8000  }
0x234: {  	[sflag:s11] =	ssyncset.done $0x0  }
0x235: {  	s12 =	simm.s32 $0x7;
	[sflag:s11] =	ssyncadd.s32 $0xFFFF8000  }
0x236: {  	_ =	swait.ge [sflag:s12], $0x8000  }
0x237: {  	[sflag:s12] =	ssyncset.done $0x0  }
0x238: {  	s18 =	simm.s32 $0x300;
	s13 =	rddreg [dreg:$0x15];
	[sflag:s12] =	ssyncadd.s32 $0xFFFF8000  }
0x239: {  	[tilespmem:s18], [sflag:$0x1] =	stream.linear.gather [hbm4b:s13+s2], $0x8000, $0x38;
	[tilespmem:$0x18300] =	vst v63  }
0x23a: {  	s14 =	rddreg [dreg:$0x16]  }
0x23b: {  	[tilespmem:s2], [sflag:$0xA] =	stream.linear.gather [hbm4b:s14+s2], $0x20, $0x38;
	[tilespmem:$0x18300] =	vst v63  }
0x23c: {  	_ =	swait.ge [sflag:s9], $0x20  }
0x23d: {  	[sflag:s9] =	ssyncset.done $0x0  }
0x23e: {  	s16 =	simm.s32 $0x180;
	s15 =	rddreg [dreg:$0x17];
	[sflag:s9] =	ssyncadd.s32 $0xFFFFFFE0  }
0x23f: {  	[tilespmem:s16], [sflag:$0xA] =	stream.linear.gather [hbm4b:s15+s2], $0x20, $0x38;
	[tilespmem:$0x18300] =	vst v63  }
0x240: {  	_ =	swait.ge [sflag:s9], $0x20  }
0x241: {  	[sflag:s9] =	ssyncset.done $0x0  }
0x242: {  	[sflag:s9] =	ssyncadd.s32 $0xFFFFFFE0  }
0x243: {  	_ =	swait.ge [sflag:s17], $0x8000  }
0x244: {  	[sflag:s17] =	ssyncset.done $0x0  }
0x245: {  	[sflag:s17] =	ssyncadd.s32 $0xFFFF8000  }
0x246: {  	v3 =	vld [tilespmem:$0x100];
	_ =	sdelay $0x4  }
0x247: {  	v52 =	vshll.u32 v3, $0x3  }
0x248: {  	v3 =	vand.u32 $0x7, v3;
	v4 =	vand.u32 $0xFFFFFFC0, v52  }
0x249: {  	v3 =	vor.u32 v3, v4  }
0x24a: {  	v4 =	vperm.xlane v3, v0;
	_ =	sdelay $0x1  }
0x24b: {  	v4 =	vadd.s32 v1, v4;
	_ =	sdelay $0x3  }
0x24c: {  	s1 =	simm.s32 $0x10300  }
0x24d: {  	[hbm4b:s3+s2] =	stream.indirect_vreg.scatter [tilespmem:s1], [sflag:$0x6], $0x80, v4, vm0, $0xb8;
	[tilespmem:$0x18300] =	vst v63  }
0x24e: {  	s17 =	simm.s32 $0x10B00;
	v3 =	vperm.xlane v3, v2  }
0x24f: {  	[hbm4b:s4+s2] =	stream.indirect_vreg.scatter [tilespmem:s17], [sflag:$0x6], $0x80, v4, vm0, $0xb8;
	[tilespmem:$0x18300] =	vst v63  }
0x250: {  	s7 =	simm.s32 $0x11300;
	v3 =	vadd.s32 v1, v3  }
0x251: {  	[hbm4b:s5+s2] =	stream.indirect_vreg.scatter [tilespmem:s7], [sflag:$0x6], $0x80, v4, vm0, $0xb8;
	[tilespmem:$0x18300] =	vst v63  }
0x252: {  	s8 =	simm.s32 $0x11B00  }
0x253: {  	[hbm4b:s6+s2] =	stream.indirect_vreg.scatter [tilespmem:s8], [sflag:$0x6], $0x80, v4, vm0, $0xb8;
	[tilespmem:$0x18300] =	vst v63  }
0x254: {  	s10 =	simm.s32 $0x12300  }
0x255: {  	[hbm4b:s3+s2] =	stream.indirect_vreg.scatter [tilespmem:s10], [sflag:$0x6], $0x80, v3, vm0, $0xb8;
	[tilespmem:$0x18300] =	vst v63  }
0x256: {  	s11 =	simm.s32 $0x12B00  }
0x257: {  	[hbm4b:s4+s2] =	stream.indirect_vreg.scatter [tilespmem:s11], [sflag:$0x6], $0x80, v3, vm0, $0xb8;
	[tilespmem:$0x18300] =	vst v63  }
0x258: {  	s12 =	simm.s32 $0x13300  }
0x259: {  	[hbm4b:s5+s2] =	stream.indirect_vreg.scatter [tilespmem:s12], [sflag:$0x6], $0x80, v3, vm0, $0xb8;
	[tilespmem:$0x18300] =	vst v63  }
0x25a: {  	s19 =	simm.s32 $0x13B00  }
0x25b: {  	[hbm4b:s6+s2] =	stream.indirect_vreg.scatter [tilespmem:s19], [sflag:$0x6], $0x80, v3, vm0, $0xb8;
	[tilespmem:$0x18300] =	vst v63  }
0x25c: {  	v3 =	vld [tilespmem:$0x110];
	_ =	sdelay $0x4  }
0x25d: {  	v53 =	vshll.u32 v3, $0x3  }
0x25e: {  	v3 =	vand.u32 $0x7, v3;
	v4 =	vand.u32 $0xFFFFFFC0, v53  }
0x25f: {  	v3 =	vor.u32 v3, v4  }
0x260: {  	v4 =	vperm.xlane v3, v0;
	_ =	sdelay $0x1  }
0x261: {  	v4 =	vadd.s32 v1, v4;
	_ =	sdelay $0x3  }
0x262: {  	s20 =	simm.s32 $0x14300  }
0x263: {  	[hbm4b:s3+s2] =	stream.indirect_vreg.scatter [tilespmem:s20], [sflag:$0x6], $0x80, v4, vm0, $0xb8;
	[tilespmem:$0x18300] =	vst v63  }
0x264: {  	s18 =	simm.s32 $0x14B00;
	v3 =	vperm.xlane v3, v2  }
0x265: {  	[hbm4b:s4+s2] =	stream.indirect_vreg.scatter [tilespmem:s18], [sflag:$0x6], $0x80, v4, vm0, $0xb8;
	[tilespmem:$0x18300] =	vst v63  }
0x266: {  	s13 =	simm.s32 $0x15300;
	v3 =	vadd.s32 v1, v3  }
0x267: {  	[hbm4b:s5+s2] =	stream.indirect_vreg.scatter [tilespmem:s13], [sflag:$0x6], $0x80, v4, vm0, $0xb8;
	[tilespmem:$0x18300] =	vst v63  }
0x268: {  	_ = 	snop  }
0x269: {  	[hbm4b:s6+s2] =	stream.indirect_vreg.scatter [tilespmem:s22], [sflag:$0x6], $0x80, v4, vm0, $0xb8;
	[tilespmem:$0x18300] =	vst v63  }
0x26a: {  	s14 =	simm.s32 $0x16300  }
0x26b: {  	[hbm4b:s3+s2] =	stream.indirect_vreg.scatter [tilespmem:s14], [sflag:$0x6], $0x80, v3, vm0, $0xb8;
	[tilespmem:$0x18300] =	vst v63  }
0x26c: {  	s15 =	simm.s32 $0x16B00  }
0x26d: {  	[hbm4b:s4+s2] =	stream.indirect_vreg.scatter [tilespmem:s15], [sflag:$0x6], $0x80, v3, vm0, $0xb8;
	[tilespmem:$0x18300] =	vst v63  }
0x26e: {  	s16 =	simm.s32 $0x17300  }
0x26f: {  	[hbm4b:s5+s2] =	stream.indirect_vreg.scatter [tilespmem:s16], [sflag:$0x6], $0x80, v3, vm0, $0xb8;
	[tilespmem:$0x18300] =	vst v63  }
0x270: {  	s0 =	simm.s32 $0x17B00  }
0x271: {  	[hbm4b:s6+s2] =	stream.indirect_vreg.scatter [tilespmem:s0], [sflag:$0x6], $0x80, v3, vm0, $0xb8;
	[tilespmem:$0x18300] =	vst v63  }
0x272: {  	v3 =	vld [tilespmem:$0x280];
	_ =	sdelay $0x4  }
0x273: {  	v54 =	vshll.u32 v3, $0x3  }
0x274: {  	v3 =	vand.u32 $0x7, v3;
	v4 =	vand.u32 $0xFFFFFFC0, v54  }
0x275: {  	v3 =	vor.u32 v3, v4  }
0x276: {  	v4 =	vperm.xlane v3, v0;
	_ =	sdelay $0x1  }
0x277: {  	v4 =	vadd.s32 v1, v4;
	_ =	sdelay $0x4  }
0x278: {  	[hbm4b:s3+s2] =	stream.indirect_vreg.scatter [tilespmem:s1], [sflag:$0x9], $0x80, v4, vm0, $0xb8;
	[tilespmem:$0x18300] =	vst v63  }
0x279: {  	v3 =	vperm.xlane v3, v2  }
0x27a: {  	[hbm4b:s4+s2] =	stream.indirect_vreg.scatter [tilespmem:s17], [sflag:$0x9], $0x80, v4, vm0, $0xb8;
	[tilespmem:$0x18300] =	vst v63  }
0x27b: {  	v3 =	vadd.s32 v1, v3  }
0x27c: {  	[hbm4b:s5+s2] =	stream.indirect_vreg.scatter [tilespmem:s7], [sflag:$0x9], $0x80, v4, vm0, $0xb8;
	[tilespmem:$0x18300] =	vst v63  }
0x27d: {  	_ = 	snop  }
0x27e: {  	[hbm4b:s6+s2] =	stream.indirect_vreg.scatter [tilespmem:s8], [sflag:$0x9], $0x80, v4, vm0, $0xb8;
	[tilespmem:$0x18300] =	vst v63  }
0x27f: {  	_ = 	snop  }
0x280: {  	[hbm4b:s3+s2] =	stream.indirect_vreg.scatter [tilespmem:s10], [sflag:$0x9], $0x80, v3, vm0, $0xb8;
	[tilespmem:$0x18300] =	vst v63  }
0x281: {  	_ = 	snop  }
0x282: {  	[hbm4b:s4+s2] =	stream.indirect_vreg.scatter [tilespmem:s11], [sflag:$0x9], $0x80, v3, vm0, $0xb8;
	[tilespmem:$0x18300] =	vst v63  }
0x283: {  	_ = 	snop  }
0x284: {  	[hbm4b:s5+s2] =	stream.indirect_vreg.scatter [tilespmem:s12], [sflag:$0x9], $0x80, v3, vm0, $0xb8;
	[tilespmem:$0x18300] =	vst v63  }
0x285: {  	_ = 	snop  }
0x286: {  	[hbm4b:s6+s2] =	stream.indirect_vreg.scatter [tilespmem:s19], [sflag:$0x9], $0x80, v3, vm0, $0xb8;
	[tilespmem:$0x18300] =	vst v63  }
0x287: {  	v3 =	vld [tilespmem:$0x290];
	_ =	sdelay $0x4  }
0x288: {  	v55 =	vshll.u32 v3, $0x3  }
0x289: {  	v3 =	vand.u32 $0x7, v3;
	v4 =	vand.u32 $0xFFFFFFC0, v55  }
0x28a: {  	v3 =	vor.u32 v3, v4  }
0x28b: {  	v4 =	vperm.xlane v3, v0;
	_ =	sdelay $0x1  }
0x28c: {  	v4 =	vadd.s32 v1, v4;
	_ =	sdelay $0x4  }
0x28d: {  	[hbm4b:s3+s2] =	stream.indirect_vreg.scatter [tilespmem:s20], [sflag:$0x9], $0x80, v4, vm0, $0xb8;
	[tilespmem:$0x18300] =	vst v63  }
0x28e: {  	v3 =	vperm.xlane v3, v2  }
0x28f: {  	[hbm4b:s4+s2] =	stream.indirect_vreg.scatter [tilespmem:s18], [sflag:$0x9], $0x80, v4, vm0, $0xb8;
	[tilespmem:$0x18300] =	vst v63  }
0x290: {  	v3 =	vadd.s32 v1, v3  }
0x291: {  	[hbm4b:s5+s2] =	stream.indirect_vreg.scatter [tilespmem:s13], [sflag:$0x9], $0x80, v4, vm0, $0xb8;
	[tilespmem:$0x18300] =	vst v63  }
0x292: {  	_ = 	snop  }
0x293: {  	[hbm4b:s6+s2] =	stream.indirect_vreg.scatter [tilespmem:s22], [sflag:$0x9], $0x80, v4, vm0, $0xb8;
	[tilespmem:$0x18300] =	vst v63  }
0x294: {  	_ = 	snop  }
0x295: {  	[hbm4b:s3+s2] =	stream.indirect_vreg.scatter [tilespmem:s14], [sflag:$0x9], $0x80, v3, vm0, $0xb8;
	[tilespmem:$0x18300] =	vst v63  }
0x296: {  	_ = 	snop  }
0x297: {  	[hbm4b:s4+s2] =	stream.indirect_vreg.scatter [tilespmem:s15], [sflag:$0x9], $0x80, v3, vm0, $0xb8;
	[tilespmem:$0x18300] =	vst v63  }
0x298: {  	_ = 	snop  }
0x299: {  	[hbm4b:s5+s2] =	stream.indirect_vreg.scatter [tilespmem:s16], [sflag:$0x9], $0x80, v3, vm0, $0xb8;
	[tilespmem:$0x18300] =	vst v63  }
0x29a: {  	_ = 	snop  }
0x29b: {  	[hbm4b:s6+s2] =	stream.indirect_vreg.scatter [tilespmem:s0], [sflag:$0x9], $0x80, v3, vm0, $0xb8;
	[tilespmem:$0x18300] =	vst v63  }
0x29c: {  	_ =	swait.ge [sflag:s28], $0x8000  }
0x29d: {  	[sflag:s28] =	ssyncset.done $0x0  }
0x29e: {  	[sflag:s28] =	ssyncadd.s32 $0xFFFF8000  }
0x29f: {  	_ =	swait.ge [sflag:s30], $0x8000  }
0x2a0: {  	[sflag:s30] =	ssyncset.done $0x0  }
0x2a1: {  	s21 =	simm.s32 $0x8300;
	s18 =	rddreg [dreg:$0x18];
	[sflag:s30] =	ssyncadd.s32 $0xFFFF8000  }
0x2a2: {  	[tilespmem:s21], [sflag:$0x2] =	stream.linear.gather [hbm4b:s18+s2], $0x8000, $0x38;
	[tilespmem:$0x18300] =	vst v63  }
0x2a3: {  	s20 =	simm.s32 $0x80;
	s19 =	rddreg [dreg:$0x19]  }
0x2a4: {  	[tilespmem:s20], [sflag:$0xA] =	stream.linear.gather [hbm4b:s19+s2], $0x20, $0x38;
	[tilespmem:$0x18300] =	vst v63  }
0x2a5: {  	_ =	swait.ge [sflag:s9], $0x20  }
0x2a6: {  	[sflag:s9] =	ssyncset.done $0x0  }
0x2a7: {  	s22 =	simm.s32 $0x200;
	s21 =	rddreg [dreg:$0x1a];
	[sflag:s9] =	ssyncadd.s32 $0xFFFFFFE0  }
0x2a8: {  	[tilespmem:s22], [sflag:$0xA] =	stream.linear.gather [hbm4b:s21+s2], $0x20, $0x38;
	[tilespmem:$0x18300] =	vst v63  }
0x2a9: {  	_ =	swait.ge [sflag:s9], $0x20  }
0x2aa: {  	[sflag:s9] =	ssyncset.done $0x0  }
0x2ab: {  	s1 =	simm.s32 $0x1;
	[sflag:s9] =	ssyncadd.s32 $0xFFFFFFE0  }
0x2ac: {  	_ =	swait.ge [sflag:s1], $0x8000  }
0x2ad: {  	[sflag:s1] =	ssyncset.done $0x0  }
0x2ae: {  	[sflag:s1] =	ssyncadd.s32 $0xFFFF8000  }
0x2af: {  	v3 =	vld [tilespmem:$0x0];
	_ =	sdelay $0x4  }
0x2b0: {  	v56 =	vshll.u32 v3, $0x3  }
0x2b1: {  	v3 =	vand.u32 $0x7, v3;
	v4 =	vand.u32 $0xFFFFFFC0, v56  }
0x2b2: {  	v3 =	vor.u32 v3, v4  }
0x2b3: {  	v4 =	vperm.xlane v3, v0;
	_ =	sdelay $0x1  }
0x2b4: {  	v4 =	vadd.s32 v1, v4;
	_ =	sdelay $0x3  }
0x2b5: {  	s7 =	simm.s32 $0x300  }
0x2b6: {  	[hbm4b:s3+s2] =	stream.indirect_vreg.scatter [tilespmem:s7], [sflag:$0x4], $0x80, v4, vm0, $0xb8;
	[tilespmem:$0x18300] =	vst v63  }
0x2b7: {  	s22 =	simm.s32 $0xB00;
	v3 =	vperm.xlane v3, v2  }
0x2b8: {  	[hbm4b:s4+s2] =	stream.indirect_vreg.scatter [tilespmem:s22], [sflag:$0x4], $0x80, v4, vm0, $0xb8;
	[tilespmem:$0x18300] =	vst v63  }
0x2b9: {  	s13 =	simm.s32 $0x1300;
	v3 =	vadd.s32 v1, v3  }
0x2ba: {  	[hbm4b:s5+s2] =	stream.indirect_vreg.scatter [tilespmem:s13], [sflag:$0x4], $0x80, v4, vm0, $0xb8;
	[tilespmem:$0x18300] =	vst v63  }
0x2bb: {  	s16 =	simm.s32 $0x1B00  }
0x2bc: {  	[hbm4b:s6+s2] =	stream.indirect_vreg.scatter [tilespmem:s16], [sflag:$0x4], $0x80, v4, vm0, $0xb8;
	[tilespmem:$0x18300] =	vst v63  }
0x2bd: {  	s17 =	simm.s32 $0x2300  }
0x2be: {  	[hbm4b:s3+s2] =	stream.indirect_vreg.scatter [tilespmem:s17], [sflag:$0x4], $0x80, v3, vm0, $0xb8;
	[tilespmem:$0x18300] =	vst v63  }
0x2bf: {  	s11 =	simm.s32 $0x2B00  }
0x2c0: {  	[hbm4b:s4+s2] =	stream.indirect_vreg.scatter [tilespmem:s11], [sflag:$0x4], $0x80, v3, vm0, $0xb8;
	[tilespmem:$0x18300] =	vst v63  }
0x2c1: {  	s14 =	simm.s32 $0x3300  }
0x2c2: {  	[hbm4b:s5+s2] =	stream.indirect_vreg.scatter [tilespmem:s14], [sflag:$0x4], $0x80, v3, vm0, $0xb8;
	[tilespmem:$0x18300] =	vst v63  }
0x2c3: {  	s1 =	simm.s32 $0x3B00  }
0x2c4: {  	[hbm4b:s6+s2] =	stream.indirect_vreg.scatter [tilespmem:s1], [sflag:$0x4], $0x80, v3, vm0, $0xb8;
	[tilespmem:$0x18300] =	vst v63  }
0x2c5: {  	v3 =	vld [tilespmem:$0x10];
	_ =	sdelay $0x4  }
0x2c6: {  	v57 =	vshll.u32 v3, $0x3  }
0x2c7: {  	v3 =	vand.u32 $0x7, v3;
	v4 =	vand.u32 $0xFFFFFFC0, v57  }
0x2c8: {  	v3 =	vor.u32 v3, v4  }
0x2c9: {  	v4 =	vperm.xlane v3, v0;
	_ =	sdelay $0x1  }
0x2ca: {  	v4 =	vadd.s32 v1, v4;
	_ =	sdelay $0x3  }
0x2cb: {  	s8 =	simm.s32 $0x4300  }
0x2cc: {  	[hbm4b:s3+s2] =	stream.indirect_vreg.scatter [tilespmem:s8], [sflag:$0x4], $0x80, v4, vm0, $0xb8;
	[tilespmem:$0x18300] =	vst v63  }
0x2cd: {  	s10 =	simm.s32 $0x4B00;
	v3 =	vperm.xlane v3, v2  }
0x2ce: {  	[hbm4b:s4+s2] =	stream.indirect_vreg.scatter [tilespmem:s10], [sflag:$0x4], $0x80, v4, vm0, $0xb8;
	[tilespmem:$0x18300] =	vst v63  }
0x2cf: {  	s15 =	simm.s32 $0x5300;
	v3 =	vadd.s32 v1, v3  }
0x2d0: {  	[hbm4b:s5+s2] =	stream.indirect_vreg.scatter [tilespmem:s15], [sflag:$0x4], $0x80, v4, vm0, $0xb8;
	[tilespmem:$0x18300] =	vst v63  }
0x2d1: {  	s18 =	simm.s32 $0x5B00  }
0x2d2: {  	[hbm4b:s6+s2] =	stream.indirect_vreg.scatter [tilespmem:s18], [sflag:$0x4], $0x80, v4, vm0, $0xb8;
	[tilespmem:$0x18300] =	vst v63  }
0x2d3: {  	s19 =	simm.s32 $0x6300  }
0x2d4: {  	[hbm4b:s3+s2] =	stream.indirect_vreg.scatter [tilespmem:s19], [sflag:$0x4], $0x80, v3, vm0, $0xb8;
	[tilespmem:$0x18300] =	vst v63  }
0x2d5: {  	s20 =	simm.s32 $0x6B00  }
0x2d6: {  	[hbm4b:s4+s2] =	stream.indirect_vreg.scatter [tilespmem:s20], [sflag:$0x4], $0x80, v3, vm0, $0xb8;
	[tilespmem:$0x18300] =	vst v63  }
0x2d7: {  	s21 =	simm.s32 $0x7300  }
0x2d8: {  	[hbm4b:s5+s2] =	stream.indirect_vreg.scatter [tilespmem:s21], [sflag:$0x4], $0x80, v3, vm0, $0xb8;
	[tilespmem:$0x18300] =	vst v63  }
0x2d9: {  	s12 =	simm.s32 $0x7B00  }
0x2da: {  	[hbm4b:s6+s2] =	stream.indirect_vreg.scatter [tilespmem:s12], [sflag:$0x4], $0x80, v3, vm0, $0xb8;
	[tilespmem:$0x18300] =	vst v63  }
0x2db: {  	v3 =	vld [tilespmem:$0x180];
	_ =	sdelay $0x4  }
0x2dc: {  	v58 =	vshll.u32 v3, $0x3  }
0x2dd: {  	v3 =	vand.u32 $0x7, v3;
	v4 =	vand.u32 $0xFFFFFFC0, v58  }
0x2de: {  	v3 =	vor.u32 v3, v4  }
0x2df: {  	v4 =	vperm.xlane v3, v0;
	_ =	sdelay $0x1  }
0x2e0: {  	v4 =	vadd.s32 v1, v4;
	_ =	sdelay $0x4  }
0x2e1: {  	[hbm4b:s3+s2] =	stream.indirect_vreg.scatter [tilespmem:s7], [sflag:$0x7], $0x80, v4, vm0, $0xb8;
	[tilespmem:$0x18300] =	vst v63  }
0x2e2: {  	v3 =	vperm.xlane v3, v2  }
0x2e3: {  	[hbm4b:s4+s2] =	stream.indirect_vreg.scatter [tilespmem:s22], [sflag:$0x7], $0x80, v4, vm0, $0xb8;
	[tilespmem:$0x18300] =	vst v63  }
0x2e4: {  	v3 =	vadd.s32 v1, v3  }
0x2e5: {  	[hbm4b:s5+s2] =	stream.indirect_vreg.scatter [tilespmem:s13], [sflag:$0x7], $0x80, v4, vm0, $0xb8;
	[tilespmem:$0x18300] =	vst v63  }
0x2e6: {  	_ = 	snop  }
0x2e7: {  	[hbm4b:s6+s2] =	stream.indirect_vreg.scatter [tilespmem:s16], [sflag:$0x7], $0x80, v4, vm0, $0xb8;
	[tilespmem:$0x18300] =	vst v63  }
0x2e8: {  	_ = 	snop  }
0x2e9: {  	[hbm4b:s3+s2] =	stream.indirect_vreg.scatter [tilespmem:s17], [sflag:$0x7], $0x80, v3, vm0, $0xb8;
	[tilespmem:$0x18300] =	vst v63  }
0x2ea: {  	_ = 	snop  }
0x2eb: {  	[hbm4b:s4+s2] =	stream.indirect_vreg.scatter [tilespmem:s11], [sflag:$0x7], $0x80, v3, vm0, $0xb8;
	[tilespmem:$0x18300] =	vst v63  }
0x2ec: {  	_ = 	snop  }
0x2ed: {  	[hbm4b:s5+s2] =	stream.indirect_vreg.scatter [tilespmem:s14], [sflag:$0x7], $0x80, v3, vm0, $0xb8;
	[tilespmem:$0x18300] =	vst v63  }
0x2ee: {  	_ = 	snop  }
0x2ef: {  	[hbm4b:s6+s2] =	stream.indirect_vreg.scatter [tilespmem:s1], [sflag:$0x7], $0x80, v3, vm0, $0xb8;
	[tilespmem:$0x18300] =	vst v63  }
0x2f0: {  	v3 =	vld [tilespmem:$0x190];
	_ =	sdelay $0x4  }
0x2f1: {  	v59 =	vshll.u32 v3, $0x3  }
0x2f2: {  	v3 =	vand.u32 $0x7, v3;
	v4 =	vand.u32 $0xFFFFFFC0, v59  }
0x2f3: {  	v3 =	vor.u32 v3, v4  }
0x2f4: {  	v4 =	vperm.xlane v3, v0;
	_ =	sdelay $0x1  }
0x2f5: {  	v4 =	vadd.s32 v1, v4;
	_ =	sdelay $0x4  }
0x2f6: {  	[hbm4b:s3+s2] =	stream.indirect_vreg.scatter [tilespmem:s8], [sflag:$0x7], $0x80, v4, vm0, $0xb8;
	[tilespmem:$0x18300] =	vst v63  }
0x2f7: {  	v3 =	vperm.xlane v3, v2  }
0x2f8: {  	[hbm4b:s4+s2] =	stream.indirect_vreg.scatter [tilespmem:s10], [sflag:$0x7], $0x80, v4, vm0, $0xb8;
	[tilespmem:$0x18300] =	vst v63  }
0x2f9: {  	v3 =	vadd.s32 v1, v3  }
0x2fa: {  	[hbm4b:s5+s2] =	stream.indirect_vreg.scatter [tilespmem:s15], [sflag:$0x7], $0x80, v4, vm0, $0xb8;
	[tilespmem:$0x18300] =	vst v63  }
0x2fb: {  	_ = 	snop  }
0x2fc: {  	[hbm4b:s6+s2] =	stream.indirect_vreg.scatter [tilespmem:s18], [sflag:$0x7], $0x80, v4, vm0, $0xb8;
	[tilespmem:$0x18300] =	vst v63  }
0x2fd: {  	_ = 	snop  }
0x2fe: {  	[hbm4b:s3+s2] =	stream.indirect_vreg.scatter [tilespmem:s19], [sflag:$0x7], $0x80, v3, vm0, $0xb8;
	[tilespmem:$0x18300] =	vst v63  }
0x2ff: {  	_ = 	snop  }
0x300: {  	[hbm4b:s4+s2] =	stream.indirect_vreg.scatter [tilespmem:s20], [sflag:$0x7], $0x80, v3, vm0, $0xb8;
	[tilespmem:$0x18300] =	vst v63  }
0x301: {  	_ = 	snop  }
0x302: {  	[hbm4b:s5+s2] =	stream.indirect_vreg.scatter [tilespmem:s21], [sflag:$0x7], $0x80, v3, vm0, $0xb8;
	[tilespmem:$0x18300] =	vst v63  }
0x303: {  	s7 =	simm.s32 $0x2  }
0x304: {  	[hbm4b:s6+s2] =	stream.indirect_vreg.scatter [tilespmem:s12], [sflag:$0x7], $0x80, v3, vm0, $0xb8;
	[tilespmem:$0x18300] =	vst v63  }
0x305: {  	s0 =	rddreg [dreg:$0x1b];
	_ =	swait.ge [sflag:s7], $0x8000  }
0x306: {  	[sflag:s7] =	ssyncset.done $0x0  }
0x307: {  	[sflag:s7] =	ssyncadd.s32 $0xFFFF8000  }
0x308: {  	v3 =	vld [tilespmem:$0x80];
	_ =	sdelay $0x4  }
0x309: {  	v60 =	vshll.u32 v3, $0x3  }
0x30a: {  	v3 =	vand.u32 $0x7, v3;
	v4 =	vand.u32 $0xFFFFFFC0, v60  }
0x30b: {  	v3 =	vor.u32 v3, v4  }
0x30c: {  	v4 =	vperm.xlane v3, v0;
	_ =	sdelay $0x1  }
0x30d: {  	v4 =	vadd.s32 v1, v4;
	_ =	sdelay $0x3  }
0x30e: {  	s8 =	simm.s32 $0x8300  }
0x30f: {  	[hbm4b:s3+s2] =	stream.indirect_vreg.scatter [tilespmem:s8], [sflag:$0x5], $0x80, v4, vm0, $0xb8;
	[tilespmem:$0x18300] =	vst v63  }
0x310: {  	s10 =	simm.s32 $0x8B00;
	v3 =	vperm.xlane v3, v2  }
0x311: {  	[hbm4b:s4+s2] =	stream.indirect_vreg.scatter [tilespmem:s10], [sflag:$0x5], $0x80, v4, vm0, $0xb8;
	[tilespmem:$0x18300] =	vst v63  }
0x312: {  	s11 =	simm.s32 $0x9300;
	v3 =	vadd.s32 v1, v3  }
0x313: {  	[hbm4b:s5+s2] =	stream.indirect_vreg.scatter [tilespmem:s11], [sflag:$0x5], $0x80, v4, vm0, $0xb8;
	[tilespmem:$0x18300] =	vst v63  }
0x314: {  	s16 =	simm.s32 $0x9B00  }
0x315: {  	[hbm4b:s6+s2] =	stream.indirect_vreg.scatter [tilespmem:s16], [sflag:$0x5], $0x80, v4, vm0, $0xb8;
	[tilespmem:$0x18300] =	vst v63  }
0x316: {  	s17 =	simm.s32 $0xA300  }
0x317: {  	[hbm4b:s3+s2] =	stream.indirect_vreg.scatter [tilespmem:s17], [sflag:$0x5], $0x80, v3, vm0, $0xb8;
	[tilespmem:$0x18300] =	vst v63  }
0x318: {  	s18 =	simm.s32 $0xAB00  }
0x319: {  	[hbm4b:s4+s2] =	stream.indirect_vreg.scatter [tilespmem:s18], [sflag:$0x5], $0x80, v3, vm0, $0xb8;
	[tilespmem:$0x18300] =	vst v63  }
0x31a: {  	s25 =	simm.s32 $0xB300  }
0x31b: {  	[hbm4b:s5+s2] =	stream.indirect_vreg.scatter [tilespmem:s25], [sflag:$0x5], $0x80, v3, vm0, $0xb8;
	[tilespmem:$0x18300] =	vst v63  }
0x31c: {  	s12 =	simm.s32 $0xBB00  }
0x31d: {  	[hbm4b:s6+s2] =	stream.indirect_vreg.scatter [tilespmem:s12], [sflag:$0x5], $0x80, v3, vm0, $0xb8;
	[tilespmem:$0x18300] =	vst v63  }
0x31e: {  	v3 =	vld [tilespmem:$0x90];
	_ =	sdelay $0x4  }
0x31f: {  	v61 =	vshll.u32 v3, $0x3  }
0x320: {  	v3 =	vand.u32 $0x7, v3;
	v4 =	vand.u32 $0xFFFFFFC0, v61  }
0x321: {  	v3 =	vor.u32 v3, v4  }
0x322: {  	v4 =	vperm.xlane v3, v0;
	_ =	sdelay $0x1  }
0x323: {  	v4 =	vadd.s32 v1, v4;
	_ =	sdelay $0x3  }
0x324: {  	s13 =	simm.s32 $0xC300  }
0x325: {  	[hbm4b:s3+s2] =	stream.indirect_vreg.scatter [tilespmem:s13], [sflag:$0x5], $0x80, v4, vm0, $0xb8;
	[tilespmem:$0x18300] =	vst v63  }
0x326: {  	s14 =	simm.s32 $0xCB00;
	v3 =	vperm.xlane v3, v2  }
0x327: {  	[hbm4b:s4+s2] =	stream.indirect_vreg.scatter [tilespmem:s14], [sflag:$0x5], $0x80, v4, vm0, $0xb8;
	[tilespmem:$0x18300] =	vst v63  }
0x328: {  	s29 =	simm.s32 $0xD300;
	v3 =	vadd.s32 v1, v3  }
0x329: {  	[hbm4b:s5+s2] =	stream.indirect_vreg.scatter [tilespmem:s29], [sflag:$0x5], $0x80, v4, vm0, $0xb8;
	[tilespmem:$0x18300] =	vst v63  }
0x32a: {  	s26 =	simm.s32 $0xDB00  }
0x32b: {  	[hbm4b:s6+s2] =	stream.indirect_vreg.scatter [tilespmem:s26], [sflag:$0x5], $0x80, v4, vm0, $0xb8;
	[tilespmem:$0x18300] =	vst v63  }
0x32c: {  	s19 =	simm.s32 $0xE300  }
0x32d: {  	[hbm4b:s3+s2] =	stream.indirect_vreg.scatter [tilespmem:s19], [sflag:$0x5], $0x80, v3, vm0, $0xb8;
	[tilespmem:$0x18300] =	vst v63  }
0x32e: {  	s20 =	simm.s32 $0xEB00  }
0x32f: {  	[hbm4b:s4+s2] =	stream.indirect_vreg.scatter [tilespmem:s20], [sflag:$0x5], $0x80, v3, vm0, $0xb8;
	[tilespmem:$0x18300] =	vst v63  }
0x330: {  	s21 =	simm.s32 $0xF300  }
0x331: {  	[hbm4b:s5+s2] =	stream.indirect_vreg.scatter [tilespmem:s21], [sflag:$0x5], $0x80, v3, vm0, $0xb8;
	[tilespmem:$0x18300] =	vst v63  }
0x332: {  	s22 =	simm.s32 $0xFB00  }
0x333: {  	[hbm4b:s6+s2] =	stream.indirect_vreg.scatter [tilespmem:s22], [sflag:$0x5], $0x80, v3, vm0, $0xb8;
	[tilespmem:$0x18300] =	vst v63  }
0x334: {  	v3 =	vld [tilespmem:$0x200];
	_ =	sdelay $0x4  }
0x335: {  	v62 =	vshll.u32 v3, $0x3  }
0x336: {  	v3 =	vand.u32 $0x7, v3;
	v4 =	vand.u32 $0xFFFFFFC0, v62  }
0x337: {  	v3 =	vor.u32 v3, v4  }
0x338: {  	v4 =	vperm.xlane v3, v0;
	_ =	sdelay $0x1  }
0x339: {  	v4 =	vadd.s32 v1, v4;
	_ =	sdelay $0x4  }
0x33a: {  	[hbm4b:s3+s2] =	stream.indirect_vreg.scatter [tilespmem:s8], [sflag:$0x8], $0x80, v4, vm0, $0xb8;
	[tilespmem:$0x18300] =	vst v63  }
0x33b: {  	v3 =	vperm.xlane v3, v2  }
0x33c: {  	[hbm4b:s4+s2] =	stream.indirect_vreg.scatter [tilespmem:s10], [sflag:$0x8], $0x80, v4, vm0, $0xb8;
	[tilespmem:$0x18300] =	vst v63  }
0x33d: {  	v3 =	vadd.s32 v1, v3  }
0x33e: {  	[hbm4b:s5+s2] =	stream.indirect_vreg.scatter [tilespmem:s11], [sflag:$0x8], $0x80, v4, vm0, $0xb8;
	[tilespmem:$0x18300] =	vst v63  }
0x33f: {  	_ = 	snop  }
0x340: {  	[hbm4b:s6+s2] =	stream.indirect_vreg.scatter [tilespmem:s16], [sflag:$0x8], $0x80, v4, vm0, $0xb8;
	[tilespmem:$0x18300] =	vst v63  }
0x341: {  	_ = 	snop  }
0x342: {  	[hbm4b:s3+s2] =	stream.indirect_vreg.scatter [tilespmem:s17], [sflag:$0x8], $0x80, v3, vm0, $0xb8;
	[tilespmem:$0x18300] =	vst v63  }
0x343: {  	_ = 	snop  }
0x344: {  	[hbm4b:s4+s2] =	stream.indirect_vreg.scatter [tilespmem:s18], [sflag:$0x8], $0x80, v3, vm0, $0xb8;
	[tilespmem:$0x18300] =	vst v63  }
0x345: {  	_ = 	snop  }
0x346: {  	[hbm4b:s5+s2] =	stream.indirect_vreg.scatter [tilespmem:s25], [sflag:$0x8], $0x80, v3, vm0, $0xb8;
	[tilespmem:$0x18300] =	vst v63  }
0x347: {  	_ = 	snop  }
0x348: {  	[hbm4b:s6+s2] =	stream.indirect_vreg.scatter [tilespmem:s12], [sflag:$0x8], $0x80, v3, vm0, $0xb8;
	[tilespmem:$0x18300] =	vst v63  }
0x349: {  	v3 =	vld [tilespmem:$0x210];
	_ =	sdelay $0x4  }
0x34a: {  	v63 =	vshll.u32 v3, $0x3  }
0x34b: {  	v3 =	vand.u32 $0x7, v3;
	v4 =	vand.u32 $0xFFFFFFC0, v63  }
0x34c: {  	v3 =	vor.u32 v3, v4  }
0x34d: {  	v4 =	vperm.xlane v3, v0;
	_ =	sdelay $0x1  }
0x34e: {  	v4 =	vadd.s32 v1, v4;
	_ =	sdelay $0x4  }
0x34f: {  	[hbm4b:s3+s2] =	stream.indirect_vreg.scatter [tilespmem:s13], [sflag:$0x8], $0x80, v4, vm0, $0xb8;
	[tilespmem:$0x18300] =	vst v63  }
0x350: {  	v3 =	vperm.xlane v3, v2  }
0x351: {  	[hbm4b:s4+s2] =	stream.indirect_vreg.scatter [tilespmem:s14], [sflag:$0x8], $0x80, v4, vm0, $0xb8;
	[tilespmem:$0x18300] =	vst v63  }
0x352: {  	v3 =	vadd.s32 v1, v3  }
0x353: {  	[hbm4b:s5+s2] =	stream.indirect_vreg.scatter [tilespmem:s29], [sflag:$0x8], $0x80, v4, vm0, $0xb8;
	[tilespmem:$0x18300] =	vst v63  }
0x354: {  	_ = 	snop  }
0x355: {  	[hbm4b:s6+s2] =	stream.indirect_vreg.scatter [tilespmem:s26], [sflag:$0x8], $0x80, v4, vm0, $0xb8;
	[tilespmem:$0x18300] =	vst v63  }
0x356: {  	_ = 	snop  }
0x357: {  	[hbm4b:s3+s2] =	stream.indirect_vreg.scatter [tilespmem:s19], [sflag:$0x8], $0x80, v3, vm0, $0xb8;
	[tilespmem:$0x18300] =	vst v63  }
0x358: {  	_ = 	snop  }
0x359: {  	[hbm4b:s4+s2] =	stream.indirect_vreg.scatter [tilespmem:s20], [sflag:$0x8], $0x80, v3, vm0, $0xb8;
	[tilespmem:$0x18300] =	vst v63  }
0x35a: {  	_ = 	snop  }
0x35b: {  	[hbm4b:s5+s2] =	stream.indirect_vreg.scatter [tilespmem:s21], [sflag:$0x8], $0x80, v3, vm0, $0xb8;
	[tilespmem:$0x18300] =	vst v63  }
0x35c: {  	s24 =	simm.s32 $0x4  }
0x35d: {  	[hbm4b:s6+s2] =	stream.indirect_vreg.scatter [tilespmem:s22], [sflag:$0x8], $0x80, v3, vm0, $0xb8;
	[tilespmem:$0x18300] =	vst v63  }
0x35e: {  	_ =	swait.ge [sflag:s24], $0x8000  }
0x35f: {  	[sflag:s24] =	ssyncset.done $0x0  }
0x360: {  	s23 =	simm.s32 $0x7;
	[sflag:s24] =	ssyncadd.s32 $0xFFFF8000  }
0x361: {  	_ =	swait.ge [sflag:s23], $0x8000  }
0x362: {  	[sflag:s23] =	ssyncset.done $0x0  }
0x363: {  	[sflag:s23] =	ssyncadd.s32 $0xFFFF8000  }
0x364: {  	_ =	swait.ge [sflag:s28], $0x8000  }
0x365: {  	[sflag:s28] =	ssyncset.done $0x0  }
0x366: {  	[sflag:s28] =	ssyncadd.s32 $0xFFFF8000  }
0x367: {  	_ =	swait.ge [sflag:s30], $0x8000  }
0x368: {  	[sflag:s30] =	ssyncset.done $0x0  }
0x369: {  	[sflag:s30] =	ssyncadd.s32 $0xFFFF8000  }
0x36a: {  	p0 =	sne.s32 s0, $0x1;
	_ =	swait.ge [sflag:s31], $0x8000  }
.Ltmp0:
0x36b: {  	[sflag:s31] =	ssyncset.done $0x0;
	(pc) =	sbr.rel @p0 .LBB2_1-.Ltmp0, $4  }
0x36c: {  	s26 =	simm.s32 $0x9;
	[sflag:s31] =	ssyncadd.s32 $0xFFFF8000  }
0x36d: {  	_ =	swait.ge [sflag:s26], $0x8000  }
0x36e: {  	s29 =	simm.s32 $0x9;
	[sflag:s26] =	ssyncset.done $0x0  }
0x36f: {  	s0 =	sadd.s32 $0xFFFFFFFF, s0;
	[sflag:s29] =	ssyncadd.s32 $0xFFFF8000  }
0x370: {  	_ =	sfence.sel $0x180000  }
0x371: {  	[bflag:$0x0] =	sbarrier.arrive $0xFFFF  }
0x372: {  	_ =	strace $0x90000047  }
0x373: {  	s0 =	stileid.u32;
	[bflag:$0x2] =	sbarrier.arrive $0xFFFF  }
0x374: {  	p0 =	sne.s32 s0, $0x0;
	s0 =	rddreg [dreg:$0x2]  }
0x375: {  	s0 =	sadd.s32 @!p0 $0x100000, s0  }
0x376: {  	[sflag:s0] =	ssyncadd.tile.s32 @!p0 $0x1;
	_ =	shalt  }
.Lfunc_end2:
_tile_overlayer_lowered:
.L_overlay_start_2:
0x377: {  	(tag) =	ssettag $0x2  }
0x378: {  	s0 =	rddreg [dreg:$0x0];
	s2 =	stileid.u32  }
0x379: {  	s1 =	rddreg [dreg:$0x1];
	p0 =	sne.s32 s2, $0x0  }
0x37a: {  	s3 =	rddreg [dreg:$0x2];
	[bflag:$0x3] =	sbarrier.arrive $0xFFFF;
	s2 =	simm.s32 @!p0 $0x1C0A  }
0x37b: {  	[timem:s3], [sflag:s2] =	dma.local @!p0 [hbm:s0], s1  }
0x37c: {  	s0 =	simm.s32 @!p0 $0xA  }
0x37d: {  	_ =	swait.ge @!p0 [sflag:s0], s1  }
0x37e: {  	s1 =	ssub.s32 @!p0 $0x0, s1;
	[sflag:s0] =	ssyncset.done @!p0 $0x0  }
0x37f: {  	[sflag:s0] =	ssyncadd.s32 @!p0 s1  }
0x380: {  	[bflag:$0x3] =	sbarrier.arrive $0xFFFF  }
0x381: {  	_ =	shalt  }

// kernel: kernel.9.cloned.1.call-start
scs
__scs_entry_jumppad:
0x0: {  	(pc) =	sbr.rel $0x88, $3  }
0x1: {  	(tag) =	ssettag $0x0;
	lr =	simm.s32 $0x1  }
0x2: {  	[smem:$0x3F9A] =	sst lr;
	_ =	strace $0xD0000000  }
0x3: {  	_ = 	snop  }
0x4: {  	_ = 	snop  }
0x5: {  	_ = 	snop  }
0x6: {  	_ = 	snop  }
0x7: {  	_ = 	snop  }
__scs_overlays_trampoline_lowered:
0x8: {  	[smem:$0x3FA9] =	sst s0  }
0x9: {  	[smem:$0x3FAA] =	sst s1  }
0xa: {  	[smem:$0x3FAB] =	sst s2  }
0xb: {  	[smem:$0x3FAC] =	sst s3  }
0xc: {  	[smem:$0x3FAD] =	sst s4  }
0xd: {  	[smem:$0x3FAE] =	sst s5  }
0xe: {  	[smem:$0x3FAF] =	sst s6  }
0xf: {  	[smem:$0x3FB0] =	sst s7  }
0x10: {  	[smem:$0x3FB1] =	sst s8  }
0x11: {  	[smem:$0x3FB2] =	sst s9;
	s0 =	simm.s32 @!p0 $0x0  }
0x12: {  	s1 =	sld [smem:$0x3F98];
	s0 =	simm.s32 @p0 $0x1  }
0x13: {  	[smem:$0x3FB3] =	sst s0;
	s0 =	simm.s32 @!p1 $0x0  }
0x14: {  	s2 =	sld [smem:$0x3F97];
	s0 =	simm.s32 @p1 $0x1  }
0x15: {  	[smem:$0x3FB4] =	sst s0;
	s0 =	simm.s32 @!p2 $0x0  }
0x16: {  	s3 =	sld [smem:$0x3FDB];
	s0 =	simm.s32 @p2 $0x1  }
0x17: {  	s4 =	simm.s32 $0x1BF5;
	[smem:$0x3FB6] =	sst s0  }
0x18: {  	s0 =	sld [smem:$0x3F99];
	_ =	swait.ge [sflag:s4], $0x0  }
0x19: {  	s7 =	sld [smem:$0x3F9A]  }
0x1a: {  	s8 =	sadd.s32 $0xFFFFE003, lr  }
0x1b: {  	s9 =	sadd.s32 $0xFFFFFEF7, lr;
	s5 =	simm.s32 $0xFFFFFFFF;
	p2 =	slt.u32 s8, $0xFFFFF086  }
0x1c: {  	p1 =	slt.u32 s9, $0xF7A;
	s5 =	simm.s32 @!p2 $0x0  }
0x1d: {  	s5 =	simm.s32 @p1 $0x1;
	p0 =	seq.s32 s7, s2  }
0x1e: {  	s7 =	smul.u32 @!p0 $0xF7A, s2;
	p2 =	seq.s32 @!p0 s5, $0x0  }
0x1f: {  	s9 =	smul.u32 $0xF7A, s1;
	s8 =	simm.s32 @!p0 $0x1BF5;
	p2 =	por !p2, p0  }
0x20: {  	[sflag:s8] =	ssyncset.s32 @!p0 $0xFFFFF086;
	s6 =	sadd.s32 @!p0 s3, s7;
	s7 =	simm.s32 @!p0 $0x108  }
0x21: {  	s3 =	sadd.s32 s3, s9;
	s6 =	sadd.s32 @!p0 $0x88, s6;
	s7 =	simm.s32 @p2 $0x1082  }
0x22: {  	[simem:s7], [sflag:s8] =	dma.local @!p0 [hbm:s6], $0xF7A  }
0x23: {  	s9 =	sor.u32 $0xD0000000, s2;
	s6 =	simm.s32 $0x108;
	_ =	swait.ge @!p0 [sflag:s8], $0x0  }
0x24: {  	s3 =	sadd.s32 $0x88, s3;
	s6 =	simm.s32 @!p1 $0x1082;
	[sflag:s4] =	ssyncset.s32 $0xFFFFF086  }
0x25: {  	[simem:s6], [sflag:s4] =	dma.local [hbm:s3], $0xF7A  }
0x26: {  	[smem:$0x3F9A] =	sst s1;
	(tag) =	ssettag s2;
	_ =	strace s9  }
0x27: {  	s1 =	sld [smem:$0x3FAA]  }
0x28: {  	s2 =	sld [smem:$0x3FAB]  }
0x29: {  	s4 =	sld [smem:$0x3FAD]  }
0x2a: {  	p0 =	seq.s32 s5, $0x0;
	s5 =	sld [smem:$0x3FAE]  }
0x2b: {  	s6 =	sld [smem:$0x3FAF]  }
0x2c: {  	s7 =	sld [smem:$0x3FB0]  }
0x2d: {  	s3 =	simm.s32 $0x108;
	s8 =	sld [smem:$0x3FB1]  }
0x2e: {  	s3 =	simm.s32 @!p0 $0x1082;
	s9 =	sld [smem:$0x3FB2]  }
0x2f: {  	lr =	sadd.s32 s0, s3;
	s0 =	sld [smem:$0x3FA9]  }
0x30: {  	s3 =	sld [smem:$0x3FAC]  }
0x31: {  	[smem:$0x3FB5] =	sst s10  }
0x32: {  	s10 =	sld [smem:$0x3FB3];
	_ =	sdelay $0x3  }
0x33: {  	p0 =	seq.s32 s10, $0x1;
	s10 =	sld [smem:$0x3FB5];
	_ =	sdelay $0x3  }
0x34: {  	[smem:$0x3FB5] =	sst s10  }
0x35: {  	s10 =	sld [smem:$0x3FB4];
	_ =	sdelay $0x3  }
0x36: {  	p1 =	seq.s32 s10, $0x1;
	s10 =	sld [smem:$0x3FB5];
	_ =	sdelay $0x3  }
0x37: {  	[smem:$0x3FB5] =	sst s10  }
0x38: {  	s10 =	sld [smem:$0x3FB6]  }
0x39: {  	_ = 	snop;
	(pc) =	sbr.ind lr, $3  }
0x3a: {  	_ = 	snop  }
0x3b: {  	_ = 	snop  }
0x3c: {  	p2 =	seq.s32 s10, $0x1;
	s10 =	sld [smem:$0x3FB5]  }
0x3d: {  	_ =	shalt  }
0x3e: {  	_ =	shalt  }
0x3f: {  	_ =	shalt  }
0x40: {  	_ =	shalt  }
0x41: {  	_ =	shalt  }
0x42: {  	_ =	shalt  }
0x43: {  	_ =	shalt  }
0x44: {  	_ =	shalt  }
0x45: {  	_ =	shalt  }
0x46: {  	_ =	shalt  }
0x47: {  	_ =	shalt  }
0x48: {  	_ =	shalt  }
0x49: {  	_ =	shalt  }
0x4a: {  	_ =	shalt  }
0x4b: {  	_ =	shalt  }
0x4c: {  	_ =	shalt  }
0x4d: {  	_ =	shalt  }
0x4e: {  	_ =	shalt  }
0x4f: {  	_ =	shalt  }
0x50: {  	_ =	shalt  }
0x51: {  	_ =	shalt  }
0x52: {  	_ =	shalt  }
0x53: {  	_ =	shalt  }
0x54: {  	_ =	shalt  }
0x55: {  	_ =	shalt  }
0x56: {  	_ =	shalt  }
0x57: {  	_ =	shalt  }
0x58: {  	_ =	shalt  }
0x59: {  	_ =	shalt  }
0x5a: {  	_ =	shalt  }
0x5b: {  	_ =	shalt  }
0x5c: {  	_ =	shalt  }
0x5d: {  	_ =	shalt  }
0x5e: {  	_ =	shalt  }
0x5f: {  	_ =	shalt  }
0x60: {  	_ =	shalt  }
0x61: {  	_ =	shalt  }
0x62: {  	_ =	shalt  }
0x63: {  	_ =	shalt  }
0x64: {  	_ =	shalt  }
0x65: {  	_ =	shalt  }
0x66: {  	_ =	shalt  }
0x67: {  	_ =	shalt  }
0x68: {  	_ =	shalt  }
0x69: {  	_ =	shalt  }
0x6a: {  	_ =	shalt  }
0x6b: {  	_ =	shalt  }
0x6c: {  	_ =	shalt  }
0x6d: {  	_ =	shalt  }
0x6e: {  	_ =	shalt  }
0x6f: {  	_ =	shalt  }
0x70: {  	_ =	shalt  }
0x71: {  	_ =	shalt  }
0x72: {  	_ =	shalt  }
0x73: {  	_ =	shalt  }
0x74: {  	_ =	shalt  }
0x75: {  	_ =	shalt  }
0x76: {  	_ =	shalt  }
0x77: {  	_ =	shalt  }
0x78: {  	_ =	shalt  }
0x79: {  	_ =	shalt  }
0x7a: {  	_ =	shalt  }
0x7b: {  	_ =	shalt  }
0x7c: {  	_ =	shalt  }
0x7d: {  	_ =	shalt  }
0x7e: {  	_ =	shalt  }
0x7f: {  	_ =	shalt  }
0x80: {  	_ =	shalt  }
0x81: {  	_ =	shalt  }
0x82: {  	_ =	shalt  }
0x83: {  	_ =	shalt  }
0x84: {  	_ =	shalt  }
0x85: {  	_ =	shalt  }
0x86: {  	_ =	shalt  }
0x87: {  	_ =	shalt  }
.Lfunc_end0:
.L_simem_size_0:
called_computation.1_lowered:
.L_overlay_start_0:
0x88: {  	s2 =	sld [smem:$0x3FD9]  }
0x89: {  	s3 =	sld [smem:$0x3FFE];
	_ =	sdelay $0x1  }
0x8a: {  	s1 =	srdreg.scid  }
0x8b: {  	s0 =	sand.u32 $0x1, s1  }
0x8c: {  	s17 =	sshll.u32 s0, $0xA;
	s2 =	sadd.s32 s3, s2  }
0x8d: {  	s2 =	sadd.s32 s2, s17  }
0x8e: {  	[smem:$0x3FC1] =	sst s2  }
0x8f: {  	_ = 	snop  }
0x90: {  	s2 =	sld [smem:$0x3FD0];
	(tm) =	ssettm $0x1  }
0x91: {  	s18 =	sld [smem:$0x3FFB];
	_ =	sdelay $0x3  }
0x92: {  	_ =	strace s18  }
0x93: {  	s3 =	sld [smem:$0x3FFC];
	_ =	sdelay $0x3  }
0x94: {  	_ =	strace s3  }
0x95: {  	s3 =	sld [smem:$0x3FFD];
	_ =	sdelay $0x3  }
0x96: {  	_ =	strace s3  }
0x97: {  	_ =	strace $0x8FFFFFFF  }
0x98: {  	s19 =	sld [smem:$0x3FDB];
	_ =	sdelay $0x1  }
0x99: {  	s4 =	simm.s32 $_scs_section_size  }
0x9a: {  	s5 =	simm.s32 $_size__tile_overlayer_lowered;
	s6 =	simm.s32 $_tile_overlayer_lowered  }
0x9b: {  	s22 =	simm.s32 $0x1BFF;
	s21 =	sshll.u32 s6, $0x1;
	s3 =	sadd.s32 s4, s19  }
0x9c: {  	s7 =	simm.s32 $0x0;
	s20 =	sshll.u32 s5, $0x1;
	s5 =	sadd.s32 s21, s3  }
0x9d: {  	[timem:s7], [sflag:s22] =	dma.local [hbm:s5], s20  }
0x9e: {  	_ =	swait.ge [sflag:s22], s20  }
0x9f: {  	s4 =	ssub.s32 $0x0, s20;
	[sflag:s22] =	ssyncset.done $0x0  }
0xa0: {  	[sflag:s22] =	ssyncadd.s32 s4;
	_ =	sdelay $0x1  }
0xa1: {  	s23 =	simm.s32 $0x1B8B  }
0xa2: {  	_ =	swait.ge [sflag:s23], $0x1  }
0xa3: {  	[sflag:s23] =	ssyncset.done $0x0  }
0xa4: {  	s25 =	simm.s32 $0x1B8E;
	s24 =	sld [smem:$0x3FFE];
	[sflag:s23] =	ssyncadd.s32 $0xFFFFFFFF  }
0xa5: {  	s26 =	simm.s32 $execute0_lowered;
	[smem:$0x3FD2] =	sst s25  }
0xa6: {  	s5 =	sshll.u32 s26, $0x1;
	_ =	strace $0x80000049;
	[dreg:$0x1] =	wrdreg $0xFFFFFFFF  }
0xa7: {  	s28 =	simm.s32 $_size_execute0_lowered;
	s3 =	sadd.s32 s3, s5;
	[dreg:$0x0] =	wrdreg $0x0  }
0xa8: {  	s5 =	sshll.u32 s28, $0x1;
	[dreg:$0x2] =	wrdreg s3  }
0xa9: {  	[dreg:$0x3] =	wrdreg s5  }
0xaa: {  	[dreg:$0x4] =	wrdreg $0xC0  }
0xab: {  	_ =	task [dreg:s7], $0x5FFFF  }
0xac: {  	[dreg:$0x1] =	wrdreg $0xFFFFFFFF  }
0xad: {  	[dreg:$0x0] =	wrdreg $0x60  }
0xae: {  	[dreg:$0x2] =	wrdreg s24  }
0xaf: {  	[dreg:$0x3] =	wrdreg s2  }
0xb0: {  	[dreg:$0x4] =	wrdreg $0x9  }
0xb1: {  	_ =	task.clear_ibuf [dreg:s7], $0x5FFFF;
	_ =	strace $0x90000049  }
0xb2: {  	s29 =	simm.s32 $0x9;
	_ =	strace $0x8000004B  }
0xb3: {  	_ =	swait.ge [sflag:s29], $0x1  }
0xb4: {  	[sflag:s29] =	ssyncadd.s32 $0xFFFFFFFF  }
0xb5: {  	_ =	strace $0x9000004B  }
0xb6: {  	_ =	sfence  }
0xb7: {  	s30 =	sld [smem:$0x0];
	_ =	sdelay $0x2  }
0xb8: {  	s31 =	sshll.u32 s1, $0xD;
	s1 =	sshrl.u32 s1, $0x2  }
0xb9: {  	s3 =	sand.u32 $0x4000, s31;
	s1 =	sadd.s32 s1, s30  }
0xba: {  	s0 =	sor.u32 s3, s0;
	s1 =	sshll.u32 s1, $0x11  }
0xbb: {  	s0 =	sor.u32 s1, s0  }
0xbc: {  	s0 =	sadd.s32 $0x8F2B, s0  }
0xbd: {  	[sflag:s0] =	ssyncadd.remote.s32 $0x1  }
0xbe: {  	_ =	sfence.sel $0xFFFF  }
0xbf: {  	[dreg:$0x0] =	wrdreg $0xFFFFFFFF;
	(pc) =	sbr.abs _section_cstart, $3  }
0xc0: {  	[dreg:$0x1] =	wrdreg $0xFFFFFFFF  }
0xc1: {  	_ =	task.clear_ibuf [dreg:s7], $0x2FFFF;
	_ =	strace $0x9FFFFFFF  }
0xc2: {  	(tm) =	ssettm $0x7FFFFFFF  }
0xc3: {  	_ =	shalt  }
tec
execute0_lowered:
.L_overlay_start_1:
0x0: {  	(tag) =	ssettag $0x1  }
0x1: {  	s1 =	rddreg [dreg:$0x0]  }
0x2: {  	s11 =	rddreg [dreg:$0x1];
	s3 =	simm.s32 $0x0  }
0x3: {  	s0 =	srdreg.scid;
	s4 =	stileid.u32;
	s28 =	simm.s32 $0x9100  }
0x4: {  	s29 =	simm.s32 $0x3;
	s30 =	simm.s32 $0x4;
	s31 =	simm.s32 $0x16200  }
0x5: {  	[smem:$0x7FF] =	sst s3;
	s5 =	sadd.s32 $0x6C1000, s1;
	s6 =	sadd.s32 $0x40400, s1  }
0x6: {  	s4 =	sshll.u32 s4, $0x9;
	s7 =	sadd.s32 $0x40000, s1;
	s9 =	sadd.s32 $0x20000, s1  }
0x7: {  	s0 =	sand.u32 $0x1, s0;
	s14 =	sadd.s32 $0x6C1100, s1;
	s15 =	sadd.s32 $0x6C1200, s1  }
0x8: {  	s16 =	sadd.s32 $0x6C1300, s1;
	s2 =	ssub.s32 $0x2, s0;
	s0 =	sshll.u32 s0, $0x8  }
0x9: {  	_ =	strace $0x8000004A;
	s10 =	sshrl.u32 s2, $0x1;
	s8 =	sor.u32 s0, s4  }
0xa: {  	s18 =	ssub.s32 s2, s10;
	s19 =	sshrl.u32 s8, $0x3;
	s21 =	sshll.u32 s8, $0x4  }
0xb: {  	s23 =	sor.u32 $0x10, s8;
	s10 =	simm.s32 $0x0;
	s20 =	sadd.s32 s6, s19  }
0xc: {  	s2 =	sadd.s32 s7, s19;
	s22 =	sadd.s32 s1, s21;
	[dreg:$0x3] =	wrdreg s20  }
0xd: {  	s24 =	sshrl.u32 s23, $0x3;
	s0 =	smax.u32 s18, $0x1;
	[dreg:$0x4] =	wrdreg s2  }
0xe: {  	[dreg:$0x5] =	wrdreg s22;
	s2 =	sadd.s32 s9, s21;
	s25 =	sadd.s32 s6, s24  }
0xf: {  	s4 =	sadd.s32 s7, s24;
	s21 =	sadd.s32 $0x800, s11;
	[dreg:$0xb] =	wrdreg s0  }
.Ltmp0:
0x10: {  	v2 =	vlaneseq.u32;
	s22 =	simm.s32 $0x14A00;
	[dreg:$0x6] =	wrdreg s2;
	(pc) =	sbr.rel .LBB2_1-.Ltmp0, $4  }
0x11: {  	v0 =	vand.u32 $0x7, v2;
	v1 =	vshrl.u32 v2, $0x3;
	s24 =	simm.s32 $0x15A00;
	[dreg:$0x7] =	wrdreg s25;
	s2 =	sshll.u32 s23, $0x4  }
0x12: {  	v63 =	vor.u32 $0x8, v2;
	[tilespmem:$0x1FFD0] =	vst v0;
	v62 =	vmul.u32 $0x8, v1;
	[dreg:$0x8] =	wrdreg s4;
	s23 =	simm.s32 $0x7;
	s26 =	sadd.s32 s1, s2  }
0x13: {  	[tilespmem:$0x1FFF0] =	vst v63;
	s25 =	simm.s32 $0x1;
	s2 =	sadd.s32 s9, s2;
	[dreg:$0x9] =	wrdreg s26  }
0x14: {  	vm0 =	vmmov $0xffff;
	[tilespmem:$0x1FFE0] =	vst v62;
	[dreg:$0xa] =	wrdreg s2;
	s2 =	simm.s32 $0x15200;
	s26 =	simm.s32 $0x2  }
.LBB2_8:
0x15: {  	s0 =	simm.s32 $0x5  }
0x16: {  	_ =	swait.ge [sflag:s0], $0x4000  }
0x17: {  	[sflag:s0] =	ssyncset.done $0x0  }
0x18: {  	s4 =	simm.s32 $0x6;
	[sflag:s0] =	ssyncadd.s32 $0xFFFFC000  }
0x19: {  	_ =	swait.ge [sflag:s4], $0x4000  }
0x1a: {  	s10 =	rddreg [dreg:$0xc]  }
0x1b: {  	s20 =	rddreg [dreg:$0xb];
	s10 =	sadd.s32 $0x1, s10  }
0x1c: {  	p0 =	sne.s32 s10, s20  }
.Ltmp1:
0x1d: {  	_ = 	snop;
	(pc) =	sbr.rel @!p0 .LBB2_9-.Ltmp1, $3  }
0x1e: {  	_ =	sdelay $0x1  }
0x1f: {  	[sflag:s4] =	ssyncset.done $0x0  }
0x20: {  	[sflag:s4] =	ssyncadd.s32 $0xFFFFC000  }
.LBB2_1:
0x21: {  	[dreg:$0xc] =	wrdreg s10  }
0x22: {  	s0 =	rddreg [dreg:$0x3]  }
0x23: {  	[tilespmem:s3], [sflag:$0x7] =	stream.linear.gather [hbm4b:s0+s3], $0x10, $0x38;
	[tilespmem:$0x1A200] =	vst v63  }
0x24: {  	_ =	swait.ge [sflag:s23], $0x10  }
0x25: {  	[sflag:s23] =	ssyncset.done $0x0  }
0x26: {  	s4 =	simm.s32 $0x80;
	s11 =	rddreg [dreg:$0x4];
	[sflag:s23] =	ssyncadd.s32 $0xFFFFFFF0  }
0x27: {  	[tilespmem:s4], [sflag:$0x7] =	stream.linear.gather [hbm4b:s11+s3], $0x10, $0x38;
	[tilespmem:$0x1A200] =	vst v63  }
0x28: {  	_ =	swait.ge [sflag:s23], $0x10  }
0x29: {  	[sflag:s23] =	ssyncset.done $0x0  }
0x2a: {  	s13 =	simm.s32 $0x100;
	s12 =	rddreg [dreg:$0x5];
	[sflag:s23] =	ssyncadd.s32 $0xFFFFFFF0  }
0x2b: {  	[tilespmem:s13], [sflag:$0x7] =	stream.linear.gather [hbm4b:s12+s3], $0x800, $0x38;
	[tilespmem:$0x1A200] =	vst v63  }
0x2c: {  	_ =	swait.ge [sflag:s23], $0x800  }
0x2d: {  	[sflag:s23] =	ssyncset.done $0x0  }
0x2e: {  	s18 =	simm.s32 $0x900;
	s17 =	rddreg [dreg:$0x6];
	[sflag:s23] =	ssyncadd.s32 $0xFFFFF800  }
0x2f: {  	[tilespmem:s18], [sflag:$0x7] =	stream.linear.gather [hbm4b:s17+s3], $0x800, $0x38;
	[tilespmem:$0x1A200] =	vst v63  }
0x30: {  	_ =	swait.ge [sflag:s23], $0x800  }
0x31: {  	[sflag:s23] =	ssyncset.done $0x0  }
0x32: {  	[sflag:s23] =	ssyncadd.s32 $0xFFFFF800  }
0x33: {  	v3 =	vld [tilespmem:$0x0];
	_ =	sdelay $0x2  }
0x34: {  	v0 =	vld [tilespmem:$0x1FFD0];
	_ =	sdelay $0x1  }
0x35: {  	v1 =	vld [tilespmem:$0x1FFE0];
	v4 =	vshll.u32 v3, $0x3  }
0x36: {  	v3 =	vand.u32 $0x7, v3;
	v4 =	vand.u32 $0xFFFFFFC0, v4  }
0x37: {  	v3 =	vor.u32 v3, v4  }
0x38: {  	v4 =	vperm.xlane v3, v0;
	_ =	sdelay $0x1  }
0x39: {  	v4 =	vadd.s32 v1, v4  }
0x3a: {  	v2 =	vld [tilespmem:$0x1FFF0];
	_ =	sdelay $0x2  }
0x3b: {  	s19 =	simm.s32 $0x1100  }
0x3c: {  	[tilespmem:s19], [sflag:$0x1] =	stream.indirect_vreg.gather [hbm4b:s5+s3], $0x80, v4, vm0, $0xb8;
	[tilespmem:$0x1A200] =	vst v63  }
0x3d: {  	s20 =	simm.s32 $0x1900;
	v3 =	vperm.xlane v3, v2  }
0x3e: {  	[tilespmem:s20], [sflag:$0x1] =	stream.indirect_vreg.gather [hbm4b:s14+s3], $0x80, v4, vm0, $0xb8;
	[tilespmem:$0x1A200] =	vst v63  }
0x3f: {  	s4 =	simm.s32 $0x2100;
	v3 =	vadd.s32 v1, v3  }
0x40: {  	[tilespmem:s4], [sflag:$0x1] =	stream.indirect_vreg.gather [hbm4b:s15+s3], $0x80, v4, vm0, $0xb8;
	[tilespmem:$0x1A200] =	vst v63  }
0x41: {  	s10 =	simm.s32 $0x2900  }
0x42: {  	[tilespmem:s10], [sflag:$0x1] =	stream.indirect_vreg.gather [hbm4b:s16+s3], $0x80, v4, vm0, $0xb8;
	[tilespmem:$0x1A200] =	vst v63  }
0x43: {  	s11 =	simm.s32 $0x3100  }
0x44: {  	[tilespmem:s11], [sflag:$0x1] =	stream.indirect_vreg.gather [hbm4b:s5+s3], $0x80, v3, vm0, $0xb8;
	[tilespmem:$0x1A200] =	vst v63  }
0x45: {  	s12 =	simm.s32 $0x3900  }
0x46: {  	[tilespmem:s12], [sflag:$0x1] =	stream.indirect_vreg.gather [hbm4b:s14+s3], $0x80, v3, vm0, $0xb8;
	[tilespmem:$0x1A200] =	vst v63  }
0x47: {  	s13 =	simm.s32 $0x4100  }
0x48: {  	[tilespmem:s13], [sflag:$0x1] =	stream.indirect_vreg.gather [hbm4b:s15+s3], $0x80, v3, vm0, $0xb8;
	[tilespmem:$0x1A200] =	vst v63  }
0x49: {  	s17 =	simm.s32 $0x4900  }
0x4a: {  	[tilespmem:s17], [sflag:$0x1] =	stream.indirect_vreg.gather [hbm4b:s16+s3], $0x80, v3, vm0, $0xb8;
	[tilespmem:$0x1A200] =	vst v63  }
0x4b: {  	v3 =	vld [tilespmem:$0x80];
	_ =	sdelay $0x4  }
0x4c: {  	v60 =	vshll.u32 v3, $0x3  }
0x4d: {  	v3 =	vand.u32 $0x7, v3;
	v4 =	vand.u32 $0xFFFFFFC0, v60  }
0x4e: {  	v3 =	vor.u32 v3, v4  }
0x4f: {  	v4 =	vperm.xlane v3, v0;
	_ =	sdelay $0x1  }
0x50: {  	v4 =	vadd.s32 v1, v4;
	_ =	sdelay $0x3  }
0x51: {  	s18 =	simm.s32 $0x5100  }
0x52: {  	[tilespmem:s18], [sflag:$0x2] =	stream.indirect_vreg.gather [hbm4b:s5+s3], $0x80, v4, vm0, $0xb8;
	[tilespmem:$0x1A200] =	vst v63  }
0x53: {  	s19 =	simm.s32 $0x5900;
	v3 =	vperm.xlane v3, v2  }
0x54: {  	[tilespmem:s19], [sflag:$0x2] =	stream.indirect_vreg.gather [hbm4b:s14+s3], $0x80, v4, vm0, $0xb8;
	[tilespmem:$0x1A200] =	vst v63  }
0x55: {  	s20 =	simm.s32 $0x6100;
	v3 =	vadd.s32 v1, v3  }
0x56: {  	[tilespmem:s20], [sflag:$0x2] =	stream.indirect_vreg.gather [hbm4b:s15+s3], $0x80, v4, vm0, $0xb8;
	[tilespmem:$0x1A200] =	vst v63  }
0x57: {  	s4 =	simm.s32 $0x6900  }
0x58: {  	[tilespmem:s4], [sflag:$0x2] =	stream.indirect_vreg.gather [hbm4b:s16+s3], $0x80, v4, vm0, $0xb8;
	[tilespmem:$0x1A200] =	vst v63  }
0x59: {  	s10 =	simm.s32 $0x7100  }
0x5a: {  	[tilespmem:s10], [sflag:$0x2] =	stream.indirect_vreg.gather [hbm4b:s5+s3], $0x80, v3, vm0, $0xb8;
	[tilespmem:$0x1A200] =	vst v63  }
0x5b: {  	s11 =	simm.s32 $0x7900  }
0x5c: {  	[tilespmem:s11], [sflag:$0x2] =	stream.indirect_vreg.gather [hbm4b:s14+s3], $0x80, v3, vm0, $0xb8;
	[tilespmem:$0x1A200] =	vst v63  }
0x5d: {  	s12 =	simm.s32 $0x8100  }
0x5e: {  	[tilespmem:s12], [sflag:$0x2] =	stream.indirect_vreg.gather [hbm4b:s15+s3], $0x80, v3, vm0, $0xb8;
	[tilespmem:$0x1A200] =	vst v63  }
0x5f: {  	s13 =	simm.s32 $0x8900  }
0x60: {  	[tilespmem:s13], [sflag:$0x2] =	stream.indirect_vreg.gather [hbm4b:s16+s3], $0x80, v3, vm0, $0xb8;
	[tilespmem:$0x1A200] =	vst v63  }
0x61: {  	s17 =	rddreg [dreg:$0x7];
	s18 =	simm.s32 $0xD100  }
0x62: {  	[tilespmem:s18], [sflag:$0x7] =	stream.linear.gather [hbm4b:s17+s3], $0x10, $0x38;
	[tilespmem:$0x1A200] =	vst v63  }
0x63: {  	_ =	swait.ge [sflag:s23], $0x10  }
0x64: {  	[sflag:s23] =	ssyncset.done $0x0  }
0x65: {  	s20 =	simm.s32 $0xD180;
	s19 =	rddreg [dreg:$0x8];
	[sflag:s23] =	ssyncadd.s32 $0xFFFFFFF0  }
0x66: {  	[tilespmem:s20], [sflag:$0x7] =	stream.linear.gather [hbm4b:s19+s3], $0x10, $0x38;
	[tilespmem:$0x1A200] =	vst v63  }
0x67: {  	_ =	swait.ge [sflag:s23], $0x10  }
0x68: {  	[sflag:s23] =	ssyncset.done $0x0  }
0x69: {  	s11 =	simm.s32 $0xD200;
	s10 =	rddreg [dreg:$0x9];
	[sflag:s23] =	ssyncadd.s32 $0xFFFFFFF0  }
0x6a: {  	[tilespmem:s11], [sflag:$0x7] =	stream.linear.gather [hbm4b:s10+s3], $0x800, $0x38;
	[tilespmem:$0x1A200] =	vst v63  }
0x6b: {  	_ =	swait.ge [sflag:s23], $0x800  }
0x6c: {  	[sflag:s23] =	ssyncset.done $0x0  }
0x6d: {  	s13 =	simm.s32 $0xDA00;
	s12 =	rddreg [dreg:$0xa];
	[sflag:s23] =	ssyncadd.s32 $0xFFFFF800  }
0x6e: {  	[tilespmem:s13], [sflag:$0x7] =	stream.linear.gather [hbm4b:s12+s3], $0x800, $0x38;
	[tilespmem:$0x1A200] =	vst v63  }
0x6f: {  	_ =	swait.ge [sflag:s23], $0x800  }
0x70: {  	[sflag:s23] =	ssyncset.done $0x0  }
0x71: {  	[sflag:s23] =	ssyncadd.s32 $0xFFFFF800  }
0x72: {  	v61 =	vld [tilespmem:$0xD100];
	_ =	sdelay $0x4  }
0x73: {  	v62 =	vshll.u32 v61, $0x3  }
0x74: {  	v3 =	vand.u32 $0x7, v61;
	v4 =	vand.u32 $0xFFFFFFC0, v62  }
0x75: {  	v3 =	vor.u32 v3, v4  }
0x76: {  	v4 =	vperm.xlane v3, v0;
	_ =	sdelay $0x1  }
0x77: {  	v4 =	vadd.s32 v1, v4;
	_ =	sdelay $0x3  }
0x78: {  	s17 =	simm.s32 $0xE200  }
0x79: {  	[tilespmem:s17], [sflag:$0x3] =	stream.indirect_vreg.gather [hbm4b:s5+s3], $0x80, v4, vm0, $0xb8;
	[tilespmem:$0x1A200] =	vst v63  }
0x7a: {  	s18 =	simm.s32 $0xEA00;
	v3 =	vperm.xlane v3, v2  }
0x7b: {  	[tilespmem:s18], [sflag:$0x3] =	stream.indirect_vreg.gather [hbm4b:s14+s3], $0x80, v4, vm0, $0xb8;
	[tilespmem:$0x1A200] =	vst v63  }
0x7c: {  	s19 =	simm.s32 $0xF200;
	v3 =	vadd.s32 v1, v3  }
0x7d: {  	[tilespmem:s19], [sflag:$0x3] =	stream.indirect_vreg.gather [hbm4b:s15+s3], $0x80, v4, vm0, $0xb8;
	[tilespmem:$0x1A200] =	vst v63  }
0x7e: {  	s20 =	simm.s32 $0xFA00  }
0x7f: {  	[tilespmem:s20], [sflag:$0x3] =	stream.indirect_vreg.gather [hbm4b:s16+s3], $0x80, v4, vm0, $0xb8;
	[tilespmem:$0x1A200] =	vst v63  }
0x80: {  	s4 =	simm.s32 $0x10200  }
0x81: {  	[tilespmem:s4], [sflag:$0x3] =	stream.indirect_vreg.gather [hbm4b:s5+s3], $0x80, v3, vm0, $0xb8;
	[tilespmem:$0x1A200] =	vst v63  }
0x82: {  	s10 =	simm.s32 $0x10A00  }
0x83: {  	[tilespmem:s10], [sflag:$0x3] =	stream.indirect_vreg.gather [hbm4b:s14+s3], $0x80, v3, vm0, $0xb8;
	[tilespmem:$0x1A200] =	vst v63  }
0x84: {  	s11 =	simm.s32 $0x11200  }
0x85: {  	[tilespmem:s11], [sflag:$0x3] =	stream.indirect_vreg.gather [hbm4b:s15+s3], $0x80, v3, vm0, $0xb8;
	[tilespmem:$0x1A200] =	vst v63  }
0x86: {  	s12 =	simm.s32 $0x11A00  }
0x87: {  	[tilespmem:s12], [sflag:$0x3] =	stream.indirect_vreg.gather [hbm4b:s16+s3], $0x80, v3, vm0, $0xb8;
	[tilespmem:$0x1A200] =	vst v63  }
0x88: {  	v3 =	vld [tilespmem:$0xD180];
	_ =	sdelay $0x4  }
0x89: {  	v63 =	vshll.u32 v3, $0x3  }
0x8a: {  	v3 =	vand.u32 $0x7, v3;
	v4 =	vand.u32 $0xFFFFFFC0, v63  }
0x8b: {  	v3 =	vor.u32 v3, v4  }
0x8c: {  	v4 =	vperm.xlane v3, v0;
	_ =	sdelay $0x1  }
0x8d: {  	v4 =	vadd.s32 v1, v4;
	_ =	sdelay $0x3  }
0x8e: {  	s13 =	simm.s32 $0x12200  }
0x8f: {  	[tilespmem:s13], [sflag:$0x4] =	stream.indirect_vreg.gather [hbm4b:s5+s3], $0x80, v4, vm0, $0xb8;
	[tilespmem:$0x1A200] =	vst v63  }
0x90: {  	s17 =	simm.s32 $0x12A00;
	v3 =	vperm.xlane v3, v2  }
0x91: {  	[tilespmem:s17], [sflag:$0x4] =	stream.indirect_vreg.gather [hbm4b:s14+s3], $0x80, v4, vm0, $0xb8;
	[tilespmem:$0x1A200] =	vst v63  }
0x92: {  	s18 =	simm.s32 $0x13200;
	v3 =	vadd.s32 v1, v3  }
0x93: {  	[tilespmem:s18], [sflag:$0x4] =	stream.indirect_vreg.gather [hbm4b:s15+s3], $0x80, v4, vm0, $0xb8;
	[tilespmem:$0x1A200] =	vst v63  }
0x94: {  	s19 =	simm.s32 $0x13A00  }
0x95: {  	[tilespmem:s19], [sflag:$0x4] =	stream.indirect_vreg.gather [hbm4b:s16+s3], $0x80, v4, vm0, $0xb8;
	[tilespmem:$0x1A200] =	vst v63  }
0x96: {  	s20 =	simm.s32 $0x14200  }
0x97: {  	[tilespmem:s20], [sflag:$0x4] =	stream.indirect_vreg.gather [hbm4b:s5+s3], $0x80, v3, vm0, $0xb8;
	[tilespmem:$0x1A200] =	vst v63  }
0x98: {  	_ = 	snop  }
0x99: {  	[tilespmem:s22], [sflag:$0x4] =	stream.indirect_vreg.gather [hbm4b:s14+s3], $0x80, v3, vm0, $0xb8;
	[tilespmem:$0x1A200] =	vst v63  }
0x9a: {  	_ = 	snop  }
0x9b: {  	[tilespmem:s2], [sflag:$0x4] =	stream.indirect_vreg.gather [hbm4b:s15+s3], $0x80, v3, vm0, $0xb8;
	[tilespmem:$0x1A200] =	vst v63  }
0x9c: {  	s0 =	simm.s32 $0x0  }
0x9d: {  	[tilespmem:s24], [sflag:$0x4] =	stream.indirect_vreg.gather [hbm4b:s16+s3], $0x80, v3, vm0, $0xb8;
	[tilespmem:$0x1A200] =	vst v63  }
.LBB2_2:
0x9e: {  	p0 =	seq.s32 s0, $0x0  }
0x9f: {  	s4 =	simm.s32 @!p0 $0x5  }
0xa0: {  	_ =	swait.ge @!p0 [sflag:s4], $0x4000  }
0xa1: {  	[sflag:s4] =	ssyncset.done @!p0 $0x0  }
0xa2: {  	[sflag:s4] =	ssyncadd.s32 @!p0 $0xFFFFC000;
	s4 =	simm.s32 @!p0 $0x6  }
0xa3: {  	_ =	swait.ge @!p0 [sflag:s4], $0x4000  }
0xa4: {  	[sflag:s4] =	ssyncset.done @!p0 $0x0  }
0xa5: {  	[sflag:s4] =	ssyncadd.s32 @!p0 $0xFFFFC000  }
0xa6: {  	_ =	swait.ge [sflag:s25], $0x4000  }
0xa7: {  	[sflag:s25] =	ssyncset.done $0x0  }
0xa8: {  	s20 =	sshll.u32 s0, $0x5;
	[sflag:s25] =	ssyncadd.s32 $0xFFFFC000  }
0xa9: {  	s10 =	simm.s32 $0x0;
	s11 =	simm.s32 $0x100;
	_ =	swait.ge [sflag:s26], $0x4000  }
0xaa: {  	s12 =	simm.s32 $0x900;
	s13 =	simm.s32 $0x0;
	[sflag:s26] =	ssyncset.done $0x0  }
0xab: {  	s17 =	simm.s32 $0x0;
	s4 =	sadd.s32 s8, s20;
	[sflag:s26] =	ssyncadd.s32 $0xFFFFC000  }
.LBB2_3:
0xac: {  	v3 =	vld [tilespmem:s11+$0x0];
	s18 =	sand.u32 $0x2000, s13;
	s19 =	sand.u32 $0x380, s17  }
0xad: {  	v4 =	vld [tilespmem:s12+$0x0];
	s18 =	sor.u32 s19, s18  }
0xae: {  	v6 =	vld [tilespmem:s18+$0x1100]  }
0xaf: {  	v7 =	vld [tilespmem:s18+$0x5100]  }
0xb0: {  	v10 =	vld [tilespmem:s18+$0x1110]  }
0xb1: {  	v11 =	vld [tilespmem:s18+$0x5110]  }
0xb2: {  	v14 =	vld [tilespmem:s18+$0x1120]  }
0xb3: {  	v17 =	vld [tilespmem:s18+$0x5120]  }
0xb4: {  	v20 =	vld [tilespmem:s18+$0x1130]  }
0xb5: {  	v21 =	vld [tilespmem:s18+$0x5130]  }
0xb6: {  	v26 =	vld [tilespmem:s18+$0x1140]  }
0xb7: {  	v27 =	vld [tilespmem:s18+$0x5140]  }
0xb8: {  	v28 =	vld [tilespmem:s18+$0x1150]  }
0xb9: {  	v29 =	vld [tilespmem:s18+$0x5150]  }
0xba: {  	v30 =	vld [tilespmem:s18+$0x1160]  }
0xbb: {  	v31 =	vld [tilespmem:s18+$0x5160]  }
0xbc: {  	v32 =	vld [tilespmem:s18+$0x1170]  }
0xbd: {  	v33 =	vld [tilespmem:s18+$0x5170]  }
0xbe: {  	v34 =	vld [tilespmem:s18+$0x1500]  }
0xbf: {  	v35 =	vld [tilespmem:s18+$0x5500]  }
0xc0: {  	v36 =	vld [tilespmem:s18+$0x1510]  }
0xc1: {  	v37 =	vld [tilespmem:s18+$0x5510]  }
0xc2: {  	v38 =	vld [tilespmem:s18+$0x1520]  }
0xc3: {  	v39 =	vld [tilespmem:s18+$0x5520]  }
0xc4: {  	v40 =	vld [tilespmem:s18+$0x1530]  }
0xc5: {  	v41 =	vld [tilespmem:s18+$0x5530]  }
0xc6: {  	v42 =	vld [tilespmem:s18+$0x1540]  }
0xc7: {  	v43 =	vld [tilespmem:s18+$0x5540]  }
0xc8: {  	v44 =	vld [tilespmem:s18+$0x1550]  }
0xc9: {  	v45 =	vld [tilespmem:s18+$0x5550]  }
0xca: {  	v46 =	vld [tilespmem:s18+$0x1560]  }
0xcb: {  	v47 =	vld [tilespmem:s18+$0x5560]  }
0xcc: {  	v48 =	vld [tilespmem:s18+$0x1570]  }
0xcd: {  	v49 =	vld [tilespmem:s18+$0x5570]  }
0xce: {  	v50 =	vld [tilespmem:s18+$0x1900]  }
0xcf: {  	v51 =	vld [tilespmem:s18+$0x5900]  }
0xd0: {  	v52 =	vld [tilespmem:s18+$0x1910]  }
0xd1: {  	v53 =	vld [tilespmem:s18+$0x5910]  }
0xd2: {  	v54 =	vld [tilespmem:s18+$0x1920]  }
0xd3: {  	v55 =	vld [tilespmem:s18+$0x5920]  }
0xd4: {  	v56 =	vld [tilespmem:s18+$0x1930]  }
0xd5: {  	v57 =	vld [tilespmem:s18+$0x5930]  }
0xd6: {  	v58 =	vld [tilespmem:s18+$0x1940]  }
0xd7: {  	v59 =	vld [tilespmem:s18+$0x5940]  }
0xd8: {  	v60 =	vld [tilespmem:s18+$0x1950]  }
0xd9: {  	v61 =	vld [tilespmem:s18+$0x5950]  }
0xda: {  	v62 =	vld [tilespmem:s18+$0x1960]  }
0xdb: {  	v63 =	vld [tilespmem:s18+$0x5960]  }
0xdc: {  	v5 =	vld [tilespmem:s18+$0x1970]  }
0xdd: {  	v2 =	vld [tilespmem:s18+$0x5970]  }
0xde: {  	v24 =	vld [tilespmem:s18+$0x1D00]  }
0xdf: {  	v25 =	vld [tilespmem:s18+$0x5D00]  }
0xe0: {  	v22 =	vld [tilespmem:s18+$0x1D10]  }
0xe1: {  	v23 =	vld [tilespmem:s18+$0x5D10]  }
0xe2: {  	v18 =	vld [tilespmem:s18+$0x1D20]  }
0xe3: {  	v19 =	vld [tilespmem:s18+$0x5D20]  }
0xe4: {  	v15 =	vld [tilespmem:s18+$0x1D30]  }
0xe5: {  	v0 =	vld [tilespmem:s18+$0x1D60]  }
0xe6: {  	v16 =	vld [tilespmem:s18+$0x5D30]  }
0xe7: {  	v12 =	vld [tilespmem:s18+$0x1D40]  }
0xe8: {  	v13 =	vld [tilespmem:s18+$0x5D40]  }
0xe9: {  	v8 =	vld [tilespmem:s18+$0x1D50];
	v1 =	vmul.f32 v6, v3  }
0xea: {  	v9 =	vld [tilespmem:s18+$0x5D50];
	[tilespmem:$0x1FFC0] =	vst v0;
	v0 =	vmul.f32 v7, v4;
	v10 =	vmul.f32 v10, v3  }
0xeb: {  	v7 =	vld [tilespmem:s18+$0x5D60];
	v11 =	vmul.f32 v11, v4;
	v14 =	vmul.f32 v14, v3  }
0xec: {  	v6 =	vld [tilespmem:s18+$0x1D70];
	v17 =	vmul.f32 v17, v4;
	v20 =	vmul.f32 v20, v3  }
0xed: {  	v21 =	vmul.f32 v21, v4;
	v26 =	vmul.f32 v26, v3;
	v1 =	vadd.f32 v0, v1;
	v0 =	vld [tilespmem:s18+$0x5D70]  }
0xee: {  	v5 =	vmul.f32 v5, v3;
	v2 =	vmul.f32 v2, v4;
	v10 =	vadd.f32 v11, v10;
	v11 =	vld [tilespmem:s18+$0x2100]  }
0xef: {  	v24 =	vmul.f32 v24, v3;
	v25 =	vmul.f32 v25, v4;
	[tilespmem:s18+$0x9100] =	vst v1;
	v1 =	vadd.f32 v17, v14;
	v14 =	vld [tilespmem:s18+$0x6100]  }
0xf0: {  	[tilespmem:s18+$0x9110] =	vst v10;
	v10 =	vadd.f32 v21, v20;
	v21 =	vmul.f32 v28, v3;
	v28 =	vmul.f32 v29, v4;
	v17 =	vld [tilespmem:s18+$0x2110]  }
0xf1: {  	v27 =	vmul.f32 v27, v4;
	v34 =	vmul.f32 v34, v3;
	v2 =	vadd.f32 v2, v5;
	v20 =	vld [tilespmem:s18+$0x6110]  }
0xf2: {  	v35 =	vmul.f32 v35, v4;
	v25 =	vadd.f32 v25, v24;
	[tilespmem:s18+$0x9130] =	vst v10;
	v10 =	vadd.f32 v28, v21;
	v21 =	vld [tilespmem:s18+$0x2120]  }
0xf3: {  	v29 =	vmul.f32 v33, v4;
	[tilespmem:s18+$0x9120] =	vst v1;
	v1 =	vadd.f32 v27, v26;
	v27 =	vmul.f32 v31, v4;
	v31 =	vld [tilespmem:s18+$0x2130]  }
0xf4: {  	[tilespmem:s18+$0x9970] =	vst v2;
	v26 =	vmul.f32 v30, v3;
	v28 =	vmul.f32 v32, v3;
	v32 =	vld [tilespmem:s18+$0x6130]  }
0xf5: {  	v38 =	vmul.f32 v38, v3;
	[tilespmem:s18+$0x9D00] =	vst v25;
	v30 =	vmul.f32 v15, v3;
	v15 =	vld [tilespmem:s18+$0x2540]  }
0xf6: {  	v39 =	vmul.f32 v39, v4;
	v33 =	vadd.f32 v27, v26;
	v26 =	vld [tilespmem:s18+$0x6120];
	[tilespmem:s18+$0x9150] =	vst v10;
	v10 =	vadd.f32 v29, v28  }
0xf7: {  	[tilespmem:s18+$0x9140] =	vst v1;
	v28 =	vmul.f32 v36, v3;
	v36 =	vmul.f32 v37, v4;
	v37 =	vadd.f32 v35, v34;
	v34 =	vld [tilespmem:s18+$0x6140]  }
0xf8: {  	v40 =	vmul.f32 v40, v3;
	v52 =	vmul.f32 v52, v3;
	v35 =	vld [tilespmem:s18+$0x2150];
	[tilespmem:s18+$0x9160] =	vst v33  }
0xf9: {  	v18 =	vmul.f32 v18, v3;
	v27 =	vld [tilespmem:s18+$0x6520];
	[tilespmem:s18+$0x9170] =	vst v10;
	v10 =	vadd.f32 v36, v28;
	v36 =	vmul.f32 v41, v4  }
0xfa: {  	v33 =	vld [tilespmem:s18+$0x2140];
	[tilespmem:s18+$0x9500] =	vst v37;
	v37 =	vadd.f32 v39, v38;
	v38 =	vmul.f32 v42, v3;
	v39 =	vmul.f32 v43, v4  }
0xfb: {  	v41 =	vmul.f32 v45, v4;
	v28 =	vld [tilespmem:s18+$0x2520];
	[tilespmem:s18+$0x9510] =	vst v10;
	v10 =	vadd.f32 v36, v40;
	v40 =	vmul.f32 v44, v3  }
0xfc: {  	v43 =	vmul.f32 v46, v3;
	[tilespmem:s18+$0x9520] =	vst v37;
	v42 =	vadd.f32 v39, v38;
	v44 =	vmul.f32 v47, v4;
	v36 =	vld [tilespmem:s18+$0x6150]  }
0xfd: {  	v46 =	vmul.f32 v48, v3;
	v47 =	vmul.f32 v49, v4;
	v37 =	vld [tilespmem:s18+$0x2160];
	[tilespmem:s18+$0x9530] =	vst v10;
	v45 =	vadd.f32 v41, v40  }
0xfe: {  	v49 =	vmul.f32 v50, v3;
	v50 =	vmul.f32 v51, v4;
	v38 =	vld [tilespmem:s18+$0x6160];
	[tilespmem:s18+$0x9540] =	vst v42;
	v48 =	vadd.f32 v44, v43  }
0xff: {  	v19 =	vmul.f32 v19, v4;
	v39 =	vld [tilespmem:s18+$0x2170];
	v51 =	vadd.f32 v47, v46;
	v44 =	vmul.f32 v53, v4;
	[tilespmem:s18+$0x9550] =	vst v45  }
0x100: {  	v46 =	vmul.f32 v54, v3;
	v47 =	vmul.f32 v55, v4;
	v40 =	vld [tilespmem:s18+$0x6170];
	[tilespmem:s18+$0x9560] =	vst v48;
	v45 =	vadd.f32 v50, v49  }
0x101: {  	v41 =	vld [tilespmem:s18+$0x2500];
	v53 =	vmul.f32 v59, v4;
	v55 =	vmul.f32 v60, v3;
	[tilespmem:s18+$0x9570] =	vst v51;
	v48 =	vadd.f32 v44, v52  }
0x102: {  	v42 =	vld [tilespmem:s18+$0x6500];
	v49 =	vmul.f32 v56, v3;
	v50 =	vmul.f32 v57, v4;
	v51 =	vadd.f32 v47, v46;
	[tilespmem:s18+$0x9900] =	vst v45  }
0x103: {  	v43 =	vld [tilespmem:s18+$0x2510];
	v59 =	vmul.f32 v63, v4;
	v52 =	vmul.f32 v58, v3;
	v46 =	vadd.f32 v19, v18;
	[tilespmem:s18+$0x9910] =	vst v48  }
0x104: {  	v63 =	vmul.f32 v23, v4;
	v23 =	vld [tilespmem:s18+$0x6530];
	v56 =	vmul.f32 v61, v4;
	v54 =	vadd.f32 v50, v49;
	[tilespmem:s18+$0x9920] =	vst v51  }
0x105: {  	v58 =	vmul.f32 v62, v3;
	v44 =	vld [tilespmem:s18+$0x6510];
	v57 =	vadd.f32 v53, v52;
	[tilespmem:s18+$0x9D20] =	vst v46  }
0x106: {  	v62 =	vmul.f32 v22, v3;
	v22 =	vld [tilespmem:s18+$0x2530];
	v60 =	vadd.f32 v56, v55;
	[tilespmem:s18+$0x9930] =	vst v54  }
0x107: {  	v12 =	vmul.f32 v12, v3;
	v13 =	vmul.f32 v13, v4;
	v18 =	vld [tilespmem:s18+$0x2910];
	v61 =	vadd.f32 v59, v58;
	[tilespmem:s18+$0x9940] =	vst v57  }
0x108: {  	v25 =	vmul.f32 v34, v4;
	v24 =	vmul.f32 v33, v3;
	v19 =	vld [tilespmem:s18+$0x6910];
	v29 =	vadd.f32 v63, v62;
	[tilespmem:s18+$0x9950] =	vst v60  }
0x109: {  	v45 =	vmul.f32 v16, v4;
	v16 =	vld [tilespmem:s18+$0x6540];
	v48 =	vmul.f32 v8, v3;
	v50 =	vadd.f32 v13, v12;
	[tilespmem:s18+$0x9960] =	vst v61  }
0x10a: {  	v49 =	vmul.f32 v9, v4;
	v9 =	vld [tilespmem:s18+$0x2550];
	v63 =	vmul.f32 v31, v3;
	v31 =	vadd.f32 v25, v24;
	[tilespmem:s18+$0x9D10] =	vst v29  }
0x10b: {  	v0 =	vmul.f32 v0, v4;
	v51 =	vld [tilespmem:$0x1FFC0];
	v53 =	vmul.f32 v6, v3;
	v47 =	vadd.f32 v45, v30;
	[tilespmem:s18+$0x9D40] =	vst v50  }
0x10c: {  	v12 =	vld [tilespmem:s18+$0x6550];
	v55 =	vmul.f32 v11, v3;
	v56 =	vmul.f32 v14, v4;
	v52 =	vadd.f32 v49, v48;
	[tilespmem:s18+$0xA140] =	vst v31  }
0x10d: {  	v6 =	vld [tilespmem:s18+$0x2560];
	v58 =	vmul.f32 v20, v4;
	v20 =	vmul.f32 v32, v4;
	v0 =	vadd.f32 v0, v53;
	[tilespmem:s18+$0x9D30] =	vst v47  }
0x10e: {  	v33 =	vmul.f32 v38, v4;
	v11 =	vld [tilespmem:s18+$0x2570];
	v32 =	vmul.f32 v37, v3;
	v59 =	vadd.f32 v56, v55;
	[tilespmem:s18+$0x9D50] =	vst v52  }
0x10f: {  	v13 =	vld [tilespmem:s18+$0x6570];
	v57 =	vmul.f32 v17, v3;
	v61 =	vmul.f32 v26, v4;
	v26 =	vadd.f32 v20, v63;
	[tilespmem:s18+$0x9D70] =	vst v0  }
0x110: {  	v7 =	vmul.f32 v7, v4;
	v14 =	vld [tilespmem:s18+$0x2900];
	v60 =	vmul.f32 v21, v3;
	v37 =	vadd.f32 v33, v32;
	[tilespmem:s18+$0xA100] =	vst v59  }
0x111: {  	v17 =	vld [tilespmem:s18+$0x6900];
	v29 =	vmul.f32 v35, v3;
	v30 =	vmul.f32 v36, v4;
	v62 =	vadd.f32 v58, v57;
	[tilespmem:s18+$0xA130] =	vst v26  }
0x112: {  	v35 =	vmul.f32 v39, v3;
	v36 =	vmul.f32 v40, v4;
	v20 =	vld [tilespmem:s18+$0x2920];
	v21 =	vadd.f32 v61, v60;
	[tilespmem:s18+$0xA160] =	vst v37  }
0x113: {  	v38 =	vmul.f32 v41, v3;
	v39 =	vmul.f32 v42, v4;
	v40 =	vld [tilespmem:s18+$0x6920];
	v34 =	vadd.f32 v30, v29;
	[tilespmem:s18+$0xA110] =	vst v62  }
0x114: {  	v42 =	vmul.f32 v43, v3;
	v48 =	vld [tilespmem:s18+$0x6930];
	v43 =	vmul.f32 v44, v4;
	v41 =	vadd.f32 v36, v35;
	[tilespmem:s18+$0xA120] =	vst v21  }
0x115: {  	v46 =	vmul.f32 v28, v3;
	v56 =	vld [tilespmem:s18+$0x6940];
	v45 =	vadd.f32 v39, v38;
	v47 =	vmul.f32 v27, v4;
	[tilespmem:s18+$0xA150] =	vst v34  }
0x116: {  	v63 =	vld [tilespmem:s18+$0x6950];
	v50 =	vmul.f32 v22, v3;
	v10 =	vmul.f32 v51, v3;
	v49 =	vadd.f32 v43, v42;
	[tilespmem:s18+$0xA170] =	vst v41  }
0x117: {  	v31 =	vld [tilespmem:s18+$0x6960];
	v33 =	vmul.f32 v18, v3;
	v51 =	vmul.f32 v23, v4;
	[tilespmem:s18+$0xA500] =	vst v45;
	v53 =	vadd.f32 v47, v46  }
0x118: {  	v44 =	vld [tilespmem:s18+$0x2930];
	v58 =	vmul.f32 v9, v3;
	v59 =	vmul.f32 v12, v4;
	v54 =	vadd.f32 v7, v10;
	[tilespmem:s18+$0xA510] =	vst v49  }
0x119: {  	v52 =	vld [tilespmem:s18+$0x2940];
	v23 =	vmul.f32 v11, v3;
	v26 =	vmul.f32 v13, v4;
	v57 =	vadd.f32 v51, v50;
	[tilespmem:s18+$0xA520] =	vst v53  }
0x11a: {  	v60 =	vld [tilespmem:s18+$0x2950];
	v55 =	vmul.f32 v16, v4;
	v34 =	vmul.f32 v19, v4;
	v16 =	vadd.f32 v59, v58;
	[tilespmem:s18+$0x9D60] =	vst v54  }
0x11b: {  	v27 =	vld [tilespmem:s18+$0x2960];
	v29 =	vmul.f32 v14, v3;
	v30 =	vmul.f32 v17, v4;
	v32 =	vadd.f32 v26, v23;
	[tilespmem:s18+$0xA530] =	vst v57  }
0x11c: {  	v35 =	vld [tilespmem:s18+$0x2970];
	v37 =	vmul.f32 v20, v3;
	v38 =	vmul.f32 v40, v4;
	v40 =	vadd.f32 v34, v33;
	[tilespmem:s18+$0xA550] =	vst v16  }
0x11d: {  	v39 =	vld [tilespmem:s18+$0x6970];
	v42 =	vmul.f32 v48, v4;
	v41 =	vmul.f32 v44, v3;
	v36 =	vadd.f32 v30, v29;
	[tilespmem:s18+$0xA570] =	vst v32  }
0x11e: {  	v10 =	vld [tilespmem:s18+$0x6560];
	v54 =	vmul.f32 v15, v3;
	v43 =	vadd.f32 v38, v37;
	[tilespmem:s18+$0xA910] =	vst v40  }
0x11f: {  	v45 =	vmul.f32 v56, v4;
	v44 =	vmul.f32 v52, v3;
	v46 =	vadd.f32 v42, v41;
	[tilespmem:s18+$0xA900] =	vst v36  }
0x120: {  	v48 =	vmul.f32 v63, v4;
	v47 =	vmul.f32 v60, v3;
	v61 =	vadd.f32 v55, v54;
	[tilespmem:s18+$0xA920] =	vst v43  }
0x121: {  	v51 =	vmul.f32 v31, v4;
	v50 =	vmul.f32 v27, v3;
	v49 =	vadd.f32 v45, v44;
	[tilespmem:s18+$0xA930] =	vst v46  }
0x122: {  	v53 =	vmul.f32 v35, v3;
	v52 =	vadd.f32 v48, v47;
	v54 =	vmul.f32 v39, v4;
	[tilespmem:s18+$0xA540] =	vst v61  }
0x123: {  	v6 =	vmul.f32 v6, v3;
	v55 =	vadd.f32 v51, v50;
	v62 =	vmul.f32 v10, v4;
	[tilespmem:s18+$0xA940] =	vst v49  }
0x124: {  	s20 =	sand.u32 $0x7, s10;
	[tilespmem:s18+$0xA950] =	vst v52;
	v56 =	vadd.f32 v54, v53  }
0x125: {  	s19 =	sshll.u32 s20, $0x7;
	[tilespmem:s18+$0xA960] =	vst v55;
	v28 =	vadd.f32 v62, v6  }
0x126: {  	s19 =	sadd.s32 s19, s13;
	[tilespmem:s18+$0xA970] =	vst v56  }
0x127: {  	s20 =	sor.u32 $0x1C00, s19;
	[tilespmem:s18+$0xA560] =	vst v28  }
0x128: {  	v0 =	vld [tilespmem:s20+$0x1100]  }
0x129: {  	v1 =	vld [tilespmem:s20+$0x5100];
	_ =	sdelay $0x4  }
0x12a: {  	v0 =	vmul.f32 v0, v3;
	v1 =	vmul.f32 v1, v4;
	_ =	sdelay $0x1  }
0x12b: {  	v0 =	vadd.f32 v1, v0;
	_ =	sdelay $0x1  }
0x12c: {  	[tilespmem:s20+$0x9100] =	vst v0;
	s20 =	sor.u32 $0x1C10, s19  }
0x12d: {  	v0 =	vld [tilespmem:s20+$0x1100]  }
0x12e: {  	v57 =	vld [tilespmem:s20+$0x5100];
	_ =	sdelay $0x4  }
0x12f: {  	v0 =	vmul.f32 v0, v3;
	v1 =	vmul.f32 v57, v4;
	_ =	sdelay $0x1  }
0x130: {  	v0 =	vadd.f32 v1, v0;
	_ =	sdelay $0x1  }
0x131: {  	[tilespmem:s20+$0x9100] =	vst v0;
	s20 =	sor.u32 $0x1C20, s19  }
0x132: {  	v0 =	vld [tilespmem:s20+$0x1100]  }
0x133: {  	v58 =	vld [tilespmem:s20+$0x5100];
	_ =	sdelay $0x4  }
0x134: {  	v0 =	vmul.f32 v0, v3;
	v1 =	vmul.f32 v58, v4;
	_ =	sdelay $0x1  }
0x135: {  	v0 =	vadd.f32 v1, v0;
	_ =	sdelay $0x1  }
0x136: {  	[tilespmem:s20+$0x9100] =	vst v0;
	s20 =	sor.u32 $0x1C30, s19  }
0x137: {  	v0 =	vld [tilespmem:s20+$0x1100]  }
0x138: {  	v59 =	vld [tilespmem:s20+$0x5100];
	_ =	sdelay $0x4  }
0x139: {  	v0 =	vmul.f32 v0, v3;
	v1 =	vmul.f32 v59, v4;
	_ =	sdelay $0x1  }
0x13a: {  	v0 =	vadd.f32 v1, v0;
	_ =	sdelay $0x1  }
0x13b: {  	[tilespmem:s20+$0x9100] =	vst v0;
	s20 =	sor.u32 $0x1C40, s19  }
0x13c: {  	v0 =	vld [tilespmem:s20+$0x1100]  }
0x13d: {  	v60 =	vld [tilespmem:s20+$0x5100];
	_ =	sdelay $0x4  }
0x13e: {  	v0 =	vmul.f32 v0, v3;
	v1 =	vmul.f32 v60, v4;
	_ =	sdelay $0x1  }
0x13f: {  	v0 =	vadd.f32 v1, v0;
	_ =	sdelay $0x1  }
0x140: {  	[tilespmem:s20+$0x9100] =	vst v0;
	s20 =	sor.u32 $0x1C50, s19  }
0x141: {  	v0 =	vld [tilespmem:s20+$0x1100]  }
0x142: {  	v61 =	vld [tilespmem:s20+$0x5100];
	_ =	sdelay $0x4  }
0x143: {  	v0 =	vmul.f32 v0, v3;
	v1 =	vmul.f32 v61, v4;
	_ =	sdelay $0x1  }
0x144: {  	v0 =	vadd.f32 v1, v0;
	_ =	sdelay $0x1  }
0x145: {  	[tilespmem:s20+$0x9100] =	vst v0;
	s20 =	sor.u32 $0x1C60, s19  }
0x146: {  	v0 =	vld [tilespmem:s20+$0x1100]  }
0x147: {  	v62 =	vld [tilespmem:s20+$0x5100];
	_ =	sdelay $0x4  }
0x148: {  	v0 =	vmul.f32 v0, v3;
	v1 =	vmul.f32 v62, v4;
	_ =	sdelay $0x1  }
0x149: {  	v0 =	vadd.f32 v1, v0;
	_ =	sdelay $0x1  }
0x14a: {  	[tilespmem:s20+$0x9100] =	vst v0;
	s20 =	sor.u32 $0x1C70, s19  }
0x14b: {  	v0 =	vld [tilespmem:s20+$0x1100]  }
0x14c: {  	v63 =	vld [tilespmem:s20+$0x5100];
	_ =	sdelay $0x3  }
0x14d: {  	p0 =	sne.s32 s17, $0x780  }
.Ltmp2:
0x14e: {  	v0 =	vmul.f32 v0, v3;
	v1 =	vmul.f32 v63, v4;
	(pc) =	sbr.rel @p0 .LBB2_3-.Ltmp2, $4  }
0x14f: {  	_ = 	snop  }
0x150: {  	v0 =	vadd.f32 v1, v0  }
0x151: {  	s10 =	sadd.s32 $0x1, s10;
	s11 =	sadd.s32 $0x80, s11  }
0x152: {  	s12 =	sadd.s32 $0x80, s12;
	s17 =	sadd.s32 $0x80, s17;
	s13 =	sadd.s32 $0x400, s13;
	[tilespmem:s20+$0x9100] =	vst v0  }
0x153: {  	s10 =	sshll.u32 s4, $0x7;
	s11 =	rddreg [dreg:$0x1]  }
0x154: {  	s12 =	sadd.s32 s11, s10;
	s11 =	simm.s32 $0x0  }
0x155: {  	[hbm4b:s12+s11] =	stream.linear.scatter [tilespmem:s28], [sflag:$0x5], $0x4000, $0x38;
	[tilespmem:$0x1A200] =	vst v63  }
0x156: {  	_ =	swait.ge [sflag:s29], $0x4000  }
0x157: {  	[sflag:s29] =	ssyncset.done $0x0  }
0x158: {  	[sflag:s29] =	ssyncadd.s32 $0xFFFFC000  }
0x159: {  	_ =	swait.ge [sflag:s30], $0x4000  }
0x15a: {  	s13 =	simm.s32 $0xDA00;
	s17 =	simm.s32 $0x0;
	[sflag:s30] =	ssyncset.done $0x0  }
0x15b: {  	s18 =	simm.s32 $0x0;
	s12 =	simm.s32 $0xD200;
	[sflag:s30] =	ssyncadd.s32 $0xFFFFC000  }
.LBB2_5:
0x15c: {  	v3 =	vld [tilespmem:s12+$0x0];
	s19 =	sand.u32 $0x2000, s17;
	s20 =	sand.u32 $0x380, s18  }
0x15d: {  	v4 =	vld [tilespmem:s13+$0x0];
	s19 =	sor.u32 s20, s19  }
0x15e: {  	v0 =	vld [tilespmem:s19+$0xE200]  }
0x15f: {  	v1 =	vld [tilespmem:s19+$0x12200]  }
0x160: {  	v2 =	vld [tilespmem:s19+$0xE210]  }
0x161: {  	v6 =	vld [tilespmem:s19+$0x12210]  }
0x162: {  	v10 =	vld [tilespmem:s19+$0xE220]  }
0x163: {  	v11 =	vld [tilespmem:s19+$0x12220]  }
0x164: {  	v14 =	vld [tilespmem:s19+$0xE230]  }
0x165: {  	v17 =	vld [tilespmem:s19+$0x12230]  }
0x166: {  	v20 =	vld [tilespmem:s19+$0xE240]  }
0x167: {  	v21 =	vld [tilespmem:s19+$0x12240]  }
0x168: {  	v26 =	vld [tilespmem:s19+$0xE250]  }
0x169: {  	v27 =	vld [tilespmem:s19+$0x12250]  }
0x16a: {  	v28 =	vld [tilespmem:s19+$0xE260]  }
0x16b: {  	v29 =	vld [tilespmem:s19+$0x12260]  }
0x16c: {  	v30 =	vld [tilespmem:s19+$0xE270]  }
0x16d: {  	v31 =	vld [tilespmem:s19+$0x12270]  }
0x16e: {  	v32 =	vld [tilespmem:s19+$0xE600]  }
0x16f: {  	v33 =	vld [tilespmem:s19+$0x12600]  }
0x170: {  	v34 =	vld [tilespmem:s19+$0xE610]  }
0x171: {  	v35 =	vld [tilespmem:s19+$0x12610]  }
0x172: {  	v36 =	vld [tilespmem:s19+$0xE620]  }
0x173: {  	v37 =	vld [tilespmem:s19+$0x12620]  }
0x174: {  	v38 =	vld [tilespmem:s19+$0xE630]  }
0x175: {  	v39 =	vld [tilespmem:s19+$0x12630]  }
0x176: {  	v40 =	vld [tilespmem:s19+$0xE640]  }
0x177: {  	v41 =	vld [tilespmem:s19+$0x12640]  }
0x178: {  	v42 =	vld [tilespmem:s19+$0xE650]  }
0x179: {  	v43 =	vld [tilespmem:s19+$0x12650]  }
0x17a: {  	v44 =	vld [tilespmem:s19+$0xE660]  }
0x17b: {  	v45 =	vld [tilespmem:s19+$0x12660]  }
0x17c: {  	v46 =	vld [tilespmem:s19+$0xE670]  }
0x17d: {  	v47 =	vld [tilespmem:s19+$0x12670]  }
0x17e: {  	v48 =	vld [tilespmem:s19+$0xEA00]  }
0x17f: {  	v49 =	vld [tilespmem:s19+$0x12A00]  }
0x180: {  	v50 =	vld [tilespmem:s19+$0xEA10]  }
0x181: {  	v51 =	vld [tilespmem:s19+$0x12A10]  }
0x182: {  	v52 =	vld [tilespmem:s19+$0xEA20]  }
0x183: {  	v53 =	vld [tilespmem:s19+$0x12A20]  }
0x184: {  	v54 =	vld [tilespmem:s19+$0xEA30]  }
0x185: {  	v55 =	vld [tilespmem:s19+$0x12A30]  }
0x186: {  	v56 =	vld [tilespmem:s19+$0xEA40]  }
0x187: {  	v57 =	vld [tilespmem:s19+$0x12A40]  }
0x188: {  	v58 =	vld [tilespmem:s19+$0xEA50]  }
0x189: {  	v59 =	vld [tilespmem:s19+$0x12A50]  }
0x18a: {  	v60 =	vld [tilespmem:s19+$0xEA60]  }
0x18b: {  	v61 =	vld [tilespmem:s19+$0x12A60]  }
0x18c: {  	v62 =	vld [tilespmem:s19+$0xEA70]  }
0x18d: {  	v63 =	vld [tilespmem:s19+$0x12A70]  }
0x18e: {  	v24 =	vld [tilespmem:s19+$0xEE00]  }
0x18f: {  	v25 =	vld [tilespmem:s19+$0x12E00]  }
0x190: {  	v22 =	vld [tilespmem:s19+$0xEE10]  }
0x191: {  	v23 =	vld [tilespmem:s19+$0x12E10]  }
0x192: {  	v18 =	vld [tilespmem:s19+$0xEE20]  }
0x193: {  	v19 =	vld [tilespmem:s19+$0x12E20]  }
0x194: {  	v15 =	vld [tilespmem:s19+$0xEE30]  }
0x195: {  	v16 =	vld [tilespmem:s19+$0x12E30]  }
0x196: {  	v5 =	vld [tilespmem:s19+$0xEE60]  }
0x197: {  	v12 =	vld [tilespmem:s19+$0xEE40]  }
0x198: {  	v13 =	vld [tilespmem:s19+$0x12E40]  }
0x199: {  	v8 =	vld [tilespmem:s19+$0xEE50]  }
0x19a: {  	v9 =	vld [tilespmem:s19+$0x12E50];
	v0 =	vmul.f32 v0, v3;
	v1 =	vmul.f32 v1, v4  }
0x19b: {  	v7 =	vld [tilespmem:s19+$0x12E60];
	[tilespmem:$0x1FFA0] =	vst v5;
	v5 =	vmul.f32 v2, v3;
	v2 =	vmul.f32 v6, v4  }
0x19c: {  	v6 =	vld [tilespmem:s19+$0xEE70];
	v17 =	vmul.f32 v17, v4;
	v0 =	vadd.f32 v1, v0  }
0x19d: {  	v1 =	vmul.f32 v10, v3;
	v10 =	vld [tilespmem:s19+$0x12E70];
	v5 =	vadd.f32 v2, v5;
	v2 =	vmul.f32 v14, v3  }
0x19e: {  	v11 =	vmul.f32 v11, v4;
	v14 =	vld [tilespmem:s19+$0x13200]  }
0x19f: {  	v26 =	vmul.f32 v26, v3;
	v2 =	vadd.f32 v17, v2;
	v17 =	vld [tilespmem:s19+$0xF210]  }
0x1a0: {  	[tilespmem:s19+$0x16200] =	vst v0;
	v0 =	vadd.f32 v11, v1;
	v1 =	vmul.f32 v20, v3;
	v11 =	vmul.f32 v21, v4;
	v20 =	vld [tilespmem:s19+$0x13210]  }
0x1a1: {  	v27 =	vmul.f32 v27, v4;
	v30 =	vmul.f32 v30, v3;
	v21 =	vld [tilespmem:s19+$0xF220];
	[tilespmem:$0x1FFB0] =	vst v6  }
0x1a2: {  	v31 =	vmul.f32 v31, v4;
	v33 =	vmul.f32 v33, v4;
	v6 =	vld [tilespmem:s19+$0xF200];
	[tilespmem:s19+$0x16220] =	vst v0;
	v0 =	vadd.f32 v11, v1  }
0x1a3: {  	v1 =	vmul.f32 v28, v3;
	v11 =	vmul.f32 v29, v4;
	[tilespmem:s19+$0x16230] =	vst v2;
	v2 =	vadd.f32 v27, v26;
	v26 =	vld [tilespmem:s19+$0x13220]  }
0x1a4: {  	[tilespmem:s19+$0x16210] =	vst v5;
	v5 =	vmul.f32 v34, v3;
	v34 =	vmul.f32 v37, v4;
	v28 =	vld [tilespmem:s19+$0xF230]  }
0x1a5: {  	v37 =	vmul.f32 v39, v4;
	v29 =	vld [tilespmem:s19+$0x13230];
	[tilespmem:s19+$0x16240] =	vst v0;
	v0 =	vadd.f32 v11, v1;
	v1 =	vmul.f32 v32, v3  }
0x1a6: {  	v27 =	vmul.f32 v16, v4;
	v16 =	vld [tilespmem:s19+$0xF640];
	[tilespmem:s19+$0x16250] =	vst v2;
	v2 =	vadd.f32 v31, v30;
	v32 =	vmul.f32 v35, v4  }
0x1a7: {  	v30 =	vld [tilespmem:s19+$0xF240];
	[tilespmem:s19+$0x16260] =	vst v0;
	v0 =	vadd.f32 v33, v1;
	v33 =	vmul.f32 v36, v3;
	v36 =	vmul.f32 v38, v3  }
0x1a8: {  	v39 =	vmul.f32 v40, v3;
	v40 =	vmul.f32 v41, v4;
	v31 =	vld [tilespmem:s19+$0x13240];
	[tilespmem:s19+$0x16270] =	vst v2;
	v35 =	vadd.f32 v32, v5  }
0x1a9: {  	v42 =	vmul.f32 v42, v3;
	v11 =	vld [tilespmem:s19+$0x13650];
	[tilespmem:s19+$0x16600] =	vst v0;
	v38 =	vadd.f32 v34, v33;
	v41 =	vadd.f32 v37, v36  }
0x1aa: {  	v32 =	vld [tilespmem:s19+$0xF250];
	[tilespmem:s19+$0x16610] =	vst v35;
	v36 =	vmul.f32 v43, v4;
	v37 =	vadd.f32 v40, v39;
	v39 =	vmul.f32 v45, v4  }
0x1ab: {  	v33 =	vld [tilespmem:s19+$0x13250];
	v45 =	vmul.f32 v49, v4;
	[tilespmem:s19+$0x16620] =	vst v38;
	v38 =	vmul.f32 v44, v3  }
0x1ac: {  	v34 =	vld [tilespmem:s19+$0xF260];
	[tilespmem:s19+$0x16630] =	vst v41;
	v40 =	vadd.f32 v36, v42;
	v41 =	vmul.f32 v46, v3;
	v42 =	vmul.f32 v47, v4  }
0x1ad: {  	v35 =	vld [tilespmem:s19+$0x13260];
	[tilespmem:s19+$0x16640] =	vst v37;
	v44 =	vmul.f32 v48, v3;
	v47 =	vmul.f32 v50, v3;
	v43 =	vadd.f32 v39, v38  }
0x1ae: {  	v48 =	vmul.f32 v51, v4;
	v36 =	vld [tilespmem:s19+$0xF270];
	v50 =	vmul.f32 v52, v3;
	[tilespmem:s19+$0x16650] =	vst v40;
	v46 =	vadd.f32 v42, v41  }
0x1af: {  	v51 =	vmul.f32 v53, v4;
	v37 =	vld [tilespmem:s19+$0x13270];
	v53 =	vmul.f32 v54, v3;
	v49 =	vadd.f32 v45, v44;
	[tilespmem:s19+$0x16660] =	vst v43  }
0x1b0: {  	v54 =	vmul.f32 v55, v4;
	v52 =	vadd.f32 v48, v47;
	v38 =	vld [tilespmem:s19+$0xF600];
	v44 =	vmul.f32 v56, v3;
	[tilespmem:s19+$0x16670] =	vst v46  }
0x1b1: {  	v55 =	vadd.f32 v51, v50;
	v45 =	vmul.f32 v57, v4;
	v39 =	vld [tilespmem:s19+$0x13600];
	v47 =	vmul.f32 v58, v3;
	[tilespmem:s19+$0x16A00] =	vst v49  }
0x1b2: {  	v48 =	vmul.f32 v59, v4;
	v40 =	vld [tilespmem:s19+$0xF610];
	v50 =	vmul.f32 v60, v3;
	[tilespmem:s19+$0x16A10] =	vst v52;
	v46 =	vadd.f32 v54, v53  }
0x1b3: {  	v51 =	vmul.f32 v61, v4;
	v41 =	vld [tilespmem:s19+$0x13610];
	v56 =	vmul.f32 v24, v3;
	[tilespmem:s19+$0x16A20] =	vst v55;
	v49 =	vadd.f32 v45, v44  }
0x1b4: {  	v42 =	vld [tilespmem:s19+$0xF620];
	v57 =	vmul.f32 v25, v4;
	v59 =	vmul.f32 v22, v3;
	v52 =	vadd.f32 v48, v47;
	[tilespmem:s19+$0x16A30] =	vst v46  }
0x1b5: {  	v24 =	vld [tilespmem:s19+$0x13620];
	v60 =	vmul.f32 v23, v4;
	v25 =	vmul.f32 v15, v3;
	v55 =	vadd.f32 v51, v50;
	[tilespmem:s19+$0x16A40] =	vst v49  }
0x1b6: {  	v23 =	vld [tilespmem:s19+$0xF630];
	v53 =	vmul.f32 v62, v3;
	v54 =	vmul.f32 v63, v4;
	v61 =	vadd.f32 v57, v56;
	[tilespmem:s19+$0x16A50] =	vst v52  }
0x1b7: {  	v15 =	vld [tilespmem:s19+$0xFA00];
	v62 =	vmul.f32 v18, v3;
	v63 =	vmul.f32 v19, v4;
	v22 =	vadd.f32 v60, v59;
	[tilespmem:s19+$0x16A60] =	vst v55  }
0x1b8: {  	v18 =	vld [tilespmem:s19+$0x13630];
	v44 =	vmul.f32 v12, v3;
	v45 =	vmul.f32 v13, v4;
	v58 =	vadd.f32 v54, v53;
	[tilespmem:s19+$0x16E00] =	vst v61  }
0x1b9: {  	v12 =	vld [tilespmem:s19+$0x13640];
	v47 =	vmul.f32 v8, v3;
	v48 =	vmul.f32 v9, v4;
	v43 =	vadd.f32 v63, v62;
	[tilespmem:s19+$0x16E10] =	vst v22  }
0x1ba: {  	v9 =	vld [tilespmem:s19+$0xF650];
	v56 =	vmul.f32 v14, v4;
	v59 =	vmul.f32 v20, v4;
	v46 =	vadd.f32 v27, v25;
	[tilespmem:s19+$0x16A70] =	vst v58  }
0x1bb: {  	v50 =	vld [tilespmem:$0x1FFA0];
	v20 =	vmul.f32 v28, v3;
	v49 =	vadd.f32 v45, v44;
	v55 =	vmul.f32 v6, v3;
	[tilespmem:s19+$0x16E20] =	vst v43  }
0x1bc: {  	v13 =	vld [tilespmem:s19+$0xF670];
	v51 =	vadd.f32 v48, v47;
	v61 =	vmul.f32 v21, v3;
	v62 =	vmul.f32 v26, v4;
	[tilespmem:s19+$0x16E30] =	vst v46  }
0x1bd: {  	v14 =	vld [tilespmem:s19+$0x13670];
	v28 =	vmul.f32 v32, v3;
	v21 =	vmul.f32 v29, v4;
	[tilespmem:s19+$0x16E40] =	vst v49;
	v60 =	vadd.f32 v56, v55  }
0x1be: {  	v19 =	vld [tilespmem:s19+$0xFA10];
	v25 =	vmul.f32 v30, v3;
	v26 =	vmul.f32 v31, v4;
	[tilespmem:s19+$0x16E50] =	vst v51;
	v22 =	vadd.f32 v62, v61  }
0x1bf: {  	v32 =	vmul.f32 v35, v4;
	v52 =	vld [tilespmem:$0x1FFB0];
	v29 =	vmul.f32 v33, v4;
	v27 =	vadd.f32 v21, v20;
	[tilespmem:s19+$0x17200] =	vst v60  }
0x1c0: {  	v53 =	vmul.f32 v10, v4;
	v10 =	vld [tilespmem:s19+$0xF660];
	v31 =	vmul.f32 v34, v3;
	v30 =	vadd.f32 v26, v25;
	[tilespmem:s19+$0x17220] =	vst v22  }
0x1c1: {  	v35 =	vmul.f32 v37, v4;
	v34 =	vmul.f32 v36, v3;
	v44 =	vld [tilespmem:s19+$0xFA30];
	v33 =	vadd.f32 v29, v28;
	[tilespmem:s19+$0x17230] =	vst v27  }
0x1c2: {  	v48 =	vld [tilespmem:s19+$0x13A30];
	v37 =	vmul.f32 v38, v3;
	v38 =	vmul.f32 v39, v4;
	v36 =	vadd.f32 v32, v31;
	[tilespmem:s19+$0x17240] =	vst v30  }
0x1c3: {  	v58 =	vmul.f32 v17, v3;
	v17 =	vld [tilespmem:s19+$0x13A00];
	v39 =	vadd.f32 v35, v34;
	[tilespmem:s19+$0x17250] =	vst v33  }
0x1c4: {  	v40 =	vmul.f32 v40, v3;
	v20 =	vld [tilespmem:s19+$0x13A10];
	v43 =	vmul.f32 v41, v4;
	v45 =	vadd.f32 v38, v37;
	[tilespmem:s19+$0x17260] =	vst v36  }
0x1c5: {  	v7 =	vmul.f32 v7, v4;
	v21 =	vld [tilespmem:s19+$0xFA20];
	v1 =	vmul.f32 v50, v3;
	v63 =	vadd.f32 v59, v58;
	[tilespmem:s19+$0x17270] =	vst v39  }
0x1c6: {  	v56 =	vld [tilespmem:s19+$0x13A40];
	v49 =	vadd.f32 v43, v40;
	v58 =	vmul.f32 v9, v3;
	v59 =	vmul.f32 v11, v4;
	[tilespmem:s19+$0x17600] =	vst v45  }
0x1c7: {  	v28 =	vld [tilespmem:s19+$0xFA60];
	v26 =	vmul.f32 v13, v3;
	v27 =	vmul.f32 v14, v4;
	v54 =	vadd.f32 v7, v1;
	[tilespmem:s19+$0x17210] =	vst v63  }
0x1c8: {  	v32 =	vld [tilespmem:s19+$0x13A60];
	v50 =	vmul.f32 v23, v3;
	v5 =	vmul.f32 v52, v3;
	[tilespmem:s19+$0x17610] =	vst v49;
	v23 =	vadd.f32 v59, v58  }
0x1c9: {  	v47 =	vmul.f32 v24, v4;
	v46 =	vmul.f32 v42, v3;
	v22 =	vld [tilespmem:s19+$0x13A20];
	v33 =	vadd.f32 v27, v26;
	[tilespmem:s19+$0x16E60] =	vst v54  }
0x1ca: {  	v60 =	vld [tilespmem:s19+$0xFA50];
	v42 =	vmul.f32 v44, v3;
	v43 =	vmul.f32 v48, v4;
	v57 =	vadd.f32 v53, v5;
	[tilespmem:s19+$0x17650] =	vst v23  }
0x1cb: {  	v51 =	vmul.f32 v18, v4;
	v36 =	vld [tilespmem:s19+$0xFA70];
	v53 =	vadd.f32 v47, v46;
	[tilespmem:s19+$0x17670] =	vst v33  }
0x1cc: {  	v55 =	vmul.f32 v12, v4;
	v40 =	vld [tilespmem:s19+$0x13A70];
	v54 =	vmul.f32 v16, v3;
	v47 =	vadd.f32 v43, v42;
	[tilespmem:s19+$0x16E70] =	vst v57  }
0x1cd: {  	v30 =	vmul.f32 v15, v3;
	v7 =	vld [tilespmem:s19+$0x13660];
	v31 =	vmul.f32 v17, v4;
	v57 =	vadd.f32 v51, v50;
	[tilespmem:s19+$0x17620] =	vst v53  }
0x1ce: {  	v34 =	vmul.f32 v19, v3;
	v52 =	vld [tilespmem:s19+$0xFA40];
	v35 =	vmul.f32 v20, v4;
	v61 =	vadd.f32 v55, v54;
	[tilespmem:s19+$0x17A30] =	vst v47  }
0x1cf: {  	v16 =	vld [tilespmem:s19+$0x13A50];
	v38 =	vmul.f32 v21, v3;
	v37 =	vadd.f32 v31, v30;
	v39 =	vmul.f32 v22, v4;
	[tilespmem:s19+$0x17630] =	vst v57  }
0x1d0: {  	v41 =	vadd.f32 v35, v34;
	v50 =	vmul.f32 v28, v3;
	v51 =	vmul.f32 v32, v4;
	[tilespmem:s19+$0x17640] =	vst v61  }
0x1d1: {  	v53 =	vmul.f32 v36, v3;
	v54 =	vmul.f32 v40, v4;
	[tilespmem:s19+$0x17A00] =	vst v37;
	v44 =	vadd.f32 v39, v38  }
0x1d2: {  	v62 =	vmul.f32 v10, v3;
	v63 =	vmul.f32 v7, v4;
	[tilespmem:s19+$0x17A10] =	vst v41;
	v55 =	vadd.f32 v51, v50  }
0x1d3: {  	v46 =	vmul.f32 v56, v4;
	v45 =	vmul.f32 v52, v3;
	v56 =	vadd.f32 v54, v53;
	[tilespmem:s19+$0x17A20] =	vst v44  }
0x1d4: {  	v48 =	vmul.f32 v60, v3;
	v29 =	vadd.f32 v63, v62;
	v7 =	vmul.f32 v16, v4;
	[tilespmem:s19+$0x17A60] =	vst v55  }
0x1d5: {  	s20 =	sand.u32 $0x7, s11;
	v49 =	vadd.f32 v46, v45;
	[tilespmem:s19+$0x17A70] =	vst v56  }
0x1d6: {  	s20 =	sshll.u32 s20, $0x7;
	[tilespmem:s19+$0x17660] =	vst v29;
	v52 =	vadd.f32 v7, v48  }
0x1d7: {  	s20 =	sadd.s32 s20, s17;
	[tilespmem:s19+$0x17A40] =	vst v49  }
0x1d8: {  	[tilespmem:s19+$0x17A50] =	vst v52;
	s19 =	sor.u32 $0x1C00, s20  }
0x1d9: {  	v0 =	vld [tilespmem:s19+$0xE200]  }
0x1da: {  	v1 =	vld [tilespmem:s19+$0x12200];
	_ =	sdelay $0x4  }
0x1db: {  	v0 =	vmul.f32 v0, v3;
	v1 =	vmul.f32 v1, v4;
	_ =	sdelay $0x1  }
0x1dc: {  	v0 =	vadd.f32 v1, v0;
	_ =	sdelay $0x1  }
0x1dd: {  	[tilespmem:s19+$0x16200] =	vst v0;
	s19 =	sor.u32 $0x1C10, s20  }
0x1de: {  	v0 =	vld [tilespmem:s19+$0xE200]  }
0x1df: {  	v57 =	vld [tilespmem:s19+$0x12200];
	_ =	sdelay $0x4  }
0x1e0: {  	v0 =	vmul.f32 v0, v3;
	v1 =	vmul.f32 v57, v4;
	_ =	sdelay $0x1  }
0x1e1: {  	v0 =	vadd.f32 v1, v0;
	_ =	sdelay $0x1  }
0x1e2: {  	[tilespmem:s19+$0x16200] =	vst v0;
	s19 =	sor.u32 $0x1C20, s20  }
0x1e3: {  	v0 =	vld [tilespmem:s19+$0xE200]  }
0x1e4: {  	v58 =	vld [tilespmem:s19+$0x12200];
	_ =	sdelay $0x4  }
0x1e5: {  	v0 =	vmul.f32 v0, v3;
	v1 =	vmul.f32 v58, v4;
	_ =	sdelay $0x1  }
0x1e6: {  	v0 =	vadd.f32 v1, v0;
	_ =	sdelay $0x1  }
0x1e7: {  	[tilespmem:s19+$0x16200] =	vst v0;
	s19 =	sor.u32 $0x1C30, s20  }
0x1e8: {  	v0 =	vld [tilespmem:s19+$0xE200]  }
0x1e9: {  	v59 =	vld [tilespmem:s19+$0x12200];
	_ =	sdelay $0x4  }
0x1ea: {  	v0 =	vmul.f32 v0, v3;
	v1 =	vmul.f32 v59, v4;
	_ =	sdelay $0x1  }
0x1eb: {  	v0 =	vadd.f32 v1, v0;
	_ =	sdelay $0x1  }
0x1ec: {  	[tilespmem:s19+$0x16200] =	vst v0;
	s19 =	sor.u32 $0x1C40, s20  }
0x1ed: {  	v0 =	vld [tilespmem:s19+$0xE200]  }
0x1ee: {  	v60 =	vld [tilespmem:s19+$0x12200];
	_ =	sdelay $0x4  }
0x1ef: {  	v0 =	vmul.f32 v0, v3;
	v1 =	vmul.f32 v60, v4;
	_ =	sdelay $0x1  }
0x1f0: {  	v0 =	vadd.f32 v1, v0;
	_ =	sdelay $0x1  }
0x1f1: {  	[tilespmem:s19+$0x16200] =	vst v0;
	s19 =	sor.u32 $0x1C50, s20  }
0x1f2: {  	v0 =	vld [tilespmem:s19+$0xE200]  }
0x1f3: {  	v61 =	vld [tilespmem:s19+$0x12200];
	_ =	sdelay $0x4  }
0x1f4: {  	v0 =	vmul.f32 v0, v3;
	v1 =	vmul.f32 v61, v4;
	_ =	sdelay $0x1  }
0x1f5: {  	v0 =	vadd.f32 v1, v0;
	_ =	sdelay $0x1  }
0x1f6: {  	[tilespmem:s19+$0x16200] =	vst v0;
	s19 =	sor.u32 $0x1C60, s20  }
0x1f7: {  	v0 =	vld [tilespmem:s19+$0xE200]  }
0x1f8: {  	v62 =	vld [tilespmem:s19+$0x12200];
	_ =	sdelay $0x4  }
0x1f9: {  	v0 =	vmul.f32 v0, v3;
	v1 =	vmul.f32 v62, v4;
	_ =	sdelay $0x1  }
0x1fa: {  	v0 =	vadd.f32 v1, v0;
	_ =	sdelay $0x1  }
0x1fb: {  	s20 =	sor.u32 $0x1C70, s20;
	[tilespmem:s19+$0x16200] =	vst v0  }
0x1fc: {  	v0 =	vld [tilespmem:s20+$0xE200]  }
0x1fd: {  	v63 =	vld [tilespmem:s20+$0x12200];
	_ =	sdelay $0x3  }
0x1fe: {  	p0 =	sne.s32 s18, $0x780  }
.Ltmp3:
0x1ff: {  	v0 =	vmul.f32 v0, v3;
	v1 =	vmul.f32 v63, v4;
	(pc) =	sbr.rel @p0 .LBB2_5-.Ltmp3, $4  }
0x200: {  	_ = 	snop  }
0x201: {  	v0 =	vadd.f32 v1, v0  }
0x202: {  	s12 =	sadd.s32 $0x80, s12;
	s13 =	sadd.s32 $0x80, s13  }
0x203: {  	s18 =	sadd.s32 $0x80, s18;
	s11 =	sadd.s32 $0x1, s11;
	s17 =	sadd.s32 $0x400, s17;
	[tilespmem:s20+$0x16200] =	vst v0  }
0x204: {  	p0 =	seq.s32 s0, $0x7  }
.Ltmp4:
0x205: {  	_ = 	snop;
	(pc) =	sbr.rel @p0 .LBB2_8-.Ltmp4, $3  }
0x206: {  	_ =	sdelay $0x1  }
0x207: {  	s10 =	sadd.s32 s10, s21  }
0x208: {  	[hbm4b:s10+s3] =	stream.linear.scatter [tilespmem:s31], [sflag:$0x6], $0x4000, $0x38;
	[tilespmem:$0x1A200] =	vst v63  }
0x209: {  	s10 =	sadd.s32 $0x20, s4  }
0x20a: {  	s11 =	sshrl.u32 s10, $0x3  }
0x20b: {  	s12 =	sadd.s32 s6, s11  }
0x20c: {  	[tilespmem:s3], [sflag:$0x7] =	stream.linear.gather [hbm4b:s12+s3], $0x10, $0x38;
	[tilespmem:$0x1A200] =	vst v63  }
0x20d: {  	_ =	swait.ge [sflag:s23], $0x10  }
0x20e: {  	[sflag:s23] =	ssyncset.done $0x0  }
0x20f: {  	s18 =	simm.s32 $0x80;
	s11 =	sadd.s32 s7, s11;
	[sflag:s23] =	ssyncadd.s32 $0xFFFFFFF0  }
0x210: {  	[tilespmem:s18], [sflag:$0x7] =	stream.linear.gather [hbm4b:s11+s3], $0x10, $0x38;
	[tilespmem:$0x1A200] =	vst v63  }
0x211: {  	_ =	swait.ge [sflag:s23], $0x10  }
0x212: {  	s10 =	sshll.u32 s10, $0x4;
	[sflag:s23] =	ssyncset.done $0x0  }
0x213: {  	s20 =	simm.s32 $0x100;
	s19 =	sadd.s32 s1, s10;
	[sflag:s23] =	ssyncadd.s32 $0xFFFFFFF0  }
0x214: {  	[tilespmem:s20], [sflag:$0x7] =	stream.linear.gather [hbm4b:s19+s3], $0x800, $0x38;
	[tilespmem:$0x1A200] =	vst v63  }
0x215: {  	_ =	swait.ge [sflag:s23], $0x800  }
0x216: {  	[sflag:s23] =	ssyncset.done $0x0  }
0x217: {  	s13 =	simm.s32 $0x900;
	s10 =	sadd.s32 s9, s10;
	[sflag:s23] =	ssyncadd.s32 $0xFFFFF800  }
0x218: {  	[tilespmem:s13], [sflag:$0x7] =	stream.linear.gather [hbm4b:s10+s3], $0x800, $0x38;
	[tilespmem:$0x1A200] =	vst v63  }
0x219: {  	_ =	swait.ge [sflag:s23], $0x800  }
0x21a: {  	[sflag:s23] =	ssyncset.done $0x0  }
0x21b: {  	[sflag:s23] =	ssyncadd.s32 $0xFFFFF800  }
0x21c: {  	v0 =	vld [tilespmem:$0x0];
	_ =	sdelay $0x2  }
0x21d: {  	v2 =	vld [tilespmem:$0x1FFD0];
	_ =	sdelay $0x1  }
0x21e: {  	v3 =	vld [tilespmem:$0x1FFE0];
	v1 =	vshll.u32 v0, $0x3  }
0x21f: {  	v0 =	vand.u32 $0x7, v0;
	v1 =	vand.u32 $0xFFFFFFC0, v1  }
0x220: {  	v0 =	vor.u32 v0, v1  }
0x221: {  	v1 =	vperm.xlane v0, v2;
	_ =	sdelay $0x1  }
0x222: {  	v1 =	vadd.s32 v3, v1  }
0x223: {  	v4 =	vld [tilespmem:$0x1FFF0];
	_ =	sdelay $0x2  }
0x224: {  	s17 =	simm.s32 $0x1100  }
0x225: {  	[tilespmem:s17], [sflag:$0x1] =	stream.indirect_vreg.gather [hbm4b:s5+s3], $0x80, v1, vm0, $0xb8;
	[tilespmem:$0x1A200] =	vst v63  }
0x226: {  	s18 =	simm.s32 $0x1900;
	v0 =	vperm.xlane v0, v4  }
0x227: {  	[tilespmem:s18], [sflag:$0x1] =	stream.indirect_vreg.gather [hbm4b:s14+s3], $0x80, v1, vm0, $0xb8;
	[tilespmem:$0x1A200] =	vst v63  }
0x228: {  	s19 =	simm.s32 $0x2100;
	v0 =	vadd.s32 v3, v0  }
0x229: {  	[tilespmem:s19], [sflag:$0x1] =	stream.indirect_vreg.gather [hbm4b:s15+s3], $0x80, v1, vm0, $0xb8;
	[tilespmem:$0x1A200] =	vst v63  }
0x22a: {  	s20 =	simm.s32 $0x2900  }
0x22b: {  	[tilespmem:s20], [sflag:$0x1] =	stream.indirect_vreg.gather [hbm4b:s16+s3], $0x80, v1, vm0, $0xb8;
	[tilespmem:$0x1A200] =	vst v63  }
0x22c: {  	s11 =	simm.s32 $0x3100  }
0x22d: {  	[tilespmem:s11], [sflag:$0x1] =	stream.indirect_vreg.gather [hbm4b:s5+s3], $0x80, v0, vm0, $0xb8;
	[tilespmem:$0x1A200] =	vst v63  }
0x22e: {  	s12 =	simm.s32 $0x3900  }
0x22f: {  	[tilespmem:s12], [sflag:$0x1] =	stream.indirect_vreg.gather [hbm4b:s14+s3], $0x80, v0, vm0, $0xb8;
	[tilespmem:$0x1A200] =	vst v63  }
0x230: {  	s13 =	simm.s32 $0x4100  }
0x231: {  	[tilespmem:s13], [sflag:$0x1] =	stream.indirect_vreg.gather [hbm4b:s15+s3], $0x80, v0, vm0, $0xb8;
	[tilespmem:$0x1A200] =	vst v63  }
0x232: {  	s17 =	simm.s32 $0x4900  }
0x233: {  	[tilespmem:s17], [sflag:$0x1] =	stream.indirect_vreg.gather [hbm4b:s16+s3], $0x80, v0, vm0, $0xb8;
	[tilespmem:$0x1A200] =	vst v63  }
0x234: {  	v0 =	vld [tilespmem:$0x80];
	_ =	sdelay $0x4  }
0x235: {  	v60 =	vshll.u32 v0, $0x3  }
0x236: {  	v0 =	vand.u32 $0x7, v0;
	v1 =	vand.u32 $0xFFFFFFC0, v60  }
0x237: {  	v0 =	vor.u32 v0, v1  }
0x238: {  	v1 =	vperm.xlane v0, v2;
	_ =	sdelay $0x1  }
0x239: {  	v1 =	vadd.s32 v3, v1;
	_ =	sdelay $0x3  }
0x23a: {  	s18 =	simm.s32 $0x5100  }
0x23b: {  	[tilespmem:s18], [sflag:$0x2] =	stream.indirect_vreg.gather [hbm4b:s5+s3], $0x80, v1, vm0, $0xb8;
	[tilespmem:$0x1A200] =	vst v63  }
0x23c: {  	s19 =	simm.s32 $0x5900;
	v0 =	vperm.xlane v0, v4  }
0x23d: {  	[tilespmem:s19], [sflag:$0x2] =	stream.indirect_vreg.gather [hbm4b:s14+s3], $0x80, v1, vm0, $0xb8;
	[tilespmem:$0x1A200] =	vst v63  }
0x23e: {  	s20 =	simm.s32 $0x6100;
	v0 =	vadd.s32 v3, v0  }
0x23f: {  	[tilespmem:s20], [sflag:$0x2] =	stream.indirect_vreg.gather [hbm4b:s15+s3], $0x80, v1, vm0, $0xb8;
	[tilespmem:$0x1A200] =	vst v63  }
0x240: {  	s11 =	simm.s32 $0x6900  }
0x241: {  	[tilespmem:s11], [sflag:$0x2] =	stream.indirect_vreg.gather [hbm4b:s16+s3], $0x80, v1, vm0, $0xb8;
	[tilespmem:$0x1A200] =	vst v63  }
0x242: {  	s12 =	simm.s32 $0x7100  }
0x243: {  	[tilespmem:s12], [sflag:$0x2] =	stream.indirect_vreg.gather [hbm4b:s5+s3], $0x80, v0, vm0, $0xb8;
	[tilespmem:$0x1A200] =	vst v63  }
0x244: {  	s13 =	simm.s32 $0x7900  }
0x245: {  	[tilespmem:s13], [sflag:$0x2] =	stream.indirect_vreg.gather [hbm4b:s14+s3], $0x80, v0, vm0, $0xb8;
	[tilespmem:$0x1A200] =	vst v63  }
0x246: {  	s17 =	simm.s32 $0x8100;
	s19 =	sadd.s32 $0x30, s4  }
0x247: {  	[tilespmem:s17], [sflag:$0x2] =	stream.indirect_vreg.gather [hbm4b:s15+s3], $0x80, v0, vm0, $0xb8;
	[tilespmem:$0x1A200] =	vst v63  }
0x248: {  	s18 =	simm.s32 $0x8900;
	s20 =	sshrl.u32 s19, $0x3  }
0x249: {  	[tilespmem:s18], [sflag:$0x2] =	stream.indirect_vreg.gather [hbm4b:s16+s3], $0x80, v0, vm0, $0xb8;
	[tilespmem:$0x1A200] =	vst v63  }
0x24a: {  	s13 =	sadd.s32 s6, s20;
	s17 =	simm.s32 $0xD100  }
0x24b: {  	[tilespmem:s17], [sflag:$0x7] =	stream.linear.gather [hbm4b:s13+s3], $0x10, $0x38;
	[tilespmem:$0x1A200] =	vst v63  }
0x24c: {  	_ =	swait.ge [sflag:s23], $0x10  }
0x24d: {  	[sflag:s23] =	ssyncset.done $0x0  }
0x24e: {  	s10 =	sadd.s32 s7, s20;
	s18 =	simm.s32 $0xD180;
	[sflag:s23] =	ssyncadd.s32 $0xFFFFFFF0  }
0x24f: {  	[tilespmem:s18], [sflag:$0x7] =	stream.linear.gather [hbm4b:s10+s3], $0x10, $0x38;
	[tilespmem:$0x1A200] =	vst v63  }
0x250: {  	_ =	swait.ge [sflag:s23], $0x10  }
0x251: {  	s4 =	sshll.u32 s19, $0x4;
	[sflag:s23] =	ssyncset.done $0x0  }
0x252: {  	s19 =	sadd.s32 s1, s4;
	s20 =	simm.s32 $0xD200;
	[sflag:s23] =	ssyncadd.s32 $0xFFFFFFF0  }
0x253: {  	[tilespmem:s20], [sflag:$0x7] =	stream.linear.gather [hbm4b:s19+s3], $0x800, $0x38;
	[tilespmem:$0x1A200] =	vst v63  }
0x254: {  	_ =	swait.ge [sflag:s23], $0x800  }
0x255: {  	[sflag:s23] =	ssyncset.done $0x0  }
0x256: {  	s4 =	sadd.s32 s9, s4;
	s12 =	simm.s32 $0xDA00;
	[sflag:s23] =	ssyncadd.s32 $0xFFFFF800  }
0x257: {  	[tilespmem:s12], [sflag:$0x7] =	stream.linear.gather [hbm4b:s4+s3], $0x800, $0x38;
	[tilespmem:$0x1A200] =	vst v63  }
0x258: {  	_ =	swait.ge [sflag:s23], $0x800  }
0x259: {  	[sflag:s23] =	ssyncset.done $0x0  }
0x25a: {  	[sflag:s23] =	ssyncadd.s32 $0xFFFFF800  }
0x25b: {  	v61 =	vld [tilespmem:$0xD100];
	_ =	sdelay $0x4  }
0x25c: {  	v62 =	vshll.u32 v61, $0x3  }
0x25d: {  	v0 =	vand.u32 $0x7, v61;
	v1 =	vand.u32 $0xFFFFFFC0, v62  }
0x25e: {  	v0 =	vor.u32 v0, v1  }
0x25f: {  	v1 =	vperm.xlane v0, v2;
	_ =	sdelay $0x1  }
0x260: {  	v1 =	vadd.s32 v3, v1;
	_ =	sdelay $0x3  }
0x261: {  	s13 =	simm.s32 $0xE200  }
0x262: {  	[tilespmem:s13], [sflag:$0x3] =	stream.indirect_vreg.gather [hbm4b:s5+s3], $0x80, v1, vm0, $0xb8;
	[tilespmem:$0x1A200] =	vst v63  }
0x263: {  	s17 =	simm.s32 $0xEA00;
	v0 =	vperm.xlane v0, v4  }
0x264: {  	[tilespmem:s17], [sflag:$0x3] =	stream.indirect_vreg.gather [hbm4b:s14+s3], $0x80, v1, vm0, $0xb8;
	[tilespmem:$0x1A200] =	vst v63  }
0x265: {  	s18 =	simm.s32 $0xF200;
	v0 =	vadd.s32 v3, v0  }
0x266: {  	[tilespmem:s18], [sflag:$0x3] =	stream.indirect_vreg.gather [hbm4b:s15+s3], $0x80, v1, vm0, $0xb8;
	[tilespmem:$0x1A200] =	vst v63  }
0x267: {  	s19 =	simm.s32 $0xFA00  }
0x268: {  	[tilespmem:s19], [sflag:$0x3] =	stream.indirect_vreg.gather [hbm4b:s16+s3], $0x80, v1, vm0, $0xb8;
	[tilespmem:$0x1A200] =	vst v63  }
0x269: {  	s20 =	simm.s32 $0x10200  }
0x26a: {  	[tilespmem:s20], [sflag:$0x3] =	stream.indirect_vreg.gather [hbm4b:s5+s3], $0x80, v0, vm0, $0xb8;
	[tilespmem:$0x1A200] =	vst v63  }
0x26b: {  	s10 =	simm.s32 $0x10A00  }
0x26c: {  	[tilespmem:s10], [sflag:$0x3] =	stream.indirect_vreg.gather [hbm4b:s14+s3], $0x80, v0, vm0, $0xb8;
	[tilespmem:$0x1A200] =	vst v63  }
0x26d: {  	s11 =	simm.s32 $0x11200  }
0x26e: {  	[tilespmem:s11], [sflag:$0x3] =	stream.indirect_vreg.gather [hbm4b:s15+s3], $0x80, v0, vm0, $0xb8;
	[tilespmem:$0x1A200] =	vst v63  }
0x26f: {  	s12 =	simm.s32 $0x11A00  }
0x270: {  	[tilespmem:s12], [sflag:$0x3] =	stream.indirect_vreg.gather [hbm4b:s16+s3], $0x80, v0, vm0, $0xb8;
	[tilespmem:$0x1A200] =	vst v63  }
0x271: {  	v0 =	vld [tilespmem:$0xD180];
	_ =	sdelay $0x4  }
0x272: {  	v63 =	vshll.u32 v0, $0x3  }
0x273: {  	v0 =	vand.u32 $0x7, v0;
	v1 =	vand.u32 $0xFFFFFFC0, v63  }
0x274: {  	v0 =	vor.u32 v0, v1  }
0x275: {  	v1 =	vperm.xlane v0, v2;
	_ =	sdelay $0x1  }
0x276: {  	v1 =	vadd.s32 v3, v1;
	_ =	sdelay $0x3  }
0x277: {  	s13 =	simm.s32 $0x12200  }
0x278: {  	[tilespmem:s13], [sflag:$0x4] =	stream.indirect_vreg.gather [hbm4b:s5+s3], $0x80, v1, vm0, $0xb8;
	[tilespmem:$0x1A200] =	vst v63  }
0x279: {  	s17 =	simm.s32 $0x12A00;
	v0 =	vperm.xlane v0, v4  }
0x27a: {  	[tilespmem:s17], [sflag:$0x4] =	stream.indirect_vreg.gather [hbm4b:s14+s3], $0x80, v1, vm0, $0xb8;
	[tilespmem:$0x1A200] =	vst v63  }
0x27b: {  	s18 =	simm.s32 $0x13200;
	v0 =	vadd.s32 v3, v0  }
0x27c: {  	[tilespmem:s18], [sflag:$0x4] =	stream.indirect_vreg.gather [hbm4b:s15+s3], $0x80, v1, vm0, $0xb8;
	[tilespmem:$0x1A200] =	vst v63  }
0x27d: {  	s19 =	simm.s32 $0x13A00  }
0x27e: {  	[tilespmem:s19], [sflag:$0x4] =	stream.indirect_vreg.gather [hbm4b:s16+s3], $0x80, v1, vm0, $0xb8;
	[tilespmem:$0x1A200] =	vst v63  }
0x27f: {  	s20 =	simm.s32 $0x14200  }
0x280: {  	[tilespmem:s20], [sflag:$0x4] =	stream.indirect_vreg.gather [hbm4b:s5+s3], $0x80, v0, vm0, $0xb8;
	[tilespmem:$0x1A200] =	vst v63  }
0x281: {  	_ = 	snop  }
0x282: {  	[tilespmem:s22], [sflag:$0x4] =	stream.indirect_vreg.gather [hbm4b:s14+s3], $0x80, v0, vm0, $0xb8;
	[tilespmem:$0x1A200] =	vst v63  }
.Ltmp5:
0x283: {  	_ = 	snop;
	(pc) =	sbr.rel .LBB2_2-.Ltmp5, $4  }
0x284: {  	_ = 	snop  }
0x285: {  	[tilespmem:s2], [sflag:$0x4] =	stream.indirect_vreg.gather [hbm4b:s15+s3], $0x80, v0, vm0, $0xb8;
	[tilespmem:$0x1A200] =	vst v63  }
0x286: {  	s0 =	sadd.s32 $0x1, s0  }
0x287: {  	[tilespmem:s24], [sflag:$0x4] =	stream.indirect_vreg.gather [hbm4b:s16+s3], $0x80, v0, vm0, $0xb8;
	[tilespmem:$0x1A200] =	vst v63  }
.LBB2_9:
0x288: {  	_ =	sfence.sel $0x180000  }
0x289: {  	[bflag:$0x0] =	sbarrier.arrive $0xFFFF  }
0x28a: {  	_ =	strace $0x9000004A  }
0x28b: {  	s0 =	stileid.u32;
	[bflag:$0x2] =	sbarrier.arrive $0xFFFF  }
0x28c: {  	p0 =	sne.s32 s0, $0x0;
	s0 =	rddreg [dreg:$0x2]  }
0x28d: {  	s0 =	sadd.s32 @!p0 $0x100000, s0  }
0x28e: {  	[sflag:s0] =	ssyncadd.tile.s32 @!p0 $0x1;
	_ =	shalt  }
.Lfunc_end2:
_tile_overlayer_lowered:
.L_overlay_start_2:
0x28f: {  	(tag) =	ssettag $0x2  }
0x290: {  	s0 =	rddreg [dreg:$0x0];
	s2 =	stileid.u32  }
0x291: {  	s1 =	rddreg [dreg:$0x1];
	p0 =	sne.s32 s2, $0x0  }
0x292: {  	s3 =	rddreg [dreg:$0x2];
	[bflag:$0x3] =	sbarrier.arrive $0xFFFF;
	s2 =	simm.s32 @!p0 $0x1C07  }
0x293: {  	[timem:s3], [sflag:s2] =	dma.local @!p0 [hbm:s0], s1  }
0x294: {  	s0 =	simm.s32 @!p0 $0x7  }
0x295: {  	_ =	swait.ge @!p0 [sflag:s0], s1  }
0x296: {  	s1 =	ssub.s32 @!p0 $0x0, s1;
	[sflag:s0] =	ssyncset.done @!p0 $0x0  }
0x297: {  	[sflag:s0] =	ssyncadd.s32 @!p0 s1  }
0x298: {  	[bflag:$0x3] =	sbarrier.arrive $0xFFFF  }
0x299: {  	_ =	shalt  }

</sc_bundles>
